<compile_context>
chip_gen: v7x
topology: tpu7x:2x2x1
jax: 0.10.2.dev20260603
libtpu: 0.0.44.dev20260713+nightly
codegen_flags: <defaults>
</compile_context>

<pallas_src>
import functools

import jax
import jax.numpy as jnp
from jax import lax
from jax.experimental import pallas as pl
from jax.experimental.pallas import tpu as pltpu
import jax.experimental.pallas.tpu_sc as plsc

N = 10000
E = 160000
F = 128
FE = 16
H = 32
G = 64
L = 3

NC = 2
NS = 16
NW = NC * NS
EPW = E // NW
GCH = 1000
NCHUNK = EPW // GCH
NPT = 624
NREM = N - NS * NPT



def _gather_body(tab_hbm, idx_hbm, out_hbm, idx_v, rows_v, sem):
    wid = lax.axis_index("s") * NC + lax.axis_index("c")
    base = wid * EPW
    for ci in range(NCHUNK):
        off = base + ci * GCH
        pltpu.sync_copy(idx_hbm.at[pl.ds(off, GCH)], idx_v)
        pltpu.async_copy(tab_hbm.at[idx_v], rows_v, sem).wait()
        pltpu.sync_copy(rows_v, out_hbm.at[pl.ds(off, GCH)])


@functools.lru_cache(maxsize=None)
def _sc_mesh():
    return plsc.VectorSubcoreMesh(core_axis_name="c", subcore_axis_name="s",
                                  num_cores=NC, num_subcores=NS)


@functools.lru_cache(maxsize=None)
def _gather_kernel():
    return pl.kernel(
        _gather_body,
        out_type=jax.ShapeDtypeStruct((E, H), jnp.float32),
        mesh=_sc_mesh(),
        compiler_params=pltpu.CompilerParams(use_tc_tiling_on_sc=False),
        scratch_types=[
            pltpu.VMEM((GCH,), jnp.int32),
            pltpu.VMEM((GCH, H), jnp.float32),
            pltpu.SemaphoreType.DMA,
        ],
    )


def _gather(tab, idx):
    return _gather_kernel()(tab, idx)


def _scatter_body(msg_hbm, dst_hbm, zero_hbm, out_hbm, idx_v, rows_v, acc_sh):
    c = lax.axis_index("c")
    s = lax.axis_index("s")
    pltpu.sync_copy(zero_hbm.at[pl.ds(s * NPT, NPT)], acc_sh.at[pl.ds(s * NPT, NPT)])

    @pl.when(s == NS - 1)
    def _zrem():
        pltpu.sync_copy(zero_hbm.at[pl.ds(NS * NPT, NREM)],
                        acc_sh.at[pl.ds(NS * NPT, NREM)])

    plsc.subcore_barrier()
    base = (s * NC + c) * EPW
    for ci in range(NCHUNK):
        off = base + ci * GCH
        pltpu.sync_copy(dst_hbm.at[pl.ds(off, GCH)], idx_v)
        pltpu.sync_copy(msg_hbm.at[pl.ds(off, GCH)], rows_v)
        pltpu.sync_copy(rows_v, acc_sh.at[idx_v], add=True)
    plsc.subcore_barrier()
    pltpu.sync_copy(acc_sh.at[pl.ds(s * NPT, NPT)],
                    out_hbm.at[c].at[pl.ds(s * NPT, NPT)])

    @pl.when(s == NS - 1)
    def _wrem():
        pltpu.sync_copy(acc_sh.at[pl.ds(NS * NPT, NREM)],
                        out_hbm.at[c].at[pl.ds(NS * NPT, NREM)])


@functools.lru_cache(maxsize=None)
def _scatter_kernel():
    return pl.kernel(
        _scatter_body,
        out_type=jax.ShapeDtypeStruct((NC, N, H), jnp.float32),
        mesh=_sc_mesh(),
        compiler_params=pltpu.CompilerParams(use_tc_tiling_on_sc=False),
        scratch_types=[
            pltpu.VMEM((GCH,), jnp.int32),
            pltpu.VMEM((GCH, H), jnp.float32),
            pltpu.VMEM_SHARED((N, H), jnp.float32),
        ],
    )


def _scatter(msg, dst, zeros):
    return _scatter_kernel()(msg, dst, zeros)


def _count_body(dst_hbm, ones_hbm, zero_hbm, out_hbm, idx_v, ones_v, acc_sh):
    c = lax.axis_index("c")
    s = lax.axis_index("s")
    pltpu.sync_copy(zero_hbm.at[pl.ds(s * NPT, NPT)], acc_sh.at[pl.ds(s * NPT, NPT)])
    pltpu.sync_copy(ones_hbm, ones_v)

    @pl.when(s == NS - 1)
    def _zrem():
        pltpu.sync_copy(zero_hbm.at[pl.ds(NS * NPT, NREM)],
                        acc_sh.at[pl.ds(NS * NPT, NREM)])

    plsc.subcore_barrier()
    base = (s * NC + c) * EPW
    for ci in range(NCHUNK):
        off = base + ci * GCH
        pltpu.sync_copy(dst_hbm.at[pl.ds(off, GCH)], idx_v)
        pltpu.sync_copy(ones_v, acc_sh.at[idx_v], add=True)
    plsc.subcore_barrier()
    pltpu.sync_copy(acc_sh.at[pl.ds(s * NPT, NPT)],
                    out_hbm.at[c].at[pl.ds(s * NPT, NPT)])

    @pl.when(s == NS - 1)
    def _wrem():
        pltpu.sync_copy(acc_sh.at[pl.ds(NS * NPT, NREM)],
                        out_hbm.at[c].at[pl.ds(NS * NPT, NREM)])


@functools.lru_cache(maxsize=None)
def _count_kernel():
    return pl.kernel(
        _count_body,
        out_type=jax.ShapeDtypeStruct((NC, N, FE), jnp.float32),
        mesh=_sc_mesh(),
        compiler_params=pltpu.CompilerParams(use_tc_tiling_on_sc=False),
        scratch_types=[
            pltpu.VMEM((GCH,), jnp.int32),
            pltpu.VMEM((GCH, FE), jnp.float32),
            pltpu.VMEM_SHARED((N, FE), jnp.float32),
        ],
    )


def _count(dst, ones, zeros):
    return _count_kernel()(dst, ones, zeros)


NB = 2000
EB = 3200


def _embed_body(x_ref, w_ref, b_ref, o_ref):
    o_ref[...] = jnp.maximum(
        jnp.dot(x_ref[...], w_ref[...], preferred_element_type=jnp.float32)
        + b_ref[...], 0.0)


def _embed(x, w, b, blk):
    n = x.shape[0]
    return pl.pallas_call(
        _embed_body,
        grid=(n // blk,),
        in_specs=[
            pl.BlockSpec((blk, x.shape[1]), lambda i: (i, 0)),
            pl.BlockSpec((x.shape[1], H), lambda i: (0, 0)),
            pl.BlockSpec((1, H), lambda i: (0, 0)),
        ],
        out_specs=pl.BlockSpec((blk, H), lambda i: (i, 0)),
        out_shape=jax.ShapeDtypeStruct((n, H), jnp.float32),
    )(x, w, b.reshape(1, H))


EB8 = EB // 8


def _unpack8(p8, width):
    t = p8.T
    return jnp.concatenate([t[g * width:(g + 1) * width] for g in range(8)],
                           axis=1)


def _pack8(xT, width):
    t = jnp.concatenate([xT[:, g * EB8:(g + 1) * EB8] for g in range(8)],
                        axis=0)
    return t.T


def _embed_t_body(w_ref, x_ref, b_ref, o_ref):
    efT = _unpack8(x_ref[...], FE)
    o_ref[...] = jnp.maximum(
        jnp.dot(w_ref[...], efT, preferred_element_type=jnp.float32)
        + b_ref[...], 0.0).astype(jnp.bfloat16)


def _embed_edges_t(x8, w, b):
    return pl.pallas_call(
        _embed_t_body,
        grid=(E // EB,),
        in_specs=[
            pl.BlockSpec((H, FE), lambda i: (0, 0)),
            pl.BlockSpec((EB8, 8 * FE), lambda i: (i, 0)),
            pl.BlockSpec((H, 1), lambda i: (0, 0)),
        ],
        out_specs=pl.BlockSpec((H, EB), lambda i: (0, i)),
        out_shape=jax.ShapeDtypeStruct((H, E), jnp.bfloat16),
    )(w.T, x8, b.reshape(H, 1))


def _msg_body(ehT_ref, sf_ref, w1h_ref, b1t_ref, w2h_ref, b2t_ref, o_ref):
    ehT = ehT_ref[...]
    sfT32 = _unpack8(sf_ref[...], H)
    sfT = sfT32.astype(jnp.bfloat16)
    tT = jnp.maximum(
        jnp.dot(w1h_ref[...], ehT, preferred_element_type=jnp.float32)
        + b1t_ref[...], 0.0).astype(jnp.bfloat16)
    t_rep = jnp.broadcast_to(tT[:, None, :], (H, H, EB)).reshape(H * H, EB)
    s_til = jnp.broadcast_to(sfT[None, :, :], (H, H, EB)).reshape(H * H, EB)
    o = t_rep * s_til
    msgT = (
        jnp.dot(w2h_ref[...], o, preferred_element_type=jnp.float32)
        + jnp.dot(b2t_ref[...], sfT32, preferred_element_type=jnp.float32))
    o_ref[...] = _pack8(msgT, H)


def _messages(ehT, sf8, w1t, b1t, w2t, b2t):
    return pl.pallas_call(
        _msg_body,
        grid=(E // EB,),
        in_specs=[
            pl.BlockSpec((H, EB), lambda i: (0, i)),
            pl.BlockSpec((EB8, 8 * H), lambda i: (i, 0)),
            pl.BlockSpec((H, H), lambda i: (0, 0)),
            pl.BlockSpec((H, 1), lambda i: (0, 0)),
            pl.BlockSpec((H, H * H), lambda i: (0, 0)),
            pl.BlockSpec((H, H), lambda i: (0, 0)),
        ],
        out_specs=pl.BlockSpec((EB8, 8 * H), lambda i: (i, 0)),
        out_shape=jax.ShapeDtypeStruct((E // 8, 8 * H), jnp.float32),
    )(ehT, sf8, w1t.astype(jnp.bfloat16), b1t, w2t.astype(jnp.bfloat16), b2t)


def _inv_body(cnt_ref, o_ref):
    c = cnt_ref[0, :, 0:1] + cnt_ref[1, :, 0:1]
    o_ref[...] = 1.0 / jnp.maximum(c, 1.0)


def _inv_cnt(cnt2):
    return pl.pallas_call(
        _inv_body,
        grid=(N // NB,),
        in_specs=[pl.BlockSpec((NC, NB, FE), lambda i: (0, i, 0))],
        out_specs=pl.BlockSpec((NB, 1), lambda i: (i, 0)),
        out_shape=jax.ShapeDtypeStruct((N, 1), jnp.float32),
    )(cnt2)


def _gru_body(p_ref, inv_ref, h_ref, r_ref, wx_ref, uh12_ref, uh3_ref, b_ref,
              hn_ref, nh_ref):
    a = (p_ref[0] + p_ref[1]) * inv_ref[...]
    h = h_ref[...]
    xw = jnp.dot(a, wx_ref[...], preferred_element_type=jnp.float32) + b_ref[...]
    hu = jnp.dot(h, uh12_ref[...], preferred_element_type=jnp.float32)
    z = jax.nn.sigmoid(xw[:, :H] + hu[:, :H])
    r = jax.nn.sigmoid(xw[:, H:2 * H] + hu[:, H:2 * H])
    hh = jnp.tanh(xw[:, 2 * H:] +
                  jnp.dot(r * h, uh3_ref[...], preferred_element_type=jnp.float32))
    hn = z * h + (1.0 - z) * hh
    hn_ref[...] = hn
    nh_ref[...] = hn + r_ref[...]


def _gru(parts, inv, h, res, wx, uh, b):
    return pl.pallas_call(
        _gru_body,
        grid=(N // NB,),
        in_specs=[
            pl.BlockSpec((NC, NB, H), lambda i: (0, i, 0)),
            pl.BlockSpec((NB, 1), lambda i: (i, 0)),
            pl.BlockSpec((NB, H), lambda i: (i, 0)),
            pl.BlockSpec((NB, H), lambda i: (i, 0)),
            pl.BlockSpec((H, 3 * H), lambda i: (0, 0)),
            pl.BlockSpec((H, 2 * H), lambda i: (0, 0)),
            pl.BlockSpec((H, H), lambda i: (0, 0)),
            pl.BlockSpec((1, 3 * H), lambda i: (0, 0)),
        ],
        out_specs=[
            pl.BlockSpec((NB, H), lambda i: (i, 0)),
            pl.BlockSpec((NB, H), lambda i: (i, 0)),
        ],
        out_shape=[
            jax.ShapeDtypeStruct((N, H), jnp.float32),
            jax.ShapeDtypeStruct((N, H), jnp.float32),
        ],
    )(parts, inv, h, res, wx, uh[:, :2 * H], uh[:, 2 * H:], b.reshape(1, 3 * H))


def _pool_body(gi_ref, nh_ref, wd1_ref, bd1_ref, wd2_ref, bd2_ref, wo_ref,
               bo_ref, o_ref, acc_ref, cnt_ref):
    i = pl.program_id(0)

    @pl.when(i == 0)
    def _init():
        acc_ref[...] = jnp.zeros_like(acc_ref)
        cnt_ref[...] = jnp.zeros_like(cnt_ref)

    m = (gi_ref[...] == lax.broadcasted_iota(jnp.int32, (NB, G), 1)
         ).astype(jnp.float32)
    nh = nh_ref[...]
    nh_hi = nh.astype(jnp.bfloat16)
    nh_lo = (nh - nh_hi.astype(jnp.float32)).astype(jnp.bfloat16)
    dn = (((0,), (0,)), ((), ()))
    acc_ref[...] += (
        lax.dot_general(m, nh_hi, dn, preferred_element_type=jnp.float32)
        + lax.dot_general(m, nh_lo, dn, preferred_element_type=jnp.float32))
    cnt_ref[...] += lax.dot_general(
        m, jnp.ones((NB, 1), jnp.float32), dn,
        preferred_element_type=jnp.float32)

    @pl.when(i == N // NB - 1)
    def _head():
        mean = acc_ref[...] / jnp.maximum(cnt_ref[...], 1.0)

        def _mm(a, b):
            return jnp.dot(a.astype(jnp.bfloat16), b.astype(jnp.bfloat16),
                           preferred_element_type=jnp.float32)

        hid = jnp.maximum(_mm(mean, wd1_ref[...]) + bd1_ref[...], 0.0)
        hid = jnp.maximum(_mm(hid, wd2_ref[...]) + bd2_ref[...], 0.0)
        o_ref[...] = _mm(hid, wo_ref[...]) + bo_ref[...]


def _pool_head(nh, gi2, wd1, bd1, wd2, bd2, wo, bo):
    return pl.pallas_call(
        _pool_body,
        grid=(N // NB,),
        in_specs=[
            pl.BlockSpec((NB, 1), lambda i: (i, 0)),
            pl.BlockSpec((NB, H), lambda i: (i, 0)),
            pl.BlockSpec((H, H), lambda i: (0, 0)),
            pl.BlockSpec((1, H), lambda i: (0, 0)),
            pl.BlockSpec((H, H), lambda i: (0, 0)),
            pl.BlockSpec((1, H), lambda i: (0, 0)),
            pl.BlockSpec((H, 1), lambda i: (0, 0)),
            pl.BlockSpec((1, 1), lambda i: (0, 0)),
        ],
        out_specs=pl.BlockSpec((G, 1), lambda i: (0, 0)),
        out_shape=jax.ShapeDtypeStruct((G, 1), jnp.float32),
        scratch_shapes=[
            pltpu.VMEM((G, H), jnp.float32),
            pltpu.VMEM((G, 1), jnp.float32),
        ],
    )(gi2, nh, wd1, bd1.reshape(1, H), wd2, bd2.reshape(1, H), wo,
      bo.reshape(1, 1))




@jax.jit
def kernel(node_features, edge_features, edge_indices, graph_indices,
           W_ne, b_ne, W_ee, b_ee, eW1, eb1, eW2, eb2, gWx, gUh, gb,
           Wd1, bd1, Wd2, bd2, Wo, bo):
    src_idx = edge_indices[0].astype(jnp.int32)
    dst_idx = edge_indices[1].astype(jnp.int32)
    gi2 = graph_indices.astype(jnp.int32).reshape(N, 1)



    w1t = eW1.transpose(0, 2, 1)
    b1t = eb1.reshape(L, H, 1)
    w2t = eW2.reshape(L, H, H, H).transpose(0, 2, 1, 3).reshape(L, H, H * H)
    b2t = eb2.reshape(L, H, H)

    node_hidden = _embed(node_features, W_ne, b_ne, NB)
    ehT = _embed_edges_t(edge_features.reshape(E // 8, 8 * FE), W_ee, b_ee)

    zeros_h = jnp.zeros((N, H), jnp.float32)
    zeros_c = jnp.zeros((N, FE), jnp.float32)
    ones_c = jnp.ones((GCH, FE), jnp.float32)
    cnt2 = _count(dst_idx, ones_c, zeros_c)
    inv = _inv_cnt(cnt2)

    hidden_state = jnp.zeros((N, H), jnp.float32)
    residual = node_hidden
    nh = node_hidden
    for i in range(L):
        sf8 = _gather(nh, src_idx).reshape(E // 8, 8 * H)
        msg8 = _messages(ehT, sf8, w1t[i], b1t[i], w2t[i], b2t[i])
        parts = _scatter(msg8.reshape(E, H), dst_idx, zeros_h)
        hidden_state, nh = _gru(parts, inv, hidden_state, residual,
                                gWx[i], gUh[i], gb[i])
        residual = nh

    return _pool_head(nh, gi2, Wd1, bd1, Wd2, bd2, Wo, bo)

# --- scband reference (transcript-rebuilt; emitter-appended) ---
"""Pipeline reference for scband-super-mpnn-47974784696387 (READ-ONLY COPY).

The authoritative reference and input builder live on the scoring server;
editing this copy changes nothing except your own understanding.
"""

import jax, jax.numpy as jnp
import numpy as np

N = 10000
E = 160000
F = 128
FE = 16
H = 32
G = 64
L = 3


def setup_inputs(seed: int = 0) -> dict:
    key = jax.random.key(seed)
    ks = jax.random.split(key, 24)
    s = 0.1
    inp = {}
    inp['node_features'] = jax.random.normal(ks[0], (N, F), dtype=jnp.float32)
    inp['edge_features'] = jax.random.normal(ks[1], (E, FE), dtype=jnp.float32)
    inp['edge_indices'] = jax.random.randint(ks[2], (2, E), 0, N)
    inp['graph_indices'] = jnp.sort(jax.random.randint(ks[3], (N,), 0, G))
    # node / edge embedding Dense(hidden_dim)
    inp['W_ne'] = s * jax.random.normal(ks[4], (F, H), dtype=jnp.float32)
    inp['b_ne'] = jnp.zeros((H,), dtype=jnp.float32)
    inp['W_ee'] = s * jax.random.normal(ks[5], (FE, H), dtype=jnp.float32)
    inp['b_ee'] = jnp.zeros((H,), dtype=jnp.float32)
    # per-message-layer edge network: Dense(H) -> relu -> Dense(H*H)
    inp['eW1'] = s * jax.random.normal(ks[6], (L, H, H), dtype=jnp.float32)
    inp['eb1'] = jnp.zeros((L, H), dtype=jnp.float32)
    inp['eW2'] = s * jax.random.normal(ks[7], (L, H, H * H), dtype=jnp.float32)
    inp['eb2'] = jnp.zeros((L, H * H), dtype=jnp.float32)
    # per-layer GRU params (kernel, recurrent kernel, bias), gates ordered [z, r, h]
    inp['gWx'] = s * jax.random.normal(ks[8], (L, H, 3 * H), dtype=jnp.float32)
    inp['gUh'] = s * jax.random.normal(ks[9], (L, H, 3 * H), dtype=jnp.float32)
    inp['gb'] = jnp.zeros((L, 3 * H), dtype=jnp.float32)
    # dense head (2 layers) + output layer
    inp['Wd1'] = s * jax.random.normal(ks[10], (H, H), dtype=jnp.float32)
    inp['bd1'] = jnp.zeros((H,), dtype=jnp.float32)
    inp['Wd2'] = s * jax.random.normal(ks[11], (H, H), dtype=jnp.float32)
    inp['bd2'] = jnp.zeros((H,), dtype=jnp.float32)
    inp['Wo'] = s * jax.random.normal(ks[12], (H, 1), dtype=jnp.float32)
    inp['bo'] = jnp.zeros((1,), dtype=jnp.float32)
    return inp


def _gru_step(x, h, Wx, Uh, b):
    z = jax.nn.sigmoid(x @ Wx[:, :H] + h @ Uh[:, :H] + b[:H])
    r = jax.nn.sigmoid(x @ Wx[:, H:2 * H] + h @ Uh[:, H:2 * H] + b[H:2 * H])
    hh = jnp.tanh(x @ Wx[:, 2 * H:] + (r * h) @ Uh[:, 2 * H:] + b[2 * H:])
    return z * h + (1.0 - z) * hh


def _segment_mean(data, seg_ids, num_segments):
    ssum = jax.ops.segment_sum(data, seg_ids, num_segments=num_segments)
    cnt = jax.ops.segment_sum(jnp.ones((data.shape[0],), dtype=data.dtype), seg_ids, num_segments=num_segments)
    return ssum / jnp.maximum(cnt, 1.0)[:, None]


def reference(node_features, edge_features, edge_indices, graph_indices,
              W_ne, b_ne, W_ee, b_ee, eW1, eb1, eW2, eb2, gWx, gUh, gb,
              Wd1, bd1, Wd2, bd2, Wo, bo):
    # node / edge embedding (use_batch_norm=False -> identity norm, dropout inactive at inference)
    node_hidden = jax.nn.relu(node_features @ W_ne + b_ne)
    edge_hidden = jax.nn.relu(edge_features @ W_ee + b_ee)
    hidden_state = jnp.zeros((N, H), dtype=node_hidden.dtype)
    residual = node_hidden
    src_idx = edge_indices[0]
    dst_idx = edge_indices[1]
    for i in range(L):
        ew = jax.nn.relu(edge_hidden @ eW1[i] + eb1[i]) @ eW2[i] + eb2[i]
        ew = ew.reshape(-1, H, H)
        source_features = jnp.take(node_hidden, src_idx, axis=0)
        messages = jnp.einsum('bij,bj->bi', ew, source_features)
        aggregated = _segment_mean(messages, dst_idx, N)
        # single GRU step per node (output == new state at last timestep)
        new_state = _gru_step(aggregated, hidden_state, gWx[i], gUh[i], gb[i])
        hidden_state = new_state
        node_hidden = new_state + residual
        residual = node_hidden
    # mean pooling over graphs (graph_indices is sorted)
    graph_features = _segment_mean(node_hidden, graph_indices, G)
    hidden = jax.nn.relu(graph_features @ Wd1 + bd1)
    hidden = jax.nn.relu(hidden @ Wd2 + bd2)
    out = hidden @ Wo + bo
    return out

if __name__ == "__main__":
    import jax
    _d = setup_inputs()
    print(jax.jit(kernel)(*tuple(_d.values())))

</pallas_src>

<mosaic_0001>
#map = affine_map<(d0, d1) -> (0)>
#map1 = affine_map<(d0, d1) -> (0, 0)>
#map2 = affine_map<(d0, d1) -> (0, 0, 0)>
module attributes {stable_mosaic.version = 14 : i64} {
  func.func @_count_body(%arg0: i32, %arg1: i32, %arg2: memref<160000xi32, #tpu.memory_space<hbm>>, %arg3: memref<1000x16xf32, #tpu.memory_space<hbm>>, %arg4: memref<10000x16xf32, #tpu.memory_space<hbm>>, %arg5: memref<2x10000x16xf32, #tpu.memory_space<hbm>>, %arg6: memref<1000xi32, #tpu.memory_space<vmem>>, %arg7: memref<1000x16xf32, #tpu.memory_space<vmem>>, %arg8: memref<10000x16xf32, #tpu.memory_space<vmem_shared>>) attributes {dimension_semantics = [#tpu.dimension_semantics<core_parallel>, #tpu.dimension_semantics<subcore_parallel>], iteration_bounds = array<i64: 2, 16>, scalar_prefetch = 0 : i64, scratch_operands = 3 : i64, tpu.core_type = #tpu.core_type<sc_vector_subcore>, window_params = [{transform_indices = #map}, {transform_indices = #map1}, {transform_indices = #map1}, {transform_indices = #map2}]} {
    %mul3A = arith.constant 624 : i32
    %mul3A_0 = arith.muli %arg1, %mul3A : i32
    %mul3A_1 = arith.constant 624 : i32
    %mul3A_2 = arith.muli %arg1, %mul3A_1 : i32
    "tpu.region"() ({
      %run_scoped3A = tpu.sem_alloc : memref<!tpu.dma_semaphore, #tpu.memory_space<semaphore_mem>>
      %dma_start3A = arith.constant 0 : i32
      %dma_start3A_29 = tpu.memref_slice %arg8[%mul3A_2, %dma_start3A] : memref<10000x16xf32, #tpu.memory_space<vmem_shared>> -> memref<624x16xf32, #tpu.memory_space<vmem_shared>>
      %dma_start3A_30 = arith.constant 0 : i32
      %dma_start3A_31 = tpu.memref_slice %arg4[%mul3A_0, %dma_start3A_30] : memref<10000x16xf32, #tpu.memory_space<hbm>> -> memref<624x16xf32, #tpu.memory_space<hbm>>
      tpu.enqueue_dma source(%dma_start3A_31 : memref<624x16xf32, #tpu.memory_space<hbm>>) target(%dma_start3A_29 : memref<624x16xf32, #tpu.memory_space<vmem_shared>>) target_semaphore(%run_scoped3A : memref<!tpu.dma_semaphore, #tpu.memory_space<semaphore_mem>>)
      %dma_wait3A = arith.constant 0 : i32
      %dma_wait3A_32 = tpu.memref_slice %arg8[%mul3A_2, %dma_wait3A] : memref<10000x16xf32, #tpu.memory_space<vmem_shared>> -> memref<624x16xf32, #tpu.memory_space<vmem_shared>>
      %dma_wait3A_33 = arith.constant 0 : i32
      %dma_wait3A_34 = tpu.memref_slice %arg4[%mul3A_0, %dma_wait3A_33] : memref<10000x16xf32, #tpu.memory_space<hbm>> -> memref<624x16xf32, #tpu.memory_space<hbm>>
      tpu.wait_dma2 semaphore(%run_scoped3A : memref<!tpu.dma_semaphore, #tpu.memory_space<semaphore_mem>>) src(%dma_wait3A_34 : memref<624x16xf32, #tpu.memory_space<hbm>>) dst(%dma_wait3A_32 : memref<624x16xf32, #tpu.memory_space<vmem_shared>>)
      tpu.yield
    }) : () -> ()
    "tpu.region"() ({
      %run_scoped3A = tpu.sem_alloc : memref<!tpu.dma_semaphore, #tpu.memory_space<semaphore_mem>>
      tpu.enqueue_dma source(%arg3 : memref<1000x16xf32, #tpu.memory_space<hbm>>) target(%arg7 : memref<1000x16xf32, #tpu.memory_space<vmem>>) target_semaphore(%run_scoped3A : memref<!tpu.dma_semaphore, #tpu.memory_space<semaphore_mem>>)
      tpu.wait_dma2 semaphore(%run_scoped3A : memref<!tpu.dma_semaphore, #tpu.memory_space<semaphore_mem>>) src(%arg3 : memref<1000x16xf32, #tpu.memory_space<hbm>>) dst(%arg7 : memref<1000x16xf32, #tpu.memory_space<vmem>>)
      tpu.yield
    }) : () -> ()
    %eq3A = arith.constant 15 : i32
    %eq3A_3 = arith.cmpi eq, %arg1, %eq3A : i32
    %convert_element_type3A = arith.extui %eq3A_3 : i1 to i32
    %cond3A = arith.constant 0 : i32
    %cond3A_4 = arith.cmpi ne, %convert_element_type3A, %cond3A : i32
    scf.if %cond3A_4 {
      "tpu.region"() ({
        %run_scoped3A = tpu.sem_alloc : memref<!tpu.dma_semaphore, #tpu.memory_space<semaphore_mem>>
        %dma_start3A = arith.constant 9984 : i32
        %dma_start3A_29 = arith.constant 0 : i32
        %dma_start3A_30 = tpu.memref_slice %arg8[%dma_start3A, %dma_start3A_29] : memref<10000x16xf32, #tpu.memory_space<vmem_shared>> -> memref<16x16xf32, #tpu.memory_space<vmem_shared>>
        %dma_start3A_31 = arith.constant 9984 : i32
        %dma_start3A_32 = arith.constant 0 : i32
        %dma_start3A_33 = tpu.memref_slice %arg4[%dma_start3A_31, %dma_start3A_32] : memref<10000x16xf32, #tpu.memory_space<hbm>> -> memref<16x16xf32, #tpu.memory_space<hbm>>
        tpu.enqueue_dma source(%dma_start3A_33 : memref<16x16xf32, #tpu.memory_space<hbm>>) target(%dma_start3A_30 : memref<16x16xf32, #tpu.memory_space<vmem_shared>>) target_semaphore(%run_scoped3A : memref<!tpu.dma_semaphore, #tpu.memory_space<semaphore_mem>>)
        %dma_wait3A = arith.constant 9984 : i32
        %dma_wait3A_34 = arith.constant 0 : i32
        %dma_wait3A_35 = tpu.memref_slice %arg8[%dma_wait3A, %dma_wait3A_34] : memref<10000x16xf32, #tpu.memory_space<vmem_shared>> -> memref<16x16xf32, #tpu.memory_space<vmem_shared>>
        %dma_wait3A_36 = arith.constant 9984 : i32
        %dma_wait3A_37 = arith.constant 0 : i32
        %dma_wait3A_38 = tpu.memref_slice %arg4[%dma_wait3A_36, %dma_wait3A_37] : memref<10000x16xf32, #tpu.memory_space<hbm>> -> memref<16x16xf32, #tpu.memory_space<hbm>>
        tpu.wait_dma2 semaphore(%run_scoped3A : memref<!tpu.dma_semaphore, #tpu.memory_space<semaphore_mem>>) src(%dma_wait3A_38 : memref<16x16xf32, #tpu.memory_space<hbm>>) dst(%dma_wait3A_35 : memref<16x16xf32, #tpu.memory_space<vmem_shared>>)
        tpu.yield
      }) : () -> ()
    } else {
    }
    %barrier3A = arith.constant 0 : index
    tpu.barrier barrier_id(%barrier3A)
    %mul3A_5 = arith.constant 2 : i32
    %mul3A_6 = arith.muli %arg1, %mul3A_5 : i32
    %add3A = arith.addi %mul3A_6, %arg0 : i32
    %mul3A_7 = arith.constant 5000 : i32
    %mul3A_8 = arith.muli %add3A, %mul3A_7 : i32
    %add3A_9 = arith.constant 0 : i32
    %add3A_10 = arith.addi %mul3A_8, %add3A_9 : i32
    "tpu.region"() ({
      %run_scoped3A = tpu.sem_alloc : memref<!tpu.dma_semaphore, #tpu.memory_space<semaphore_mem>>
      %dma_start3A = tpu.memref_slice %arg2[%add3A_10] : memref<160000xi32, #tpu.memory_space<hbm>> -> memref<1000xi32, #tpu.memory_space<hbm>>
      %dma_start3A_29 = tpu.memref_slice %arg2[%add3A_10] : memref<160000xi32, #tpu.memory_space<hbm>> -> memref<1000xi32, #tpu.memory_space<hbm>>
      tpu.enqueue_dma source(%dma_start3A_29 : memref<1000xi32, #tpu.memory_space<hbm>>) target(%arg6 : memref<1000xi32, #tpu.memory_space<vmem>>) target_semaphore(%run_scoped3A : memref<!tpu.dma_semaphore, #tpu.memory_space<semaphore_mem>>)
      %dma_wait3A = tpu.memref_slice %arg2[%add3A_10] : memref<160000xi32, #tpu.memory_space<hbm>> -> memref<1000xi32, #tpu.memory_space<hbm>>
      %dma_wait3A_30 = tpu.memref_slice %arg2[%add3A_10] : memref<160000xi32, #tpu.memory_space<hbm>> -> memref<1000xi32, #tpu.memory_space<hbm>>
      tpu.wait_dma2 semaphore(%run_scoped3A : memref<!tpu.dma_semaphore, #tpu.memory_space<semaphore_mem>>) src(%dma_wait3A_30 : memref<1000xi32, #tpu.memory_space<hbm>>) dst(%arg6 : memref<1000xi32, #tpu.memory_space<vmem>>)
      tpu.yield
    }) : () -> ()
    "tpu.region"() ({
      %run_scoped3A = tpu.sem_alloc : memref<!tpu.dma_semaphore, #tpu.memory_space<semaphore_mem>>
      %dma_start3A = arith.constant 0 : i32
      %dma_start3A_29 = arith.constant 0 : i32
      %dma_start3A_30 = tpu.memref_slice %arg8[%dma_start3A, %dma_start3A_29] : memref<10000x16xf32, #tpu.memory_space<vmem_shared>> -> memref<10000x16xf32, #tpu.memory_space<vmem_shared>>
      tpu.enqueue_indirect_dma source(%arg7 : memref<1000x16xf32, #tpu.memory_space<vmem>>) target(%dma_start3A_30 : memref<10000x16xf32, #tpu.memory_space<vmem_shared>>) offsets(%arg6 : memref<1000xi32, #tpu.memory_space<vmem>>) semaphore(%run_scoped3A : memref<!tpu.dma_semaphore, #tpu.memory_space<semaphore_mem>>) {add = true}
      %dma_wait3A = arith.constant 0 : i32
      %dma_wait3A_31 = arith.constant 0 : i32
      %dma_wait3A_32 = tpu.memref_slice %arg8[%dma_wait3A, %dma_wait3A_31] : memref<10000x16xf32, #tpu.memory_space<vmem_shared>> -> memref<10000x16xf32, #tpu.memory_space<vmem_shared>>
      tpu.wait_indirect_dma semaphore(%run_scoped3A : memref<!tpu.dma_semaphore, #tpu.memory_space<semaphore_mem>>) src(%arg7 : memref<1000x16xf32, #tpu.memory_space<vmem>>) dst(%dma_wait3A_32 : memref<10000x16xf32, #tpu.memory_space<vmem_shared>>)
      tpu.yield
    }) : () -> ()
    %add3A_11 = arith.constant 1000 : i32
    %add3A_12 = arith.addi %mul3A_8, %add3A_11 : i32
    "tpu.region"() ({
      %run_scoped3A = tpu.sem_alloc : memref<!tpu.dma_semaphore, #tpu.memory_space<semaphore_mem>>
      %dma_start3A = tpu.memref_slice %arg2[%add3A_12] : memref<160000xi32, #tpu.memory_space<hbm>> -> memref<1000xi32, #tpu.memory_space<hbm>>
      %dma_start3A_29 = tpu.memref_slice %arg2[%add3A_12] : memref<160000xi32, #tpu.memory_space<hbm>> -> memref<1000xi32, #tpu.memory_space<hbm>>
      tpu.enqueue_dma source(%dma_start3A_29 : memref<1000xi32, #tpu.memory_space<hbm>>) target(%arg6 : memref<1000xi32, #tpu.memory_space<vmem>>) target_semaphore(%run_scoped3A : memref<!tpu.dma_semaphore, #tpu.memory_space<semaphore_mem>>)
      %dma_wait3A = tpu.memref_slice %arg2[%add3A_12] : memref<160000xi32, #tpu.memory_space<hbm>> -> memref<1000xi32, #tpu.memory_space<hbm>>
      %dma_wait3A_30 = tpu.memref_slice %arg2[%add3A_12] : memref<160000xi32, #tpu.memory_space<hbm>> -> memref<1000xi32, #tpu.memory_space<hbm>>
      tpu.wait_dma2 semaphore(%run_scoped3A : memref<!tpu.dma_semaphore, #tpu.memory_space<semaphore_mem>>) src(%dma_wait3A_30 : memref<1000xi32, #tpu.memory_space<hbm>>) dst(%arg6 : memref<1000xi32, #tpu.memory_space<vmem>>)
      tpu.yield
    }) : () -> ()
    "tpu.region"() ({
      %run_scoped3A = tpu.sem_alloc : memref<!tpu.dma_semaphore, #tpu.memory_space<semaphore_mem>>
      %dma_start3A = arith.constant 0 : i32
      %dma_start3A_29 = arith.constant 0 : i32
      %dma_start3A_30 = tpu.memref_slice %arg8[%dma_start3A, %dma_start3A_29] : memref<10000x16xf32, #tpu.memory_space<vmem_shared>> -> memref<10000x16xf32, #tpu.memory_space<vmem_shared>>
      tpu.enqueue_indirect_dma source(%arg7 : memref<1000x16xf32, #tpu.memory_space<vmem>>) target(%dma_start3A_30 : memref<10000x16xf32, #tpu.memory_space<vmem_shared>>) offsets(%arg6 : memref<1000xi32, #tpu.memory_space<vmem>>) semaphore(%run_scoped3A : memref<!tpu.dma_semaphore, #tpu.memory_space<semaphore_mem>>) {add = true}
      %dma_wait3A = arith.constant 0 : i32
      %dma_wait3A_31 = arith.constant 0 : i32
      %dma_wait3A_32 = tpu.memref_slice %arg8[%dma_wait3A, %dma_wait3A_31] : memref<10000x16xf32, #tpu.memory_space<vmem_shared>> -> memref<10000x16xf32, #tpu.memory_space<vmem_shared>>
      tpu.wait_indirect_dma semaphore(%run_scoped3A : memref<!tpu.dma_semaphore, #tpu.memory_space<semaphore_mem>>) src(%arg7 : memref<1000x16xf32, #tpu.memory_space<vmem>>) dst(%dma_wait3A_32 : memref<10000x16xf32, #tpu.memory_space<vmem_shared>>)
      tpu.yield
    }) : () -> ()
    %add3A_13 = arith.constant 2000 : i32
    %add3A_14 = arith.addi %mul3A_8, %add3A_13 : i32
    "tpu.region"() ({
      %run_scoped3A = tpu.sem_alloc : memref<!tpu.dma_semaphore, #tpu.memory_space<semaphore_mem>>
      %dma_start3A = tpu.memref_slice %arg2[%add3A_14] : memref<160000xi32, #tpu.memory_space<hbm>> -> memref<1000xi32, #tpu.memory_space<hbm>>
      %dma_start3A_29 = tpu.memref_slice %arg2[%add3A_14] : memref<160000xi32, #tpu.memory_space<hbm>> -> memref<1000xi32, #tpu.memory_space<hbm>>
      tpu.enqueue_dma source(%dma_start3A_29 : memref<1000xi32, #tpu.memory_space<hbm>>) target(%arg6 : memref<1000xi32, #tpu.memory_space<vmem>>) target_semaphore(%run_scoped3A : memref<!tpu.dma_semaphore, #tpu.memory_space<semaphore_mem>>)
      %dma_wait3A = tpu.memref_slice %arg2[%add3A_14] : memref<160000xi32, #tpu.memory_space<hbm>> -> memref<1000xi32, #tpu.memory_space<hbm>>
      %dma_wait3A_30 = tpu.memref_slice %arg2[%add3A_14] : memref<160000xi32, #tpu.memory_space<hbm>> -> memref<1000xi32, #tpu.memory_space<hbm>>
      tpu.wait_dma2 semaphore(%run_scoped3A : memref<!tpu.dma_semaphore, #tpu.memory_space<semaphore_mem>>) src(%dma_wait3A_30 : memref<1000xi32, #tpu.memory_space<hbm>>) dst(%arg6 : memref<1000xi32, #tpu.memory_space<vmem>>)
      tpu.yield
    }) : () -> ()
    "tpu.region"() ({
      %run_scoped3A = tpu.sem_alloc : memref<!tpu.dma_semaphore, #tpu.memory_space<semaphore_mem>>
      %dma_start3A = arith.constant 0 : i32
      %dma_start3A_29 = arith.constant 0 : i32
      %dma_start3A_30 = tpu.memref_slice %arg8[%dma_start3A, %dma_start3A_29] : memref<10000x16xf32, #tpu.memory_space<vmem_shared>> -> memref<10000x16xf32, #tpu.memory_space<vmem_shared>>
      tpu.enqueue_indirect_dma source(%arg7 : memref<1000x16xf32, #tpu.memory_space<vmem>>) target(%dma_start3A_30 : memref<10000x16xf32, #tpu.memory_space<vmem_shared>>) offsets(%arg6 : memref<1000xi32, #tpu.memory_space<vmem>>) semaphore(%run_scoped3A : memref<!tpu.dma_semaphore, #tpu.memory_space<semaphore_mem>>) {add = true}
      %dma_wait3A = arith.constant 0 : i32
      %dma_wait3A_31 = arith.constant 0 : i32
      %dma_wait3A_32 = tpu.memref_slice %arg8[%dma_wait3A, %dma_wait3A_31] : memref<10000x16xf32, #tpu.memory_space<vmem_shared>> -> memref<10000x16xf32, #tpu.memory_space<vmem_shared>>
      tpu.wait_indirect_dma semaphore(%run_scoped3A : memref<!tpu.dma_semaphore, #tpu.memory_space<semaphore_mem>>) src(%arg7 : memref<1000x16xf32, #tpu.memory_space<vmem>>) dst(%dma_wait3A_32 : memref<10000x16xf32, #tpu.memory_space<vmem_shared>>)
      tpu.yield
    }) : () -> ()
    %add3A_15 = arith.constant 3000 : i32
    %add3A_16 = arith.addi %mul3A_8, %add3A_15 : i32
    "tpu.region"() ({
      %run_scoped3A = tpu.sem_alloc : memref<!tpu.dma_semaphore, #tpu.memory_space<semaphore_mem>>
      %dma_start3A = tpu.memref_slice %arg2[%add3A_16] : memref<160000xi32, #tpu.memory_space<hbm>> -> memref<1000xi32, #tpu.memory_space<hbm>>
      %dma_start3A_29 = tpu.memref_slice %arg2[%add3A_16] : memref<160000xi32, #tpu.memory_space<hbm>> -> memref<1000xi32, #tpu.memory_space<hbm>>
      tpu.enqueue_dma source(%dma_start3A_29 : memref<1000xi32, #tpu.memory_space<hbm>>) target(%arg6 : memref<1000xi32, #tpu.memory_space<vmem>>) target_semaphore(%run_scoped3A : memref<!tpu.dma_semaphore, #tpu.memory_space<semaphore_mem>>)
      %dma_wait3A = tpu.memref_slice %arg2[%add3A_16] : memref<160000xi32, #tpu.memory_space<hbm>> -> memref<1000xi32, #tpu.memory_space<hbm>>
      %dma_wait3A_30 = tpu.memref_slice %arg2[%add3A_16] : memref<160000xi32, #tpu.memory_space<hbm>> -> memref<1000xi32, #tpu.memory_space<hbm>>
      tpu.wait_dma2 semaphore(%run_scoped3A : memref<!tpu.dma_semaphore, #tpu.memory_space<semaphore_mem>>) src(%dma_wait3A_30 : memref<1000xi32, #tpu.memory_space<hbm>>) dst(%arg6 : memref<1000xi32, #tpu.memory_space<vmem>>)
      tpu.yield
    }) : () -> ()
    "tpu.region"() ({
      %run_scoped3A = tpu.sem_alloc : memref<!tpu.dma_semaphore, #tpu.memory_space<semaphore_mem>>
      %dma_start3A = arith.constant 0 : i32
      %dma_start3A_29 = arith.constant 0 : i32
      %dma_start3A_30 = tpu.memref_slice %arg8[%dma_start3A, %dma_start3A_29] : memref<10000x16xf32, #tpu.memory_space<vmem_shared>> -> memref<10000x16xf32, #tpu.memory_space<vmem_shared>>
      tpu.enqueue_indirect_dma source(%arg7 : memref<1000x16xf32, #tpu.memory_space<vmem>>) target(%dma_start3A_30 : memref<10000x16xf32, #tpu.memory_space<vmem_shared>>) offsets(%arg6 : memref<1000xi32, #tpu.memory_space<vmem>>) semaphore(%run_scoped3A : memref<!tpu.dma_semaphore, #tpu.memory_space<semaphore_mem>>) {add = true}
      %dma_wait3A = arith.constant 0 : i32
      %dma_wait3A_31 = arith.constant 0 : i32
      %dma_wait3A_32 = tpu.memref_slice %arg8[%dma_wait3A, %dma_wait3A_31] : memref<10000x16xf32, #tpu.memory_space<vmem_shared>> -> memref<10000x16xf32, #tpu.memory_space<vmem_shared>>
      tpu.wait_indirect_dma semaphore(%run_scoped3A : memref<!tpu.dma_semaphore, #tpu.memory_space<semaphore_mem>>) src(%arg7 : memref<1000x16xf32, #tpu.memory_space<vmem>>) dst(%dma_wait3A_32 : memref<10000x16xf32, #tpu.memory_space<vmem_shared>>)
      tpu.yield
    }) : () -> ()
    %add3A_17 = arith.constant 4000 : i32
    %add3A_18 = arith.addi %mul3A_8, %add3A_17 : i32
    "tpu.region"() ({
      %run_scoped3A = tpu.sem_alloc : memref<!tpu.dma_semaphore, #tpu.memory_space<semaphore_mem>>
      %dma_start3A = tpu.memref_slice %arg2[%add3A_18] : memref<160000xi32, #tpu.memory_space<hbm>> -> memref<1000xi32, #tpu.memory_space<hbm>>
      %dma_start3A_29 = tpu.memref_slice %arg2[%add3A_18] : memref<160000xi32, #tpu.memory_space<hbm>> -> memref<1000xi32, #tpu.memory_space<hbm>>
      tpu.enqueue_dma source(%dma_start3A_29 : memref<1000xi32, #tpu.memory_space<hbm>>) target(%arg6 : memref<1000xi32, #tpu.memory_space<vmem>>) target_semaphore(%run_scoped3A : memref<!tpu.dma_semaphore, #tpu.memory_space<semaphore_mem>>)
      %dma_wait3A = tpu.memref_slice %arg2[%add3A_18] : memref<160000xi32, #tpu.memory_space<hbm>> -> memref<1000xi32, #tpu.memory_space<hbm>>
      %dma_wait3A_30 = tpu.memref_slice %arg2[%add3A_18] : memref<160000xi32, #tpu.memory_space<hbm>> -> memref<1000xi32, #tpu.memory_space<hbm>>
      tpu.wait_dma2 semaphore(%run_scoped3A : memref<!tpu.dma_semaphore, #tpu.memory_space<semaphore_mem>>) src(%dma_wait3A_30 : memref<1000xi32, #tpu.memory_space<hbm>>) dst(%arg6 : memref<1000xi32, #tpu.memory_space<vmem>>)
      tpu.yield
    }) : () -> ()
    "tpu.region"() ({
      %run_scoped3A = tpu.sem_alloc : memref<!tpu.dma_semaphore, #tpu.memory_space<semaphore_mem>>
      %dma_start3A = arith.constant 0 : i32
      %dma_start3A_29 = arith.constant 0 : i32
      %dma_start3A_30 = tpu.memref_slice %arg8[%dma_start3A, %dma_start3A_29] : memref<10000x16xf32, #tpu.memory_space<vmem_shared>> -> memref<10000x16xf32, #tpu.memory_space<vmem_shared>>
      tpu.enqueue_indirect_dma source(%arg7 : memref<1000x16xf32, #tpu.memory_space<vmem>>) target(%dma_start3A_30 : memref<10000x16xf32, #tpu.memory_space<vmem_shared>>) offsets(%arg6 : memref<1000xi32, #tpu.memory_space<vmem>>) semaphore(%run_scoped3A : memref<!tpu.dma_semaphore, #tpu.memory_space<semaphore_mem>>) {add = true}
      %dma_wait3A = arith.constant 0 : i32
      %dma_wait3A_31 = arith.constant 0 : i32
      %dma_wait3A_32 = tpu.memref_slice %arg8[%dma_wait3A, %dma_wait3A_31] : memref<10000x16xf32, #tpu.memory_space<vmem_shared>> -> memref<10000x16xf32, #tpu.memory_space<vmem_shared>>
      tpu.wait_indirect_dma semaphore(%run_scoped3A : memref<!tpu.dma_semaphore, #tpu.memory_space<semaphore_mem>>) src(%arg7 : memref<1000x16xf32, #tpu.memory_space<vmem>>) dst(%dma_wait3A_32 : memref<10000x16xf32, #tpu.memory_space<vmem_shared>>)
      tpu.yield
    }) : () -> ()
    %barrier3A_19 = arith.constant 0 : index
    tpu.barrier barrier_id(%barrier3A_19)
    %mul3A_20 = arith.constant 624 : i32
    %mul3A_21 = arith.muli %arg1, %mul3A_20 : i32
    %mul3A_22 = arith.constant 624 : i32
    %mul3A_23 = arith.muli %arg1, %mul3A_22 : i32
    "tpu.region"() ({
      %run_scoped3A = tpu.sem_alloc : memref<!tpu.dma_semaphore, #tpu.memory_space<semaphore_mem>>
      %dma_start3A = arith.constant 0 : i32
      %dma_start3A_29 = arith.constant 0 : i32
      %dma_start3A_30 = tpu.memref_slice %arg5[%arg0, %dma_start3A, %dma_start3A_29] : memref<2x10000x16xf32, #tpu.memory_space<hbm>> -> memref<1x10000x16xf32, #tpu.memory_space<hbm>>
      %dma_start3A_31 = tpu.memref_squeeze %dma_start3A_30 : memref<1x10000x16xf32, #tpu.memory_space<hbm>> -> memref<10000x16xf32, #tpu.memory_space<hbm>>
      %dma_start3A_32 = arith.constant 0 : i32
      %dma_start3A_33 = tpu.memref_slice %dma_start3A_31[%mul3A_23, %dma_start3A_32] : memref<10000x16xf32, #tpu.memory_space<hbm>> -> memref<624x16xf32, #tpu.memory_space<hbm>>
      %dma_start3A_34 = arith.constant 0 : i32
      %dma_start3A_35 = tpu.memref_slice %arg8[%mul3A_21, %dma_start3A_34] : memref<10000x16xf32, #tpu.memory_space<vmem_shared>> -> memref<624x16xf32, #tpu.memory_space<vmem_shared>>
      tpu.enqueue_dma source(%dma_start3A_35 : memref<624x16xf32, #tpu.memory_space<vmem_shared>>) target(%dma_start3A_33 : memref<624x16xf32, #tpu.memory_space<hbm>>) target_semaphore(%run_scoped3A : memref<!tpu.dma_semaphore, #tpu.memory_space<semaphore_mem>>)
      %dma_wait3A = arith.constant 0 : i32
      %dma_wait3A_36 = arith.constant 0 : i32
      %dma_wait3A_37 = tpu.memref_slice %arg5[%arg0, %dma_wait3A, %dma_wait3A_36] : memref<2x10000x16xf32, #tpu.memory_space<hbm>> -> memref<1x10000x16xf32, #tpu.memory_space<hbm>>
      %dma_wait3A_38 = tpu.memref_squeeze %dma_wait3A_37 : memref<1x10000x16xf32, #tpu.memory_space<hbm>> -> memref<10000x16xf32, #tpu.memory_space<hbm>>
      %dma_wait3A_39 = arith.constant 0 : i32
      %dma_wait3A_40 = tpu.memref_slice %dma_wait3A_38[%mul3A_23, %dma_wait3A_39] : memref<10000x16xf32, #tpu.memory_space<hbm>> -> memref<624x16xf32, #tpu.memory_space<hbm>>
      %dma_wait3A_41 = arith.constant 0 : i32
      %dma_wait3A_42 = tpu.memref_slice %arg8[%mul3A_21, %dma_wait3A_41] : memref<10000x16xf32, #tpu.memory_space<vmem_shared>> -> memref<624x16xf32, #tpu.memory_space<vmem_shared>>
      tpu.wait_dma2 semaphore(%run_scoped3A : memref<!tpu.dma_semaphore, #tpu.memory_space<semaphore_mem>>) src(%dma_wait3A_42 : memref<624x16xf32, #tpu.memory_space<vmem_shared>>) dst(%dma_wait3A_40 : memref<624x16xf32, #tpu.memory_space<hbm>>)
      tpu.yield
    }) : () -> ()
    %eq3A_24 = arith.constant 15 : i32
    %eq3A_25 = arith.cmpi eq, %arg1, %eq3A_24 : i32
    %convert_element_type3A_26 = arith.extui %eq3A_25 : i1 to i32
    %cond3A_27 = arith.constant 0 : i32
    %cond3A_28 = arith.cmpi ne, %convert_element_type3A_26, %cond3A_27 : i32
    scf.if %cond3A_28 {
      "tpu.region"() ({
        %run_scoped3A = tpu.sem_alloc : memref<!tpu.dma_semaphore, #tpu.memory_space<semaphore_mem>>
        %dma_start3A = arith.constant 0 : i32
        %dma_start3A_29 = arith.constant 0 : i32
        %dma_start3A_30 = tpu.memref_slice %arg5[%arg0, %dma_start3A, %dma_start3A_29] : memref<2x10000x16xf32, #tpu.memory_space<hbm>> -> memref<1x10000x16xf32, #tpu.memory_space<hbm>>
        %dma_start3A_31 = tpu.memref_squeeze %dma_start3A_30 : memref<1x10000x16xf32, #tpu.memory_space<hbm>> -> memref<10000x16xf32, #tpu.memory_space<hbm>>
        %dma_start3A_32 = arith.constant 9984 : i32
        %dma_start3A_33 = arith.constant 0 : i32
        %dma_start3A_34 = tpu.memref_slice %dma_start3A_31[%dma_start3A_32, %dma_start3A_33] : memref<10000x16xf32, #tpu.memory_space<hbm>> -> memref<16x16xf32, #tpu.memory_space<hbm>>
        %dma_start3A_35 = arith.constant 9984 : i32
        %dma_start3A_36 = arith.constant 0 : i32
        %dma_start3A_37 = tpu.memref_slice %arg8[%dma_start3A_35, %dma_start3A_36] : memref<10000x16xf32, #tpu.memory_space<vmem_shared>> -> memref<16x16xf32, #tpu.memory_space<vmem_shared>>
        tpu.enqueue_dma source(%dma_start3A_37 : memref<16x16xf32, #tpu.memory_space<vmem_shared>>) target(%dma_start3A_34 : memref<16x16xf32, #tpu.memory_space<hbm>>) target_semaphore(%run_scoped3A : memref<!tpu.dma_semaphore, #tpu.memory_space<semaphore_mem>>)
        %dma_wait3A = arith.constant 0 : i32
        %dma_wait3A_38 = arith.constant 0 : i32
        %dma_wait3A_39 = tpu.memref_slice %arg5[%arg0, %dma_wait3A, %dma_wait3A_38] : memref<2x10000x16xf32, #tpu.memory_space<hbm>> -> memref<1x10000x16xf32, #tpu.memory_space<hbm>>
        %dma_wait3A_40 = tpu.memref_squeeze %dma_wait3A_39 : memref<1x10000x16xf32, #tpu.memory_space<hbm>> -> memref<10000x16xf32, #tpu.memory_space<hbm>>
        %dma_wait3A_41 = arith.constant 9984 : i32
        %dma_wait3A_42 = arith.constant 0 : i32
        %dma_wait3A_43 = tpu.memref_slice %dma_wait3A_40[%dma_wait3A_41, %dma_wait3A_42] : memref<10000x16xf32, #tpu.memory_space<hbm>> -> memref<16x16xf32, #tpu.memory_space<hbm>>
        %dma_wait3A_44 = arith.constant 9984 : i32
        %dma_wait3A_45 = arith.constant 0 : i32
        %dma_wait3A_46 = tpu.memref_slice %arg8[%dma_wait3A_44, %dma_wait3A_45] : memref<10000x16xf32, #tpu.memory_space<vmem_shared>> -> memref<16x16xf32, #tpu.memory_space<vmem_shared>>
        tpu.wait_dma2 semaphore(%run_scoped3A : memref<!tpu.dma_semaphore, #tpu.memory_space<semaphore_mem>>) src(%dma_wait3A_46 : memref<16x16xf32, #tpu.memory_space<vmem_shared>>) dst(%dma_wait3A_43 : memref<16x16xf32, #tpu.memory_space<hbm>>)
        tpu.yield
      }) : () -> ()
    } else {
    }
    return
  }
}

#map = affine_map<(d0, d1) -> (0, 0)>
#map1 = affine_map<(d0, d1) -> (0)>
module attributes {stable_mosaic.version = 14 : i64} {
  func.func @_gather_body(%arg0: i32, %arg1: i32, %arg2: memref<10000x32xf32, #tpu.memory_space<hbm>>, %arg3: memref<160000xi32, #tpu.memory_space<hbm>>, %arg4: memref<160000x32xf32, #tpu.memory_space<hbm>>, %arg5: memref<1000xi32, #tpu.memory_space<vmem>>, %arg6: memref<1000x32xf32, #tpu.memory_space<vmem>>, %arg7: memref<!tpu.dma_semaphore, #tpu.memory_space<semaphore_mem>>) attributes {dimension_semantics = [#tpu.dimension_semantics<core_parallel>, #tpu.dimension_semantics<subcore_parallel>], iteration_bounds = array<i64: 2, 16>, scalar_prefetch = 0 : i64, scratch_operands = 3 : i64, tpu.core_type = #tpu.core_type<sc_vector_subcore>, window_params = [{transform_indices = #map}, {transform_indices = #map1}, {transform_indices = #map}]} {
    %mul3A = arith.constant 2 : i32
    %mul3A_0 = arith.muli %arg1, %mul3A : i32
    %add3A = arith.addi %mul3A_0, %arg0 : i32
    %mul3A_1 = arith.constant 5000 : i32
    %mul3A_2 = arith.muli %add3A, %mul3A_1 : i32
    %add3A_3 = arith.constant 0 : i32
    %add3A_4 = arith.addi %mul3A_2, %add3A_3 : i32
    "tpu.region"() ({
      %run_scoped3A = tpu.sem_alloc : memref<!tpu.dma_semaphore, #tpu.memory_space<semaphore_mem>>
      %dma_start3A_41 = tpu.memref_slice %arg3[%add3A_4] : memref<160000xi32, #tpu.memory_space<hbm>> -> memref<1000xi32, #tpu.memory_space<hbm>>
      %dma_start3A_42 = tpu.memref_slice %arg3[%add3A_4] : memref<160000xi32, #tpu.memory_space<hbm>> -> memref<1000xi32, #tpu.memory_space<hbm>>
      tpu.enqueue_dma source(%dma_start3A_42 : memref<1000xi32, #tpu.memory_space<hbm>>) target(%arg5 : memref<1000xi32, #tpu.memory_space<vmem>>) target_semaphore(%run_scoped3A : memref<!tpu.dma_semaphore, #tpu.memory_space<semaphore_mem>>)
      %dma_wait3A_43 = tpu.memref_slice %arg3[%add3A_4] : memref<160000xi32, #tpu.memory_space<hbm>> -> memref<1000xi32, #tpu.memory_space<hbm>>
      %dma_wait3A_44 = tpu.memref_slice %arg3[%add3A_4] : memref<160000xi32, #tpu.memory_space<hbm>> -> memref<1000xi32, #tpu.memory_space<hbm>>
      tpu.wait_dma2 semaphore(%run_scoped3A : memref<!tpu.dma_semaphore, #tpu.memory_space<semaphore_mem>>) src(%dma_wait3A_44 : memref<1000xi32, #tpu.memory_space<hbm>>) dst(%arg5 : memref<1000xi32, #tpu.memory_space<vmem>>)
      tpu.yield
    }) : () -> ()
    %dma_start3A = arith.constant 0 : i32
    %dma_start3A_5 = arith.constant 0 : i32
    %dma_start3A_6 = tpu.memref_slice %arg2[%dma_start3A, %dma_start3A_5] : memref<10000x32xf32, #tpu.memory_space<hbm>> -> memref<10000x32xf32, #tpu.memory_space<hbm>>
    tpu.enqueue_indirect_dma source(%dma_start3A_6 : memref<10000x32xf32, #tpu.memory_space<hbm>>) target(%arg6 : memref<1000x32xf32, #tpu.memory_space<vmem>>) offsets(%arg5 : memref<1000xi32, #tpu.memory_space<vmem>>) semaphore(%arg7 : memref<!tpu.dma_semaphore, #tpu.memory_space<semaphore_mem>>)
    %dma_wait3A = arith.constant 0 : i32
    %dma_wait3A_7 = arith.constant 0 : i32
    %dma_wait3A_8 = tpu.memref_slice %arg2[%dma_wait3A, %dma_wait3A_7] : memref<10000x32xf32, #tpu.memory_space<hbm>> -> memref<10000x32xf32, #tpu.memory_space<hbm>>
    tpu.wait_indirect_dma semaphore(%arg7 : memref<!tpu.dma_semaphore, #tpu.memory_space<semaphore_mem>>) src(%dma_wait3A_8 : memref<10000x32xf32, #tpu.memory_space<hbm>>) dst(%arg6 : memref<1000x32xf32, #tpu.memory_space<vmem>>)
    "tpu.region"() ({
      %run_scoped3A = tpu.sem_alloc : memref<!tpu.dma_semaphore, #tpu.memory_space<semaphore_mem>>
      %dma_start3A_41 = arith.constant 0 : i32
      %dma_start3A_42 = tpu.memref_slice %arg4[%add3A_4, %dma_start3A_41] : memref<160000x32xf32, #tpu.memory_space<hbm>> -> memref<1000x32xf32, #tpu.memory_space<hbm>>
      %dma_start3A_43 = arith.constant 0 : i32
      %dma_start3A_44 = tpu.memref_slice %arg4[%add3A_4, %dma_start3A_43] : memref<160000x32xf32, #tpu.memory_space<hbm>> -> memref<1000x32xf32, #tpu.memory_space<hbm>>
      tpu.enqueue_dma source(%arg6 : memref<1000x32xf32, #tpu.memory_space<vmem>>) target(%dma_start3A_44 : memref<1000x32xf32, #tpu.memory_space<hbm>>) target_semaphore(%run_scoped3A : memref<!tpu.dma_semaphore, #tpu.memory_space<semaphore_mem>>)
      %dma_wait3A_45 = arith.constant 0 : i32
      %dma_wait3A_46 = tpu.memref_slice %arg4[%add3A_4, %dma_wait3A_45] : memref<160000x32xf32, #tpu.memory_space<hbm>> -> memref<1000x32xf32, #tpu.memory_space<hbm>>
      %dma_wait3A_47 = arith.constant 0 : i32
      %dma_wait3A_48 = tpu.memref_slice %arg4[%add3A_4, %dma_wait3A_47] : memref<160000x32xf32, #tpu.memory_space<hbm>> -> memref<1000x32xf32, #tpu.memory_space<hbm>>
      tpu.wait_dma2 semaphore(%run_scoped3A : memref<!tpu.dma_semaphore, #tpu.memory_space<semaphore_mem>>) src(%arg6 : memref<1000x32xf32, #tpu.memory_space<vmem>>) dst(%dma_wait3A_48 : memref<1000x32xf32, #tpu.memory_space<hbm>>)
      tpu.yield
    }) : () -> ()
    %add3A_9 = arith.constant 1000 : i32
    %add3A_10 = arith.addi %mul3A_2, %add3A_9 : i32
    "tpu.region"() ({
      %run_scoped3A = tpu.sem_alloc : memref<!tpu.dma_semaphore, #tpu.memory_space<semaphore_mem>>
      %dma_start3A_41 = tpu.memref_slice %arg3[%add3A_10] : memref<160000xi32, #tpu.memory_space<hbm>> -> memref<1000xi32, #tpu.memory_space<hbm>>
      %dma_start3A_42 = tpu.memref_slice %arg3[%add3A_10] : memref<160000xi32, #tpu.memory_space<hbm>> -> memref<1000xi32, #tpu.memory_space<hbm>>
      tpu.enqueue_dma source(%dma_start3A_42 : memref<1000xi32, #tpu.memory_space<hbm>>) target(%arg5 : memref<1000xi32, #tpu.memory_space<vmem>>) target_semaphore(%run_scoped3A : memref<!tpu.dma_semaphore, #tpu.memory_space<semaphore_mem>>)
      %dma_wait3A_43 = tpu.memref_slice %arg3[%add3A_10] : memref<160000xi32, #tpu.memory_space<hbm>> -> memref<1000xi32, #tpu.memory_space<hbm>>
      %dma_wait3A_44 = tpu.memref_slice %arg3[%add3A_10] : memref<160000xi32, #tpu.memory_space<hbm>> -> memref<1000xi32, #tpu.memory_space<hbm>>
      tpu.wait_dma2 semaphore(%run_scoped3A : memref<!tpu.dma_semaphore, #tpu.memory_space<semaphore_mem>>) src(%dma_wait3A_44 : memref<1000xi32, #tpu.memory_space<hbm>>) dst(%arg5 : memref<1000xi32, #tpu.memory_space<vmem>>)
      tpu.yield
    }) : () -> ()
    %dma_start3A_11 = arith.constant 0 : i32
    %dma_start3A_12 = arith.constant 0 : i32
    %dma_start3A_13 = tpu.memref_slice %arg2[%dma_start3A_11, %dma_start3A_12] : memref<10000x32xf32, #tpu.memory_space<hbm>> -> memref<10000x32xf32, #tpu.memory_space<hbm>>
    tpu.enqueue_indirect_dma source(%dma_start3A_13 : memref<10000x32xf32, #tpu.memory_space<hbm>>) target(%arg6 : memref<1000x32xf32, #tpu.memory_space<vmem>>) offsets(%arg5 : memref<1000xi32, #tpu.memory_space<vmem>>) semaphore(%arg7 : memref<!tpu.dma_semaphore, #tpu.memory_space<semaphore_mem>>)
    %dma_wait3A_14 = arith.constant 0 : i32
    %dma_wait3A_15 = arith.constant 0 : i32
    %dma_wait3A_16 = tpu.memref_slice %arg2[%dma_wait3A_14, %dma_wait3A_15] : memref<10000x32xf32, #tpu.memory_space<hbm>> -> memref<10000x32xf32, #tpu.memory_space<hbm>>
    tpu.wait_indirect_dma semaphore(%arg7 : memref<!tpu.dma_semaphore, #tpu.memory_space<semaphore_mem>>) src(%dma_wait3A_16 : memref<10000x32xf32, #tpu.memory_space<hbm>>) dst(%arg6 : memref<1000x32xf32, #tpu.memory_space<vmem>>)
    "tpu.region"() ({
      %run_scoped3A = tpu.sem_alloc : memref<!tpu.dma_semaphore, #tpu.memory_space<semaphore_mem>>
      %dma_start3A_41 = arith.constant 0 : i32
      %dma_start3A_42 = tpu.memref_slice %arg4[%add3A_10, %dma_start3A_41] : memref<160000x32xf32, #tpu.memory_space<hbm>> -> memref<1000x32xf32, #tpu.memory_space<hbm>>
      %dma_start3A_43 = arith.constant 0 : i32
      %dma_start3A_44 = tpu.memref_slice %arg4[%add3A_10, %dma_start3A_43] : memref<160000x32xf32, #tpu.memory_space<hbm>> -> memref<1000x32xf32, #tpu.memory_space<hbm>>
      tpu.enqueue_dma source(%arg6 : memref<1000x32xf32, #tpu.memory_space<vmem>>) target(%dma_start3A_44 : memref<1000x32xf32, #tpu.memory_space<hbm>>) target_semaphore(%run_scoped3A : memref<!tpu.dma_semaphore, #tpu.memory_space<semaphore_mem>>)
      %dma_wait3A_45 = arith.constant 0 : i32
      %dma_wait3A_46 = tpu.memref_slice %arg4[%add3A_10, %dma_wait3A_45] : memref<160000x32xf32, #tpu.memory_space<hbm>> -> memref<1000x32xf32, #tpu.memory_space<hbm>>
      %dma_wait3A_47 = arith.constant 0 : i32
      %dma_wait3A_48 = tpu.memref_slice %arg4[%add3A_10, %dma_wait3A_47] : memref<160000x32xf32, #tpu.memory_space<hbm>> -> memref<1000x32xf32, #tpu.memory_space<hbm>>
      tpu.wait_dma2 semaphore(%run_scoped3A : memref<!tpu.dma_semaphore, #tpu.memory_space<semaphore_mem>>) src(%arg6 : memref<1000x32xf32, #tpu.memory_space<vmem>>) dst(%dma_wait3A_48 : memref<1000x32xf32, #tpu.memory_space<hbm>>)
      tpu.yield
    }) : () -> ()
    %add3A_17 = arith.constant 2000 : i32
    %add3A_18 = arith.addi %mul3A_2, %add3A_17 : i32
    "tpu.region"() ({
      %run_scoped3A = tpu.sem_alloc : memref<!tpu.dma_semaphore, #tpu.memory_space<semaphore_mem>>
      %dma_start3A_41 = tpu.memref_slice %arg3[%add3A_18] : memref<160000xi32, #tpu.memory_space<hbm>> -> memref<1000xi32, #tpu.memory_space<hbm>>
      %dma_start3A_42 = tpu.memref_slice %arg3[%add3A_18] : memref<160000xi32, #tpu.memory_space<hbm>> -> memref<1000xi32, #tpu.memory_space<hbm>>
      tpu.enqueue_dma source(%dma_start3A_42 : memref<1000xi32, #tpu.memory_space<hbm>>) target(%arg5 : memref<1000xi32, #tpu.memory_space<vmem>>) target_semaphore(%run_scoped3A : memref<!tpu.dma_semaphore, #tpu.memory_space<semaphore_mem>>)
      %dma_wait3A_43 = tpu.memref_slice %arg3[%add3A_18] : memref<160000xi32, #tpu.memory_space<hbm>> -> memref<1000xi32, #tpu.memory_space<hbm>>
      %dma_wait3A_44 = tpu.memref_slice %arg3[%add3A_18] : memref<160000xi32, #tpu.memory_space<hbm>> -> memref<1000xi32, #tpu.memory_space<hbm>>
      tpu.wait_dma2 semaphore(%run_scoped3A : memref<!tpu.dma_semaphore, #tpu.memory_space<semaphore_mem>>) src(%dma_wait3A_44 : memref<1000xi32, #tpu.memory_space<hbm>>) dst(%arg5 : memref<1000xi32, #tpu.memory_space<vmem>>)
      tpu.yield
    }) : () -> ()
    %dma_start3A_19 = arith.constant 0 : i32
    %dma_start3A_20 = arith.constant 0 : i32
    %dma_start3A_21 = tpu.memref_slice %arg2[%dma_start3A_19, %dma_start3A_20] : memref<10000x32xf32, #tpu.memory_space<hbm>> -> memref<10000x32xf32, #tpu.memory_space<hbm>>
    tpu.enqueue_indirect_dma source(%dma_start3A_21 : memref<10000x32xf32, #tpu.memory_space<hbm>>) target(%arg6 : memref<1000x32xf32, #tpu.memory_space<vmem>>) offsets(%arg5 : memref<1000xi32, #tpu.memory_space<vmem>>) semaphore(%arg7 : memref<!tpu.dma_semaphore, #tpu.memory_space<semaphore_mem>>)
    %dma_wait3A_22 = arith.constant 0 : i32
    %dma_wait3A_23 = arith.constant 0 : i32
    %dma_wait3A_24 = tpu.memref_slice %arg2[%dma_wait3A_22, %dma_wait3A_23] : memref<10000x32xf32, #tpu.memory_space<hbm>> -> memref<10000x32xf32, #tpu.memory_space<hbm>>
    tpu.wait_indirect_dma semaphore(%arg7 : memref<!tpu.dma_semaphore, #tpu.memory_space<semaphore_mem>>) src(%dma_wait3A_24 : memref<10000x32xf32, #tpu.memory_space<hbm>>) dst(%arg6 : memref<1000x32xf32, #tpu.memory_space<vmem>>)
    "tpu.region"() ({
      %run_scoped3A = tpu.sem_alloc : memref<!tpu.dma_semaphore, #tpu.memory_space<semaphore_mem>>
      %dma_start3A_41 = arith.constant 0 : i32
      %dma_start3A_42 = tpu.memref_slice %arg4[%add3A_18, %dma_start3A_41] : memref<160000x32xf32, #tpu.memory_space<hbm>> -> memref<1000x32xf32, #tpu.memory_space<hbm>>
      %dma_start3A_43 = arith.constant 0 : i32
      %dma_start3A_44 = tpu.memref_slice %arg4[%add3A_18, %dma_start3A_43] : memref<160000x32xf32, #tpu.memory_space<hbm>> -> memref<1000x32xf32, #tpu.memory_space<hbm>>
      tpu.enqueue_dma source(%arg6 : memref<1000x32xf32, #tpu.memory_space<vmem>>) target(%dma_start3A_44 : memref<1000x32xf32, #tpu.memory_space<hbm>>) target_semaphore(%run_scoped3A : memref<!tpu.dma_semaphore, #tpu.memory_space<semaphore_mem>>)
      %dma_wait3A_45 = arith.constant 0 : i32
      %dma_wait3A_46 = tpu.memref_slice %arg4[%add3A_18, %dma_wait3A_45] : memref<160000x32xf32, #tpu.memory_space<hbm>> -> memref<1000x32xf32, #tpu.memory_space<hbm>>
      %dma_wait3A_47 = arith.constant 0 : i32
      %dma_wait3A_48 = tpu.memref_slice %arg4[%add3A_18, %dma_wait3A_47] : memref<160000x32xf32, #tpu.memory_space<hbm>> -> memref<1000x32xf32, #tpu.memory_space<hbm>>
      tpu.wait_dma2 semaphore(%run_scoped3A : memref<!tpu.dma_semaphore, #tpu.memory_space<semaphore_mem>>) src(%arg6 : memref<1000x32xf32, #tpu.memory_space<vmem>>) dst(%dma_wait3A_48 : memref<1000x32xf32, #tpu.memory_space<hbm>>)
      tpu.yield
    }) : () -> ()
    %add3A_25 = arith.constant 3000 : i32
    %add3A_26 = arith.addi %mul3A_2, %add3A_25 : i32
    "tpu.region"() ({
      %run_scoped3A = tpu.sem_alloc : memref<!tpu.dma_semaphore, #tpu.memory_space<semaphore_mem>>
      %dma_start3A_41 = tpu.memref_slice %arg3[%add3A_26] : memref<160000xi32, #tpu.memory_space<hbm>> -> memref<1000xi32, #tpu.memory_space<hbm>>
      %dma_start3A_42 = tpu.memref_slice %arg3[%add3A_26] : memref<160000xi32, #tpu.memory_space<hbm>> -> memref<1000xi32, #tpu.memory_space<hbm>>
      tpu.enqueue_dma source(%dma_start3A_42 : memref<1000xi32, #tpu.memory_space<hbm>>) target(%arg5 : memref<1000xi32, #tpu.memory_space<vmem>>) target_semaphore(%run_scoped3A : memref<!tpu.dma_semaphore, #tpu.memory_space<semaphore_mem>>)
      %dma_wait3A_43 = tpu.memref_slice %arg3[%add3A_26] : memref<160000xi32, #tpu.memory_space<hbm>> -> memref<1000xi32, #tpu.memory_space<hbm>>
      %dma_wait3A_44 = tpu.memref_slice %arg3[%add3A_26] : memref<160000xi32, #tpu.memory_space<hbm>> -> memref<1000xi32, #tpu.memory_space<hbm>>
      tpu.wait_dma2 semaphore(%run_scoped3A : memref<!tpu.dma_semaphore, #tpu.memory_space<semaphore_mem>>) src(%dma_wait3A_44 : memref<1000xi32, #tpu.memory_space<hbm>>) dst(%arg5 : memref<1000xi32, #tpu.memory_space<vmem>>)
      tpu.yield
    }) : () -> ()
    %dma_start3A_27 = arith.constant 0 : i32
    %dma_start3A_28 = arith.constant 0 : i32
    %dma_start3A_29 = tpu.memref_slice %arg2[%dma_start3A_27, %dma_start3A_28] : memref<10000x32xf32, #tpu.memory_space<hbm>> -> memref<10000x32xf32, #tpu.memory_space<hbm>>
    tpu.enqueue_indirect_dma source(%dma_start3A_29 : memref<10000x32xf32, #tpu.memory_space<hbm>>) target(%arg6 : memref<1000x32xf32, #tpu.memory_space<vmem>>) offsets(%arg5 : memref<1000xi32, #tpu.memory_space<vmem>>) semaphore(%arg7 : memref<!tpu.dma_semaphore, #tpu.memory_space<semaphore_mem>>)
    %dma_wait3A_30 = arith.constant 0 : i32
    %dma_wait3A_31 = arith.constant 0 : i32
    %dma_wait3A_32 = tpu.memref_slice %arg2[%dma_wait3A_30, %dma_wait3A_31] : memref<10000x32xf32, #tpu.memory_space<hbm>> -> memref<10000x32xf32, #tpu.memory_space<hbm>>
    tpu.wait_indirect_dma semaphore(%arg7 : memref<!tpu.dma_semaphore, #tpu.memory_space<semaphore_mem>>) src(%dma_wait3A_32 : memref<10000x32xf32, #tpu.memory_space<hbm>>) dst(%arg6 : memref<1000x32xf32, #tpu.memory_space<vmem>>)
    "tpu.region"() ({
      %run_scoped3A = tpu.sem_alloc : memref<!tpu.dma_semaphore, #tpu.memory_space<semaphore_mem>>
      %dma_start3A_41 = arith.constant 0 : i32
      %dma_start3A_42 = tpu.memref_slice %arg4[%add3A_26, %dma_start3A_41] : memref<160000x32xf32, #tpu.memory_space<hbm>> -> memref<1000x32xf32, #tpu.memory_space<hbm>>
      %dma_start3A_43 = arith.constant 0 : i32
      %dma_start3A_44 = tpu.memref_slice %arg4[%add3A_26, %dma_start3A_43] : memref<160000x32xf32, #tpu.memory_space<hbm>> -> memref<1000x32xf32, #tpu.memory_space<hbm>>
      tpu.enqueue_dma source(%arg6 : memref<1000x32xf32, #tpu.memory_space<vmem>>) target(%dma_start3A_44 : memref<1000x32xf32, #tpu.memory_space<hbm>>) target_semaphore(%run_scoped3A : memref<!tpu.dma_semaphore, #tpu.memory_space<semaphore_mem>>)
      %dma_wait3A_45 = arith.constant 0 : i32
      %dma_wait3A_46 = tpu.memref_slice %arg4[%add3A_26, %dma_wait3A_45] : memref<160000x32xf32, #tpu.memory_space<hbm>> -> memref<1000x32xf32, #tpu.memory_space<hbm>>
      %dma_wait3A_47 = arith.constant 0 : i32
      %dma_wait3A_48 = tpu.memref_slice %arg4[%add3A_26, %dma_wait3A_47] : memref<160000x32xf32, #tpu.memory_space<hbm>> -> memref<1000x32xf32, #tpu.memory_space<hbm>>
      tpu.wait_dma2 semaphore(%run_scoped3A : memref<!tpu.dma_semaphore, #tpu.memory_space<semaphore_mem>>) src(%arg6 : memref<1000x32xf32, #tpu.memory_space<vmem>>) dst(%dma_wait3A_48 : memref<1000x32xf32, #tpu.memory_space<hbm>>)
      tpu.yield
    }) : () -> ()
    %add3A_33 = arith.constant 4000 : i32
    %add3A_34 = arith.addi %mul3A_2, %add3A_33 : i32
    "tpu.region"() ({
      %run_scoped3A = tpu.sem_alloc : memref<!tpu.dma_semaphore, #tpu.memory_space<semaphore_mem>>
      %dma_start3A_41 = tpu.memref_slice %arg3[%add3A_34] : memref<160000xi32, #tpu.memory_space<hbm>> -> memref<1000xi32, #tpu.memory_space<hbm>>
      %dma_start3A_42 = tpu.memref_slice %arg3[%add3A_34] : memref<160000xi32, #tpu.memory_space<hbm>> -> memref<1000xi32, #tpu.memory_space<hbm>>
      tpu.enqueue_dma source(%dma_start3A_42 : memref<1000xi32, #tpu.memory_space<hbm>>) target(%arg5 : memref<1000xi32, #tpu.memory_space<vmem>>) target_semaphore(%run_scoped3A : memref<!tpu.dma_semaphore, #tpu.memory_space<semaphore_mem>>)
      %dma_wait3A_43 = tpu.memref_slice %arg3[%add3A_34] : memref<160000xi32, #tpu.memory_space<hbm>> -> memref<1000xi32, #tpu.memory_space<hbm>>
      %dma_wait3A_44 = tpu.memref_slice %arg3[%add3A_34] : memref<160000xi32, #tpu.memory_space<hbm>> -> memref<1000xi32, #tpu.memory_space<hbm>>
      tpu.wait_dma2 semaphore(%run_scoped3A : memref<!tpu.dma_semaphore, #tpu.memory_space<semaphore_mem>>) src(%dma_wait3A_44 : memref<1000xi32, #tpu.memory_space<hbm>>) dst(%arg5 : memref<1000xi32, #tpu.memory_space<vmem>>)
      tpu.yield
    }) : () -> ()
    %dma_start3A_35 = arith.constant 0 : i32
    %dma_start3A_36 = arith.constant 0 : i32
    %dma_start3A_37 = tpu.memref_slice %arg2[%dma_start3A_35, %dma_start3A_36] : memref<10000x32xf32, #tpu.memory_space<hbm>> -> memref<10000x32xf32, #tpu.memory_space<hbm>>
    tpu.enqueue_indirect_dma source(%dma_start3A_37 : memref<10000x32xf32, #tpu.memory_space<hbm>>) target(%arg6 : memref<1000x32xf32, #tpu.memory_space<vmem>>) offsets(%arg5 : memref<1000xi32, #tpu.memory_space<vmem>>) semaphore(%arg7 : memref<!tpu.dma_semaphore, #tpu.memory_space<semaphore_mem>>)
    %dma_wait3A_38 = arith.constant 0 : i32
    %dma_wait3A_39 = arith.constant 0 : i32
    %dma_wait3A_40 = tpu.memref_slice %arg2[%dma_wait3A_38, %dma_wait3A_39] : memref<10000x32xf32, #tpu.memory_space<hbm>> -> memref<10000x32xf32, #tpu.memory_space<hbm>>
    tpu.wait_indirect_dma semaphore(%arg7 : memref<!tpu.dma_semaphore, #tpu.memory_space<semaphore_mem>>) src(%dma_wait3A_40 : memref<10000x32xf32, #tpu.memory_space<hbm>>) dst(%arg6 : memref<1000x32xf32, #tpu.memory_space<vmem>>)
    "tpu.region"() ({
      %run_scoped3A = tpu.sem_alloc : memref<!tpu.dma_semaphore, #tpu.memory_space<semaphore_mem>>
      %dma_start3A_41 = arith.constant 0 : i32
      %dma_start3A_42 = tpu.memref_slice %arg4[%add3A_34, %dma_start3A_41] : memref<160000x32xf32, #tpu.memory_space<hbm>> -> memref<1000x32xf32, #tpu.memory_space<hbm>>
      %dma_start3A_43 = arith.constant 0 : i32
      %dma_start3A_44 = tpu.memref_slice %arg4[%add3A_34, %dma_start3A_43] : memref<160000x32xf32, #tpu.memory_space<hbm>> -> memref<1000x32xf32, #tpu.memory_space<hbm>>
      tpu.enqueue_dma source(%arg6 : memref<1000x32xf32, #tpu.memory_space<vmem>>) target(%dma_start3A_44 : memref<1000x32xf32, #tpu.memory_space<hbm>>) target_semaphore(%run_scoped3A : memref<!tpu.dma_semaphore, #tpu.memory_space<semaphore_mem>>)
      %dma_wait3A_45 = arith.constant 0 : i32
      %dma_wait3A_46 = tpu.memref_slice %arg4[%add3A_34, %dma_wait3A_45] : memref<160000x32xf32, #tpu.memory_space<hbm>> -> memref<1000x32xf32, #tpu.memory_space<hbm>>
      %dma_wait3A_47 = arith.constant 0 : i32
      %dma_wait3A_48 = tpu.memref_slice %arg4[%add3A_34, %dma_wait3A_47] : memref<160000x32xf32, #tpu.memory_space<hbm>> -> memref<1000x32xf32, #tpu.memory_space<hbm>>
      tpu.wait_dma2 semaphore(%run_scoped3A : memref<!tpu.dma_semaphore, #tpu.memory_space<semaphore_mem>>) src(%arg6 : memref<1000x32xf32, #tpu.memory_space<vmem>>) dst(%dma_wait3A_48 : memref<1000x32xf32, #tpu.memory_space<hbm>>)
      tpu.yield
    }) : () -> ()
    return
  }
}

#map = affine_map<(d0, d1) -> (0, 0)>
#map1 = affine_map<(d0, d1) -> (0)>
#map2 = affine_map<(d0, d1) -> (0, 0, 0)>
module attributes {stable_mosaic.version = 14 : i64} {
  func.func @_scatter_body(%arg0: i32, %arg1: i32, %arg2: memref<160000x32xf32, #tpu.memory_space<hbm>>, %arg3: memref<160000xi32, #tpu.memory_space<hbm>>, %arg4: memref<10000x32xf32, #tpu.memory_space<hbm>>, %arg5: memref<2x10000x32xf32, #tpu.memory_space<hbm>>, %arg6: memref<1000xi32, #tpu.memory_space<vmem>>, %arg7: memref<1000x32xf32, #tpu.memory_space<vmem>>, %arg8: memref<10000x32xf32, #tpu.memory_space<vmem_shared>>) attributes {dimension_semantics = [#tpu.dimension_semantics<core_parallel>, #tpu.dimension_semantics<subcore_parallel>], iteration_bounds = array<i64: 2, 16>, scalar_prefetch = 0 : i64, scratch_operands = 3 : i64, tpu.core_type = #tpu.core_type<sc_vector_subcore>, window_params = [{transform_indices = #map}, {transform_indices = #map1}, {transform_indices = #map}, {transform_indices = #map2}]} {
    %mul3A = arith.constant 624 : i32
    %mul3A_0 = arith.muli %arg1, %mul3A : i32
    %mul3A_1 = arith.constant 624 : i32
    %mul3A_2 = arith.muli %arg1, %mul3A_1 : i32
    "tpu.region"() ({
      %run_scoped3A = tpu.sem_alloc : memref<!tpu.dma_semaphore, #tpu.memory_space<semaphore_mem>>
      %dma_start3A = arith.constant 0 : i32
      %dma_start3A_29 = tpu.memref_slice %arg8[%mul3A_2, %dma_start3A] : memref<10000x32xf32, #tpu.memory_space<vmem_shared>> -> memref<624x32xf32, #tpu.memory_space<vmem_shared>>
      %dma_start3A_30 = arith.constant 0 : i32
      %dma_start3A_31 = tpu.memref_slice %arg4[%mul3A_0, %dma_start3A_30] : memref<10000x32xf32, #tpu.memory_space<hbm>> -> memref<624x32xf32, #tpu.memory_space<hbm>>
      tpu.enqueue_dma source(%dma_start3A_31 : memref<624x32xf32, #tpu.memory_space<hbm>>) target(%dma_start3A_29 : memref<624x32xf32, #tpu.memory_space<vmem_shared>>) target_semaphore(%run_scoped3A : memref<!tpu.dma_semaphore, #tpu.memory_space<semaphore_mem>>)
      %dma_wait3A = arith.constant 0 : i32
      %dma_wait3A_32 = tpu.memref_slice %arg8[%mul3A_2, %dma_wait3A] : memref<10000x32xf32, #tpu.memory_space<vmem_shared>> -> memref<624x32xf32, #tpu.memory_space<vmem_shared>>
      %dma_wait3A_33 = arith.constant 0 : i32
      %dma_wait3A_34 = tpu.memref_slice %arg4[%mul3A_0, %dma_wait3A_33] : memref<10000x32xf32, #tpu.memory_space<hbm>> -> memref<624x32xf32, #tpu.memory_space<hbm>>
      tpu.wait_dma2 semaphore(%run_scoped3A : memref<!tpu.dma_semaphore, #tpu.memory_space<semaphore_mem>>) src(%dma_wait3A_34 : memref<624x32xf32, #tpu.memory_space<hbm>>) dst(%dma_wait3A_32 : memref<624x32xf32, #tpu.memory_space<vmem_shared>>)
      tpu.yield
    }) : () -> ()
    %eq3A = arith.constant 15 : i32
    %eq3A_3 = arith.cmpi eq, %arg1, %eq3A : i32
    %convert_element_type3A = arith.extui %eq3A_3 : i1 to i32
    %cond3A = arith.constant 0 : i32
    %cond3A_4 = arith.cmpi ne, %convert_element_type3A, %cond3A : i32
    scf.if %cond3A_4 {
      "tpu.region"() ({
        %run_scoped3A = tpu.sem_alloc : memref<!tpu.dma_semaphore, #tpu.memory_space<semaphore_mem>>
        %dma_start3A = arith.constant 9984 : i32
        %dma_start3A_29 = arith.constant 0 : i32
        %dma_start3A_30 = tpu.memref_slice %arg8[%dma_start3A, %dma_start3A_29] : memref<10000x32xf32, #tpu.memory_space<vmem_shared>> -> memref<16x32xf32, #tpu.memory_space<vmem_shared>>
        %dma_start3A_31 = arith.constant 9984 : i32
        %dma_start3A_32 = arith.constant 0 : i32
        %dma_start3A_33 = tpu.memref_slice %arg4[%dma_start3A_31, %dma_start3A_32] : memref<10000x32xf32, #tpu.memory_space<hbm>> -> memref<16x32xf32, #tpu.memory_space<hbm>>
        tpu.enqueue_dma source(%dma_start3A_33 : memref<16x32xf32, #tpu.memory_space<hbm>>) target(%dma_start3A_30 : memref<16x32xf32, #tpu.memory_space<vmem_shared>>) target_semaphore(%run_scoped3A : memref<!tpu.dma_semaphore, #tpu.memory_space<semaphore_mem>>)
        %dma_wait3A = arith.constant 9984 : i32
        %dma_wait3A_34 = arith.constant 0 : i32
        %dma_wait3A_35 = tpu.memref_slice %arg8[%dma_wait3A, %dma_wait3A_34] : memref<10000x32xf32, #tpu.memory_space<vmem_shared>> -> memref<16x32xf32, #tpu.memory_space<vmem_shared>>
        %dma_wait3A_36 = arith.constant 9984 : i32
        %dma_wait3A_37 = arith.constant 0 : i32
        %dma_wait3A_38 = tpu.memref_slice %arg4[%dma_wait3A_36, %dma_wait3A_37] : memref<10000x32xf32, #tpu.memory_space<hbm>> -> memref<16x32xf32, #tpu.memory_space<hbm>>
        tpu.wait_dma2 semaphore(%run_scoped3A : memref<!tpu.dma_semaphore, #tpu.memory_space<semaphore_mem>>) src(%dma_wait3A_38 : memref<16x32xf32, #tpu.memory_space<hbm>>) dst(%dma_wait3A_35 : memref<16x32xf32, #tpu.memory_space<vmem_shared>>)
        tpu.yield
      }) : () -> ()
    } else {
    }
    %barrier3A = arith.constant 0 : index
    tpu.barrier barrier_id(%barrier3A)
    %mul3A_5 = arith.constant 2 : i32
    %mul3A_6 = arith.muli %arg1, %mul3A_5 : i32
    %add3A = arith.addi %mul3A_6, %arg0 : i32
    %mul3A_7 = arith.constant 5000 : i32
    %mul3A_8 = arith.muli %add3A, %mul3A_7 : i32
    %add3A_9 = arith.constant 0 : i32
    %add3A_10 = arith.addi %mul3A_8, %add3A_9 : i32
    "tpu.region"() ({
      %run_scoped3A = tpu.sem_alloc : memref<!tpu.dma_semaphore, #tpu.memory_space<semaphore_mem>>
      %dma_start3A = tpu.memref_slice %arg3[%add3A_10] : memref<160000xi32, #tpu.memory_space<hbm>> -> memref<1000xi32, #tpu.memory_space<hbm>>
      %dma_start3A_29 = tpu.memref_slice %arg3[%add3A_10] : memref<160000xi32, #tpu.memory_space<hbm>> -> memref<1000xi32, #tpu.memory_space<hbm>>
      tpu.enqueue_dma source(%dma_start3A_29 : memref<1000xi32, #tpu.memory_space<hbm>>) target(%arg6 : memref<1000xi32, #tpu.memory_space<vmem>>) target_semaphore(%run_scoped3A : memref<!tpu.dma_semaphore, #tpu.memory_space<semaphore_mem>>)
      %dma_wait3A = tpu.memref_slice %arg3[%add3A_10] : memref<160000xi32, #tpu.memory_space<hbm>> -> memref<1000xi32, #tpu.memory_space<hbm>>
      %dma_wait3A_30 = tpu.memref_slice %arg3[%add3A_10] : memref<160000xi32, #tpu.memory_space<hbm>> -> memref<1000xi32, #tpu.memory_space<hbm>>
      tpu.wait_dma2 semaphore(%run_scoped3A : memref<!tpu.dma_semaphore, #tpu.memory_space<semaphore_mem>>) src(%dma_wait3A_30 : memref<1000xi32, #tpu.memory_space<hbm>>) dst(%arg6 : memref<1000xi32, #tpu.memory_space<vmem>>)
      tpu.yield
    }) : () -> ()
    "tpu.region"() ({
      %run_scoped3A = tpu.sem_alloc : memref<!tpu.dma_semaphore, #tpu.memory_space<semaphore_mem>>
      %dma_start3A = arith.constant 0 : i32
      %dma_start3A_29 = tpu.memref_slice %arg2[%add3A_10, %dma_start3A] : memref<160000x32xf32, #tpu.memory_space<hbm>> -> memref<1000x32xf32, #tpu.memory_space<hbm>>
      %dma_start3A_30 = arith.constant 0 : i32
      %dma_start3A_31 = tpu.memref_slice %arg2[%add3A_10, %dma_start3A_30] : memref<160000x32xf32, #tpu.memory_space<hbm>> -> memref<1000x32xf32, #tpu.memory_space<hbm>>
      tpu.enqueue_dma source(%dma_start3A_31 : memref<1000x32xf32, #tpu.memory_space<hbm>>) target(%arg7 : memref<1000x32xf32, #tpu.memory_space<vmem>>) target_semaphore(%run_scoped3A : memref<!tpu.dma_semaphore, #tpu.memory_space<semaphore_mem>>)
      %dma_wait3A = arith.constant 0 : i32
      %dma_wait3A_32 = tpu.memref_slice %arg2[%add3A_10, %dma_wait3A] : memref<160000x32xf32, #tpu.memory_space<hbm>> -> memref<1000x32xf32, #tpu.memory_space<hbm>>
      %dma_wait3A_33 = arith.constant 0 : i32
      %dma_wait3A_34 = tpu.memref_slice %arg2[%add3A_10, %dma_wait3A_33] : memref<160000x32xf32, #tpu.memory_space<hbm>> -> memref<1000x32xf32, #tpu.memory_space<hbm>>
      tpu.wait_dma2 semaphore(%run_scoped3A : memref<!tpu.dma_semaphore, #tpu.memory_space<semaphore_mem>>) src(%dma_wait3A_34 : memref<1000x32xf32, #tpu.memory_space<hbm>>) dst(%arg7 : memref<1000x32xf32, #tpu.memory_space<vmem>>)
      tpu.yield
    }) : () -> ()
    "tpu.region"() ({
      %run_scoped3A = tpu.sem_alloc : memref<!tpu.dma_semaphore, #tpu.memory_space<semaphore_mem>>
      %dma_start3A = arith.constant 0 : i32
      %dma_start3A_29 = arith.constant 0 : i32
      %dma_start3A_30 = tpu.memref_slice %arg8[%dma_start3A, %dma_start3A_29] : memref<10000x32xf32, #tpu.memory_space<vmem_shared>> -> memref<10000x32xf32, #tpu.memory_space<vmem_shared>>
      tpu.enqueue_indirect_dma source(%arg7 : memref<1000x32xf32, #tpu.memory_space<vmem>>) target(%dma_start3A_30 : memref<10000x32xf32, #tpu.memory_space<vmem_shared>>) offsets(%arg6 : memref<1000xi32, #tpu.memory_space<vmem>>) semaphore(%run_scoped3A : memref<!tpu.dma_semaphore, #tpu.memory_space<semaphore_mem>>) {add = true}
      %dma_wait3A = arith.constant 0 : i32
      %dma_wait3A_31 = arith.constant 0 : i32
      %dma_wait3A_32 = tpu.memref_slice %arg8[%dma_wait3A, %dma_wait3A_31] : memref<10000x32xf32, #tpu.memory_space<vmem_shared>> -> memref<10000x32xf32, #tpu.memory_space<vmem_shared>>
      tpu.wait_indirect_dma semaphore(%run_scoped3A : memref<!tpu.dma_semaphore, #tpu.memory_space<semaphore_mem>>) src(%arg7 : memref<1000x32xf32, #tpu.memory_space<vmem>>) dst(%dma_wait3A_32 : memref<10000x32xf32, #tpu.memory_space<vmem_shared>>)
      tpu.yield
    }) : () -> ()
    %add3A_11 = arith.constant 1000 : i32
    %add3A_12 = arith.addi %mul3A_8, %add3A_11 : i32
    "tpu.region"() ({
      %run_scoped3A = tpu.sem_alloc : memref<!tpu.dma_semaphore, #tpu.memory_space<semaphore_mem>>
      %dma_start3A = tpu.memref_slice %arg3[%add3A_12] : memref<160000xi32, #tpu.memory_space<hbm>> -> memref<1000xi32, #tpu.memory_space<hbm>>
      %dma_start3A_29 = tpu.memref_slice %arg3[%add3A_12] : memref<160000xi32, #tpu.memory_space<hbm>> -> memref<1000xi32, #tpu.memory_space<hbm>>
      tpu.enqueue_dma source(%dma_start3A_29 : memref<1000xi32, #tpu.memory_space<hbm>>) target(%arg6 : memref<1000xi32, #tpu.memory_space<vmem>>) target_semaphore(%run_scoped3A : memref<!tpu.dma_semaphore, #tpu.memory_space<semaphore_mem>>)
      %dma_wait3A = tpu.memref_slice %arg3[%add3A_12] : memref<160000xi32, #tpu.memory_space<hbm>> -> memref<1000xi32, #tpu.memory_space<hbm>>
      %dma_wait3A_30 = tpu.memref_slice %arg3[%add3A_12] : memref<160000xi32, #tpu.memory_space<hbm>> -> memref<1000xi32, #tpu.memory_space<hbm>>
      tpu.wait_dma2 semaphore(%run_scoped3A : memref<!tpu.dma_semaphore, #tpu.memory_space<semaphore_mem>>) src(%dma_wait3A_30 : memref<1000xi32, #tpu.memory_space<hbm>>) dst(%arg6 : memref<1000xi32, #tpu.memory_space<vmem>>)
      tpu.yield
    }) : () -> ()
    "tpu.region"() ({
      %run_scoped3A = tpu.sem_alloc : memref<!tpu.dma_semaphore, #tpu.memory_space<semaphore_mem>>
      %dma_start3A = arith.constant 0 : i32
      %dma_start3A_29 = tpu.memref_slice %arg2[%add3A_12, %dma_start3A] : memref<160000x32xf32, #tpu.memory_space<hbm>> -> memref<1000x32xf32, #tpu.memory_space<hbm>>
      %dma_start3A_30 = arith.constant 0 : i32
      %dma_start3A_31 = tpu.memref_slice %arg2[%add3A_12, %dma_start3A_30] : memref<160000x32xf32, #tpu.memory_space<hbm>> -> memref<1000x32xf32, #tpu.memory_space<hbm>>
      tpu.enqueue_dma source(%dma_start3A_31 : memref<1000x32xf32, #tpu.memory_space<hbm>>) target(%arg7 : memref<1000x32xf32, #tpu.memory_space<vmem>>) target_semaphore(%run_scoped3A : memref<!tpu.dma_semaphore, #tpu.memory_space<semaphore_mem>>)
      %dma_wait3A = arith.constant 0 : i32
      %dma_wait3A_32 = tpu.memref_slice %arg2[%add3A_12, %dma_wait3A] : memref<160000x32xf32, #tpu.memory_space<hbm>> -> memref<1000x32xf32, #tpu.memory_space<hbm>>
      %dma_wait3A_33 = arith.constant 0 : i32
      %dma_wait3A_34 = tpu.memref_slice %arg2[%add3A_12, %dma_wait3A_33] : memref<160000x32xf32, #tpu.memory_space<hbm>> -> memref<1000x32xf32, #tpu.memory_space<hbm>>
      tpu.wait_dma2 semaphore(%run_scoped3A : memref<!tpu.dma_semaphore, #tpu.memory_space<semaphore_mem>>) src(%dma_wait3A_34 : memref<1000x32xf32, #tpu.memory_space<hbm>>) dst(%arg7 : memref<1000x32xf32, #tpu.memory_space<vmem>>)
      tpu.yield
    }) : () -> ()
    "tpu.region"() ({
      %run_scoped3A = tpu.sem_alloc : memref<!tpu.dma_semaphore, #tpu.memory_space<semaphore_mem>>
      %dma_start3A = arith.constant 0 : i32
      %dma_start3A_29 = arith.constant 0 : i32
      %dma_start3A_30 = tpu.memref_slice %arg8[%dma_start3A, %dma_start3A_29] : memref<10000x32xf32, #tpu.memory_space<vmem_shared>> -> memref<10000x32xf32, #tpu.memory_space<vmem_shared>>
      tpu.enqueue_indirect_dma source(%arg7 : memref<1000x32xf32, #tpu.memory_space<vmem>>) target(%dma_start3A_30 : memref<10000x32xf32, #tpu.memory_space<vmem_shared>>) offsets(%arg6 : memref<1000xi32, #tpu.memory_space<vmem>>) semaphore(%run_scoped3A : memref<!tpu.dma_semaphore, #tpu.memory_space<semaphore_mem>>) {add = true}
      %dma_wait3A = arith.constant 0 : i32
      %dma_wait3A_31 = arith.constant 0 : i32
      %dma_wait3A_32 = tpu.memref_slice %arg8[%dma_wait3A, %dma_wait3A_31] : memref<10000x32xf32, #tpu.memory_space<vmem_shared>> -> memref<10000x32xf32, #tpu.memory_space<vmem_shared>>
      tpu.wait_indirect_dma semaphore(%run_scoped3A : memref<!tpu.dma_semaphore, #tpu.memory_space<semaphore_mem>>) src(%arg7 : memref<1000x32xf32, #tpu.memory_space<vmem>>) dst(%dma_wait3A_32 : memref<10000x32xf32, #tpu.memory_space<vmem_shared>>)
      tpu.yield
    }) : () -> ()
    %add3A_13 = arith.constant 2000 : i32
    %add3A_14 = arith.addi %mul3A_8, %add3A_13 : i32
    "tpu.region"() ({
      %run_scoped3A = tpu.sem_alloc : memref<!tpu.dma_semaphore, #tpu.memory_space<semaphore_mem>>
      %dma_start3A = tpu.memref_slice %arg3[%add3A_14] : memref<160000xi32, #tpu.memory_space<hbm>> -> memref<1000xi32, #tpu.memory_space<hbm>>
      %dma_start3A_29 = tpu.memref_slice %arg3[%add3A_14] : memref<160000xi32, #tpu.memory_space<hbm>> -> memref<1000xi32, #tpu.memory_space<hbm>>
      tpu.enqueue_dma source(%dma_start3A_29 : memref<1000xi32, #tpu.memory_space<hbm>>) target(%arg6 : memref<1000xi32, #tpu.memory_space<vmem>>) target_semaphore(%run_scoped3A : memref<!tpu.dma_semaphore, #tpu.memory_space<semaphore_mem>>)
      %dma_wait3A = tpu.memref_slice %arg3[%add3A_14] : memref<160000xi32, #tpu.memory_space<hbm>> -> memref<1000xi32, #tpu.memory_space<hbm>>
      %dma_wait3A_30 = tpu.memref_slice %arg3[%add3A_14] : memref<160000xi32, #tpu.memory_space<hbm>> -> memref<1000xi32, #tpu.memory_space<hbm>>
      tpu.wait_dma2 semaphore(%run_scoped3A : memref<!tpu.dma_semaphore, #tpu.memory_space<semaphore_mem>>) src(%dma_wait3A_30 : memref<1000xi32, #tpu.memory_space<hbm>>) dst(%arg6 : memref<1000xi32, #tpu.memory_space<vmem>>)
      tpu.yield
    }) : () -> ()
    "tpu.region"() ({
      %run_scoped3A = tpu.sem_alloc : memref<!tpu.dma_semaphore, #tpu.memory_space<semaphore_mem>>
      %dma_start3A = arith.constant 0 : i32
      %dma_start3A_29 = tpu.memref_slice %arg2[%add3A_14, %dma_start3A] : memref<160000x32xf32, #tpu.memory_space<hbm>> -> memref<1000x32xf32, #tpu.memory_space<hbm>>
      %dma_start3A_30 = arith.constant 0 : i32
      %dma_start3A_31 = tpu.memref_slice %arg2[%add3A_14, %dma_start3A_30] : memref<160000x32xf32, #tpu.memory_space<hbm>> -> memref<1000x32xf32, #tpu.memory_space<hbm>>
      tpu.enqueue_dma source(%dma_start3A_31 : memref<1000x32xf32, #tpu.memory_space<hbm>>) target(%arg7 : memref<1000x32xf32, #tpu.memory_space<vmem>>) target_semaphore(%run_scoped3A : memref<!tpu.dma_semaphore, #tpu.memory_space<semaphore_mem>>)
      %dma_wait3A = arith.constant 0 : i32
      %dma_wait3A_32 = tpu.memref_slice %arg2[%add3A_14, %dma_wait3A] : memref<160000x32xf32, #tpu.memory_space<hbm>> -> memref<1000x32xf32, #tpu.memory_space<hbm>>
      %dma_wait3A_33 = arith.constant 0 : i32
      %dma_wait3A_34 = tpu.memref_slice %arg2[%add3A_14, %dma_wait3A_33] : memref<160000x32xf32, #tpu.memory_space<hbm>> -> memref<1000x32xf32, #tpu.memory_space<hbm>>
      tpu.wait_dma2 semaphore(%run_scoped3A : memref<!tpu.dma_semaphore, #tpu.memory_space<semaphore_mem>>) src(%dma_wait3A_34 : memref<1000x32xf32, #tpu.memory_space<hbm>>) dst(%arg7 : memref<1000x32xf32, #tpu.memory_space<vmem>>)
      tpu.yield
    }) : () -> ()
    "tpu.region"() ({
      %run_scoped3A = tpu.sem_alloc : memref<!tpu.dma_semaphore, #tpu.memory_space<semaphore_mem>>
      %dma_start3A = arith.constant 0 : i32
      %dma_start3A_29 = arith.constant 0 : i32
      %dma_start3A_30 = tpu.memref_slice %arg8[%dma_start3A, %dma_start3A_29] : memref<10000x32xf32, #tpu.memory_space<vmem_shared>> -> memref<10000x32xf32, #tpu.memory_space<vmem_shared>>
      tpu.enqueue_indirect_dma source(%arg7 : memref<1000x32xf32, #tpu.memory_space<vmem>>) target(%dma_start3A_30 : memref<10000x32xf32, #tpu.memory_space<vmem_shared>>) offsets(%arg6 : memref<1000xi32, #tpu.memory_space<vmem>>) semaphore(%run_scoped3A : memref<!tpu.dma_semaphore, #tpu.memory_space<semaphore_mem>>) {add = true}
      %dma_wait3A = arith.constant 0 : i32
      %dma_wait3A_31 = arith.constant 0 : i32
      %dma_wait3A_32 = tpu.memref_slice %arg8[%dma_wait3A, %dma_wait3A_31] : memref<10000x32xf32, #tpu.memory_space<vmem_shared>> -> memref<10000x32xf32, #tpu.memory_space<vmem_shared>>
      tpu.wait_indirect_dma semaphore(%run_scoped3A : memref<!tpu.dma_semaphore, #tpu.memory_space<semaphore_mem>>) src(%arg7 : memref<1000x32xf32, #tpu.memory_space<vmem>>) dst(%dma_wait3A_32 : memref<10000x32xf32, #tpu.memory_space<vmem_shared>>)
      tpu.yield
    }) : () -> ()
    %add3A_15 = arith.constant 3000 : i32
    %add3A_16 = arith.addi %mul3A_8, %add3A_15 : i32
    "tpu.region"() ({
      %run_scoped3A = tpu.sem_alloc : memref<!tpu.dma_semaphore, #tpu.memory_space<semaphore_mem>>
      %dma_start3A = tpu.memref_slice %arg3[%add3A_16] : memref<160000xi32, #tpu.memory_space<hbm>> -> memref<1000xi32, #tpu.memory_space<hbm>>
      %dma_start3A_29 = tpu.memref_slice %arg3[%add3A_16] : memref<160000xi32, #tpu.memory_space<hbm>> -> memref<1000xi32, #tpu.memory_space<hbm>>
      tpu.enqueue_dma source(%dma_start3A_29 : memref<1000xi32, #tpu.memory_space<hbm>>) target(%arg6 : memref<1000xi32, #tpu.memory_space<vmem>>) target_semaphore(%run_scoped3A : memref<!tpu.dma_semaphore, #tpu.memory_space<semaphore_mem>>)
      %dma_wait3A = tpu.memref_slice %arg3[%add3A_16] : memref<160000xi32, #tpu.memory_space<hbm>> -> memref<1000xi32, #tpu.memory_space<hbm>>
      %dma_wait3A_30 = tpu.memref_slice %arg3[%add3A_16] : memref<160000xi32, #tpu.memory_space<hbm>> -> memref<1000xi32, #tpu.memory_space<hbm>>
      tpu.wait_dma2 semaphore(%run_scoped3A : memref<!tpu.dma_semaphore, #tpu.memory_space<semaphore_mem>>) src(%dma_wait3A_30 : memref<1000xi32, #tpu.memory_space<hbm>>) dst(%arg6 : memref<1000xi32, #tpu.memory_space<vmem>>)
      tpu.yield
    }) : () -> ()
    "tpu.region"() ({
      %run_scoped3A = tpu.sem_alloc : memref<!tpu.dma_semaphore, #tpu.memory_space<semaphore_mem>>
      %dma_start3A = arith.constant 0 : i32
      %dma_start3A_29 = tpu.memref_slice %arg2[%add3A_16, %dma_start3A] : memref<160000x32xf32, #tpu.memory_space<hbm>> -> memref<1000x32xf32, #tpu.memory_space<hbm>>
      %dma_start3A_30 = arith.constant 0 : i32
      %dma_start3A_31 = tpu.memref_slice %arg2[%add3A_16, %dma_start3A_30] : memref<160000x32xf32, #tpu.memory_space<hbm>> -> memref<1000x32xf32, #tpu.memory_space<hbm>>
      tpu.enqueue_dma source(%dma_start3A_31 : memref<1000x32xf32, #tpu.memory_space<hbm>>) target(%arg7 : memref<1000x32xf32, #tpu.memory_space<vmem>>) target_semaphore(%run_scoped3A : memref<!tpu.dma_semaphore, #tpu.memory_space<semaphore_mem>>)
      %dma_wait3A = arith.constant 0 : i32
      %dma_wait3A_32 = tpu.memref_slice %arg2[%add3A_16, %dma_wait3A] : memref<160000x32xf32, #tpu.memory_space<hbm>> -> memref<1000x32xf32, #tpu.memory_space<hbm>>
      %dma_wait3A_33 = arith.constant 0 : i32
      %dma_wait3A_34 = tpu.memref_slice %arg2[%add3A_16, %dma_wait3A_33] : memref<160000x32xf32, #tpu.memory_space<hbm>> -> memref<1000x32xf32, #tpu.memory_space<hbm>>
      tpu.wait_dma2 semaphore(%run_scoped3A : memref<!tpu.dma_semaphore, #tpu.memory_space<semaphore_mem>>) src(%dma_wait3A_34 : memref<1000x32xf32, #tpu.memory_space<hbm>>) dst(%arg7 : memref<1000x32xf32, #tpu.memory_space<vmem>>)
      tpu.yield
    }) : () -> ()
    "tpu.region"() ({
      %run_scoped3A = tpu.sem_alloc : memref<!tpu.dma_semaphore, #tpu.memory_space<semaphore_mem>>
      %dma_start3A = arith.constant 0 : i32
      %dma_start3A_29 = arith.constant 0 : i32
      %dma_start3A_30 = tpu.memref_slice %arg8[%dma_start3A, %dma_start3A_29] : memref<10000x32xf32, #tpu.memory_space<vmem_shared>> -> memref<10000x32xf32, #tpu.memory_space<vmem_shared>>
      tpu.enqueue_indirect_dma source(%arg7 : memref<1000x32xf32, #tpu.memory_space<vmem>>) target(%dma_start3A_30 : memref<10000x32xf32, #tpu.memory_space<vmem_shared>>) offsets(%arg6 : memref<1000xi32, #tpu.memory_space<vmem>>) semaphore(%run_scoped3A : memref<!tpu.dma_semaphore, #tpu.memory_space<semaphore_mem>>) {add = true}
      %dma_wait3A = arith.constant 0 : i32
      %dma_wait3A_31 = arith.constant 0 : i32
      %dma_wait3A_32 = tpu.memref_slice %arg8[%dma_wait3A, %dma_wait3A_31] : memref<10000x32xf32, #tpu.memory_space<vmem_shared>> -> memref<10000x32xf32, #tpu.memory_space<vmem_shared>>
      tpu.wait_indirect_dma semaphore(%run_scoped3A : memref<!tpu.dma_semaphore, #tpu.memory_space<semaphore_mem>>) src(%arg7 : memref<1000x32xf32, #tpu.memory_space<vmem>>) dst(%dma_wait3A_32 : memref<10000x32xf32, #tpu.memory_space<vmem_shared>>)
      tpu.yield
    }) : () -> ()
    %add3A_17 = arith.constant 4000 : i32
    %add3A_18 = arith.addi %mul3A_8, %add3A_17 : i32
    "tpu.region"() ({
      %run_scoped3A = tpu.sem_alloc : memref<!tpu.dma_semaphore, #tpu.memory_space<semaphore_mem>>
      %dma_start3A = tpu.memref_slice %arg3[%add3A_18] : memref<160000xi32, #tpu.memory_space<hbm>> -> memref<1000xi32, #tpu.memory_space<hbm>>
      %dma_start3A_29 = tpu.memref_slice %arg3[%add3A_18] : memref<160000xi32, #tpu.memory_space<hbm>> -> memref<1000xi32, #tpu.memory_space<hbm>>
      tpu.enqueue_dma source(%dma_start3A_29 : memref<1000xi32, #tpu.memory_space<hbm>>) target(%arg6 : memref<1000xi32, #tpu.memory_space<vmem>>) target_semaphore(%run_scoped3A : memref<!tpu.dma_semaphore, #tpu.memory_space<semaphore_mem>>)
      %dma_wait3A = tpu.memref_slice %arg3[%add3A_18] : memref<160000xi32, #tpu.memory_space<hbm>> -> memref<1000xi32, #tpu.memory_space<hbm>>
      %dma_wait3A_30 = tpu.memref_slice %arg3[%add3A_18] : memref<160000xi32, #tpu.memory_space<hbm>> -> memref<1000xi32, #tpu.memory_space<hbm>>
      tpu.wait_dma2 semaphore(%run_scoped3A : memref<!tpu.dma_semaphore, #tpu.memory_space<semaphore_mem>>) src(%dma_wait3A_30 : memref<1000xi32, #tpu.memory_space<hbm>>) dst(%arg6 : memref<1000xi32, #tpu.memory_space<vmem>>)
      tpu.yield
    }) : () -> ()
    "tpu.region"() ({
      %run_scoped3A = tpu.sem_alloc : memref<!tpu.dma_semaphore, #tpu.memory_space<semaphore_mem>>
      %dma_start3A = arith.constant 0 : i32
      %dma_start3A_29 = tpu.memref_slice %arg2[%add3A_18, %dma_start3A] : memref<160000x32xf32, #tpu.memory_space<hbm>> -> memref<1000x32xf32, #tpu.memory_space<hbm>>
      %dma_start3A_30 = arith.constant 0 : i32
      %dma_start3A_31 = tpu.memref_slice %arg2[%add3A_18, %dma_start3A_30] : memref<160000x32xf32, #tpu.memory_space<hbm>> -> memref<1000x32xf32, #tpu.memory_space<hbm>>
      tpu.enqueue_dma source(%dma_start3A_31 : memref<1000x32xf32, #tpu.memory_space<hbm>>) target(%arg7 : memref<1000x32xf32, #tpu.memory_space<vmem>>) target_semaphore(%run_scoped3A : memref<!tpu.dma_semaphore, #tpu.memory_space<semaphore_mem>>)
      %dma_wait3A = arith.constant 0 : i32
      %dma_wait3A_32 = tpu.memref_slice %arg2[%add3A_18, %dma_wait3A] : memref<160000x32xf32, #tpu.memory_space<hbm>> -> memref<1000x32xf32, #tpu.memory_space<hbm>>
      %dma_wait3A_33 = arith.constant 0 : i32
      %dma_wait3A_34 = tpu.memref_slice %arg2[%add3A_18, %dma_wait3A_33] : memref<160000x32xf32, #tpu.memory_space<hbm>> -> memref<1000x32xf32, #tpu.memory_space<hbm>>
      tpu.wait_dma2 semaphore(%run_scoped3A : memref<!tpu.dma_semaphore, #tpu.memory_space<semaphore_mem>>) src(%dma_wait3A_34 : memref<1000x32xf32, #tpu.memory_space<hbm>>) dst(%arg7 : memref<1000x32xf32, #tpu.memory_space<vmem>>)
      tpu.yield
    }) : () -> ()
    "tpu.region"() ({
      %run_scoped3A = tpu.sem_alloc : memref<!tpu.dma_semaphore, #tpu.memory_space<semaphore_mem>>
      %dma_start3A = arith.constant 0 : i32
      %dma_start3A_29 = arith.constant 0 : i32
      %dma_start3A_30 = tpu.memref_slice %arg8[%dma_start3A, %dma_start3A_29] : memref<10000x32xf32, #tpu.memory_space<vmem_shared>> -> memref<10000x32xf32, #tpu.memory_space<vmem_shared>>
      tpu.enqueue_indirect_dma source(%arg7 : memref<1000x32xf32, #tpu.memory_space<vmem>>) target(%dma_start3A_30 : memref<10000x32xf32, #tpu.memory_space<vmem_shared>>) offsets(%arg6 : memref<1000xi32, #tpu.memory_space<vmem>>) semaphore(%run_scoped3A : memref<!tpu.dma_semaphore, #tpu.memory_space<semaphore_mem>>) {add = true}
      %dma_wait3A = arith.constant 0 : i32
      %dma_wait3A_31 = arith.constant 0 : i32
      %dma_wait3A_32 = tpu.memref_slice %arg8[%dma_wait3A, %dma_wait3A_31] : memref<10000x32xf32, #tpu.memory_space<vmem_shared>> -> memref<10000x32xf32, #tpu.memory_space<vmem_shared>>
      tpu.wait_indirect_dma semaphore(%run_scoped3A : memref<!tpu.dma_semaphore, #tpu.memory_space<semaphore_mem>>) src(%arg7 : memref<1000x32xf32, #tpu.memory_space<vmem>>) dst(%dma_wait3A_32 : memref<10000x32xf32, #tpu.memory_space<vmem_shared>>)
      tpu.yield
    }) : () -> ()
    %barrier3A_19 = arith.constant 0 : index
    tpu.barrier barrier_id(%barrier3A_19)
    %mul3A_20 = arith.constant 624 : i32
    %mul3A_21 = arith.muli %arg1, %mul3A_20 : i32
    %mul3A_22 = arith.constant 624 : i32
    %mul3A_23 = arith.muli %arg1, %mul3A_22 : i32
    "tpu.region"() ({
      %run_scoped3A = tpu.sem_alloc : memref<!tpu.dma_semaphore, #tpu.memory_space<semaphore_mem>>
      %dma_start3A = arith.constant 0 : i32
      %dma_start3A_29 = arith.constant 0 : i32
      %dma_start3A_30 = tpu.memref_slice %arg5[%arg0, %dma_start3A, %dma_start3A_29] : memref<2x10000x32xf32, #tpu.memory_space<hbm>> -> memref<1x10000x32xf32, #tpu.memory_space<hbm>>
      %dma_start3A_31 = tpu.memref_squeeze %dma_start3A_30 : memref<1x10000x32xf32, #tpu.memory_space<hbm>> -> memref<10000x32xf32, #tpu.memory_space<hbm>>
      %dma_start3A_32 = arith.constant 0 : i32
      %dma_start3A_33 = tpu.memref_slice %dma_start3A_31[%mul3A_23, %dma_start3A_32] : memref<10000x32xf32, #tpu.memory_space<hbm>> -> memref<624x32xf32, #tpu.memory_space<hbm>>
      %dma_start3A_34 = arith.constant 0 : i32
      %dma_start3A_35 = tpu.memref_slice %arg8[%mul3A_21, %dma_start3A_34] : memref<10000x32xf32, #tpu.memory_space<vmem_shared>> -> memref<624x32xf32, #tpu.memory_space<vmem_shared>>
      tpu.enqueue_dma source(%dma_start3A_35 : memref<624x32xf32, #tpu.memory_space<vmem_shared>>) target(%dma_start3A_33 : memref<624x32xf32, #tpu.memory_space<hbm>>) target_semaphore(%run_scoped3A : memref<!tpu.dma_semaphore, #tpu.memory_space<semaphore_mem>>)
      %dma_wait3A = arith.constant 0 : i32
      %dma_wait3A_36 = arith.constant 0 : i32
      %dma_wait3A_37 = tpu.memref_slice %arg5[%arg0, %dma_wait3A, %dma_wait3A_36] : memref<2x10000x32xf32, #tpu.memory_space<hbm>> -> memref<1x10000x32xf32, #tpu.memory_space<hbm>>
      %dma_wait3A_38 = tpu.memref_squeeze %dma_wait3A_37 : memref<1x10000x32xf32, #tpu.memory_space<hbm>> -> memref<10000x32xf32, #tpu.memory_space<hbm>>
      %dma_wait3A_39 = arith.constant 0 : i32
      %dma_wait3A_40 = tpu.memref_slice %dma_wait3A_38[%mul3A_23, %dma_wait3A_39] : memref<10000x32xf32, #tpu.memory_space<hbm>> -> memref<624x32xf32, #tpu.memory_space<hbm>>
      %dma_wait3A_41 = arith.constant 0 : i32
      %dma_wait3A_42 = tpu.memref_slice %arg8[%mul3A_21, %dma_wait3A_41] : memref<10000x32xf32, #tpu.memory_space<vmem_shared>> -> memref<624x32xf32, #tpu.memory_space<vmem_shared>>
      tpu.wait_dma2 semaphore(%run_scoped3A : memref<!tpu.dma_semaphore, #tpu.memory_space<semaphore_mem>>) src(%dma_wait3A_42 : memref<624x32xf32, #tpu.memory_space<vmem_shared>>) dst(%dma_wait3A_40 : memref<624x32xf32, #tpu.memory_space<hbm>>)
      tpu.yield
    }) : () -> ()
    %eq3A_24 = arith.constant 15 : i32
    %eq3A_25 = arith.cmpi eq, %arg1, %eq3A_24 : i32
    %convert_element_type3A_26 = arith.extui %eq3A_25 : i1 to i32
    %cond3A_27 = arith.constant 0 : i32
    %cond3A_28 = arith.cmpi ne, %convert_element_type3A_26, %cond3A_27 : i32
    scf.if %cond3A_28 {
      "tpu.region"() ({
        %run_scoped3A = tpu.sem_alloc : memref<!tpu.dma_semaphore, #tpu.memory_space<semaphore_mem>>
        %dma_start3A = arith.constant 0 : i32
        %dma_start3A_29 = arith.constant 0 : i32
        %dma_start3A_30 = tpu.memref_slice %arg5[%arg0, %dma_start3A, %dma_start3A_29] : memref<2x10000x32xf32, #tpu.memory_space<hbm>> -> memref<1x10000x32xf32, #tpu.memory_space<hbm>>
        %dma_start3A_31 = tpu.memref_squeeze %dma_start3A_30 : memref<1x10000x32xf32, #tpu.memory_space<hbm>> -> memref<10000x32xf32, #tpu.memory_space<hbm>>
        %dma_start3A_32 = arith.constant 9984 : i32
        %dma_start3A_33 = arith.constant 0 : i32
        %dma_start3A_34 = tpu.memref_slice %dma_start3A_31[%dma_start3A_32, %dma_start3A_33] : memref<10000x32xf32, #tpu.memory_space<hbm>> -> memref<16x32xf32, #tpu.memory_space<hbm>>
        %dma_start3A_35 = arith.constant 9984 : i32
        %dma_start3A_36 = arith.constant 0 : i32
        %dma_start3A_37 = tpu.memref_slice %arg8[%dma_start3A_35, %dma_start3A_36] : memref<10000x32xf32, #tpu.memory_space<vmem_shared>> -> memref<16x32xf32, #tpu.memory_space<vmem_shared>>
        tpu.enqueue_dma source(%dma_start3A_37 : memref<16x32xf32, #tpu.memory_space<vmem_shared>>) target(%dma_start3A_34 : memref<16x32xf32, #tpu.memory_space<hbm>>) target_semaphore(%run_scoped3A : memref<!tpu.dma_semaphore, #tpu.memory_space<semaphore_mem>>)
        %dma_wait3A = arith.constant 0 : i32
        %dma_wait3A_38 = arith.constant 0 : i32
        %dma_wait3A_39 = tpu.memref_slice %arg5[%arg0, %dma_wait3A, %dma_wait3A_38] : memref<2x10000x32xf32, #tpu.memory_space<hbm>> -> memref<1x10000x32xf32, #tpu.memory_space<hbm>>
        %dma_wait3A_40 = tpu.memref_squeeze %dma_wait3A_39 : memref<1x10000x32xf32, #tpu.memory_space<hbm>> -> memref<10000x32xf32, #tpu.memory_space<hbm>>
        %dma_wait3A_41 = arith.constant 9984 : i32
        %dma_wait3A_42 = arith.constant 0 : i32
        %dma_wait3A_43 = tpu.memref_slice %dma_wait3A_40[%dma_wait3A_41, %dma_wait3A_42] : memref<10000x32xf32, #tpu.memory_space<hbm>> -> memref<16x32xf32, #tpu.memory_space<hbm>>
        %dma_wait3A_44 = arith.constant 9984 : i32
        %dma_wait3A_45 = arith.constant 0 : i32
        %dma_wait3A_46 = tpu.memref_slice %arg8[%dma_wait3A_44, %dma_wait3A_45] : memref<10000x32xf32, #tpu.memory_space<vmem_shared>> -> memref<16x32xf32, #tpu.memory_space<vmem_shared>>
        tpu.wait_dma2 semaphore(%run_scoped3A : memref<!tpu.dma_semaphore, #tpu.memory_space<semaphore_mem>>) src(%dma_wait3A_46 : memref<16x32xf32, #tpu.memory_space<vmem_shared>>) dst(%dma_wait3A_43 : memref<16x32xf32, #tpu.memory_space<hbm>>)
        tpu.yield
      }) : () -> ()
    } else {
    }
    return
  }
}

#map = affine_map<(d0, d1) -> (0, 0)>
#map1 = affine_map<(d0, d1) -> (0)>
module attributes {stable_mosaic.version = 14 : i64} {
  func.func @_gather_body(%arg0: i32, %arg1: i32, %arg2: memref<10000x32xf32, #tpu.memory_space<hbm>>, %arg3: memref<160000xi32, #tpu.memory_space<hbm>>, %arg4: memref<160000x32xf32, #tpu.memory_space<hbm>>, %arg5: memref<1000xi32, #tpu.memory_space<vmem>>, %arg6: memref<1000x32xf32, #tpu.memory_space<vmem>>, %arg7: memref<!tpu.dma_semaphore, #tpu.memory_space<semaphore_mem>>) attributes {dimension_semantics = [#tpu.dimension_semantics<core_parallel>, #tpu.dimension_semantics<subcore_parallel>], iteration_bounds = array<i64: 2, 16>, scalar_prefetch = 0 : i64, scratch_operands = 3 : i64, tpu.core_type = #tpu.core_type<sc_vector_subcore>, window_params = [{transform_indices = #map}, {transform_indices = #map1}, {transform_indices = #map}]} {
    %mul3A = arith.constant 2 : i32
    %mul3A_0 = arith.muli %arg1, %mul3A : i32
    %add3A = arith.addi %mul3A_0, %arg0 : i32
    %mul3A_1 = arith.constant 5000 : i32
    %mul3A_2 = arith.muli %add3A, %mul3A_1 : i32
    %add3A_3 = arith.constant 0 : i32
    %add3A_4 = arith.addi %mul3A_2, %add3A_3 : i32
    "tpu.region"() ({
      %run_scoped3A = tpu.sem_alloc : memref<!tpu.dma_semaphore, #tpu.memory_space<semaphore_mem>>
      %dma_start3A_41 = tpu.memref_slice %arg3[%add3A_4] : memref<160000xi32, #tpu.memory_space<hbm>> -> memref<1000xi32, #tpu.memory_space<hbm>>
      %dma_start3A_42 = tpu.memref_slice %arg3[%add3A_4] : memref<160000xi32, #tpu.memory_space<hbm>> -> memref<1000xi32, #tpu.memory_space<hbm>>
      tpu.enqueue_dma source(%dma_start3A_42 : memref<1000xi32, #tpu.memory_space<hbm>>) target(%arg5 : memref<1000xi32, #tpu.memory_space<vmem>>) target_semaphore(%run_scoped3A : memref<!tpu.dma_semaphore, #tpu.memory_space<semaphore_mem>>)
      %dma_wait3A_43 = tpu.memref_slice %arg3[%add3A_4] : memref<160000xi32, #tpu.memory_space<hbm>> -> memref<1000xi32, #tpu.memory_space<hbm>>
      %dma_wait3A_44 = tpu.memref_slice %arg3[%add3A_4] : memref<160000xi32, #tpu.memory_space<hbm>> -> memref<1000xi32, #tpu.memory_space<hbm>>
      tpu.wait_dma2 semaphore(%run_scoped3A : memref<!tpu.dma_semaphore, #tpu.memory_space<semaphore_mem>>) src(%dma_wait3A_44 : memref<1000xi32, #tpu.memory_space<hbm>>) dst(%arg5 : memref<1000xi32, #tpu.memory_space<vmem>>)
      tpu.yield
    }) : () -> ()
    %dma_start3A = arith.constant 0 : i32
    %dma_start3A_5 = arith.constant 0 : i32
    %dma_start3A_6 = tpu.memref_slice %arg2[%dma_start3A, %dma_start3A_5] : memref<10000x32xf32, #tpu.memory_space<hbm>> -> memref<10000x32xf32, #tpu.memory_space<hbm>>
    tpu.enqueue_indirect_dma source(%dma_start3A_6 : memref<10000x32xf32, #tpu.memory_space<hbm>>) target(%arg6 : memref<1000x32xf32, #tpu.memory_space<vmem>>) offsets(%arg5 : memref<1000xi32, #tpu.memory_space<vmem>>) semaphore(%arg7 : memref<!tpu.dma_semaphore, #tpu.memory_space<semaphore_mem>>)
    %dma_wait3A = arith.constant 0 : i32
    %dma_wait3A_7 = arith.constant 0 : i32
    %dma_wait3A_8 = tpu.memref_slice %arg2[%dma_wait3A, %dma_wait3A_7] : memref<10000x32xf32, #tpu.memory_space<hbm>> -> memref<10000x32xf32, #tpu.memory_space<hbm>>
    tpu.wait_indirect_dma semaphore(%arg7 : memref<!tpu.dma_semaphore, #tpu.memory_space<semaphore_mem>>) src(%dma_wait3A_8 : memref<10000x32xf32, #tpu.memory_space<hbm>>) dst(%arg6 : memref<1000x32xf32, #tpu.memory_space<vmem>>)
    "tpu.region"() ({
      %run_scoped3A = tpu.sem_alloc : memref<!tpu.dma_semaphore, #tpu.memory_space<semaphore_mem>>
      %dma_start3A_41 = arith.constant 0 : i32
      %dma_start3A_42 = tpu.memref_slice %arg4[%add3A_4, %dma_start3A_41] : memref<160000x32xf32, #tpu.memory_space<hbm>> -> memref<1000x32xf32, #tpu.memory_space<hbm>>
      %dma_start3A_43 = arith.constant 0 : i32
      %dma_start3A_44 = tpu.memref_slice %arg4[%add3A_4, %dma_start3A_43] : memref<160000x32xf32, #tpu.memory_space<hbm>> -> memref<1000x32xf32, #tpu.memory_space<hbm>>
      tpu.enqueue_dma source(%arg6 : memref<1000x32xf32, #tpu.memory_space<vmem>>) target(%dma_start3A_44 : memref<1000x32xf32, #tpu.memory_space<hbm>>) target_semaphore(%run_scoped3A : memref<!tpu.dma_semaphore, #tpu.memory_space<semaphore_mem>>)
      %dma_wait3A_45 = arith.constant 0 : i32
      %dma_wait3A_46 = tpu.memref_slice %arg4[%add3A_4, %dma_wait3A_45] : memref<160000x32xf32, #tpu.memory_space<hbm>> -> memref<1000x32xf32, #tpu.memory_space<hbm>>
      %dma_wait3A_47 = arith.constant 0 : i32
      %dma_wait3A_48 = tpu.memref_slice %arg4[%add3A_4, %dma_wait3A_47] : memref<160000x32xf32, #tpu.memory_space<hbm>> -> memref<1000x32xf32, #tpu.memory_space<hbm>>
      tpu.wait_dma2 semaphore(%run_scoped3A : memref<!tpu.dma_semaphore, #tpu.memory_space<semaphore_mem>>) src(%arg6 : memref<1000x32xf32, #tpu.memory_space<vmem>>) dst(%dma_wait3A_48 : memref<1000x32xf32, #tpu.memory_space<hbm>>)
      tpu.yield
    }) : () -> ()
    %add3A_9 = arith.constant 1000 : i32
    %add3A_10 = arith.addi %mul3A_2, %add3A_9 : i32
    "tpu.region"() ({
      %run_scoped3A = tpu.sem_alloc : memref<!tpu.dma_semaphore, #tpu.memory_space<semaphore_mem>>
      %dma_start3A_41 = tpu.memref_slice %arg3[%add3A_10] : memref<160000xi32, #tpu.memory_space<hbm>> -> memref<1000xi32, #tpu.memory_space<hbm>>
      %dma_start3A_42 = tpu.memref_slice %arg3[%add3A_10] : memref<160000xi32, #tpu.memory_space<hbm>> -> memref<1000xi32, #tpu.memory_space<hbm>>
      tpu.enqueue_dma source(%dma_start3A_42 : memref<1000xi32, #tpu.memory_space<hbm>>) target(%arg5 : memref<1000xi32, #tpu.memory_space<vmem>>) target_semaphore(%run_scoped3A : memref<!tpu.dma_semaphore, #tpu.memory_space<semaphore_mem>>)
      %dma_wait3A_43 = tpu.memref_slice %arg3[%add3A_10] : memref<160000xi32, #tpu.memory_space<hbm>> -> memref<1000xi32, #tpu.memory_space<hbm>>
      %dma_wait3A_44 = tpu.memref_slice %arg3[%add3A_10] : memref<160000xi32, #tpu.memory_space<hbm>> -> memref<1000xi32, #tpu.memory_space<hbm>>
      tpu.wait_dma2 semaphore(%run_scoped3A : memref<!tpu.dma_semaphore, #tpu.memory_space<semaphore_mem>>) src(%dma_wait3A_44 : memref<1000xi32, #tpu.memory_space<hbm>>) dst(%arg5 : memref<1000xi32, #tpu.memory_space<vmem>>)
      tpu.yield
    }) : () -> ()
    %dma_start3A_11 = arith.constant 0 : i32
    %dma_start3A_12 = arith.constant 0 : i32
    %dma_start3A_13 = tpu.memref_slice %arg2[%dma_start3A_11, %dma_start3A_12] : memref<10000x32xf32, #tpu.memory_space<hbm>> -> memref<10000x32xf32, #tpu.memory_space<hbm>>
    tpu.enqueue_indirect_dma source(%dma_start3A_13 : memref<10000x32xf32, #tpu.memory_space<hbm>>) target(%arg6 : memref<1000x32xf32, #tpu.memory_space<vmem>>) offsets(%arg5 : memref<1000xi32, #tpu.memory_space<vmem>>) semaphore(%arg7 : memref<!tpu.dma_semaphore, #tpu.memory_space<semaphore_mem>>)
    %dma_wait3A_14 = arith.constant 0 : i32
    %dma_wait3A_15 = arith.constant 0 : i32
    %dma_wait3A_16 = tpu.memref_slice %arg2[%dma_wait3A_14, %dma_wait3A_15] : memref<10000x32xf32, #tpu.memory_space<hbm>> -> memref<10000x32xf32, #tpu.memory_space<hbm>>
    tpu.wait_indirect_dma semaphore(%arg7 : memref<!tpu.dma_semaphore, #tpu.memory_space<semaphore_mem>>) src(%dma_wait3A_16 : memref<10000x32xf32, #tpu.memory_space<hbm>>) dst(%arg6 : memref<1000x32xf32, #tpu.memory_space<vmem>>)
    "tpu.region"() ({
      %run_scoped3A = tpu.sem_alloc : memref<!tpu.dma_semaphore, #tpu.memory_space<semaphore_mem>>
      %dma_start3A_41 = arith.constant 0 : i32
      %dma_start3A_42 = tpu.memref_slice %arg4[%add3A_10, %dma_start3A_41] : memref<160000x32xf32, #tpu.memory_space<hbm>> -> memref<1000x32xf32, #tpu.memory_space<hbm>>
      %dma_start3A_43 = arith.constant 0 : i32
      %dma_start3A_44 = tpu.memref_slice %arg4[%add3A_10, %dma_start3A_43] : memref<160000x32xf32, #tpu.memory_space<hbm>> -> memref<1000x32xf32, #tpu.memory_space<hbm>>
      tpu.enqueue_dma source(%arg6 : memref<1000x32xf32, #tpu.memory_space<vmem>>) target(%dma_start3A_44 : memref<1000x32xf32, #tpu.memory_space<hbm>>) target_semaphore(%run_scoped3A : memref<!tpu.dma_semaphore, #tpu.memory_space<semaphore_mem>>)
      %dma_wait3A_45 = arith.constant 0 : i32
      %dma_wait3A_46 = tpu.memref_slice %arg4[%add3A_10, %dma_wait3A_45] : memref<160000x32xf32, #tpu.memory_space<hbm>> -> memref<1000x32xf32, #tpu.memory_space<hbm>>
      %dma_wait3A_47 = arith.constant 0 : i32
      %dma_wait3A_48 = tpu.memref_slice %arg4[%add3A_10, %dma_wait3A_47] : memref<160000x32xf32, #tpu.memory_space<hbm>> -> memref<1000x32xf32, #tpu.memory_space<hbm>>
      tpu.wait_dma2 semaphore(%run_scoped3A : memref<!tpu.dma_semaphore, #tpu.memory_space<semaphore_mem>>) src(%arg6 : memref<1000x32xf32, #tpu.memory_space<vmem>>) dst(%dma_wait3A_48 : memref<1000x32xf32, #tpu.memory_space<hbm>>)
      tpu.yield
    }) : () -> ()
    %add3A_17 = arith.constant 2000 : i32
    %add3A_18 = arith.addi %mul3A_2, %add3A_17 : i32
    "tpu.region"() ({
      %run_scoped3A = tpu.sem_alloc : memref<!tpu.dma_semaphore, #tpu.memory_space<semaphore_mem>>
      %dma_start3A_41 = tpu.memref_slice %arg3[%add3A_18] : memref<160000xi32, #tpu.memory_space<hbm>> -> memref<1000xi32, #tpu.memory_space<hbm>>
      %dma_start3A_42 = tpu.memref_slice %arg3[%add3A_18] : memref<160000xi32, #tpu.memory_space<hbm>> -> memref<1000xi32, #tpu.memory_space<hbm>>
      tpu.enqueue_dma source(%dma_start3A_42 : memref<1000xi32, #tpu.memory_space<hbm>>) target(%arg5 : memref<1000xi32, #tpu.memory_space<vmem>>) target_semaphore(%run_scoped3A : memref<!tpu.dma_semaphore, #tpu.memory_space<semaphore_mem>>)
      %dma_wait3A_43 = tpu.memref_slice %arg3[%add3A_18] : memref<160000xi32, #tpu.memory_space<hbm>> -> memref<1000xi32, #tpu.memory_space<hbm>>
      %dma_wait3A_44 = tpu.memref_slice %arg3[%add3A_18] : memref<160000xi32, #tpu.memory_space<hbm>> -> memref<1000xi32, #tpu.memory_space<hbm>>
      tpu.wait_dma2 semaphore(%run_scoped3A : memref<!tpu.dma_semaphore, #tpu.memory_space<semaphore_mem>>) src(%dma_wait3A_44 : memref<1000xi32, #tpu.memory_space<hbm>>) dst(%arg5 : memref<1000xi32, #tpu.memory_space<vmem>>)
      tpu.yield
    }) : () -> ()
    %dma_start3A_19 = arith.constant 0 : i32
    %dma_start3A_20 = arith.constant 0 : i32
    %dma_start3A_21 = tpu.memref_slice %arg2[%dma_start3A_19, %dma_start3A_20] : memref<10000x32xf32, #tpu.memory_space<hbm>> -> memref<10000x32xf32, #tpu.memory_space<hbm>>
    tpu.enqueue_indirect_dma source(%dma_start3A_21 : memref<10000x32xf32, #tpu.memory_space<hbm>>) target(%arg6 : memref<1000x32xf32, #tpu.memory_space<vmem>>) offsets(%arg5 : memref<1000xi32, #tpu.memory_space<vmem>>) semaphore(%arg7 : memref<!tpu.dma_semaphore, #tpu.memory_space<semaphore_mem>>)
    %dma_wait3A_22 = arith.constant 0 : i32
    %dma_wait3A_23 = arith.constant 0 : i32
    %dma_wait3A_24 = tpu.memref_slice %arg2[%dma_wait3A_22, %dma_wait3A_23] : memref<10000x32xf32, #tpu.memory_space<hbm>> -> memref<10000x32xf32, #tpu.memory_space<hbm>>
    tpu.wait_indirect_dma semaphore(%arg7 : memref<!tpu.dma_semaphore, #tpu.memory_space<semaphore_mem>>) src(%dma_wait3A_24 : memref<10000x32xf32, #tpu.memory_space<hbm>>) dst(%arg6 : memref<1000x32xf32, #tpu.memory_space<vmem>>)
    "tpu.region"() ({
      %run_scoped3A = tpu.sem_alloc : memref<!tpu.dma_semaphore, #tpu.memory_space<semaphore_mem>>
      %dma_start3A_41 = arith.constant 0 : i32
      %dma_start3A_42 = tpu.memref_slice %arg4[%add3A_18, %dma_start3A_41] : memref<160000x32xf32, #tpu.memory_space<hbm>> -> memref<1000x32xf32, #tpu.memory_space<hbm>>
      %dma_start3A_43 = arith.constant 0 : i32
      %dma_start3A_44 = tpu.memref_slice %arg4[%add3A_18, %dma_start3A_43] : memref<160000x32xf32, #tpu.memory_space<hbm>> -> memref<1000x32xf32, #tpu.memory_space<hbm>>
      tpu.enqueue_dma source(%arg6 : memref<1000x32xf32, #tpu.memory_space<vmem>>) target(%dma_start3A_44 : memref<1000x32xf32, #tpu.memory_space<hbm>>) target_semaphore(%run_scoped3A : memref<!tpu.dma_semaphore, #tpu.memory_space<semaphore_mem>>)
      %dma_wait3A_45 = arith.constant 0 : i32
      %dma_wait3A_46 = tpu.memref_slice %arg4[%add3A_18, %dma_wait3A_45] : memref<160000x32xf32, #tpu.memory_space<hbm>> -> memref<1000x32xf32, #tpu.memory_space<hbm>>
      %dma_wait3A_47 = arith.constant 0 : i32
      %dma_wait3A_48 = tpu.memref_slice %arg4[%add3A_18, %dma_wait3A_47] : memref<160000x32xf32, #tpu.memory_space<hbm>> -> memref<1000x32xf32, #tpu.memory_space<hbm>>
      tpu.wait_dma2 semaphore(%run_scoped3A : memref<!tpu.dma_semaphore, #tpu.memory_space<semaphore_mem>>) src(%arg6 : memref<1000x32xf32, #tpu.memory_space<vmem>>) dst(%dma_wait3A_48 : memref<1000x32xf32, #tpu.memory_space<hbm>>)
      tpu.yield
    }) : () -> ()
    %add3A_25 = arith.constant 3000 : i32
    %add3A_26 = arith.addi %mul3A_2, %add3A_25 : i32
    "tpu.region"() ({
      %run_scoped3A = tpu.sem_alloc : memref<!tpu.dma_semaphore, #tpu.memory_space<semaphore_mem>>
      %dma_start3A_41 = tpu.memref_slice %arg3[%add3A_26] : memref<160000xi32, #tpu.memory_space<hbm>> -> memref<1000xi32, #tpu.memory_space<hbm>>
      %dma_start3A_42 = tpu.memref_slice %arg3[%add3A_26] : memref<160000xi32, #tpu.memory_space<hbm>> -> memref<1000xi32, #tpu.memory_space<hbm>>
      tpu.enqueue_dma source(%dma_start3A_42 : memref<1000xi32, #tpu.memory_space<hbm>>) target(%arg5 : memref<1000xi32, #tpu.memory_space<vmem>>) target_semaphore(%run_scoped3A : memref<!tpu.dma_semaphore, #tpu.memory_space<semaphore_mem>>)
      %dma_wait3A_43 = tpu.memref_slice %arg3[%add3A_26] : memref<160000xi32, #tpu.memory_space<hbm>> -> memref<1000xi32, #tpu.memory_space<hbm>>
      %dma_wait3A_44 = tpu.memref_slice %arg3[%add3A_26] : memref<160000xi32, #tpu.memory_space<hbm>> -> memref<1000xi32, #tpu.memory_space<hbm>>
      tpu.wait_dma2 semaphore(%run_scoped3A : memref<!tpu.dma_semaphore, #tpu.memory_space<semaphore_mem>>) src(%dma_wait3A_44 : memref<1000xi32, #tpu.memory_space<hbm>>) dst(%arg5 : memref<1000xi32, #tpu.memory_space<vmem>>)
      tpu.yield
    }) : () -> ()
    %dma_start3A_27 = arith.constant 0 : i32
    %dma_start3A_28 = arith.constant 0 : i32
    %dma_start3A_29 = tpu.memref_slice %arg2[%dma_start3A_27, %dma_start3A_28] : memref<10000x32xf32, #tpu.memory_space<hbm>> -> memref<10000x32xf32, #tpu.memory_space<hbm>>
    tpu.enqueue_indirect_dma source(%dma_start3A_29 : memref<10000x32xf32, #tpu.memory_space<hbm>>) target(%arg6 : memref<1000x32xf32, #tpu.memory_space<vmem>>) offsets(%arg5 : memref<1000xi32, #tpu.memory_space<vmem>>) semaphore(%arg7 : memref<!tpu.dma_semaphore, #tpu.memory_space<semaphore_mem>>)
    %dma_wait3A_30 = arith.constant 0 : i32
    %dma_wait3A_31 = arith.constant 0 : i32
    %dma_wait3A_32 = tpu.memref_slice %arg2[%dma_wait3A_30, %dma_wait3A_31] : memref<10000x32xf32, #tpu.memory_space<hbm>> -> memref<10000x32xf32, #tpu.memory_space<hbm>>
    tpu.wait_indirect_dma semaphore(%arg7 : memref<!tpu.dma_semaphore, #tpu.memory_space<semaphore_mem>>) src(%dma_wait3A_32 : memref<10000x32xf32, #tpu.memory_space<hbm>>) dst(%arg6 : memref<1000x32xf32, #tpu.memory_space<vmem>>)
    "tpu.region"() ({
      %run_scoped3A = tpu.sem_alloc : memref<!tpu.dma_semaphore, #tpu.memory_space<semaphore_mem>>
      %dma_start3A_41 = arith.constant 0 : i32
      %dma_start3A_42 = tpu.memref_slice %arg4[%add3A_26, %dma_start3A_41] : memref<160000x32xf32, #tpu.memory_space<hbm>> -> memref<1000x32xf32, #tpu.memory_space<hbm>>
      %dma_start3A_43 = arith.constant 0 : i32
      %dma_start3A_44 = tpu.memref_slice %arg4[%add3A_26, %dma_start3A_43] : memref<160000x32xf32, #tpu.memory_space<hbm>> -> memref<1000x32xf32, #tpu.memory_space<hbm>>
      tpu.enqueue_dma source(%arg6 : memref<1000x32xf32, #tpu.memory_space<vmem>>) target(%dma_start3A_44 : memref<1000x32xf32, #tpu.memory_space<hbm>>) target_semaphore(%run_scoped3A : memref<!tpu.dma_semaphore, #tpu.memory_space<semaphore_mem>>)
      %dma_wait3A_45 = arith.constant 0 : i32
      %dma_wait3A_46 = tpu.memref_slice %arg4[%add3A_26, %dma_wait3A_45] : memref<160000x32xf32, #tpu.memory_space<hbm>> -> memref<1000x32xf32, #tpu.memory_space<hbm>>
      %dma_wait3A_47 = arith.constant 0 : i32
      %dma_wait3A_48 = tpu.memref_slice %arg4[%add3A_26, %dma_wait3A_47] : memref<160000x32xf32, #tpu.memory_space<hbm>> -> memref<1000x32xf32, #tpu.memory_space<hbm>>
      tpu.wait_dma2 semaphore(%run_scoped3A : memref<!tpu.dma_semaphore, #tpu.memory_space<semaphore_mem>>) src(%arg6 : memref<1000x32xf32, #tpu.memory_space<vmem>>) dst(%dma_wait3A_48 : memref<1000x32xf32, #tpu.memory_space<hbm>>)
      tpu.yield
    }) : () -> ()
    %add3A_33 = arith.constant 4000 : i32
    %add3A_34 = arith.addi %mul3A_2, %add3A_33 : i32
    "tpu.region"() ({
      %run_scoped3A = tpu.sem_alloc : memref<!tpu.dma_semaphore, #tpu.memory_space<semaphore_mem>>
      %dma_start3A_41 = tpu.memref_slice %arg3[%add3A_34] : memref<160000xi32, #tpu.memory_space<hbm>> -> memref<1000xi32, #tpu.memory_space<hbm>>
      %dma_start3A_42 = tpu.memref_slice %arg3[%add3A_34] : memref<160000xi32, #tpu.memory_space<hbm>> -> memref<1000xi32, #tpu.memory_space<hbm>>
      tpu.enqueue_dma source(%dma_start3A_42 : memref<1000xi32, #tpu.memory_space<hbm>>) target(%arg5 : memref<1000xi32, #tpu.memory_space<vmem>>) target_semaphore(%run_scoped3A : memref<!tpu.dma_semaphore, #tpu.memory_space<semaphore_mem>>)
      %dma_wait3A_43 = tpu.memref_slice %arg3[%add3A_34] : memref<160000xi32, #tpu.memory_space<hbm>> -> memref<1000xi32, #tpu.memory_space<hbm>>
      %dma_wait3A_44 = tpu.memref_slice %arg3[%add3A_34] : memref<160000xi32, #tpu.memory_space<hbm>> -> memref<1000xi32, #tpu.memory_space<hbm>>
      tpu.wait_dma2 semaphore(%run_scoped3A : memref<!tpu.dma_semaphore, #tpu.memory_space<semaphore_mem>>) src(%dma_wait3A_44 : memref<1000xi32, #tpu.memory_space<hbm>>) dst(%arg5 : memref<1000xi32, #tpu.memory_space<vmem>>)
      tpu.yield
    }) : () -> ()
    %dma_start3A_35 = arith.constant 0 : i32
    %dma_start3A_36 = arith.constant 0 : i32
    %dma_start3A_37 = tpu.memref_slice %arg2[%dma_start3A_35, %dma_start3A_36] : memref<10000x32xf32, #tpu.memory_space<hbm>> -> memref<10000x32xf32, #tpu.memory_space<hbm>>
    tpu.enqueue_indirect_dma source(%dma_start3A_37 : memref<10000x32xf32, #tpu.memory_space<hbm>>) target(%arg6 : memref<1000x32xf32, #tpu.memory_space<vmem>>) offsets(%arg5 : memref<1000xi32, #tpu.memory_space<vmem>>) semaphore(%arg7 : memref<!tpu.dma_semaphore, #tpu.memory_space<semaphore_mem>>)
    %dma_wait3A_38 = arith.constant 0 : i32
    %dma_wait3A_39 = arith.constant 0 : i32
    %dma_wait3A_40 = tpu.memref_slice %arg2[%dma_wait3A_38, %dma_wait3A_39] : memref<10000x32xf32, #tpu.memory_space<hbm>> -> memref<10000x32xf32, #tpu.memory_space<hbm>>
    tpu.wait_indirect_dma semaphore(%arg7 : memref<!tpu.dma_semaphore, #tpu.memory_space<semaphore_mem>>) src(%dma_wait3A_40 : memref<10000x32xf32, #tpu.memory_space<hbm>>) dst(%arg6 : memref<1000x32xf32, #tpu.memory_space<vmem>>)
    "tpu.region"() ({
      %run_scoped3A = tpu.sem_alloc : memref<!tpu.dma_semaphore, #tpu.memory_space<semaphore_mem>>
      %dma_start3A_41 = arith.constant 0 : i32
      %dma_start3A_42 = tpu.memref_slice %arg4[%add3A_34, %dma_start3A_41] : memref<160000x32xf32, #tpu.memory_space<hbm>> -> memref<1000x32xf32, #tpu.memory_space<hbm>>
      %dma_start3A_43 = arith.constant 0 : i32
      %dma_start3A_44 = tpu.memref_slice %arg4[%add3A_34, %dma_start3A_43] : memref<160000x32xf32, #tpu.memory_space<hbm>> -> memref<1000x32xf32, #tpu.memory_space<hbm>>
      tpu.enqueue_dma source(%arg6 : memref<1000x32xf32, #tpu.memory_space<vmem>>) target(%dma_start3A_44 : memref<1000x32xf32, #tpu.memory_space<hbm>>) target_semaphore(%run_scoped3A : memref<!tpu.dma_semaphore, #tpu.memory_space<semaphore_mem>>)
      %dma_wait3A_45 = arith.constant 0 : i32
      %dma_wait3A_46 = tpu.memref_slice %arg4[%add3A_34, %dma_wait3A_45] : memref<160000x32xf32, #tpu.memory_space<hbm>> -> memref<1000x32xf32, #tpu.memory_space<hbm>>
      %dma_wait3A_47 = arith.constant 0 : i32
      %dma_wait3A_48 = tpu.memref_slice %arg4[%add3A_34, %dma_wait3A_47] : memref<160000x32xf32, #tpu.memory_space<hbm>> -> memref<1000x32xf32, #tpu.memory_space<hbm>>
      tpu.wait_dma2 semaphore(%run_scoped3A : memref<!tpu.dma_semaphore, #tpu.memory_space<semaphore_mem>>) src(%arg6 : memref<1000x32xf32, #tpu.memory_space<vmem>>) dst(%dma_wait3A_48 : memref<1000x32xf32, #tpu.memory_space<hbm>>)
      tpu.yield
    }) : () -> ()
    return
  }
}

#map = affine_map<(d0, d1) -> (0, 0)>
#map1 = affine_map<(d0, d1) -> (0)>
#map2 = affine_map<(d0, d1) -> (0, 0, 0)>
module attributes {stable_mosaic.version = 14 : i64} {
  func.func @_scatter_body(%arg0: i32, %arg1: i32, %arg2: memref<160000x32xf32, #tpu.memory_space<hbm>>, %arg3: memref<160000xi32, #tpu.memory_space<hbm>>, %arg4: memref<10000x32xf32, #tpu.memory_space<hbm>>, %arg5: memref<2x10000x32xf32, #tpu.memory_space<hbm>>, %arg6: memref<1000xi32, #tpu.memory_space<vmem>>, %arg7: memref<1000x32xf32, #tpu.memory_space<vmem>>, %arg8: memref<10000x32xf32, #tpu.memory_space<vmem_shared>>) attributes {dimension_semantics = [#tpu.dimension_semantics<core_parallel>, #tpu.dimension_semantics<subcore_parallel>], iteration_bounds = array<i64: 2, 16>, scalar_prefetch = 0 : i64, scratch_operands = 3 : i64, tpu.core_type = #tpu.core_type<sc_vector_subcore>, window_params = [{transform_indices = #map}, {transform_indices = #map1}, {transform_indices = #map}, {transform_indices = #map2}]} {
    %mul3A = arith.constant 624 : i32
    %mul3A_0 = arith.muli %arg1, %mul3A : i32
    %mul3A_1 = arith.constant 624 : i32
    %mul3A_2 = arith.muli %arg1, %mul3A_1 : i32
    "tpu.region"() ({
      %run_scoped3A = tpu.sem_alloc : memref<!tpu.dma_semaphore, #tpu.memory_space<semaphore_mem>>
      %dma_start3A = arith.constant 0 : i32
      %dma_start3A_29 = tpu.memref_slice %arg8[%mul3A_2, %dma_start3A] : memref<10000x32xf32, #tpu.memory_space<vmem_shared>> -> memref<624x32xf32, #tpu.memory_space<vmem_shared>>
      %dma_start3A_30 = arith.constant 0 : i32
      %dma_start3A_31 = tpu.memref_slice %arg4[%mul3A_0, %dma_start3A_30] : memref<10000x32xf32, #tpu.memory_space<hbm>> -> memref<624x32xf32, #tpu.memory_space<hbm>>
      tpu.enqueue_dma source(%dma_start3A_31 : memref<624x32xf32, #tpu.memory_space<hbm>>) target(%dma_start3A_29 : memref<624x32xf32, #tpu.memory_space<vmem_shared>>) target_semaphore(%run_scoped3A : memref<!tpu.dma_semaphore, #tpu.memory_space<semaphore_mem>>)
      %dma_wait3A = arith.constant 0 : i32
      %dma_wait3A_32 = tpu.memref_slice %arg8[%mul3A_2, %dma_wait3A] : memref<10000x32xf32, #tpu.memory_space<vmem_shared>> -> memref<624x32xf32, #tpu.memory_space<vmem_shared>>
      %dma_wait3A_33 = arith.constant 0 : i32
      %dma_wait3A_34 = tpu.memref_slice %arg4[%mul3A_0, %dma_wait3A_33] : memref<10000x32xf32, #tpu.memory_space<hbm>> -> memref<624x32xf32, #tpu.memory_space<hbm>>
      tpu.wait_dma2 semaphore(%run_scoped3A : memref<!tpu.dma_semaphore, #tpu.memory_space<semaphore_mem>>) src(%dma_wait3A_34 : memref<624x32xf32, #tpu.memory_space<hbm>>) dst(%dma_wait3A_32 : memref<624x32xf32, #tpu.memory_space<vmem_shared>>)
      tpu.yield
    }) : () -> ()
    %eq3A = arith.constant 15 : i32
    %eq3A_3 = arith.cmpi eq, %arg1, %eq3A : i32
    %convert_element_type3A = arith.extui %eq3A_3 : i1 to i32
    %cond3A = arith.constant 0 : i32
    %cond3A_4 = arith.cmpi ne, %convert_element_type3A, %cond3A : i32
    scf.if %cond3A_4 {
      "tpu.region"() ({
        %run_scoped3A = tpu.sem_alloc : memref<!tpu.dma_semaphore, #tpu.memory_space<semaphore_mem>>
        %dma_start3A = arith.constant 9984 : i32
        %dma_start3A_29 = arith.constant 0 : i32
        %dma_start3A_30 = tpu.memref_slice %arg8[%dma_start3A, %dma_start3A_29] : memref<10000x32xf32, #tpu.memory_space<vmem_shared>> -> memref<16x32xf32, #tpu.memory_space<vmem_shared>>
        %dma_start3A_31 = arith.constant 9984 : i32
        %dma_start3A_32 = arith.constant 0 : i32
        %dma_start3A_33 = tpu.memref_slice %arg4[%dma_start3A_31, %dma_start3A_32] : memref<10000x32xf32, #tpu.memory_space<hbm>> -> memref<16x32xf32, #tpu.memory_space<hbm>>
        tpu.enqueue_dma source(%dma_start3A_33 : memref<16x32xf32, #tpu.memory_space<hbm>>) target(%dma_start3A_30 : memref<16x32xf32, #tpu.memory_space<vmem_shared>>) target_semaphore(%run_scoped3A : memref<!tpu.dma_semaphore, #tpu.memory_space<semaphore_mem>>)
        %dma_wait3A = arith.constant 9984 : i32
        %dma_wait3A_34 = arith.constant 0 : i32
        %dma_wait3A_35 = tpu.memref_slice %arg8[%dma_wait3A, %dma_wait3A_34] : memref<10000x32xf32, #tpu.memory_space<vmem_shared>> -> memref<16x32xf32, #tpu.memory_space<vmem_shared>>
        %dma_wait3A_36 = arith.constant 9984 : i32
        %dma_wait3A_37 = arith.constant 0 : i32
        %dma_wait3A_38 = tpu.memref_slice %arg4[%dma_wait3A_36, %dma_wait3A_37] : memref<10000x32xf32, #tpu.memory_space<hbm>> -> memref<16x32xf32, #tpu.memory_space<hbm>>
        tpu.wait_dma2 semaphore(%run_scoped3A : memref<!tpu.dma_semaphore, #tpu.memory_space<semaphore_mem>>) src(%dma_wait3A_38 : memref<16x32xf32, #tpu.memory_space<hbm>>) dst(%dma_wait3A_35 : memref<16x32xf32, #tpu.memory_space<vmem_shared>>)
        tpu.yield
      }) : () -> ()
    } else {
    }
    %barrier3A = arith.constant 0 : index
    tpu.barrier barrier_id(%barrier3A)
    %mul3A_5 = arith.constant 2 : i32
    %mul3A_6 = arith.muli %arg1, %mul3A_5 : i32
    %add3A = arith.addi %mul3A_6, %arg0 : i32
    %mul3A_7 = arith.constant 5000 : i32
    %mul3A_8 = arith.muli %add3A, %mul3A_7 : i32
    %add3A_9 = arith.constant 0 : i32
    %add3A_10 = arith.addi %mul3A_8, %add3A_9 : i32
    "tpu.region"() ({
      %run_scoped3A = tpu.sem_alloc : memref<!tpu.dma_semaphore, #tpu.memory_space<semaphore_mem>>
      %dma_start3A = tpu.memref_slice %arg3[%add3A_10] : memref<160000xi32, #tpu.memory_space<hbm>> -> memref<1000xi32, #tpu.memory_space<hbm>>
      %dma_start3A_29 = tpu.memref_slice %arg3[%add3A_10] : memref<160000xi32, #tpu.memory_space<hbm>> -> memref<1000xi32, #tpu.memory_space<hbm>>
      tpu.enqueue_dma source(%dma_start3A_29 : memref<1000xi32, #tpu.memory_space<hbm>>) target(%arg6 : memref<1000xi32, #tpu.memory_space<vmem>>) target_semaphore(%run_scoped3A : memref<!tpu.dma_semaphore, #tpu.memory_space<semaphore_mem>>)
      %dma_wait3A = tpu.memref_slice %arg3[%add3A_10] : memref<160000xi32, #tpu.memory_space<hbm>> -> memref<1000xi32, #tpu.memory_space<hbm>>
      %dma_wait3A_30 = tpu.memref_slice %arg3[%add3A_10] : memref<160000xi32, #tpu.memory_space<hbm>> -> memref<1000xi32, #tpu.memory_space<hbm>>
      tpu.wait_dma2 semaphore(%run_scoped3A : memref<!tpu.dma_semaphore, #tpu.memory_space<semaphore_mem>>) src(%dma_wait3A_30 : memref<1000xi32, #tpu.memory_space<hbm>>) dst(%arg6 : memref<1000xi32, #tpu.memory_space<vmem>>)
      tpu.yield
    }) : () -> ()
    "tpu.region"() ({
      %run_scoped3A = tpu.sem_alloc : memref<!tpu.dma_semaphore, #tpu.memory_space<semaphore_mem>>
      %dma_start3A = arith.constant 0 : i32
      %dma_start3A_29 = tpu.memref_slice %arg2[%add3A_10, %dma_start3A] : memref<160000x32xf32, #tpu.memory_space<hbm>> -> memref<1000x32xf32, #tpu.memory_space<hbm>>
      %dma_start3A_30 = arith.constant 0 : i32
      %dma_start3A_31 = tpu.memref_slice %arg2[%add3A_10, %dma_start3A_30] : memref<160000x32xf32, #tpu.memory_space<hbm>> -> memref<1000x32xf32, #tpu.memory_space<hbm>>
      tpu.enqueue_dma source(%dma_start3A_31 : memref<1000x32xf32, #tpu.memory_space<hbm>>) target(%arg7 : memref<1000x32xf32, #tpu.memory_space<vmem>>) target_semaphore(%run_scoped3A : memref<!tpu.dma_semaphore, #tpu.memory_space<semaphore_mem>>)
      %dma_wait3A = arith.constant 0 : i32
      %dma_wait3A_32 = tpu.memref_slice %arg2[%add3A_10, %dma_wait3A] : memref<160000x32xf32, #tpu.memory_space<hbm>> -> memref<1000x32xf32, #tpu.memory_space<hbm>>
      %dma_wait3A_33 = arith.constant 0 : i32
      %dma_wait3A_34 = tpu.memref_slice %arg2[%add3A_10, %dma_wait3A_33] : memref<160000x32xf32, #tpu.memory_space<hbm>> -> memref<1000x32xf32, #tpu.memory_space<hbm>>
      tpu.wait_dma2 semaphore(%run_scoped3A : memref<!tpu.dma_semaphore, #tpu.memory_space<semaphore_mem>>) src(%dma_wait3A_34 : memref<1000x32xf32, #tpu.memory_space<hbm>>) dst(%arg7 : memref<1000x32xf32, #tpu.memory_space<vmem>>)
      tpu.yield
    }) : () -> ()
    "tpu.region"() ({
      %run_scoped3A = tpu.sem_alloc : memref<!tpu.dma_semaphore, #tpu.memory_space<semaphore_mem>>
      %dma_start3A = arith.constant 0 : i32
      %dma_start3A_29 = arith.constant 0 : i32
      %dma_start3A_30 = tpu.memref_slice %arg8[%dma_start3A, %dma_start3A_29] : memref<10000x32xf32, #tpu.memory_space<vmem_shared>> -> memref<10000x32xf32, #tpu.memory_space<vmem_shared>>
      tpu.enqueue_indirect_dma source(%arg7 : memref<1000x32xf32, #tpu.memory_space<vmem>>) target(%dma_start3A_30 : memref<10000x32xf32, #tpu.memory_space<vmem_shared>>) offsets(%arg6 : memref<1000xi32, #tpu.memory_space<vmem>>) semaphore(%run_scoped3A : memref<!tpu.dma_semaphore, #tpu.memory_space<semaphore_mem>>) {add = true}
      %dma_wait3A = arith.constant 0 : i32
      %dma_wait3A_31 = arith.constant 0 : i32
      %dma_wait3A_32 = tpu.memref_slice %arg8[%dma_wait3A, %dma_wait3A_31] : memref<10000x32xf32, #tpu.memory_space<vmem_shared>> -> memref<10000x32xf32, #tpu.memory_space<vmem_shared>>
      tpu.wait_indirect_dma semaphore(%run_scoped3A : memref<!tpu.dma_semaphore, #tpu.memory_space<semaphore_mem>>) src(%arg7 : memref<1000x32xf32, #tpu.memory_space<vmem>>) dst(%dma_wait3A_32 : memref<10000x32xf32, #tpu.memory_space<vmem_shared>>)
      tpu.yield
    }) : () -> ()
    %add3A_11 = arith.constant 1000 : i32
    %add3A_12 = arith.addi %mul3A_8, %add3A_11 : i32
    "tpu.region"() ({
      %run_scoped3A = tpu.sem_alloc : memref<!tpu.dma_semaphore, #tpu.memory_space<semaphore_mem>>
      %dma_start3A = tpu.memref_slice %arg3[%add3A_12] : memref<160000xi32, #tpu.memory_space<hbm>> -> memref<1000xi32, #tpu.memory_space<hbm>>
      %dma_start3A_29 = tpu.memref_slice %arg3[%add3A_12] : memref<160000xi32, #tpu.memory_space<hbm>> -> memref<1000xi32, #tpu.memory_space<hbm>>
      tpu.enqueue_dma source(%dma_start3A_29 : memref<1000xi32, #tpu.memory_space<hbm>>) target(%arg6 : memref<1000xi32, #tpu.memory_space<vmem>>) target_semaphore(%run_scoped3A : memref<!tpu.dma_semaphore, #tpu.memory_space<semaphore_mem>>)
      %dma_wait3A = tpu.memref_slice %arg3[%add3A_12] : memref<160000xi32, #tpu.memory_space<hbm>> -> memref<1000xi32, #tpu.memory_space<hbm>>
      %dma_wait3A_30 = tpu.memref_slice %arg3[%add3A_12] : memref<160000xi32, #tpu.memory_space<hbm>> -> memref<1000xi32, #tpu.memory_space<hbm>>
      tpu.wait_dma2 semaphore(%run_scoped3A : memref<!tpu.dma_semaphore, #tpu.memory_space<semaphore_mem>>) src(%dma_wait3A_30 : memref<1000xi32, #tpu.memory_space<hbm>>) dst(%arg6 : memref<1000xi32, #tpu.memory_space<vmem>>)
      tpu.yield
    }) : () -> ()
    "tpu.region"() ({
      %run_scoped3A = tpu.sem_alloc : memref<!tpu.dma_semaphore, #tpu.memory_space<semaphore_mem>>
      %dma_start3A = arith.constant 0 : i32
      %dma_start3A_29 = tpu.memref_slice %arg2[%add3A_12, %dma_start3A] : memref<160000x32xf32, #tpu.memory_space<hbm>> -> memref<1000x32xf32, #tpu.memory_space<hbm>>
      %dma_start3A_30 = arith.constant 0 : i32
      %dma_start3A_31 = tpu.memref_slice %arg2[%add3A_12, %dma_start3A_30] : memref<160000x32xf32, #tpu.memory_space<hbm>> -> memref<1000x32xf32, #tpu.memory_space<hbm>>
      tpu.enqueue_dma source(%dma_start3A_31 : memref<1000x32xf32, #tpu.memory_space<hbm>>) target(%arg7 : memref<1000x32xf32, #tpu.memory_space<vmem>>) target_semaphore(%run_scoped3A : memref<!tpu.dma_semaphore, #tpu.memory_space<semaphore_mem>>)
      %dma_wait3A = arith.constant 0 : i32
      %dma_wait3A_32 = tpu.memref_slice %arg2[%add3A_12, %dma_wait3A] : memref<160000x32xf32, #tpu.memory_space<hbm>> -> memref<1000x32xf32, #tpu.memory_space<hbm>>
      %dma_wait3A_33 = arith.constant 0 : i32
      %dma_wait3A_34 = tpu.memref_slice %arg2[%add3A_12, %dma_wait3A_33] : memref<160000x32xf32, #tpu.memory_space<hbm>> -> memref<1000x32xf32, #tpu.memory_space<hbm>>
      tpu.wait_dma2 semaphore(%run_scoped3A : memref<!tpu.dma_semaphore, #tpu.memory_space<semaphore_mem>>) src(%dma_wait3A_34 : memref<1000x32xf32, #tpu.memory_space<hbm>>) dst(%arg7 : memref<1000x32xf32, #tpu.memory_space<vmem>>)
      tpu.yield
    }) : () -> ()
    "tpu.region"() ({
      %run_scoped3A = tpu.sem_alloc : memref<!tpu.dma_semaphore, #tpu.memory_space<semaphore_mem>>
      %dma_start3A = arith.constant 0 : i32
      %dma_start3A_29 = arith.constant 0 : i32
      %dma_start3A_30 = tpu.memref_slice %arg8[%dma_start3A, %dma_start3A_29] : memref<10000x32xf32, #tpu.memory_space<vmem_shared>> -> memref<10000x32xf32, #tpu.memory_space<vmem_shared>>
      tpu.enqueue_indirect_dma source(%arg7 : memref<1000x32xf32, #tpu.memory_space<vmem>>) target(%dma_start3A_30 : memref<10000x32xf32, #tpu.memory_space<vmem_shared>>) offsets(%arg6 : memref<1000xi32, #tpu.memory_space<vmem>>) semaphore(%run_scoped3A : memref<!tpu.dma_semaphore, #tpu.memory_space<semaphore_mem>>) {add = true}
      %dma_wait3A = arith.constant 0 : i32
      %dma_wait3A_31 = arith.constant 0 : i32
      %dma_wait3A_32 = tpu.memref_slice %arg8[%dma_wait3A, %dma_wait3A_31] : memref<10000x32xf32, #tpu.memory_space<vmem_shared>> -> memref<10000x32xf32, #tpu.memory_space<vmem_shared>>
      tpu.wait_indirect_dma semaphore(%run_scoped3A : memref<!tpu.dma_semaphore, #tpu.memory_space<semaphore_mem>>) src(%arg7 : memref<1000x32xf32, #tpu.memory_space<vmem>>) dst(%dma_wait3A_32 : memref<10000x32xf32, #tpu.memory_space<vmem_shared>>)
      tpu.yield
    }) : () -> ()
    %add3A_13 = arith.constant 2000 : i32
    %add3A_14 = arith.addi %mul3A_8, %add3A_13 : i32
    "tpu.region"() ({
      %run_scoped3A = tpu.sem_alloc : memref<!tpu.dma_semaphore, #tpu.memory_space<semaphore_mem>>
      %dma_start3A = tpu.memref_slice %arg3[%add3A_14] : memref<160000xi32, #tpu.memory_space<hbm>> -> memref<1000xi32, #tpu.memory_space<hbm>>
      %dma_start3A_29 = tpu.memref_slice %arg3[%add3A_14] : memref<160000xi32, #tpu.memory_space<hbm>> -> memref<1000xi32, #tpu.memory_space<hbm>>
      tpu.enqueue_dma source(%dma_start3A_29 : memref<1000xi32, #tpu.memory_space<hbm>>) target(%arg6 : memref<1000xi32, #tpu.memory_space<vmem>>) target_semaphore(%run_scoped3A : memref<!tpu.dma_semaphore, #tpu.memory_space<semaphore_mem>>)
      %dma_wait3A = tpu.memref_slice %arg3[%add3A_14] : memref<160000xi32, #tpu.memory_space<hbm>> -> memref<1000xi32, #tpu.memory_space<hbm>>
      %dma_wait3A_30 = tpu.memref_slice %arg3[%add3A_14] : memref<160000xi32, #tpu.memory_space<hbm>> -> memref<1000xi32, #tpu.memory_space<hbm>>
      tpu.wait_dma2 semaphore(%run_scoped3A : memref<!tpu.dma_semaphore, #tpu.memory_space<semaphore_mem>>) src(%dma_wait3A_30 : memref<1000xi32, #tpu.memory_space<hbm>>) dst(%arg6 : memref<1000xi32, #tpu.memory_space<vmem>>)
      tpu.yield
    }) : () -> ()
    "tpu.region"() ({
      %run_scoped3A = tpu.sem_alloc : memref<!tpu.dma_semaphore, #tpu.memory_space<semaphore_mem>>
      %dma_start3A = arith.constant 0 : i32
      %dma_start3A_29 = tpu.memref_slice %arg2[%add3A_14, %dma_start3A] : memref<160000x32xf32, #tpu.memory_space<hbm>> -> memref<1000x32xf32, #tpu.memory_space<hbm>>
      %dma_start3A_30 = arith.constant 0 : i32
      %dma_start3A_31 = tpu.memref_slice %arg2[%add3A_14, %dma_start3A_30] : memref<160000x32xf32, #tpu.memory_space<hbm>> -> memref<1000x32xf32, #tpu.memory_space<hbm>>
      tpu.enqueue_dma source(%dma_start3A_31 : memref<1000x32xf32, #tpu.memory_space<hbm>>) target(%arg7 : memref<1000x32xf32, #tpu.memory_space<vmem>>) target_semaphore(%run_scoped3A : memref<!tpu.dma_semaphore, #tpu.memory_space<semaphore_mem>>)
      %dma_wait3A = arith.constant 0 : i32
      %dma_wait3A_32 = tpu.memref_slice %arg2[%add3A_14, %dma_wait3A] : memref<160000x32xf32, #tpu.memory_space<hbm>> -> memref<1000x32xf32, #tpu.memory_space<hbm>>
      %dma_wait3A_33 = arith.constant 0 : i32
      %dma_wait3A_34 = tpu.memref_slice %arg2[%add3A_14, %dma_wait3A_33] : memref<160000x32xf32, #tpu.memory_space<hbm>> -> memref<1000x32xf32, #tpu.memory_space<hbm>>
      tpu.wait_dma2 semaphore(%run_scoped3A : memref<!tpu.dma_semaphore, #tpu.memory_space<semaphore_mem>>) src(%dma_wait3A_34 : memref<1000x32xf32, #tpu.memory_space<hbm>>) dst(%arg7 : memref<1000x32xf32, #tpu.memory_space<vmem>>)
      tpu.yield
    }) : () -> ()
    "tpu.region"() ({
      %run_scoped3A = tpu.sem_alloc : memref<!tpu.dma_semaphore, #tpu.memory_space<semaphore_mem>>
      %dma_start3A = arith.constant 0 : i32
      %dma_start3A_29 = arith.constant 0 : i32
      %dma_start3A_30 = tpu.memref_slice %arg8[%dma_start3A, %dma_start3A_29] : memref<10000x32xf32, #tpu.memory_space<vmem_shared>> -> memref<10000x32xf32, #tpu.memory_space<vmem_shared>>
      tpu.enqueue_indirect_dma source(%arg7 : memref<1000x32xf32, #tpu.memory_space<vmem>>) target(%dma_start3A_30 : memref<10000x32xf32, #tpu.memory_space<vmem_shared>>) offsets(%arg6 : memref<1000xi32, #tpu.memory_space<vmem>>) semaphore(%run_scoped3A : memref<!tpu.dma_semaphore, #tpu.memory_space<semaphore_mem>>) {add = true}
      %dma_wait3A = arith.constant 0 : i32
      %dma_wait3A_31 = arith.constant 0 : i32
      %dma_wait3A_32 = tpu.memref_slice %arg8[%dma_wait3A, %dma_wait3A_31] : memref<10000x32xf32, #tpu.memory_space<vmem_shared>> -> memref<10000x32xf32, #tpu.memory_space<vmem_shared>>
      tpu.wait_indirect_dma semaphore(%run_scoped3A : memref<!tpu.dma_semaphore, #tpu.memory_space<semaphore_mem>>) src(%arg7 : memref<1000x32xf32, #tpu.memory_space<vmem>>) dst(%dma_wait3A_32 : memref<10000x32xf32, #tpu.memory_space<vmem_shared>>)
      tpu.yield
    }) : () -> ()
    %add3A_15 = arith.constant 3000 : i32
    %add3A_16 = arith.addi %mul3A_8, %add3A_15 : i32
    "tpu.region"() ({
      %run_scoped3A = tpu.sem_alloc : memref<!tpu.dma_semaphore, #tpu.memory_space<semaphore_mem>>
      %dma_start3A = tpu.memref_slice %arg3[%add3A_16] : memref<160000xi32, #tpu.memory_space<hbm>> -> memref<1000xi32, #tpu.memory_space<hbm>>
      %dma_start3A_29 = tpu.memref_slice %arg3[%add3A_16] : memref<160000xi32, #tpu.memory_space<hbm>> -> memref<1000xi32, #tpu.memory_space<hbm>>
      tpu.enqueue_dma source(%dma_start3A_29 : memref<1000xi32, #tpu.memory_space<hbm>>) target(%arg6 : memref<1000xi32, #tpu.memory_space<vmem>>) target_semaphore(%run_scoped3A : memref<!tpu.dma_semaphore, #tpu.memory_space<semaphore_mem>>)
      %dma_wait3A = tpu.memref_slice %arg3[%add3A_16] : memref<160000xi32, #tpu.memory_space<hbm>> -> memref<1000xi32, #tpu.memory_space<hbm>>
      %dma_wait3A_30 = tpu.memref_slice %arg3[%add3A_16] : memref<160000xi32, #tpu.memory_space<hbm>> -> memref<1000xi32, #tpu.memory_space<hbm>>
      tpu.wait_dma2 semaphore(%run_scoped3A : memref<!tpu.dma_semaphore, #tpu.memory_space<semaphore_mem>>) src(%dma_wait3A_30 : memref<1000xi32, #tpu.memory_space<hbm>>) dst(%arg6 : memref<1000xi32, #tpu.memory_space<vmem>>)
      tpu.yield
    }) : () -> ()
    "tpu.region"() ({
      %run_scoped3A = tpu.sem_alloc : memref<!tpu.dma_semaphore, #tpu.memory_space<semaphore_mem>>
      %dma_start3A = arith.constant 0 : i32
      %dma_start3A_29 = tpu.memref_slice %arg2[%add3A_16, %dma_start3A] : memref<160000x32xf32, #tpu.memory_space<hbm>> -> memref<1000x32xf32, #tpu.memory_space<hbm>>
      %dma_start3A_30 = arith.constant 0 : i32
      %dma_start3A_31 = tpu.memref_slice %arg2[%add3A_16, %dma_start3A_30] : memref<160000x32xf32, #tpu.memory_space<hbm>> -> memref<1000x32xf32, #tpu.memory_space<hbm>>
      tpu.enqueue_dma source(%dma_start3A_31 : memref<1000x32xf32, #tpu.memory_space<hbm>>) target(%arg7 : memref<1000x32xf32, #tpu.memory_space<vmem>>) target_semaphore(%run_scoped3A : memref<!tpu.dma_semaphore, #tpu.memory_space<semaphore_mem>>)
      %dma_wait3A = arith.constant 0 : i32
      %dma_wait3A_32 = tpu.memref_slice %arg2[%add3A_16, %dma_wait3A] : memref<160000x32xf32, #tpu.memory_space<hbm>> -> memref<1000x32xf32, #tpu.memory_space<hbm>>
      %dma_wait3A_33 = arith.constant 0 : i32
      %dma_wait3A_34 = tpu.memref_slice %arg2[%add3A_16, %dma_wait3A_33] : memref<160000x32xf32, #tpu.memory_space<hbm>> -> memref<1000x32xf32, #tpu.memory_space<hbm>>
      tpu.wait_dma2 semaphore(%run_scoped3A : memref<!tpu.dma_semaphore, #tpu.memory_space<semaphore_mem>>) src(%dma_wait3A_34 : memref<1000x32xf32, #tpu.memory_space<hbm>>) dst(%arg7 : memref<1000x32xf32, #tpu.memory_space<vmem>>)
      tpu.yield
    }) : () -> ()
    "tpu.region"() ({
      %run_scoped3A = tpu.sem_alloc : memref<!tpu.dma_semaphore, #tpu.memory_space<semaphore_mem>>
      %dma_start3A = arith.constant 0 : i32
      %dma_start3A_29 = arith.constant 0 : i32
      %dma_start3A_30 = tpu.memref_slice %arg8[%dma_start3A, %dma_start3A_29] : memref<10000x32xf32, #tpu.memory_space<vmem_shared>> -> memref<10000x32xf32, #tpu.memory_space<vmem_shared>>
      tpu.enqueue_indirect_dma source(%arg7 : memref<1000x32xf32, #tpu.memory_space<vmem>>) target(%dma_start3A_30 : memref<10000x32xf32, #tpu.memory_space<vmem_shared>>) offsets(%arg6 : memref<1000xi32, #tpu.memory_space<vmem>>) semaphore(%run_scoped3A : memref<!tpu.dma_semaphore, #tpu.memory_space<semaphore_mem>>) {add = true}
      %dma_wait3A = arith.constant 0 : i32
      %dma_wait3A_31 = arith.constant 0 : i32
      %dma_wait3A_32 = tpu.memref_slice %arg8[%dma_wait3A, %dma_wait3A_31] : memref<10000x32xf32, #tpu.memory_space<vmem_shared>> -> memref<10000x32xf32, #tpu.memory_space<vmem_shared>>
      tpu.wait_indirect_dma semaphore(%run_scoped3A : memref<!tpu.dma_semaphore, #tpu.memory_space<semaphore_mem>>) src(%arg7 : memref<1000x32xf32, #tpu.memory_space<vmem>>) dst(%dma_wait3A_32 : memref<10000x32xf32, #tpu.memory_space<vmem_shared>>)
      tpu.yield
    }) : () -> ()
    %add3A_17 = arith.constant 4000 : i32
    %add3A_18 = arith.addi %mul3A_8, %add3A_17 : i32
    "tpu.region"() ({
      %run_scoped3A = tpu.sem_alloc : memref<!tpu.dma_semaphore, #tpu.memory_space<semaphore_mem>>
      %dma_start3A = tpu.memref_slice %arg3[%add3A_18] : memref<160000xi32, #tpu.memory_space<hbm>> -> memref<1000xi32, #tpu.memory_space<hbm>>
      %dma_start3A_29 = tpu.memref_slice %arg3[%add3A_18] : memref<160000xi32, #tpu.memory_space<hbm>> -> memref<1000xi32, #tpu.memory_space<hbm>>
      tpu.enqueue_dma source(%dma_start3A_29 : memref<1000xi32, #tpu.memory_space<hbm>>) target(%arg6 : memref<1000xi32, #tpu.memory_space<vmem>>) target_semaphore(%run_scoped3A : memref<!tpu.dma_semaphore, #tpu.memory_space<semaphore_mem>>)
      %dma_wait3A = tpu.memref_slice %arg3[%add3A_18] : memref<160000xi32, #tpu.memory_space<hbm>> -> memref<1000xi32, #tpu.memory_space<hbm>>
      %dma_wait3A_30 = tpu.memref_slice %arg3[%add3A_18] : memref<160000xi32, #tpu.memory_space<hbm>> -> memref<1000xi32, #tpu.memory_space<hbm>>
      tpu.wait_dma2 semaphore(%run_scoped3A : memref<!tpu.dma_semaphore, #tpu.memory_space<semaphore_mem>>) src(%dma_wait3A_30 : memref<1000xi32, #tpu.memory_space<hbm>>) dst(%arg6 : memref<1000xi32, #tpu.memory_space<vmem>>)
      tpu.yield
    }) : () -> ()
    "tpu.region"() ({
      %run_scoped3A = tpu.sem_alloc : memref<!tpu.dma_semaphore, #tpu.memory_space<semaphore_mem>>
      %dma_start3A = arith.constant 0 : i32
      %dma_start3A_29 = tpu.memref_slice %arg2[%add3A_18, %dma_start3A] : memref<160000x32xf32, #tpu.memory_space<hbm>> -> memref<1000x32xf32, #tpu.memory_space<hbm>>
      %dma_start3A_30 = arith.constant 0 : i32
      %dma_start3A_31 = tpu.memref_slice %arg2[%add3A_18, %dma_start3A_30] : memref<160000x32xf32, #tpu.memory_space<hbm>> -> memref<1000x32xf32, #tpu.memory_space<hbm>>
      tpu.enqueue_dma source(%dma_start3A_31 : memref<1000x32xf32, #tpu.memory_space<hbm>>) target(%arg7 : memref<1000x32xf32, #tpu.memory_space<vmem>>) target_semaphore(%run_scoped3A : memref<!tpu.dma_semaphore, #tpu.memory_space<semaphore_mem>>)
      %dma_wait3A = arith.constant 0 : i32
      %dma_wait3A_32 = tpu.memref_slice %arg2[%add3A_18, %dma_wait3A] : memref<160000x32xf32, #tpu.memory_space<hbm>> -> memref<1000x32xf32, #tpu.memory_space<hbm>>
      %dma_wait3A_33 = arith.constant 0 : i32
      %dma_wait3A_34 = tpu.memref_slice %arg2[%add3A_18, %dma_wait3A_33] : memref<160000x32xf32, #tpu.memory_space<hbm>> -> memref<1000x32xf32, #tpu.memory_space<hbm>>
      tpu.wait_dma2 semaphore(%run_scoped3A : memref<!tpu.dma_semaphore, #tpu.memory_space<semaphore_mem>>) src(%dma_wait3A_34 : memref<1000x32xf32, #tpu.memory_space<hbm>>) dst(%arg7 : memref<1000x32xf32, #tpu.memory_space<vmem>>)
      tpu.yield
    }) : () -> ()
    "tpu.region"() ({
      %run_scoped3A = tpu.sem_alloc : memref<!tpu.dma_semaphore, #tpu.memory_space<semaphore_mem>>
      %dma_start3A = arith.constant 0 : i32
      %dma_start3A_29 = arith.constant 0 : i32
      %dma_start3A_30 = tpu.memref_slice %arg8[%dma_start3A, %dma_start3A_29] : memref<10000x32xf32, #tpu.memory_space<vmem_shared>> -> memref<10000x32xf32, #tpu.memory_space<vmem_shared>>
      tpu.enqueue_indirect_dma source(%arg7 : memref<1000x32xf32, #tpu.memory_space<vmem>>) target(%dma_start3A_30 : memref<10000x32xf32, #tpu.memory_space<vmem_shared>>) offsets(%arg6 : memref<1000xi32, #tpu.memory_space<vmem>>) semaphore(%run_scoped3A : memref<!tpu.dma_semaphore, #tpu.memory_space<semaphore_mem>>) {add = true}
      %dma_wait3A = arith.constant 0 : i32
      %dma_wait3A_31 = arith.constant 0 : i32
      %dma_wait3A_32 = tpu.memref_slice %arg8[%dma_wait3A, %dma_wait3A_31] : memref<10000x32xf32, #tpu.memory_space<vmem_shared>> -> memref<10000x32xf32, #tpu.memory_space<vmem_shared>>
      tpu.wait_indirect_dma semaphore(%run_scoped3A : memref<!tpu.dma_semaphore, #tpu.memory_space<semaphore_mem>>) src(%arg7 : memref<1000x32xf32, #tpu.memory_space<vmem>>) dst(%dma_wait3A_32 : memref<10000x32xf32, #tpu.memory_space<vmem_shared>>)
      tpu.yield
    }) : () -> ()
    %barrier3A_19 = arith.constant 0 : index
    tpu.barrier barrier_id(%barrier3A_19)
    %mul3A_20 = arith.constant 624 : i32
    %mul3A_21 = arith.muli %arg1, %mul3A_20 : i32
    %mul3A_22 = arith.constant 624 : i32
    %mul3A_23 = arith.muli %arg1, %mul3A_22 : i32
    "tpu.region"() ({
      %run_scoped3A = tpu.sem_alloc : memref<!tpu.dma_semaphore, #tpu.memory_space<semaphore_mem>>
      %dma_start3A = arith.constant 0 : i32
      %dma_start3A_29 = arith.constant 0 : i32
      %dma_start3A_30 = tpu.memref_slice %arg5[%arg0, %dma_start3A, %dma_start3A_29] : memref<2x10000x32xf32, #tpu.memory_space<hbm>> -> memref<1x10000x32xf32, #tpu.memory_space<hbm>>
      %dma_start3A_31 = tpu.memref_squeeze %dma_start3A_30 : memref<1x10000x32xf32, #tpu.memory_space<hbm>> -> memref<10000x32xf32, #tpu.memory_space<hbm>>
      %dma_start3A_32 = arith.constant 0 : i32
      %dma_start3A_33 = tpu.memref_slice %dma_start3A_31[%mul3A_23, %dma_start3A_32] : memref<10000x32xf32, #tpu.memory_space<hbm>> -> memref<624x32xf32, #tpu.memory_space<hbm>>
      %dma_start3A_34 = arith.constant 0 : i32
      %dma_start3A_35 = tpu.memref_slice %arg8[%mul3A_21, %dma_start3A_34] : memref<10000x32xf32, #tpu.memory_space<vmem_shared>> -> memref<624x32xf32, #tpu.memory_space<vmem_shared>>
      tpu.enqueue_dma source(%dma_start3A_35 : memref<624x32xf32, #tpu.memory_space<vmem_shared>>) target(%dma_start3A_33 : memref<624x32xf32, #tpu.memory_space<hbm>>) target_semaphore(%run_scoped3A : memref<!tpu.dma_semaphore, #tpu.memory_space<semaphore_mem>>)
      %dma_wait3A = arith.constant 0 : i32
      %dma_wait3A_36 = arith.constant 0 : i32
      %dma_wait3A_37 = tpu.memref_slice %arg5[%arg0, %dma_wait3A, %dma_wait3A_36] : memref<2x10000x32xf32, #tpu.memory_space<hbm>> -> memref<1x10000x32xf32, #tpu.memory_space<hbm>>
      %dma_wait3A_38 = tpu.memref_squeeze %dma_wait3A_37 : memref<1x10000x32xf32, #tpu.memory_space<hbm>> -> memref<10000x32xf32, #tpu.memory_space<hbm>>
      %dma_wait3A_39 = arith.constant 0 : i32
      %dma_wait3A_40 = tpu.memref_slice %dma_wait3A_38[%mul3A_23, %dma_wait3A_39] : memref<10000x32xf32, #tpu.memory_space<hbm>> -> memref<624x32xf32, #tpu.memory_space<hbm>>
      %dma_wait3A_41 = arith.constant 0 : i32
      %dma_wait3A_42 = tpu.memref_slice %arg8[%mul3A_21, %dma_wait3A_41] : memref<10000x32xf32, #tpu.memory_space<vmem_shared>> -> memref<624x32xf32, #tpu.memory_space<vmem_shared>>
      tpu.wait_dma2 semaphore(%run_scoped3A : memref<!tpu.dma_semaphore, #tpu.memory_space<semaphore_mem>>) src(%dma_wait3A_42 : memref<624x32xf32, #tpu.memory_space<vmem_shared>>) dst(%dma_wait3A_40 : memref<624x32xf32, #tpu.memory_space<hbm>>)
      tpu.yield
    }) : () -> ()
    %eq3A_24 = arith.constant 15 : i32
    %eq3A_25 = arith.cmpi eq, %arg1, %eq3A_24 : i32
    %convert_element_type3A_26 = arith.extui %eq3A_25 : i1 to i32
    %cond3A_27 = arith.constant 0 : i32
    %cond3A_28 = arith.cmpi ne, %convert_element_type3A_26, %cond3A_27 : i32
    scf.if %cond3A_28 {
      "tpu.region"() ({
        %run_scoped3A = tpu.sem_alloc : memref<!tpu.dma_semaphore, #tpu.memory_space<semaphore_mem>>
        %dma_start3A = arith.constant 0 : i32
        %dma_start3A_29 = arith.constant 0 : i32
        %dma_start3A_30 = tpu.memref_slice %arg5[%arg0, %dma_start3A, %dma_start3A_29] : memref<2x10000x32xf32, #tpu.memory_space<hbm>> -> memref<1x10000x32xf32, #tpu.memory_space<hbm>>
        %dma_start3A_31 = tpu.memref_squeeze %dma_start3A_30 : memref<1x10000x32xf32, #tpu.memory_space<hbm>> -> memref<10000x32xf32, #tpu.memory_space<hbm>>
        %dma_start3A_32 = arith.constant 9984 : i32
        %dma_start3A_33 = arith.constant 0 : i32
        %dma_start3A_34 = tpu.memref_slice %dma_start3A_31[%dma_start3A_32, %dma_start3A_33] : memref<10000x32xf32, #tpu.memory_space<hbm>> -> memref<16x32xf32, #tpu.memory_space<hbm>>
        %dma_start3A_35 = arith.constant 9984 : i32
        %dma_start3A_36 = arith.constant 0 : i32
        %dma_start3A_37 = tpu.memref_slice %arg8[%dma_start3A_35, %dma_start3A_36] : memref<10000x32xf32, #tpu.memory_space<vmem_shared>> -> memref<16x32xf32, #tpu.memory_space<vmem_shared>>
        tpu.enqueue_dma source(%dma_start3A_37 : memref<16x32xf32, #tpu.memory_space<vmem_shared>>) target(%dma_start3A_34 : memref<16x32xf32, #tpu.memory_space<hbm>>) target_semaphore(%run_scoped3A : memref<!tpu.dma_semaphore, #tpu.memory_space<semaphore_mem>>)
        %dma_wait3A = arith.constant 0 : i32
        %dma_wait3A_38 = arith.constant 0 : i32
        %dma_wait3A_39 = tpu.memref_slice %arg5[%arg0, %dma_wait3A, %dma_wait3A_38] : memref<2x10000x32xf32, #tpu.memory_space<hbm>> -> memref<1x10000x32xf32, #tpu.memory_space<hbm>>
        %dma_wait3A_40 = tpu.memref_squeeze %dma_wait3A_39 : memref<1x10000x32xf32, #tpu.memory_space<hbm>> -> memref<10000x32xf32, #tpu.memory_space<hbm>>
        %dma_wait3A_41 = arith.constant 9984 : i32
        %dma_wait3A_42 = arith.constant 0 : i32
        %dma_wait3A_43 = tpu.memref_slice %dma_wait3A_40[%dma_wait3A_41, %dma_wait3A_42] : memref<10000x32xf32, #tpu.memory_space<hbm>> -> memref<16x32xf32, #tpu.memory_space<hbm>>
        %dma_wait3A_44 = arith.constant 9984 : i32
        %dma_wait3A_45 = arith.constant 0 : i32
        %dma_wait3A_46 = tpu.memref_slice %arg8[%dma_wait3A_44, %dma_wait3A_45] : memref<10000x32xf32, #tpu.memory_space<vmem_shared>> -> memref<16x32xf32, #tpu.memory_space<vmem_shared>>
        tpu.wait_dma2 semaphore(%run_scoped3A : memref<!tpu.dma_semaphore, #tpu.memory_space<semaphore_mem>>) src(%dma_wait3A_46 : memref<16x32xf32, #tpu.memory_space<vmem_shared>>) dst(%dma_wait3A_43 : memref<16x32xf32, #tpu.memory_space<hbm>>)
        tpu.yield
      }) : () -> ()
    } else {
    }
    return
  }
}

#map = affine_map<(d0, d1) -> (0, 0)>
#map1 = affine_map<(d0, d1) -> (0)>
module attributes {stable_mosaic.version = 14 : i64} {
  func.func @_gather_body(%arg0: i32, %arg1: i32, %arg2: memref<10000x32xf32, #tpu.memory_space<hbm>>, %arg3: memref<160000xi32, #tpu.memory_space<hbm>>, %arg4: memref<160000x32xf32, #tpu.memory_space<hbm>>, %arg5: memref<1000xi32, #tpu.memory_space<vmem>>, %arg6: memref<1000x32xf32, #tpu.memory_space<vmem>>, %arg7: memref<!tpu.dma_semaphore, #tpu.memory_space<semaphore_mem>>) attributes {dimension_semantics = [#tpu.dimension_semantics<core_parallel>, #tpu.dimension_semantics<subcore_parallel>], iteration_bounds = array<i64: 2, 16>, scalar_prefetch = 0 : i64, scratch_operands = 3 : i64, tpu.core_type = #tpu.core_type<sc_vector_subcore>, window_params = [{transform_indices = #map}, {transform_indices = #map1}, {transform_indices = #map}]} {
    %mul3A = arith.constant 2 : i32
    %mul3A_0 = arith.muli %arg1, %mul3A : i32
    %add3A = arith.addi %mul3A_0, %arg0 : i32
    %mul3A_1 = arith.constant 5000 : i32
    %mul3A_2 = arith.muli %add3A, %mul3A_1 : i32
    %add3A_3 = arith.constant 0 : i32
    %add3A_4 = arith.addi %mul3A_2, %add3A_3 : i32
    "tpu.region"() ({
      %run_scoped3A = tpu.sem_alloc : memref<!tpu.dma_semaphore, #tpu.memory_space<semaphore_mem>>
      %dma_start3A_41 = tpu.memref_slice %arg3[%add3A_4] : memref<160000xi32, #tpu.memory_space<hbm>> -> memref<1000xi32, #tpu.memory_space<hbm>>
      %dma_start3A_42 = tpu.memref_slice %arg3[%add3A_4] : memref<160000xi32, #tpu.memory_space<hbm>> -> memref<1000xi32, #tpu.memory_space<hbm>>
      tpu.enqueue_dma source(%dma_start3A_42 : memref<1000xi32, #tpu.memory_space<hbm>>) target(%arg5 : memref<1000xi32, #tpu.memory_space<vmem>>) target_semaphore(%run_scoped3A : memref<!tpu.dma_semaphore, #tpu.memory_space<semaphore_mem>>)
      %dma_wait3A_43 = tpu.memref_slice %arg3[%add3A_4] : memref<160000xi32, #tpu.memory_space<hbm>> -> memref<1000xi32, #tpu.memory_space<hbm>>
      %dma_wait3A_44 = tpu.memref_slice %arg3[%add3A_4] : memref<160000xi32, #tpu.memory_space<hbm>> -> memref<1000xi32, #tpu.memory_space<hbm>>
      tpu.wait_dma2 semaphore(%run_scoped3A : memref<!tpu.dma_semaphore, #tpu.memory_space<semaphore_mem>>) src(%dma_wait3A_44 : memref<1000xi32, #tpu.memory_space<hbm>>) dst(%arg5 : memref<1000xi32, #tpu.memory_space<vmem>>)
      tpu.yield
    }) : () -> ()
    %dma_start3A = arith.constant 0 : i32
    %dma_start3A_5 = arith.constant 0 : i32
    %dma_start3A_6 = tpu.memref_slice %arg2[%dma_start3A, %dma_start3A_5] : memref<10000x32xf32, #tpu.memory_space<hbm>> -> memref<10000x32xf32, #tpu.memory_space<hbm>>
    tpu.enqueue_indirect_dma source(%dma_start3A_6 : memref<10000x32xf32, #tpu.memory_space<hbm>>) target(%arg6 : memref<1000x32xf32, #tpu.memory_space<vmem>>) offsets(%arg5 : memref<1000xi32, #tpu.memory_space<vmem>>) semaphore(%arg7 : memref<!tpu.dma_semaphore, #tpu.memory_space<semaphore_mem>>)
    %dma_wait3A = arith.constant 0 : i32
    %dma_wait3A_7 = arith.constant 0 : i32
    %dma_wait3A_8 = tpu.memref_slice %arg2[%dma_wait3A, %dma_wait3A_7] : memref<10000x32xf32, #tpu.memory_space<hbm>> -> memref<10000x32xf32, #tpu.memory_space<hbm>>
    tpu.wait_indirect_dma semaphore(%arg7 : memref<!tpu.dma_semaphore, #tpu.memory_space<semaphore_mem>>) src(%dma_wait3A_8 : memref<10000x32xf32, #tpu.memory_space<hbm>>) dst(%arg6 : memref<1000x32xf32, #tpu.memory_space<vmem>>)
    "tpu.region"() ({
      %run_scoped3A = tpu.sem_alloc : memref<!tpu.dma_semaphore, #tpu.memory_space<semaphore_mem>>
      %dma_start3A_41 = arith.constant 0 : i32
      %dma_start3A_42 = tpu.memref_slice %arg4[%add3A_4, %dma_start3A_41] : memref<160000x32xf32, #tpu.memory_space<hbm>> -> memref<1000x32xf32, #tpu.memory_space<hbm>>
      %dma_start3A_43 = arith.constant 0 : i32
      %dma_start3A_44 = tpu.memref_slice %arg4[%add3A_4, %dma_start3A_43] : memref<160000x32xf32, #tpu.memory_space<hbm>> -> memref<1000x32xf32, #tpu.memory_space<hbm>>
      tpu.enqueue_dma source(%arg6 : memref<1000x32xf32, #tpu.memory_space<vmem>>) target(%dma_start3A_44 : memref<1000x32xf32, #tpu.memory_space<hbm>>) target_semaphore(%run_scoped3A : memref<!tpu.dma_semaphore, #tpu.memory_space<semaphore_mem>>)
      %dma_wait3A_45 = arith.constant 0 : i32
      %dma_wait3A_46 = tpu.memref_slice %arg4[%add3A_4, %dma_wait3A_45] : memref<160000x32xf32, #tpu.memory_space<hbm>> -> memref<1000x32xf32, #tpu.memory_space<hbm>>
      %dma_wait3A_47 = arith.constant 0 : i32
      %dma_wait3A_48 = tpu.memref_slice %arg4[%add3A_4, %dma_wait3A_47] : memref<160000x32xf32, #tpu.memory_space<hbm>> -> memref<1000x32xf32, #tpu.memory_space<hbm>>
      tpu.wait_dma2 semaphore(%run_scoped3A : memref<!tpu.dma_semaphore, #tpu.memory_space<semaphore_mem>>) src(%arg6 : memref<1000x32xf32, #tpu.memory_space<vmem>>) dst(%dma_wait3A_48 : memref<1000x32xf32, #tpu.memory_space<hbm>>)
      tpu.yield
    }) : () -> ()
    %add3A_9 = arith.constant 1000 : i32
    %add3A_10 = arith.addi %mul3A_2, %add3A_9 : i32
    "tpu.region"() ({
      %run_scoped3A = tpu.sem_alloc : memref<!tpu.dma_semaphore, #tpu.memory_space<semaphore_mem>>
      %dma_start3A_41 = tpu.memref_slice %arg3[%add3A_10] : memref<160000xi32, #tpu.memory_space<hbm>> -> memref<1000xi32, #tpu.memory_space<hbm>>
      %dma_start3A_42 = tpu.memref_slice %arg3[%add3A_10] : memref<160000xi32, #tpu.memory_space<hbm>> -> memref<1000xi32, #tpu.memory_space<hbm>>
      tpu.enqueue_dma source(%dma_start3A_42 : memref<1000xi32, #tpu.memory_space<hbm>>) target(%arg5 : memref<1000xi32, #tpu.memory_space<vmem>>) target_semaphore(%run_scoped3A : memref<!tpu.dma_semaphore, #tpu.memory_space<semaphore_mem>>)
      %dma_wait3A_43 = tpu.memref_slice %arg3[%add3A_10] : memref<160000xi32, #tpu.memory_space<hbm>> -> memref<1000xi32, #tpu.memory_space<hbm>>
      %dma_wait3A_44 = tpu.memref_slice %arg3[%add3A_10] : memref<160000xi32, #tpu.memory_space<hbm>> -> memref<1000xi32, #tpu.memory_space<hbm>>
      tpu.wait_dma2 semaphore(%run_scoped3A : memref<!tpu.dma_semaphore, #tpu.memory_space<semaphore_mem>>) src(%dma_wait3A_44 : memref<1000xi32, #tpu.memory_space<hbm>>) dst(%arg5 : memref<1000xi32, #tpu.memory_space<vmem>>)
      tpu.yield
    }) : () -> ()
    %dma_start3A_11 = arith.constant 0 : i32
    %dma_start3A_12 = arith.constant 0 : i32
    %dma_start3A_13 = tpu.memref_slice %arg2[%dma_start3A_11, %dma_start3A_12] : memref<10000x32xf32, #tpu.memory_space<hbm>> -> memref<10000x32xf32, #tpu.memory_space<hbm>>
    tpu.enqueue_indirect_dma source(%dma_start3A_13 : memref<10000x32xf32, #tpu.memory_space<hbm>>) target(%arg6 : memref<1000x32xf32, #tpu.memory_space<vmem>>) offsets(%arg5 : memref<1000xi32, #tpu.memory_space<vmem>>) semaphore(%arg7 : memref<!tpu.dma_semaphore, #tpu.memory_space<semaphore_mem>>)
    %dma_wait3A_14 = arith.constant 0 : i32
    %dma_wait3A_15 = arith.constant 0 : i32
    %dma_wait3A_16 = tpu.memref_slice %arg2[%dma_wait3A_14, %dma_wait3A_15] : memref<10000x32xf32, #tpu.memory_space<hbm>> -> memref<10000x32xf32, #tpu.memory_space<hbm>>
    tpu.wait_indirect_dma semaphore(%arg7 : memref<!tpu.dma_semaphore, #tpu.memory_space<semaphore_mem>>) src(%dma_wait3A_16 : memref<10000x32xf32, #tpu.memory_space<hbm>>) dst(%arg6 : memref<1000x32xf32, #tpu.memory_space<vmem>>)
    "tpu.region"() ({
      %run_scoped3A = tpu.sem_alloc : memref<!tpu.dma_semaphore, #tpu.memory_space<semaphore_mem>>
      %dma_start3A_41 = arith.constant 0 : i32
      %dma_start3A_42 = tpu.memref_slice %arg4[%add3A_10, %dma_start3A_41] : memref<160000x32xf32, #tpu.memory_space<hbm>> -> memref<1000x32xf32, #tpu.memory_space<hbm>>
      %dma_start3A_43 = arith.constant 0 : i32
      %dma_start3A_44 = tpu.memref_slice %arg4[%add3A_10, %dma_start3A_43] : memref<160000x32xf32, #tpu.memory_space<hbm>> -> memref<1000x32xf32, #tpu.memory_space<hbm>>
      tpu.enqueue_dma source(%arg6 : memref<1000x32xf32, #tpu.memory_space<vmem>>) target(%dma_start3A_44 : memref<1000x32xf32, #tpu.memory_space<hbm>>) target_semaphore(%run_scoped3A : memref<!tpu.dma_semaphore, #tpu.memory_space<semaphore_mem>>)
      %dma_wait3A_45 = arith.constant 0 : i32
      %dma_wait3A_46 = tpu.memref_slice %arg4[%add3A_10, %dma_wait3A_45] : memref<160000x32xf32, #tpu.memory_space<hbm>> -> memref<1000x32xf32, #tpu.memory_space<hbm>>
      %dma_wait3A_47 = arith.constant 0 : i32
      %dma_wait3A_48 = tpu.memref_slice %arg4[%add3A_10, %dma_wait3A_47] : memref<160000x32xf32, #tpu.memory_space<hbm>> -> memref<1000x32xf32, #tpu.memory_space<hbm>>
      tpu.wait_dma2 semaphore(%run_scoped3A : memref<!tpu.dma_semaphore, #tpu.memory_space<semaphore_mem>>) src(%arg6 : memref<1000x32xf32, #tpu.memory_space<vmem>>) dst(%dma_wait3A_48 : memref<1000x32xf32, #tpu.memory_space<hbm>>)
      tpu.yield
    }) : () -> ()
    %add3A_17 = arith.constant 2000 : i32
    %add3A_18 = arith.addi %mul3A_2, %add3A_17 : i32
    "tpu.region"() ({
      %run_scoped3A = tpu.sem_alloc : memref<!tpu.dma_semaphore, #tpu.memory_space<semaphore_mem>>
      %dma_start3A_41 = tpu.memref_slice %arg3[%add3A_18] : memref<160000xi32, #tpu.memory_space<hbm>> -> memref<1000xi32, #tpu.memory_space<hbm>>
      %dma_start3A_42 = tpu.memref_slice %arg3[%add3A_18] : memref<160000xi32, #tpu.memory_space<hbm>> -> memref<1000xi32, #tpu.memory_space<hbm>>
      tpu.enqueue_dma source(%dma_start3A_42 : memref<1000xi32, #tpu.memory_space<hbm>>) target(%arg5 : memref<1000xi32, #tpu.memory_space<vmem>>) target_semaphore(%run_scoped3A : memref<!tpu.dma_semaphore, #tpu.memory_space<semaphore_mem>>)
      %dma_wait3A_43 = tpu.memref_slice %arg3[%add3A_18] : memref<160000xi32, #tpu.memory_space<hbm>> -> memref<1000xi32, #tpu.memory_space<hbm>>
      %dma_wait3A_44 = tpu.memref_slice %arg3[%add3A_18] : memref<160000xi32, #tpu.memory_space<hbm>> -> memref<1000xi32, #tpu.memory_space<hbm>>
      tpu.wait_dma2 semaphore(%run_scoped3A : memref<!tpu.dma_semaphore, #tpu.memory_space<semaphore_mem>>) src(%dma_wait3A_44 : memref<1000xi32, #tpu.memory_space<hbm>>) dst(%arg5 : memref<1000xi32, #tpu.memory_space<vmem>>)
      tpu.yield
    }) : () -> ()
    %dma_start3A_19 = arith.constant 0 : i32
    %dma_start3A_20 = arith.constant 0 : i32
    %dma_start3A_21 = tpu.memref_slice %arg2[%dma_start3A_19, %dma_start3A_20] : memref<10000x32xf32, #tpu.memory_space<hbm>> -> memref<10000x32xf32, #tpu.memory_space<hbm>>
    tpu.enqueue_indirect_dma source(%dma_start3A_21 : memref<10000x32xf32, #tpu.memory_space<hbm>>) target(%arg6 : memref<1000x32xf32, #tpu.memory_space<vmem>>) offsets(%arg5 : memref<1000xi32, #tpu.memory_space<vmem>>) semaphore(%arg7 : memref<!tpu.dma_semaphore, #tpu.memory_space<semaphore_mem>>)
    %dma_wait3A_22 = arith.constant 0 : i32
    %dma_wait3A_23 = arith.constant 0 : i32
    %dma_wait3A_24 = tpu.memref_slice %arg2[%dma_wait3A_22, %dma_wait3A_23] : memref<10000x32xf32, #tpu.memory_space<hbm>> -> memref<10000x32xf32, #tpu.memory_space<hbm>>
    tpu.wait_indirect_dma semaphore(%arg7 : memref<!tpu.dma_semaphore, #tpu.memory_space<semaphore_mem>>) src(%dma_wait3A_24 : memref<10000x32xf32, #tpu.memory_space<hbm>>) dst(%arg6 : memref<1000x32xf32, #tpu.memory_space<vmem>>)
    "tpu.region"() ({
      %run_scoped3A = tpu.sem_alloc : memref<!tpu.dma_semaphore, #tpu.memory_space<semaphore_mem>>
      %dma_start3A_41 = arith.constant 0 : i32
      %dma_start3A_42 = tpu.memref_slice %arg4[%add3A_18, %dma_start3A_41] : memref<160000x32xf32, #tpu.memory_space<hbm>> -> memref<1000x32xf32, #tpu.memory_space<hbm>>
      %dma_start3A_43 = arith.constant 0 : i32
      %dma_start3A_44 = tpu.memref_slice %arg4[%add3A_18, %dma_start3A_43] : memref<160000x32xf32, #tpu.memory_space<hbm>> -> memref<1000x32xf32, #tpu.memory_space<hbm>>
      tpu.enqueue_dma source(%arg6 : memref<1000x32xf32, #tpu.memory_space<vmem>>) target(%dma_start3A_44 : memref<1000x32xf32, #tpu.memory_space<hbm>>) target_semaphore(%run_scoped3A : memref<!tpu.dma_semaphore, #tpu.memory_space<semaphore_mem>>)
      %dma_wait3A_45 = arith.constant 0 : i32
      %dma_wait3A_46 = tpu.memref_slice %arg4[%add3A_18, %dma_wait3A_45] : memref<160000x32xf32, #tpu.memory_space<hbm>> -> memref<1000x32xf32, #tpu.memory_space<hbm>>
      %dma_wait3A_47 = arith.constant 0 : i32
      %dma_wait3A_48 = tpu.memref_slice %arg4[%add3A_18, %dma_wait3A_47] : memref<160000x32xf32, #tpu.memory_space<hbm>> -> memref<1000x32xf32, #tpu.memory_space<hbm>>
      tpu.wait_dma2 semaphore(%run_scoped3A : memref<!tpu.dma_semaphore, #tpu.memory_space<semaphore_mem>>) src(%arg6 : memref<1000x32xf32, #tpu.memory_space<vmem>>) dst(%dma_wait3A_48 : memref<1000x32xf32, #tpu.memory_space<hbm>>)
      tpu.yield
    }) : () -> ()
    %add3A_25 = arith.constant 3000 : i32
    %add3A_26 = arith.addi %mul3A_2, %add3A_25 : i32
    "tpu.region"() ({
      %run_scoped3A = tpu.sem_alloc : memref<!tpu.dma_semaphore, #tpu.memory_space<semaphore_mem>>
      %dma_start3A_41 = tpu.memref_slice %arg3[%add3A_26] : memref<160000xi32, #tpu.memory_space<hbm>> -> memref<1000xi32, #tpu.memory_space<hbm>>
      %dma_start3A_42 = tpu.memref_slice %arg3[%add3A_26] : memref<160000xi32, #tpu.memory_space<hbm>> -> memref<1000xi32, #tpu.memory_space<hbm>>
      tpu.enqueue_dma source(%dma_start3A_42 : memref<1000xi32, #tpu.memory_space<hbm>>) target(%arg5 : memref<1000xi32, #tpu.memory_space<vmem>>) target_semaphore(%run_scoped3A : memref<!tpu.dma_semaphore, #tpu.memory_space<semaphore_mem>>)
      %dma_wait3A_43 = tpu.memref_slice %arg3[%add3A_26] : memref<160000xi32, #tpu.memory_space<hbm>> -> memref<1000xi32, #tpu.memory_space<hbm>>
      %dma_wait3A_44 = tpu.memref_slice %arg3[%add3A_26] : memref<160000xi32, #tpu.memory_space<hbm>> -> memref<1000xi32, #tpu.memory_space<hbm>>
      tpu.wait_dma2 semaphore(%run_scoped3A : memref<!tpu.dma_semaphore, #tpu.memory_space<semaphore_mem>>) src(%dma_wait3A_44 : memref<1000xi32, #tpu.memory_space<hbm>>) dst(%arg5 : memref<1000xi32, #tpu.memory_space<vmem>>)
      tpu.yield
    }) : () -> ()
    %dma_start3A_27 = arith.constant 0 : i32
    %dma_start3A_28 = arith.constant 0 : i32
    %dma_start3A_29 = tpu.memref_slice %arg2[%dma_start3A_27, %dma_start3A_28] : memref<10000x32xf32, #tpu.memory_space<hbm>> -> memref<10000x32xf32, #tpu.memory_space<hbm>>
    tpu.enqueue_indirect_dma source(%dma_start3A_29 : memref<10000x32xf32, #tpu.memory_space<hbm>>) target(%arg6 : memref<1000x32xf32, #tpu.memory_space<vmem>>) offsets(%arg5 : memref<1000xi32, #tpu.memory_space<vmem>>) semaphore(%arg7 : memref<!tpu.dma_semaphore, #tpu.memory_space<semaphore_mem>>)
    %dma_wait3A_30 = arith.constant 0 : i32
    %dma_wait3A_31 = arith.constant 0 : i32
    %dma_wait3A_32 = tpu.memref_slice %arg2[%dma_wait3A_30, %dma_wait3A_31] : memref<10000x32xf32, #tpu.memory_space<hbm>> -> memref<10000x32xf32, #tpu.memory_space<hbm>>
    tpu.wait_indirect_dma semaphore(%arg7 : memref<!tpu.dma_semaphore, #tpu.memory_space<semaphore_mem>>) src(%dma_wait3A_32 : memref<10000x32xf32, #tpu.memory_space<hbm>>) dst(%arg6 : memref<1000x32xf32, #tpu.memory_space<vmem>>)
    "tpu.region"() ({
      %run_scoped3A = tpu.sem_alloc : memref<!tpu.dma_semaphore, #tpu.memory_space<semaphore_mem>>
      %dma_start3A_41 = arith.constant 0 : i32
      %dma_start3A_42 = tpu.memref_slice %arg4[%add3A_26, %dma_start3A_41] : memref<160000x32xf32, #tpu.memory_space<hbm>> -> memref<1000x32xf32, #tpu.memory_space<hbm>>
      %dma_start3A_43 = arith.constant 0 : i32
      %dma_start3A_44 = tpu.memref_slice %arg4[%add3A_26, %dma_start3A_43] : memref<160000x32xf32, #tpu.memory_space<hbm>> -> memref<1000x32xf32, #tpu.memory_space<hbm>>
      tpu.enqueue_dma source(%arg6 : memref<1000x32xf32, #tpu.memory_space<vmem>>) target(%dma_start3A_44 : memref<1000x32xf32, #tpu.memory_space<hbm>>) target_semaphore(%run_scoped3A : memref<!tpu.dma_semaphore, #tpu.memory_space<semaphore_mem>>)
      %dma_wait3A_45 = arith.constant 0 : i32
      %dma_wait3A_46 = tpu.memref_slice %arg4[%add3A_26, %dma_wait3A_45] : memref<160000x32xf32, #tpu.memory_space<hbm>> -> memref<1000x32xf32, #tpu.memory_space<hbm>>
      %dma_wait3A_47 = arith.constant 0 : i32
      %dma_wait3A_48 = tpu.memref_slice %arg4[%add3A_26, %dma_wait3A_47] : memref<160000x32xf32, #tpu.memory_space<hbm>> -> memref<1000x32xf32, #tpu.memory_space<hbm>>
      tpu.wait_dma2 semaphore(%run_scoped3A : memref<!tpu.dma_semaphore, #tpu.memory_space<semaphore_mem>>) src(%arg6 : memref<1000x32xf32, #tpu.memory_space<vmem>>) dst(%dma_wait3A_48 : memref<1000x32xf32, #tpu.memory_space<hbm>>)
      tpu.yield
    }) : () -> ()
    %add3A_33 = arith.constant 4000 : i32
    %add3A_34 = arith.addi %mul3A_2, %add3A_33 : i32
    "tpu.region"() ({
      %run_scoped3A = tpu.sem_alloc : memref<!tpu.dma_semaphore, #tpu.memory_space<semaphore_mem>>
      %dma_start3A_41 = tpu.memref_slice %arg3[%add3A_34] : memref<160000xi32, #tpu.memory_space<hbm>> -> memref<1000xi32, #tpu.memory_space<hbm>>
      %dma_start3A_42 = tpu.memref_slice %arg3[%add3A_34] : memref<160000xi32, #tpu.memory_space<hbm>> -> memref<1000xi32, #tpu.memory_space<hbm>>
      tpu.enqueue_dma source(%dma_start3A_42 : memref<1000xi32, #tpu.memory_space<hbm>>) target(%arg5 : memref<1000xi32, #tpu.memory_space<vmem>>) target_semaphore(%run_scoped3A : memref<!tpu.dma_semaphore, #tpu.memory_space<semaphore_mem>>)
      %dma_wait3A_43 = tpu.memref_slice %arg3[%add3A_34] : memref<160000xi32, #tpu.memory_space<hbm>> -> memref<1000xi32, #tpu.memory_space<hbm>>
      %dma_wait3A_44 = tpu.memref_slice %arg3[%add3A_34] : memref<160000xi32, #tpu.memory_space<hbm>> -> memref<1000xi32, #tpu.memory_space<hbm>>
      tpu.wait_dma2 semaphore(%run_scoped3A : memref<!tpu.dma_semaphore, #tpu.memory_space<semaphore_mem>>) src(%dma_wait3A_44 : memref<1000xi32, #tpu.memory_space<hbm>>) dst(%arg5 : memref<1000xi32, #tpu.memory_space<vmem>>)
      tpu.yield
    }) : () -> ()
    %dma_start3A_35 = arith.constant 0 : i32
    %dma_start3A_36 = arith.constant 0 : i32
    %dma_start3A_37 = tpu.memref_slice %arg2[%dma_start3A_35, %dma_start3A_36] : memref<10000x32xf32, #tpu.memory_space<hbm>> -> memref<10000x32xf32, #tpu.memory_space<hbm>>
    tpu.enqueue_indirect_dma source(%dma_start3A_37 : memref<10000x32xf32, #tpu.memory_space<hbm>>) target(%arg6 : memref<1000x32xf32, #tpu.memory_space<vmem>>) offsets(%arg5 : memref<1000xi32, #tpu.memory_space<vmem>>) semaphore(%arg7 : memref<!tpu.dma_semaphore, #tpu.memory_space<semaphore_mem>>)
    %dma_wait3A_38 = arith.constant 0 : i32
    %dma_wait3A_39 = arith.constant 0 : i32
    %dma_wait3A_40 = tpu.memref_slice %arg2[%dma_wait3A_38, %dma_wait3A_39] : memref<10000x32xf32, #tpu.memory_space<hbm>> -> memref<10000x32xf32, #tpu.memory_space<hbm>>
    tpu.wait_indirect_dma semaphore(%arg7 : memref<!tpu.dma_semaphore, #tpu.memory_space<semaphore_mem>>) src(%dma_wait3A_40 : memref<10000x32xf32, #tpu.memory_space<hbm>>) dst(%arg6 : memref<1000x32xf32, #tpu.memory_space<vmem>>)
    "tpu.region"() ({
      %run_scoped3A = tpu.sem_alloc : memref<!tpu.dma_semaphore, #tpu.memory_space<semaphore_mem>>
      %dma_start3A_41 = arith.constant 0 : i32
      %dma_start3A_42 = tpu.memref_slice %arg4[%add3A_34, %dma_start3A_41] : memref<160000x32xf32, #tpu.memory_space<hbm>> -> memref<1000x32xf32, #tpu.memory_space<hbm>>
      %dma_start3A_43 = arith.constant 0 : i32
      %dma_start3A_44 = tpu.memref_slice %arg4[%add3A_34, %dma_start3A_43] : memref<160000x32xf32, #tpu.memory_space<hbm>> -> memref<1000x32xf32, #tpu.memory_space<hbm>>
      tpu.enqueue_dma source(%arg6 : memref<1000x32xf32, #tpu.memory_space<vmem>>) target(%dma_start3A_44 : memref<1000x32xf32, #tpu.memory_space<hbm>>) target_semaphore(%run_scoped3A : memref<!tpu.dma_semaphore, #tpu.memory_space<semaphore_mem>>)
      %dma_wait3A_45 = arith.constant 0 : i32
      %dma_wait3A_46 = tpu.memref_slice %arg4[%add3A_34, %dma_wait3A_45] : memref<160000x32xf32, #tpu.memory_space<hbm>> -> memref<1000x32xf32, #tpu.memory_space<hbm>>
      %dma_wait3A_47 = arith.constant 0 : i32
      %dma_wait3A_48 = tpu.memref_slice %arg4[%add3A_34, %dma_wait3A_47] : memref<160000x32xf32, #tpu.memory_space<hbm>> -> memref<1000x32xf32, #tpu.memory_space<hbm>>
      tpu.wait_dma2 semaphore(%run_scoped3A : memref<!tpu.dma_semaphore, #tpu.memory_space<semaphore_mem>>) src(%arg6 : memref<1000x32xf32, #tpu.memory_space<vmem>>) dst(%dma_wait3A_48 : memref<1000x32xf32, #tpu.memory_space<hbm>>)
      tpu.yield
    }) : () -> ()
    return
  }
}

#map = affine_map<(d0, d1) -> (0, 0)>
#map1 = affine_map<(d0, d1) -> (0)>
#map2 = affine_map<(d0, d1) -> (0, 0, 0)>
module attributes {stable_mosaic.version = 14 : i64} {
  func.func @_scatter_body(%arg0: i32, %arg1: i32, %arg2: memref<160000x32xf32, #tpu.memory_space<hbm>>, %arg3: memref<160000xi32, #tpu.memory_space<hbm>>, %arg4: memref<10000x32xf32, #tpu.memory_space<hbm>>, %arg5: memref<2x10000x32xf32, #tpu.memory_space<hbm>>, %arg6: memref<1000xi32, #tpu.memory_space<vmem>>, %arg7: memref<1000x32xf32, #tpu.memory_space<vmem>>, %arg8: memref<10000x32xf32, #tpu.memory_space<vmem_shared>>) attributes {dimension_semantics = [#tpu.dimension_semantics<core_parallel>, #tpu.dimension_semantics<subcore_parallel>], iteration_bounds = array<i64: 2, 16>, scalar_prefetch = 0 : i64, scratch_operands = 3 : i64, tpu.core_type = #tpu.core_type<sc_vector_subcore>, window_params = [{transform_indices = #map}, {transform_indices = #map1}, {transform_indices = #map}, {transform_indices = #map2}]} {
    %mul3A = arith.constant 624 : i32
    %mul3A_0 = arith.muli %arg1, %mul3A : i32
    %mul3A_1 = arith.constant 624 : i32
    %mul3A_2 = arith.muli %arg1, %mul3A_1 : i32
    "tpu.region"() ({
      %run_scoped3A = tpu.sem_alloc : memref<!tpu.dma_semaphore, #tpu.memory_space<semaphore_mem>>
      %dma_start3A = arith.constant 0 : i32
      %dma_start3A_29 = tpu.memref_slice %arg8[%mul3A_2, %dma_start3A] : memref<10000x32xf32, #tpu.memory_space<vmem_shared>> -> memref<624x32xf32, #tpu.memory_space<vmem_shared>>
      %dma_start3A_30 = arith.constant 0 : i32
      %dma_start3A_31 = tpu.memref_slice %arg4[%mul3A_0, %dma_start3A_30] : memref<10000x32xf32, #tpu.memory_space<hbm>> -> memref<624x32xf32, #tpu.memory_space<hbm>>
      tpu.enqueue_dma source(%dma_start3A_31 : memref<624x32xf32, #tpu.memory_space<hbm>>) target(%dma_start3A_29 : memref<624x32xf32, #tpu.memory_space<vmem_shared>>) target_semaphore(%run_scoped3A : memref<!tpu.dma_semaphore, #tpu.memory_space<semaphore_mem>>)
      %dma_wait3A = arith.constant 0 : i32
      %dma_wait3A_32 = tpu.memref_slice %arg8[%mul3A_2, %dma_wait3A] : memref<10000x32xf32, #tpu.memory_space<vmem_shared>> -> memref<624x32xf32, #tpu.memory_space<vmem_shared>>
      %dma_wait3A_33 = arith.constant 0 : i32
      %dma_wait3A_34 = tpu.memref_slice %arg4[%mul3A_0, %dma_wait3A_33] : memref<10000x32xf32, #tpu.memory_space<hbm>> -> memref<624x32xf32, #tpu.memory_space<hbm>>
      tpu.wait_dma2 semaphore(%run_scoped3A : memref<!tpu.dma_semaphore, #tpu.memory_space<semaphore_mem>>) src(%dma_wait3A_34 : memref<624x32xf32, #tpu.memory_space<hbm>>) dst(%dma_wait3A_32 : memref<624x32xf32, #tpu.memory_space<vmem_shared>>)
      tpu.yield
    }) : () -> ()
    %eq3A = arith.constant 15 : i32
    %eq3A_3 = arith.cmpi eq, %arg1, %eq3A : i32
    %convert_element_type3A = arith.extui %eq3A_3 : i1 to i32
    %cond3A = arith.constant 0 : i32
    %cond3A_4 = arith.cmpi ne, %convert_element_type3A, %cond3A : i32
    scf.if %cond3A_4 {
      "tpu.region"() ({
        %run_scoped3A = tpu.sem_alloc : memref<!tpu.dma_semaphore, #tpu.memory_space<semaphore_mem>>
        %dma_start3A = arith.constant 9984 : i32
        %dma_start3A_29 = arith.constant 0 : i32
        %dma_start3A_30 = tpu.memref_slice %arg8[%dma_start3A, %dma_start3A_29] : memref<10000x32xf32, #tpu.memory_space<vmem_shared>> -> memref<16x32xf32, #tpu.memory_space<vmem_shared>>
        %dma_start3A_31 = arith.constant 9984 : i32
        %dma_start3A_32 = arith.constant 0 : i32
        %dma_start3A_33 = tpu.memref_slice %arg4[%dma_start3A_31, %dma_start3A_32] : memref<10000x32xf32, #tpu.memory_space<hbm>> -> memref<16x32xf32, #tpu.memory_space<hbm>>
        tpu.enqueue_dma source(%dma_start3A_33 : memref<16x32xf32, #tpu.memory_space<hbm>>) target(%dma_start3A_30 : memref<16x32xf32, #tpu.memory_space<vmem_shared>>) target_semaphore(%run_scoped3A : memref<!tpu.dma_semaphore, #tpu.memory_space<semaphore_mem>>)
        %dma_wait3A = arith.constant 9984 : i32
        %dma_wait3A_34 = arith.constant 0 : i32
        %dma_wait3A_35 = tpu.memref_slice %arg8[%dma_wait3A, %dma_wait3A_34] : memref<10000x32xf32, #tpu.memory_space<vmem_shared>> -> memref<16x32xf32, #tpu.memory_space<vmem_shared>>
        %dma_wait3A_36 = arith.constant 9984 : i32
        %dma_wait3A_37 = arith.constant 0 : i32
        %dma_wait3A_38 = tpu.memref_slice %arg4[%dma_wait3A_36, %dma_wait3A_37] : memref<10000x32xf32, #tpu.memory_space<hbm>> -> memref<16x32xf32, #tpu.memory_space<hbm>>
        tpu.wait_dma2 semaphore(%run_scoped3A : memref<!tpu.dma_semaphore, #tpu.memory_space<semaphore_mem>>) src(%dma_wait3A_38 : memref<16x32xf32, #tpu.memory_space<hbm>>) dst(%dma_wait3A_35 : memref<16x32xf32, #tpu.memory_space<vmem_shared>>)
        tpu.yield
      }) : () -> ()
    } else {
    }
    %barrier3A = arith.constant 0 : index
    tpu.barrier barrier_id(%barrier3A)
    %mul3A_5 = arith.constant 2 : i32
    %mul3A_6 = arith.muli %arg1, %mul3A_5 : i32
    %add3A = arith.addi %mul3A_6, %arg0 : i32
    %mul3A_7 = arith.constant 5000 : i32
    %mul3A_8 = arith.muli %add3A, %mul3A_7 : i32
    %add3A_9 = arith.constant 0 : i32
    %add3A_10 = arith.addi %mul3A_8, %add3A_9 : i32
    "tpu.region"() ({
      %run_scoped3A = tpu.sem_alloc : memref<!tpu.dma_semaphore, #tpu.memory_space<semaphore_mem>>
      %dma_start3A = tpu.memref_slice %arg3[%add3A_10] : memref<160000xi32, #tpu.memory_space<hbm>> -> memref<1000xi32, #tpu.memory_space<hbm>>
      %dma_start3A_29 = tpu.memref_slice %arg3[%add3A_10] : memref<160000xi32, #tpu.memory_space<hbm>> -> memref<1000xi32, #tpu.memory_space<hbm>>
      tpu.enqueue_dma source(%dma_start3A_29 : memref<1000xi32, #tpu.memory_space<hbm>>) target(%arg6 : memref<1000xi32, #tpu.memory_space<vmem>>) target_semaphore(%run_scoped3A : memref<!tpu.dma_semaphore, #tpu.memory_space<semaphore_mem>>)
      %dma_wait3A = tpu.memref_slice %arg3[%add3A_10] : memref<160000xi32, #tpu.memory_space<hbm>> -> memref<1000xi32, #tpu.memory_space<hbm>>
      %dma_wait3A_30 = tpu.memref_slice %arg3[%add3A_10] : memref<160000xi32, #tpu.memory_space<hbm>> -> memref<1000xi32, #tpu.memory_space<hbm>>
      tpu.wait_dma2 semaphore(%run_scoped3A : memref<!tpu.dma_semaphore, #tpu.memory_space<semaphore_mem>>) src(%dma_wait3A_30 : memref<1000xi32, #tpu.memory_space<hbm>>) dst(%arg6 : memref<1000xi32, #tpu.memory_space<vmem>>)
      tpu.yield
    }) : () -> ()
    "tpu.region"() ({
      %run_scoped3A = tpu.sem_alloc : memref<!tpu.dma_semaphore, #tpu.memory_space<semaphore_mem>>
      %dma_start3A = arith.constant 0 : i32
      %dma_start3A_29 = tpu.memref_slice %arg2[%add3A_10, %dma_start3A] : memref<160000x32xf32, #tpu.memory_space<hbm>> -> memref<1000x32xf32, #tpu.memory_space<hbm>>
      %dma_start3A_30 = arith.constant 0 : i32
      %dma_start3A_31 = tpu.memref_slice %arg2[%add3A_10, %dma_start3A_30] : memref<160000x32xf32, #tpu.memory_space<hbm>> -> memref<1000x32xf32, #tpu.memory_space<hbm>>
      tpu.enqueue_dma source(%dma_start3A_31 : memref<1000x32xf32, #tpu.memory_space<hbm>>) target(%arg7 : memref<1000x32xf32, #tpu.memory_space<vmem>>) target_semaphore(%run_scoped3A : memref<!tpu.dma_semaphore, #tpu.memory_space<semaphore_mem>>)
      %dma_wait3A = arith.constant 0 : i32
      %dma_wait3A_32 = tpu.memref_slice %arg2[%add3A_10, %dma_wait3A] : memref<160000x32xf32, #tpu.memory_space<hbm>> -> memref<1000x32xf32, #tpu.memory_space<hbm>>
      %dma_wait3A_33 = arith.constant 0 : i32
      %dma_wait3A_34 = tpu.memref_slice %arg2[%add3A_10, %dma_wait3A_33] : memref<160000x32xf32, #tpu.memory_space<hbm>> -> memref<1000x32xf32, #tpu.memory_space<hbm>>
      tpu.wait_dma2 semaphore(%run_scoped3A : memref<!tpu.dma_semaphore, #tpu.memory_space<semaphore_mem>>) src(%dma_wait3A_34 : memref<1000x32xf32, #tpu.memory_space<hbm>>) dst(%arg7 : memref<1000x32xf32, #tpu.memory_space<vmem>>)
      tpu.yield
    }) : () -> ()
    "tpu.region"() ({
      %run_scoped3A = tpu.sem_alloc : memref<!tpu.dma_semaphore, #tpu.memory_space<semaphore_mem>>
      %dma_start3A = arith.constant 0 : i32
      %dma_start3A_29 = arith.constant 0 : i32
      %dma_start3A_30 = tpu.memref_slice %arg8[%dma_start3A, %dma_start3A_29] : memref<10000x32xf32, #tpu.memory_space<vmem_shared>> -> memref<10000x32xf32, #tpu.memory_space<vmem_shared>>
      tpu.enqueue_indirect_dma source(%arg7 : memref<1000x32xf32, #tpu.memory_space<vmem>>) target(%dma_start3A_30 : memref<10000x32xf32, #tpu.memory_space<vmem_shared>>) offsets(%arg6 : memref<1000xi32, #tpu.memory_space<vmem>>) semaphore(%run_scoped3A : memref<!tpu.dma_semaphore, #tpu.memory_space<semaphore_mem>>) {add = true}
      %dma_wait3A = arith.constant 0 : i32
      %dma_wait3A_31 = arith.constant 0 : i32
      %dma_wait3A_32 = tpu.memref_slice %arg8[%dma_wait3A, %dma_wait3A_31] : memref<10000x32xf32, #tpu.memory_space<vmem_shared>> -> memref<10000x32xf32, #tpu.memory_space<vmem_shared>>
      tpu.wait_indirect_dma semaphore(%run_scoped3A : memref<!tpu.dma_semaphore, #tpu.memory_space<semaphore_mem>>) src(%arg7 : memref<1000x32xf32, #tpu.memory_space<vmem>>) dst(%dma_wait3A_32 : memref<10000x32xf32, #tpu.memory_space<vmem_shared>>)
      tpu.yield
    }) : () -> ()
    %add3A_11 = arith.constant 1000 : i32
    %add3A_12 = arith.addi %mul3A_8, %add3A_11 : i32
    "tpu.region"() ({
      %run_scoped3A = tpu.sem_alloc : memref<!tpu.dma_semaphore, #tpu.memory_space<semaphore_mem>>
      %dma_start3A = tpu.memref_slice %arg3[%add3A_12] : memref<160000xi32, #tpu.memory_space<hbm>> -> memref<1000xi32, #tpu.memory_space<hbm>>
      %dma_start3A_29 = tpu.memref_slice %arg3[%add3A_12] : memref<160000xi32, #tpu.memory_space<hbm>> -> memref<1000xi32, #tpu.memory_space<hbm>>
      tpu.enqueue_dma source(%dma_start3A_29 : memref<1000xi32, #tpu.memory_space<hbm>>) target(%arg6 : memref<1000xi32, #tpu.memory_space<vmem>>) target_semaphore(%run_scoped3A : memref<!tpu.dma_semaphore, #tpu.memory_space<semaphore_mem>>)
      %dma_wait3A = tpu.memref_slice %arg3[%add3A_12] : memref<160000xi32, #tpu.memory_space<hbm>> -> memref<1000xi32, #tpu.memory_space<hbm>>
      %dma_wait3A_30 = tpu.memref_slice %arg3[%add3A_12] : memref<160000xi32, #tpu.memory_space<hbm>> -> memref<1000xi32, #tpu.memory_space<hbm>>
      tpu.wait_dma2 semaphore(%run_scoped3A : memref<!tpu.dma_semaphore, #tpu.memory_space<semaphore_mem>>) src(%dma_wait3A_30 : memref<1000xi32, #tpu.memory_space<hbm>>) dst(%arg6 : memref<1000xi32, #tpu.memory_space<vmem>>)
      tpu.yield
    }) : () -> ()
    "tpu.region"() ({
      %run_scoped3A = tpu.sem_alloc : memref<!tpu.dma_semaphore, #tpu.memory_space<semaphore_mem>>
      %dma_start3A = arith.constant 0 : i32
      %dma_start3A_29 = tpu.memref_slice %arg2[%add3A_12, %dma_start3A] : memref<160000x32xf32, #tpu.memory_space<hbm>> -> memref<1000x32xf32, #tpu.memory_space<hbm>>
      %dma_start3A_30 = arith.constant 0 : i32
      %dma_start3A_31 = tpu.memref_slice %arg2[%add3A_12, %dma_start3A_30] : memref<160000x32xf32, #tpu.memory_space<hbm>> -> memref<1000x32xf32, #tpu.memory_space<hbm>>
      tpu.enqueue_dma source(%dma_start3A_31 : memref<1000x32xf32, #tpu.memory_space<hbm>>) target(%arg7 : memref<1000x32xf32, #tpu.memory_space<vmem>>) target_semaphore(%run_scoped3A : memref<!tpu.dma_semaphore, #tpu.memory_space<semaphore_mem>>)
      %dma_wait3A = arith.constant 0 : i32
      %dma_wait3A_32 = tpu.memref_slice %arg2[%add3A_12, %dma_wait3A] : memref<160000x32xf32, #tpu.memory_space<hbm>> -> memref<1000x32xf32, #tpu.memory_space<hbm>>
      %dma_wait3A_33 = arith.constant 0 : i32
      %dma_wait3A_34 = tpu.memref_slice %arg2[%add3A_12, %dma_wait3A_33] : memref<160000x32xf32, #tpu.memory_space<hbm>> -> memref<1000x32xf32, #tpu.memory_space<hbm>>
      tpu.wait_dma2 semaphore(%run_scoped3A : memref<!tpu.dma_semaphore, #tpu.memory_space<semaphore_mem>>) src(%dma_wait3A_34 : memref<1000x32xf32, #tpu.memory_space<hbm>>) dst(%arg7 : memref<1000x32xf32, #tpu.memory_space<vmem>>)
      tpu.yield
    }) : () -> ()
    "tpu.region"() ({
      %run_scoped3A = tpu.sem_alloc : memref<!tpu.dma_semaphore, #tpu.memory_space<semaphore_mem>>
      %dma_start3A = arith.constant 0 : i32
      %dma_start3A_29 = arith.constant 0 : i32
      %dma_start3A_30 = tpu.memref_slice %arg8[%dma_start3A, %dma_start3A_29] : memref<10000x32xf32, #tpu.memory_space<vmem_shared>> -> memref<10000x32xf32, #tpu.memory_space<vmem_shared>>
      tpu.enqueue_indirect_dma source(%arg7 : memref<1000x32xf32, #tpu.memory_space<vmem>>) target(%dma_start3A_30 : memref<10000x32xf32, #tpu.memory_space<vmem_shared>>) offsets(%arg6 : memref<1000xi32, #tpu.memory_space<vmem>>) semaphore(%run_scoped3A : memref<!tpu.dma_semaphore, #tpu.memory_space<semaphore_mem>>) {add = true}
      %dma_wait3A = arith.constant 0 : i32
      %dma_wait3A_31 = arith.constant 0 : i32
      %dma_wait3A_32 = tpu.memref_slice %arg8[%dma_wait3A, %dma_wait3A_31] : memref<10000x32xf32, #tpu.memory_space<vmem_shared>> -> memref<10000x32xf32, #tpu.memory_space<vmem_shared>>
      tpu.wait_indirect_dma semaphore(%run_scoped3A : memref<!tpu.dma_semaphore, #tpu.memory_space<semaphore_mem>>) src(%arg7 : memref<1000x32xf32, #tpu.memory_space<vmem>>) dst(%dma_wait3A_32 : memref<10000x32xf32, #tpu.memory_space<vmem_shared>>)
      tpu.yield
    }) : () -> ()
    %add3A_13 = arith.constant 2000 : i32
    %add3A_14 = arith.addi %mul3A_8, %add3A_13 : i32
    "tpu.region"() ({
      %run_scoped3A = tpu.sem_alloc : memref<!tpu.dma_semaphore, #tpu.memory_space<semaphore_mem>>
      %dma_start3A = tpu.memref_slice %arg3[%add3A_14] : memref<160000xi32, #tpu.memory_space<hbm>> -> memref<1000xi32, #tpu.memory_space<hbm>>
      %dma_start3A_29 = tpu.memref_slice %arg3[%add3A_14] : memref<160000xi32, #tpu.memory_space<hbm>> -> memref<1000xi32, #tpu.memory_space<hbm>>
      tpu.enqueue_dma source(%dma_start3A_29 : memref<1000xi32, #tpu.memory_space<hbm>>) target(%arg6 : memref<1000xi32, #tpu.memory_space<vmem>>) target_semaphore(%run_scoped3A : memref<!tpu.dma_semaphore, #tpu.memory_space<semaphore_mem>>)
      %dma_wait3A = tpu.memref_slice %arg3[%add3A_14] : memref<160000xi32, #tpu.memory_space<hbm>> -> memref<1000xi32, #tpu.memory_space<hbm>>
      %dma_wait3A_30 = tpu.memref_slice %arg3[%add3A_14] : memref<160000xi32, #tpu.memory_space<hbm>> -> memref<1000xi32, #tpu.memory_space<hbm>>
      tpu.wait_dma2 semaphore(%run_scoped3A : memref<!tpu.dma_semaphore, #tpu.memory_space<semaphore_mem>>) src(%dma_wait3A_30 : memref<1000xi32, #tpu.memory_space<hbm>>) dst(%arg6 : memref<1000xi32, #tpu.memory_space<vmem>>)
      tpu.yield
    }) : () -> ()
    "tpu.region"() ({
      %run_scoped3A = tpu.sem_alloc : memref<!tpu.dma_semaphore, #tpu.memory_space<semaphore_mem>>
      %dma_start3A = arith.constant 0 : i32
      %dma_start3A_29 = tpu.memref_slice %arg2[%add3A_14, %dma_start3A] : memref<160000x32xf32, #tpu.memory_space<hbm>> -> memref<1000x32xf32, #tpu.memory_space<hbm>>
      %dma_start3A_30 = arith.constant 0 : i32
      %dma_start3A_31 = tpu.memref_slice %arg2[%add3A_14, %dma_start3A_30] : memref<160000x32xf32, #tpu.memory_space<hbm>> -> memref<1000x32xf32, #tpu.memory_space<hbm>>
      tpu.enqueue_dma source(%dma_start3A_31 : memref<1000x32xf32, #tpu.memory_space<hbm>>) target(%arg7 : memref<1000x32xf32, #tpu.memory_space<vmem>>) target_semaphore(%run_scoped3A : memref<!tpu.dma_semaphore, #tpu.memory_space<semaphore_mem>>)
      %dma_wait3A = arith.constant 0 : i32
      %dma_wait3A_32 = tpu.memref_slice %arg2[%add3A_14, %dma_wait3A] : memref<160000x32xf32, #tpu.memory_space<hbm>> -> memref<1000x32xf32, #tpu.memory_space<hbm>>
      %dma_wait3A_33 = arith.constant 0 : i32
      %dma_wait3A_34 = tpu.memref_slice %arg2[%add3A_14, %dma_wait3A_33] : memref<160000x32xf32, #tpu.memory_space<hbm>> -> memref<1000x32xf32, #tpu.memory_space<hbm>>
      tpu.wait_dma2 semaphore(%run_scoped3A : memref<!tpu.dma_semaphore, #tpu.memory_space<semaphore_mem>>) src(%dma_wait3A_34 : memref<1000x32xf32, #tpu.memory_space<hbm>>) dst(%arg7 : memref<1000x32xf32, #tpu.memory_space<vmem>>)
      tpu.yield
    }) : () -> ()
    "tpu.region"() ({
      %run_scoped3A = tpu.sem_alloc : memref<!tpu.dma_semaphore, #tpu.memory_space<semaphore_mem>>
      %dma_start3A = arith.constant 0 : i32
      %dma_start3A_29 = arith.constant 0 : i32
      %dma_start3A_30 = tpu.memref_slice %arg8[%dma_start3A, %dma_start3A_29] : memref<10000x32xf32, #tpu.memory_space<vmem_shared>> -> memref<10000x32xf32, #tpu.memory_space<vmem_shared>>
      tpu.enqueue_indirect_dma source(%arg7 : memref<1000x32xf32, #tpu.memory_space<vmem>>) target(%dma_start3A_30 : memref<10000x32xf32, #tpu.memory_space<vmem_shared>>) offsets(%arg6 : memref<1000xi32, #tpu.memory_space<vmem>>) semaphore(%run_scoped3A : memref<!tpu.dma_semaphore, #tpu.memory_space<semaphore_mem>>) {add = true}
      %dma_wait3A = arith.constant 0 : i32
      %dma_wait3A_31 = arith.constant 0 : i32
      %dma_wait3A_32 = tpu.memref_slice %arg8[%dma_wait3A, %dma_wait3A_31] : memref<10000x32xf32, #tpu.memory_space<vmem_shared>> -> memref<10000x32xf32, #tpu.memory_space<vmem_shared>>
      tpu.wait_indirect_dma semaphore(%run_scoped3A : memref<!tpu.dma_semaphore, #tpu.memory_space<semaphore_mem>>) src(%arg7 : memref<1000x32xf32, #tpu.memory_space<vmem>>) dst(%dma_wait3A_32 : memref<10000x32xf32, #tpu.memory_space<vmem_shared>>)
      tpu.yield
    }) : () -> ()
    %add3A_15 = arith.constant 3000 : i32
    %add3A_16 = arith.addi %mul3A_8, %add3A_15 : i32
    "tpu.region"() ({
      %run_scoped3A = tpu.sem_alloc : memref<!tpu.dma_semaphore, #tpu.memory_space<semaphore_mem>>
      %dma_start3A = tpu.memref_slice %arg3[%add3A_16] : memref<160000xi32, #tpu.memory_space<hbm>> -> memref<1000xi32, #tpu.memory_space<hbm>>
      %dma_start3A_29 = tpu.memref_slice %arg3[%add3A_16] : memref<160000xi32, #tpu.memory_space<hbm>> -> memref<1000xi32, #tpu.memory_space<hbm>>
      tpu.enqueue_dma source(%dma_start3A_29 : memref<1000xi32, #tpu.memory_space<hbm>>) target(%arg6 : memref<1000xi32, #tpu.memory_space<vmem>>) target_semaphore(%run_scoped3A : memref<!tpu.dma_semaphore, #tpu.memory_space<semaphore_mem>>)
      %dma_wait3A = tpu.memref_slice %arg3[%add3A_16] : memref<160000xi32, #tpu.memory_space<hbm>> -> memref<1000xi32, #tpu.memory_space<hbm>>
      %dma_wait3A_30 = tpu.memref_slice %arg3[%add3A_16] : memref<160000xi32, #tpu.memory_space<hbm>> -> memref<1000xi32, #tpu.memory_space<hbm>>
      tpu.wait_dma2 semaphore(%run_scoped3A : memref<!tpu.dma_semaphore, #tpu.memory_space<semaphore_mem>>) src(%dma_wait3A_30 : memref<1000xi32, #tpu.memory_space<hbm>>) dst(%arg6 : memref<1000xi32, #tpu.memory_space<vmem>>)
      tpu.yield
    }) : () -> ()
    "tpu.region"() ({
      %run_scoped3A = tpu.sem_alloc : memref<!tpu.dma_semaphore, #tpu.memory_space<semaphore_mem>>
      %dma_start3A = arith.constant 0 : i32
      %dma_start3A_29 = tpu.memref_slice %arg2[%add3A_16, %dma_start3A] : memref<160000x32xf32, #tpu.memory_space<hbm>> -> memref<1000x32xf32, #tpu.memory_space<hbm>>
      %dma_start3A_30 = arith.constant 0 : i32
      %dma_start3A_31 = tpu.memref_slice %arg2[%add3A_16, %dma_start3A_30] : memref<160000x32xf32, #tpu.memory_space<hbm>> -> memref<1000x32xf32, #tpu.memory_space<hbm>>
      tpu.enqueue_dma source(%dma_start3A_31 : memref<1000x32xf32, #tpu.memory_space<hbm>>) target(%arg7 : memref<1000x32xf32, #tpu.memory_space<vmem>>) target_semaphore(%run_scoped3A : memref<!tpu.dma_semaphore, #tpu.memory_space<semaphore_mem>>)
      %dma_wait3A = arith.constant 0 : i32
      %dma_wait3A_32 = tpu.memref_slice %arg2[%add3A_16, %dma_wait3A] : memref<160000x32xf32, #tpu.memory_space<hbm>> -> memref<1000x32xf32, #tpu.memory_space<hbm>>
      %dma_wait3A_33 = arith.constant 0 : i32
      %dma_wait3A_34 = tpu.memref_slice %arg2[%add3A_16, %dma_wait3A_33] : memref<160000x32xf32, #tpu.memory_space<hbm>> -> memref<1000x32xf32, #tpu.memory_space<hbm>>
      tpu.wait_dma2 semaphore(%run_scoped3A : memref<!tpu.dma_semaphore, #tpu.memory_space<semaphore_mem>>) src(%dma_wait3A_34 : memref<1000x32xf32, #tpu.memory_space<hbm>>) dst(%arg7 : memref<1000x32xf32, #tpu.memory_space<vmem>>)
      tpu.yield
    }) : () -> ()
    "tpu.region"() ({
      %run_scoped3A = tpu.sem_alloc : memref<!tpu.dma_semaphore, #tpu.memory_space<semaphore_mem>>
      %dma_start3A = arith.constant 0 : i32
      %dma_start3A_29 = arith.constant 0 : i32
      %dma_start3A_30 = tpu.memref_slice %arg8[%dma_start3A, %dma_start3A_29] : memref<10000x32xf32, #tpu.memory_space<vmem_shared>> -> memref<10000x32xf32, #tpu.memory_space<vmem_shared>>
      tpu.enqueue_indirect_dma source(%arg7 : memref<1000x32xf32, #tpu.memory_space<vmem>>) target(%dma_start3A_30 : memref<10000x32xf32, #tpu.memory_space<vmem_shared>>) offsets(%arg6 : memref<1000xi32, #tpu.memory_space<vmem>>) semaphore(%run_scoped3A : memref<!tpu.dma_semaphore, #tpu.memory_space<semaphore_mem>>) {add = true}
      %dma_wait3A = arith.constant 0 : i32
      %dma_wait3A_31 = arith.constant 0 : i32
      %dma_wait3A_32 = tpu.memref_slice %arg8[%dma_wait3A, %dma_wait3A_31] : memref<10000x32xf32, #tpu.memory_space<vmem_shared>> -> memref<10000x32xf32, #tpu.memory_space<vmem_shared>>
      tpu.wait_indirect_dma semaphore(%run_scoped3A : memref<!tpu.dma_semaphore, #tpu.memory_space<semaphore_mem>>) src(%arg7 : memref<1000x32xf32, #tpu.memory_space<vmem>>) dst(%dma_wait3A_32 : memref<10000x32xf32, #tpu.memory_space<vmem_shared>>)
      tpu.yield
    }) : () -> ()
    %add3A_17 = arith.constant 4000 : i32
    %add3A_18 = arith.addi %mul3A_8, %add3A_17 : i32
    "tpu.region"() ({
      %run_scoped3A = tpu.sem_alloc : memref<!tpu.dma_semaphore, #tpu.memory_space<semaphore_mem>>
      %dma_start3A = tpu.memref_slice %arg3[%add3A_18] : memref<160000xi32, #tpu.memory_space<hbm>> -> memref<1000xi32, #tpu.memory_space<hbm>>
      %dma_start3A_29 = tpu.memref_slice %arg3[%add3A_18] : memref<160000xi32, #tpu.memory_space<hbm>> -> memref<1000xi32, #tpu.memory_space<hbm>>
      tpu.enqueue_dma source(%dma_start3A_29 : memref<1000xi32, #tpu.memory_space<hbm>>) target(%arg6 : memref<1000xi32, #tpu.memory_space<vmem>>) target_semaphore(%run_scoped3A : memref<!tpu.dma_semaphore, #tpu.memory_space<semaphore_mem>>)
      %dma_wait3A = tpu.memref_slice %arg3[%add3A_18] : memref<160000xi32, #tpu.memory_space<hbm>> -> memref<1000xi32, #tpu.memory_space<hbm>>
      %dma_wait3A_30 = tpu.memref_slice %arg3[%add3A_18] : memref<160000xi32, #tpu.memory_space<hbm>> -> memref<1000xi32, #tpu.memory_space<hbm>>
      tpu.wait_dma2 semaphore(%run_scoped3A : memref<!tpu.dma_semaphore, #tpu.memory_space<semaphore_mem>>) src(%dma_wait3A_30 : memref<1000xi32, #tpu.memory_space<hbm>>) dst(%arg6 : memref<1000xi32, #tpu.memory_space<vmem>>)
      tpu.yield
    }) : () -> ()
    "tpu.region"() ({
      %run_scoped3A = tpu.sem_alloc : memref<!tpu.dma_semaphore, #tpu.memory_space<semaphore_mem>>
      %dma_start3A = arith.constant 0 : i32
      %dma_start3A_29 = tpu.memref_slice %arg2[%add3A_18, %dma_start3A] : memref<160000x32xf32, #tpu.memory_space<hbm>> -> memref<1000x32xf32, #tpu.memory_space<hbm>>
      %dma_start3A_30 = arith.constant 0 : i32
      %dma_start3A_31 = tpu.memref_slice %arg2[%add3A_18, %dma_start3A_30] : memref<160000x32xf32, #tpu.memory_space<hbm>> -> memref<1000x32xf32, #tpu.memory_space<hbm>>
      tpu.enqueue_dma source(%dma_start3A_31 : memref<1000x32xf32, #tpu.memory_space<hbm>>) target(%arg7 : memref<1000x32xf32, #tpu.memory_space<vmem>>) target_semaphore(%run_scoped3A : memref<!tpu.dma_semaphore, #tpu.memory_space<semaphore_mem>>)
      %dma_wait3A = arith.constant 0 : i32
      %dma_wait3A_32 = tpu.memref_slice %arg2[%add3A_18, %dma_wait3A] : memref<160000x32xf32, #tpu.memory_space<hbm>> -> memref<1000x32xf32, #tpu.memory_space<hbm>>
      %dma_wait3A_33 = arith.constant 0 : i32
      %dma_wait3A_34 = tpu.memref_slice %arg2[%add3A_18, %dma_wait3A_33] : memref<160000x32xf32, #tpu.memory_space<hbm>> -> memref<1000x32xf32, #tpu.memory_space<hbm>>
      tpu.wait_dma2 semaphore(%run_scoped3A : memref<!tpu.dma_semaphore, #tpu.memory_space<semaphore_mem>>) src(%dma_wait3A_34 : memref<1000x32xf32, #tpu.memory_space<hbm>>) dst(%arg7 : memref<1000x32xf32, #tpu.memory_space<vmem>>)
      tpu.yield
    }) : () -> ()
    "tpu.region"() ({
      %run_scoped3A = tpu.sem_alloc : memref<!tpu.dma_semaphore, #tpu.memory_space<semaphore_mem>>
      %dma_start3A = arith.constant 0 : i32
      %dma_start3A_29 = arith.constant 0 : i32
      %dma_start3A_30 = tpu.memref_slice %arg8[%dma_start3A, %dma_start3A_29] : memref<10000x32xf32, #tpu.memory_space<vmem_shared>> -> memref<10000x32xf32, #tpu.memory_space<vmem_shared>>
      tpu.enqueue_indirect_dma source(%arg7 : memref<1000x32xf32, #tpu.memory_space<vmem>>) target(%dma_start3A_30 : memref<10000x32xf32, #tpu.memory_space<vmem_shared>>) offsets(%arg6 : memref<1000xi32, #tpu.memory_space<vmem>>) semaphore(%run_scoped3A : memref<!tpu.dma_semaphore, #tpu.memory_space<semaphore_mem>>) {add = true}
      %dma_wait3A = arith.constant 0 : i32
      %dma_wait3A_31 = arith.constant 0 : i32
      %dma_wait3A_32 = tpu.memref_slice %arg8[%dma_wait3A, %dma_wait3A_31] : memref<10000x32xf32, #tpu.memory_space<vmem_shared>> -> memref<10000x32xf32, #tpu.memory_space<vmem_shared>>
      tpu.wait_indirect_dma semaphore(%run_scoped3A : memref<!tpu.dma_semaphore, #tpu.memory_space<semaphore_mem>>) src(%arg7 : memref<1000x32xf32, #tpu.memory_space<vmem>>) dst(%dma_wait3A_32 : memref<10000x32xf32, #tpu.memory_space<vmem_shared>>)
      tpu.yield
    }) : () -> ()
    %barrier3A_19 = arith.constant 0 : index
    tpu.barrier barrier_id(%barrier3A_19)
    %mul3A_20 = arith.constant 624 : i32
    %mul3A_21 = arith.muli %arg1, %mul3A_20 : i32
    %mul3A_22 = arith.constant 624 : i32
    %mul3A_23 = arith.muli %arg1, %mul3A_22 : i32
    "tpu.region"() ({
      %run_scoped3A = tpu.sem_alloc : memref<!tpu.dma_semaphore, #tpu.memory_space<semaphore_mem>>
      %dma_start3A = arith.constant 0 : i32
      %dma_start3A_29 = arith.constant 0 : i32
      %dma_start3A_30 = tpu.memref_slice %arg5[%arg0, %dma_start3A, %dma_start3A_29] : memref<2x10000x32xf32, #tpu.memory_space<hbm>> -> memref<1x10000x32xf32, #tpu.memory_space<hbm>>
      %dma_start3A_31 = tpu.memref_squeeze %dma_start3A_30 : memref<1x10000x32xf32, #tpu.memory_space<hbm>> -> memref<10000x32xf32, #tpu.memory_space<hbm>>
      %dma_start3A_32 = arith.constant 0 : i32
      %dma_start3A_33 = tpu.memref_slice %dma_start3A_31[%mul3A_23, %dma_start3A_32] : memref<10000x32xf32, #tpu.memory_space<hbm>> -> memref<624x32xf32, #tpu.memory_space<hbm>>
      %dma_start3A_34 = arith.constant 0 : i32
      %dma_start3A_35 = tpu.memref_slice %arg8[%mul3A_21, %dma_start3A_34] : memref<10000x32xf32, #tpu.memory_space<vmem_shared>> -> memref<624x32xf32, #tpu.memory_space<vmem_shared>>
      tpu.enqueue_dma source(%dma_start3A_35 : memref<624x32xf32, #tpu.memory_space<vmem_shared>>) target(%dma_start3A_33 : memref<624x32xf32, #tpu.memory_space<hbm>>) target_semaphore(%run_scoped3A : memref<!tpu.dma_semaphore, #tpu.memory_space<semaphore_mem>>)
      %dma_wait3A = arith.constant 0 : i32
      %dma_wait3A_36 = arith.constant 0 : i32
      %dma_wait3A_37 = tpu.memref_slice %arg5[%arg0, %dma_wait3A, %dma_wait3A_36] : memref<2x10000x32xf32, #tpu.memory_space<hbm>> -> memref<1x10000x32xf32, #tpu.memory_space<hbm>>
      %dma_wait3A_38 = tpu.memref_squeeze %dma_wait3A_37 : memref<1x10000x32xf32, #tpu.memory_space<hbm>> -> memref<10000x32xf32, #tpu.memory_space<hbm>>
      %dma_wait3A_39 = arith.constant 0 : i32
      %dma_wait3A_40 = tpu.memref_slice %dma_wait3A_38[%mul3A_23, %dma_wait3A_39] : memref<10000x32xf32, #tpu.memory_space<hbm>> -> memref<624x32xf32, #tpu.memory_space<hbm>>
      %dma_wait3A_41 = arith.constant 0 : i32
      %dma_wait3A_42 = tpu.memref_slice %arg8[%mul3A_21, %dma_wait3A_41] : memref<10000x32xf32, #tpu.memory_space<vmem_shared>> -> memref<624x32xf32, #tpu.memory_space<vmem_shared>>
      tpu.wait_dma2 semaphore(%run_scoped3A : memref<!tpu.dma_semaphore, #tpu.memory_space<semaphore_mem>>) src(%dma_wait3A_42 : memref<624x32xf32, #tpu.memory_space<vmem_shared>>) dst(%dma_wait3A_40 : memref<624x32xf32, #tpu.memory_space<hbm>>)
      tpu.yield
    }) : () -> ()
    %eq3A_24 = arith.constant 15 : i32
    %eq3A_25 = arith.cmpi eq, %arg1, %eq3A_24 : i32
    %convert_element_type3A_26 = arith.extui %eq3A_25 : i1 to i32
    %cond3A_27 = arith.constant 0 : i32
    %cond3A_28 = arith.cmpi ne, %convert_element_type3A_26, %cond3A_27 : i32
    scf.if %cond3A_28 {
      "tpu.region"() ({
        %run_scoped3A = tpu.sem_alloc : memref<!tpu.dma_semaphore, #tpu.memory_space<semaphore_mem>>
        %dma_start3A = arith.constant 0 : i32
        %dma_start3A_29 = arith.constant 0 : i32
        %dma_start3A_30 = tpu.memref_slice %arg5[%arg0, %dma_start3A, %dma_start3A_29] : memref<2x10000x32xf32, #tpu.memory_space<hbm>> -> memref<1x10000x32xf32, #tpu.memory_space<hbm>>
        %dma_start3A_31 = tpu.memref_squeeze %dma_start3A_30 : memref<1x10000x32xf32, #tpu.memory_space<hbm>> -> memref<10000x32xf32, #tpu.memory_space<hbm>>
        %dma_start3A_32 = arith.constant 9984 : i32
        %dma_start3A_33 = arith.constant 0 : i32
        %dma_start3A_34 = tpu.memref_slice %dma_start3A_31[%dma_start3A_32, %dma_start3A_33] : memref<10000x32xf32, #tpu.memory_space<hbm>> -> memref<16x32xf32, #tpu.memory_space<hbm>>
        %dma_start3A_35 = arith.constant 9984 : i32
        %dma_start3A_36 = arith.constant 0 : i32
        %dma_start3A_37 = tpu.memref_slice %arg8[%dma_start3A_35, %dma_start3A_36] : memref<10000x32xf32, #tpu.memory_space<vmem_shared>> -> memref<16x32xf32, #tpu.memory_space<vmem_shared>>
        tpu.enqueue_dma source(%dma_start3A_37 : memref<16x32xf32, #tpu.memory_space<vmem_shared>>) target(%dma_start3A_34 : memref<16x32xf32, #tpu.memory_space<hbm>>) target_semaphore(%run_scoped3A : memref<!tpu.dma_semaphore, #tpu.memory_space<semaphore_mem>>)
        %dma_wait3A = arith.constant 0 : i32
        %dma_wait3A_38 = arith.constant 0 : i32
        %dma_wait3A_39 = tpu.memref_slice %arg5[%arg0, %dma_wait3A, %dma_wait3A_38] : memref<2x10000x32xf32, #tpu.memory_space<hbm>> -> memref<1x10000x32xf32, #tpu.memory_space<hbm>>
        %dma_wait3A_40 = tpu.memref_squeeze %dma_wait3A_39 : memref<1x10000x32xf32, #tpu.memory_space<hbm>> -> memref<10000x32xf32, #tpu.memory_space<hbm>>
        %dma_wait3A_41 = arith.constant 9984 : i32
        %dma_wait3A_42 = arith.constant 0 : i32
        %dma_wait3A_43 = tpu.memref_slice %dma_wait3A_40[%dma_wait3A_41, %dma_wait3A_42] : memref<10000x32xf32, #tpu.memory_space<hbm>> -> memref<16x32xf32, #tpu.memory_space<hbm>>
        %dma_wait3A_44 = arith.constant 9984 : i32
        %dma_wait3A_45 = arith.constant 0 : i32
        %dma_wait3A_46 = tpu.memref_slice %arg8[%dma_wait3A_44, %dma_wait3A_45] : memref<10000x32xf32, #tpu.memory_space<vmem_shared>> -> memref<16x32xf32, #tpu.memory_space<vmem_shared>>
        tpu.wait_dma2 semaphore(%run_scoped3A : memref<!tpu.dma_semaphore, #tpu.memory_space<semaphore_mem>>) src(%dma_wait3A_46 : memref<16x32xf32, #tpu.memory_space<vmem_shared>>) dst(%dma_wait3A_43 : memref<16x32xf32, #tpu.memory_space<hbm>>)
        tpu.yield
      }) : () -> ()
    } else {
    }
    return
  }
}

module attributes {stable_mosaic.version = 14 : i64} {
  func.func @_embed_body(%arg0: i32, %arg1: memref<2000x128xf32, #tpu.memory_space<vmem>>, %arg2: memref<128x32xf32, #tpu.memory_space<vmem>>, %arg3: memref<1x32xf32, #tpu.memory_space<vmem>>, %arg4: memref<2000x32xf32, #tpu.memory_space<vmem>>) attributes {dimension_semantics = [#tpu.dimension_semantics<arbitrary>], iteration_bounds = array<i64: 5>, scalar_prefetch = 0 : i64, scratch_operands = 0 : i64, tpu.core_type = #tpu.core_type<tc>, window_params = [{transform_indices = @transform_0, window_bounds = array<i64: 2000, 128>}, {pipeline_mode = #tpu.pipeline_mode<synchronous>, transform_indices = @transform_1, window_bounds = array<i64: 128, 32>}, {pipeline_mode = #tpu.pipeline_mode<synchronous>, transform_indices = @transform_2, window_bounds = array<i64: 1, 32>}, {transform_indices = @transform_3, window_bounds = array<i64: 2000, 32>}]} {
    %get3A = arith.constant 0 : index
    %get3A_0 = arith.constant 0 : index
    %get3A_1 = vector.load %arg1[%get3A, %get3A_0] : memref<2000x128xf32, #tpu.memory_space<vmem>>, vector<2000x128xf32>
    %get3A_2 = arith.constant 0 : index
    %get3A_3 = arith.constant 0 : index
    %get3A_4 = vector.load %arg2[%get3A_2, %get3A_3] : memref<128x32xf32, #tpu.memory_space<vmem>>, vector<128x32xf32>
    %dot_general3A = arith.constant dense<0.000000e+00> : vector<2000x32xf32>
    %dot_general3A_5 = tpu.matmul %get3A_1, %get3A_4, %dot_general3A {dimension_numbers = #tpu.dot_dimension_numbers<[1], [0], [0], [1], [0, 0, 1, 1], [], []>, transpose_lhs_hint = false} : vector<2000x128xf32>, vector<128x32xf32>, vector<2000x32xf32> -> vector<2000x32xf32>
    %get3A_6 = arith.constant 0 : index
    %get3A_7 = arith.constant 0 : index
    %get3A_8 = vector.load %arg3[%get3A_6, %get3A_7] : memref<1x32xf32, #tpu.memory_space<vmem>>, vector<1x32xf32>
    %add3A = vector.broadcast %get3A_8 : vector<1x32xf32> to vector<2000x32xf32>
    %add3A_9 = arith.addf %dot_general3A_5, %add3A : vector<2000x32xf32>
    %max3A = arith.constant 0.000000e+00 : f32
    %max3A_10 = vector.broadcast %max3A : f32 to vector<2000x32xf32>
    %max3A_11 = arith.maximumf %add3A_9, %max3A_10 : vector<2000x32xf32>
    %swap3A = arith.constant 0 : index
    %swap3A_12 = arith.constant 0 : index
    %swap3A_13 = vector.load %arg4[%swap3A, %swap3A_12] : memref<2000x32xf32, #tpu.memory_space<vmem>>, vector<2000x32xf32>
    tpu.vector_store %arg4[%swap3A, %swap3A_12], %max3A_11 {strides = array<i32>} : memref<2000x32xf32, #tpu.memory_space<vmem>>, vector<2000x32xf32>,
    return
  }
  func.func @transform_0(%arg0: i32) -> (i32, i32) {
    %c0_i32 = arith.constant 0 : i32
    %c0_i32_0 = arith.constant 0 : i32
    return %arg0, %c0_i32 : i32, i32
  }
  func.func @transform_1(%arg0: i32) -> (i32, i32) {
    %c0_i32 = arith.constant 0 : i32
    %c0_i32_0 = arith.constant 0 : i32
    %c0_i32_1 = arith.constant 0 : i32
    return %c0_i32, %c0_i32_0 : i32, i32
  }
  func.func @transform_2(%arg0: i32) -> (i32, i32) {
    %c0_i32 = arith.constant 0 : i32
    %c0_i32_0 = arith.constant 0 : i32
    %c0_i32_1 = arith.constant 0 : i32
    return %c0_i32, %c0_i32_0 : i32, i32
  }
  func.func @transform_3(%arg0: i32) -> (i32, i32) {
    %c0_i32 = arith.constant 0 : i32
    %c0_i32_0 = arith.constant 0 : i32
    return %arg0, %c0_i32 : i32, i32
  }
}

module attributes {stable_mosaic.version = 14 : i64} {
  func.func @_embed_t_body(%arg0: i32, %arg1: memref<32x16xf32, #tpu.memory_space<vmem>>, %arg2: memref<400x128xf32, #tpu.memory_space<vmem>>, %arg3: memref<32x1xf32, #tpu.memory_space<vmem>>, %arg4: memref<32x3200xbf16, #tpu.memory_space<vmem>>) attributes {dimension_semantics = [#tpu.dimension_semantics<arbitrary>], iteration_bounds = array<i64: 50>, scalar_prefetch = 0 : i64, scratch_operands = 0 : i64, tpu.core_type = #tpu.core_type<tc>, window_params = [{pipeline_mode = #tpu.pipeline_mode<synchronous>, transform_indices = @transform_0, window_bounds = array<i64: 32, 16>}, {transform_indices = @transform_1, window_bounds = array<i64: 400, 128>}, {pipeline_mode = #tpu.pipeline_mode<synchronous>, transform_indices = @transform_2, window_bounds = array<i64: 32, 1>}, {transform_indices = @transform_3, window_bounds = array<i64: 32, 3200>}]} {
    %get3A = arith.constant 0 : index
    %get3A_0 = arith.constant 0 : index
    %get3A_1 = vector.load %arg2[%get3A, %get3A_0] : memref<400x128xf32, #tpu.memory_space<vmem>>, vector<400x128xf32>
    %transpose3A = tpu.transpose %get3A_1, [1, 0] : vector<400x128xf32> -> vector<128x400xf32>
    %slice3A = vector.extract_strided_slice %transpose3A {offsets = [0, 0], sizes = [16, 400], strides = [1, 1]} : vector<128x400xf32> to vector<16x400xf32>
    %slice3A_2 = vector.extract_strided_slice %transpose3A {offsets = [16, 0], sizes = [16, 400], strides = [1, 1]} : vector<128x400xf32> to vector<16x400xf32>
    %slice3A_3 = vector.extract_strided_slice %transpose3A {offsets = [32, 0], sizes = [16, 400], strides = [1, 1]} : vector<128x400xf32> to vector<16x400xf32>
    %slice3A_4 = vector.extract_strided_slice %transpose3A {offsets = [48, 0], sizes = [16, 400], strides = [1, 1]} : vector<128x400xf32> to vector<16x400xf32>
    %slice3A_5 = vector.extract_strided_slice %transpose3A {offsets = [64, 0], sizes = [16, 400], strides = [1, 1]} : vector<128x400xf32> to vector<16x400xf32>
    %slice3A_6 = vector.extract_strided_slice %transpose3A {offsets = [80, 0], sizes = [16, 400], strides = [1, 1]} : vector<128x400xf32> to vector<16x400xf32>
    %slice3A_7 = vector.extract_strided_slice %transpose3A {offsets = [96, 0], sizes = [16, 400], strides = [1, 1]} : vector<128x400xf32> to vector<16x400xf32>
    %slice3A_8 = vector.extract_strided_slice %transpose3A {offsets = [112, 0], sizes = [16, 400], strides = [1, 1]} : vector<128x400xf32> to vector<16x400xf32>
    %concatenate3A = tpu.concatenate %slice3A, %slice3A_2, %slice3A_3, %slice3A_4, %slice3A_5, %slice3A_6, %slice3A_7, %slice3A_8 in 1 : vector<16x400xf32>, vector<16x400xf32>, vector<16x400xf32>, vector<16x400xf32>, vector<16x400xf32>, vector<16x400xf32>, vector<16x400xf32>, vector<16x400xf32> -> vector<16x3200xf32>
    %get3A_9 = arith.constant 0 : index
    %get3A_10 = arith.constant 0 : index
    %get3A_11 = vector.load %arg1[%get3A_9, %get3A_10] : memref<32x16xf32, #tpu.memory_space<vmem>>, vector<32x16xf32>
    %dot_general3A = arith.constant dense<0.000000e+00> : vector<32x3200xf32>
    %dot_general3A_12 = tpu.matmul %get3A_11, %concatenate3A, %dot_general3A {dimension_numbers = #tpu.dot_dimension_numbers<[1], [0], [0], [1], [0, 0, 1, 1], [], []>, transpose_lhs_hint = false} : vector<32x16xf32>, vector<16x3200xf32>, vector<32x3200xf32> -> vector<32x3200xf32>
    %get3A_13 = arith.constant 0 : index
    %get3A_14 = arith.constant 0 : index
    %get3A_15 = vector.load %arg3[%get3A_13, %get3A_14] : memref<32x1xf32, #tpu.memory_space<vmem>>, vector<32x1xf32>
    %add3A = vector.broadcast %get3A_15 : vector<32x1xf32> to vector<32x3200xf32>
    %add3A_16 = arith.addf %dot_general3A_12, %add3A : vector<32x3200xf32>
    %max3A = arith.constant 0.000000e+00 : f32
    %max3A_17 = vector.broadcast %max3A : f32 to vector<32x3200xf32>
    %max3A_18 = arith.maximumf %add3A_16, %max3A_17 : vector<32x3200xf32>
    %convert_element_type3A = arith.truncf %max3A_18 : vector<32x3200xf32> to vector<32x3200xbf16>
    %swap3A = arith.constant 0 : index
    %swap3A_19 = arith.constant 0 : index
    %swap3A_20 = vector.load %arg4[%swap3A, %swap3A_19] : memref<32x3200xbf16, #tpu.memory_space<vmem>>, vector<32x3200xbf16>
    tpu.vector_store %arg4[%swap3A, %swap3A_19], %convert_element_type3A {strides = array<i32>} : memref<32x3200xbf16, #tpu.memory_space<vmem>>, vector<32x3200xbf16>,
    return
  }
  func.func @transform_0(%arg0: i32) -> (i32, i32) {
    %c0_i32 = arith.constant 0 : i32
    %c0_i32_0 = arith.constant 0 : i32
    %c0_i32_1 = arith.constant 0 : i32
    return %c0_i32, %c0_i32_0 : i32, i32
  }
  func.func @transform_1(%arg0: i32) -> (i32, i32) {
    %c0_i32 = arith.constant 0 : i32
    %c0_i32_0 = arith.constant 0 : i32
    return %arg0, %c0_i32 : i32, i32
  }
  func.func @transform_2(%arg0: i32) -> (i32, i32) {
    %c0_i32 = arith.constant 0 : i32
    %c0_i32_0 = arith.constant 0 : i32
    %c0_i32_1 = arith.constant 0 : i32
    return %c0_i32, %c0_i32_0 : i32, i32
  }
  func.func @transform_3(%arg0: i32) -> (i32, i32) {
    %c0_i32 = arith.constant 0 : i32
    %c0_i32_0 = arith.constant 0 : i32
    return %c0_i32, %arg0 : i32, i32
  }
}

module attributes {stable_mosaic.version = 14 : i64} {
  func.func @_msg_body(%arg0: i32, %arg1: memref<32x3200xbf16, #tpu.memory_space<vmem>>, %arg2: memref<400x256xf32, #tpu.memory_space<vmem>>, %arg3: memref<32x32xbf16, #tpu.memory_space<vmem>>, %arg4: memref<32x1xf32, #tpu.memory_space<vmem>>, %arg5: memref<32x1024xbf16, #tpu.memory_space<vmem>>, %arg6: memref<32x32xf32, #tpu.memory_space<vmem>>, %arg7: memref<400x256xf32, #tpu.memory_space<vmem>>) attributes {dimension_semantics = [#tpu.dimension_semantics<arbitrary>], iteration_bounds = array<i64: 50>, scalar_prefetch = 0 : i64, scratch_operands = 0 : i64, tpu.core_type = #tpu.core_type<tc>, window_params = [{transform_indices = @transform_0, window_bounds = array<i64: 32, 3200>}, {transform_indices = @transform_1, window_bounds = array<i64: 400, 256>}, {pipeline_mode = #tpu.pipeline_mode<synchronous>, transform_indices = @transform_2, window_bounds = array<i64: 32, 32>}, {pipeline_mode = #tpu.pipeline_mode<synchronous>, transform_indices = @transform_3, window_bounds = array<i64: 32, 1>}, {pipeline_mode = #tpu.pipeline_mode<synchronous>, transform_indices = @transform_4, window_bounds = array<i64: 32, 1024>}, {pipeline_mode = #tpu.pipeline_mode<synchronous>, transform_indices = @transform_5, window_bounds = array<i64: 32, 32>}, {transform_indices = @transform_6, window_bounds = array<i64: 400, 256>}]} {
    %get3A = arith.constant 0 : index
    %get3A_0 = arith.constant 0 : index
    %get3A_1 = vector.load %arg1[%get3A, %get3A_0] : memref<32x3200xbf16, #tpu.memory_space<vmem>>, vector<32x3200xbf16>
    %get3A_2 = arith.constant 0 : index
    %get3A_3 = arith.constant 0 : index
    %get3A_4 = vector.load %arg2[%get3A_2, %get3A_3] : memref<400x256xf32, #tpu.memory_space<vmem>>, vector<400x256xf32>
    %transpose3A = tpu.transpose %get3A_4, [1, 0] : vector<400x256xf32> -> vector<256x400xf32>
    %slice3A = vector.extract_strided_slice %transpose3A {offsets = [0, 0], sizes = [32, 400], strides = [1, 1]} : vector<256x400xf32> to vector<32x400xf32>
    %slice3A_5 = vector.extract_strided_slice %transpose3A {offsets = [32, 0], sizes = [32, 400], strides = [1, 1]} : vector<256x400xf32> to vector<32x400xf32>
    %slice3A_6 = vector.extract_strided_slice %transpose3A {offsets = [64, 0], sizes = [32, 400], strides = [1, 1]} : vector<256x400xf32> to vector<32x400xf32>
    %slice3A_7 = vector.extract_strided_slice %transpose3A {offsets = [96, 0], sizes = [32, 400], strides = [1, 1]} : vector<256x400xf32> to vector<32x400xf32>
    %slice3A_8 = vector.extract_strided_slice %transpose3A {offsets = [128, 0], sizes = [32, 400], strides = [1, 1]} : vector<256x400xf32> to vector<32x400xf32>
    %slice3A_9 = vector.extract_strided_slice %transpose3A {offsets = [160, 0], sizes = [32, 400], strides = [1, 1]} : vector<256x400xf32> to vector<32x400xf32>
    %slice3A_10 = vector.extract_strided_slice %transpose3A {offsets = [192, 0], sizes = [32, 400], strides = [1, 1]} : vector<256x400xf32> to vector<32x400xf32>
    %slice3A_11 = vector.extract_strided_slice %transpose3A {offsets = [224, 0], sizes = [32, 400], strides = [1, 1]} : vector<256x400xf32> to vector<32x400xf32>
    %concatenate3A = tpu.concatenate %slice3A, %slice3A_5, %slice3A_6, %slice3A_7, %slice3A_8, %slice3A_9, %slice3A_10, %slice3A_11 in 1 : vector<32x400xf32>, vector<32x400xf32>, vector<32x400xf32>, vector<32x400xf32>, vector<32x400xf32>, vector<32x400xf32>, vector<32x400xf32>, vector<32x400xf32> -> vector<32x3200xf32>
    %convert_element_type3A = arith.truncf %concatenate3A : vector<32x3200xf32> to vector<32x3200xbf16>
    %get3A_12 = arith.constant 0 : index
    %get3A_13 = arith.constant 0 : index
    %get3A_14 = vector.load %arg3[%get3A_12, %get3A_13] : memref<32x32xbf16, #tpu.memory_space<vmem>>, vector<32x32xbf16>
    %dot_general3A = arith.constant dense<0.000000e+00> : vector<32x3200xf32>
    %dot_general3A_15 = tpu.matmul %get3A_14, %get3A_1, %dot_general3A {dimension_numbers = #tpu.dot_dimension_numbers<[1], [0], [0], [1], [0, 0, 1, 1], [], []>, transpose_lhs_hint = false} : vector<32x32xbf16>, vector<32x3200xbf16>, vector<32x3200xf32> -> vector<32x3200xf32>
    %get3A_16 = arith.constant 0 : index
    %get3A_17 = arith.constant 0 : index
    %get3A_18 = vector.load %arg4[%get3A_16, %get3A_17] : memref<32x1xf32, #tpu.memory_space<vmem>>, vector<32x1xf32>
    %add3A = vector.broadcast %get3A_18 : vector<32x1xf32> to vector<32x3200xf32>
    %add3A_19 = arith.addf %dot_general3A_15, %add3A : vector<32x3200xf32>
    %max3A = arith.constant 0.000000e+00 : f32
    %max3A_20 = vector.broadcast %max3A : f32 to vector<32x3200xf32>
    %max3A_21 = arith.maximumf %add3A_19, %max3A_20 : vector<32x3200xf32>
    %convert_element_type3A_22 = arith.truncf %max3A_21 : vector<32x3200xf32> to vector<32x3200xbf16>
    %broadcast_in_dim3A = vector.shape_cast %convert_element_type3A_22 : vector<32x3200xbf16> to vector<32x1x3200xbf16>
    %broadcast_in_dim3A_23 = vector.shape_cast %broadcast_in_dim3A : vector<32x1x3200xbf16> to vector<32x1x3200xbf16>
    %broadcast_in_dim3A_24 = vector.broadcast %broadcast_in_dim3A_23 : vector<32x1x3200xbf16> to vector<32x32x3200xbf16>
    %reshape3A = vector.shape_cast %broadcast_in_dim3A_24 : vector<32x32x3200xbf16> to vector<1024x3200xbf16>
    %broadcast_in_dim3A_25 = vector.shape_cast %convert_element_type3A : vector<32x3200xbf16> to vector<1x32x3200xbf16>
    %broadcast_in_dim3A_26 = vector.shape_cast %broadcast_in_dim3A_25 : vector<1x32x3200xbf16> to vector<1x32x3200xbf16>
    %broadcast_in_dim3A_27 = vector.broadcast %broadcast_in_dim3A_26 : vector<1x32x3200xbf16> to vector<32x32x3200xbf16>
    %reshape3A_28 = vector.shape_cast %broadcast_in_dim3A_27 : vector<32x32x3200xbf16> to vector<1024x3200xbf16>
    %mul3A = arith.mulf %reshape3A, %reshape3A_28 : vector<1024x3200xbf16>
    %get3A_29 = arith.constant 0 : index
    %get3A_30 = arith.constant 0 : index
    %get3A_31 = vector.load %arg5[%get3A_29, %get3A_30] : memref<32x1024xbf16, #tpu.memory_space<vmem>>, vector<32x1024xbf16>
    %dot_general3A_32 = arith.constant dense<0.000000e+00> : vector<32x3200xf32>
    %dot_general3A_33 = tpu.matmul %get3A_31, %mul3A, %dot_general3A_32 {dimension_numbers = #tpu.dot_dimension_numbers<[1], [0], [0], [1], [0, 0, 1, 1], [], []>, transpose_lhs_hint = false} : vector<32x1024xbf16>, vector<1024x3200xbf16>, vector<32x3200xf32> -> vector<32x3200xf32>
    %get3A_34 = arith.constant 0 : index
    %get3A_35 = arith.constant 0 : index
    %get3A_36 = vector.load %arg6[%get3A_34, %get3A_35] : memref<32x32xf32, #tpu.memory_space<vmem>>, vector<32x32xf32>
    %dot_general3A_37 = arith.constant dense<0.000000e+00> : vector<32x3200xf32>
    %dot_general3A_38 = tpu.matmul %get3A_36, %concatenate3A, %dot_general3A_37 {dimension_numbers = #tpu.dot_dimension_numbers<[1], [0], [0], [1], [0, 0, 1, 1], [], []>, transpose_lhs_hint = false} : vector<32x32xf32>, vector<32x3200xf32>, vector<32x3200xf32> -> vector<32x3200xf32>
    %add3A_39 = arith.addf %dot_general3A_33, %dot_general3A_38 : vector<32x3200xf32>
    %slice3A_40 = vector.extract_strided_slice %add3A_39 {offsets = [0, 0], sizes = [32, 400], strides = [1, 1]} : vector<32x3200xf32> to vector<32x400xf32>
    %slice3A_41 = vector.extract_strided_slice %add3A_39 {offsets = [0, 400], sizes = [32, 400], strides = [1, 1]} : vector<32x3200xf32> to vector<32x400xf32>
    %slice3A_42 = vector.extract_strided_slice %add3A_39 {offsets = [0, 800], sizes = [32, 400], strides = [1, 1]} : vector<32x3200xf32> to vector<32x400xf32>
    %slice3A_43 = vector.extract_strided_slice %add3A_39 {offsets = [0, 1200], sizes = [32, 400], strides = [1, 1]} : vector<32x3200xf32> to vector<32x400xf32>
    %slice3A_44 = vector.extract_strided_slice %add3A_39 {offsets = [0, 1600], sizes = [32, 400], strides = [1, 1]} : vector<32x3200xf32> to vector<32x400xf32>
    %slice3A_45 = vector.extract_strided_slice %add3A_39 {offsets = [0, 2000], sizes = [32, 400], strides = [1, 1]} : vector<32x3200xf32> to vector<32x400xf32>
    %slice3A_46 = vector.extract_strided_slice %add3A_39 {offsets = [0, 2400], sizes = [32, 400], strides = [1, 1]} : vector<32x3200xf32> to vector<32x400xf32>
    %slice3A_47 = vector.extract_strided_slice %add3A_39 {offsets = [0, 2800], sizes = [32, 400], strides = [1, 1]} : vector<32x3200xf32> to vector<32x400xf32>
    %concatenate3A_48 = tpu.concatenate %slice3A_40, %slice3A_41, %slice3A_42, %slice3A_43, %slice3A_44, %slice3A_45, %slice3A_46, %slice3A_47 in 0 : vector<32x400xf32>, vector<32x400xf32>, vector<32x400xf32>, vector<32x400xf32>, vector<32x400xf32>, vector<32x400xf32>, vector<32x400xf32>, vector<32x400xf32> -> vector<256x400xf32>
    %transpose3A_49 = tpu.transpose %concatenate3A_48, [1, 0] : vector<256x400xf32> -> vector<400x256xf32>
    %swap3A = arith.constant 0 : index
    %swap3A_50 = arith.constant 0 : index
    %swap3A_51 = vector.load %arg7[%swap3A, %swap3A_50] : memref<400x256xf32, #tpu.memory_space<vmem>>, vector<400x256xf32>
    tpu.vector_store %arg7[%swap3A, %swap3A_50], %transpose3A_49 {strides = array<i32>} : memref<400x256xf32, #tpu.memory_space<vmem>>, vector<400x256xf32>,
    return
  }
  func.func @transform_0(%arg0: i32) -> (i32, i32) {
    %c0_i32 = arith.constant 0 : i32
    %c0_i32_0 = arith.constant 0 : i32
    return %c0_i32, %arg0 : i32, i32
  }
  func.func @transform_1(%arg0: i32) -> (i32, i32) {
    %c0_i32 = arith.constant 0 : i32
    %c0_i32_0 = arith.constant 0 : i32
    return %arg0, %c0_i32 : i32, i32
  }
  func.func @transform_2(%arg0: i32) -> (i32, i32) {
    %c0_i32 = arith.constant 0 : i32
    %c0_i32_0 = arith.constant 0 : i32
    %c0_i32_1 = arith.constant 0 : i32
    return %c0_i32, %c0_i32_0 : i32, i32
  }
  func.func @transform_3(%arg0: i32) -> (i32, i32) {
    %c0_i32 = arith.constant 0 : i32
    %c0_i32_0 = arith.constant 0 : i32
    %c0_i32_1 = arith.constant 0 : i32
    return %c0_i32, %c0_i32_0 : i32, i32
  }
  func.func @transform_4(%arg0: i32) -> (i32, i32) {
    %c0_i32 = arith.constant 0 : i32
    %c0_i32_0 = arith.constant 0 : i32
    %c0_i32_1 = arith.constant 0 : i32
    return %c0_i32, %c0_i32_0 : i32, i32
  }
  func.func @transform_5(%arg0: i32) -> (i32, i32) {
    %c0_i32 = arith.constant 0 : i32
    %c0_i32_0 = arith.constant 0 : i32
    %c0_i32_1 = arith.constant 0 : i32
    return %c0_i32, %c0_i32_0 : i32, i32
  }
  func.func @transform_6(%arg0: i32) -> (i32, i32) {
    %c0_i32 = arith.constant 0 : i32
    %c0_i32_0 = arith.constant 0 : i32
    return %arg0, %c0_i32 : i32, i32
  }
}

module attributes {stable_mosaic.version = 14 : i64} {
  func.func @_inv_body(%arg0: i32, %arg1: memref<2x2000x16xf32, #tpu.memory_space<vmem>>, %arg2: memref<2000x1xf32, #tpu.memory_space<vmem>>) attributes {dimension_semantics = [#tpu.dimension_semantics<arbitrary>], iteration_bounds = array<i64: 5>, scalar_prefetch = 0 : i64, scratch_operands = 0 : i64, tpu.core_type = #tpu.core_type<tc>, window_params = [{transform_indices = @transform_0, window_bounds = array<i64: 2, 2000, 16>}, {transform_indices = @transform_1, window_bounds = array<i64: 2000, 1>}]} {
    %get3A = arith.constant 0 : index
    %get3A_0 = arith.constant 0 : index
    %get3A_1 = arith.constant 0 : index
    %get3A_2 = vector.load %arg1[%get3A, %get3A_0, %get3A_1] : memref<2x2000x16xf32, #tpu.memory_space<vmem>>, vector<1x2000x1xf32>
    %get3A_3 = vector.shape_cast %get3A_2 : vector<1x2000x1xf32> to vector<2000x1xf32>
    %get3A_4 = arith.constant 1 : index
    %get3A_5 = arith.constant 0 : index
    %get3A_6 = arith.constant 0 : index
    %get3A_7 = vector.load %arg1[%get3A_4, %get3A_5, %get3A_6] : memref<2x2000x16xf32, #tpu.memory_space<vmem>>, vector<1x2000x1xf32>
    %get3A_8 = vector.shape_cast %get3A_7 : vector<1x2000x1xf32> to vector<2000x1xf32>
    %add3A = arith.addf %get3A_3, %get3A_8 : vector<2000x1xf32>
    %max3A = arith.constant 1.000000e+00 : f32
    %max3A_9 = vector.broadcast %max3A : f32 to vector<2000x1xf32>
    %max3A_10 = arith.maximumf %add3A, %max3A_9 : vector<2000x1xf32>
    %div3A = arith.constant 1.000000e+00 : f32
    %div3A_11 = vector.broadcast %div3A : f32 to vector<2000x1xf32>
    %div3A_12 = arith.divf %div3A_11, %max3A_10 : vector<2000x1xf32>
    %swap3A = arith.constant 0 : index
    %swap3A_13 = arith.constant 0 : index
    %swap3A_14 = vector.load %arg2[%swap3A, %swap3A_13] : memref<2000x1xf32, #tpu.memory_space<vmem>>, vector<2000x1xf32>
    tpu.vector_store %arg2[%swap3A, %swap3A_13], %div3A_12 {strides = array<i32>} : memref<2000x1xf32, #tpu.memory_space<vmem>>, vector<2000x1xf32>,
    return
  }
  func.func @transform_0(%arg0: i32) -> (i32, i32, i32) {
    %c0_i32 = arith.constant 0 : i32
    %c0_i32_0 = arith.constant 0 : i32
    %c0_i32_1 = arith.constant 0 : i32
    return %c0_i32, %arg0, %c0_i32_0 : i32, i32, i32
  }
  func.func @transform_1(%arg0: i32) -> (i32, i32) {
    %c0_i32 = arith.constant 0 : i32
    %c0_i32_0 = arith.constant 0 : i32
    return %arg0, %c0_i32 : i32, i32
  }
}

module attributes {stable_mosaic.version = 14 : i64} {
  func.func @_gru_body(%arg0: i32, %arg1: memref<2x2000x32xf32, #tpu.memory_space<vmem>>, %arg2: memref<2000x1xf32, #tpu.memory_space<vmem>>, %arg3: memref<2000x32xf32, #tpu.memory_space<vmem>>, %arg4: memref<2000x32xf32, #tpu.memory_space<vmem>>, %arg5: memref<32x96xf32, #tpu.memory_space<vmem>>, %arg6: memref<32x64xf32, #tpu.memory_space<vmem>>, %arg7: memref<32x32xf32, #tpu.memory_space<vmem>>, %arg8: memref<1x96xf32, #tpu.memory_space<vmem>>, %arg9: memref<2000x32xf32, #tpu.memory_space<vmem>>, %arg10: memref<2000x32xf32, #tpu.memory_space<vmem>>) attributes {dimension_semantics = [#tpu.dimension_semantics<arbitrary>], iteration_bounds = array<i64: 5>, scalar_prefetch = 0 : i64, scratch_operands = 0 : i64, tpu.core_type = #tpu.core_type<tc>, window_params = [{transform_indices = @transform_0, window_bounds = array<i64: 2, 2000, 32>}, {transform_indices = @transform_1, window_bounds = array<i64: 2000, 1>}, {transform_indices = @transform_2, window_bounds = array<i64: 2000, 32>}, {transform_indices = @transform_3, window_bounds = array<i64: 2000, 32>}, {pipeline_mode = #tpu.pipeline_mode<synchronous>, transform_indices = @transform_4, window_bounds = array<i64: 32, 96>}, {pipeline_mode = #tpu.pipeline_mode<synchronous>, transform_indices = @transform_5, window_bounds = array<i64: 32, 64>}, {pipeline_mode = #tpu.pipeline_mode<synchronous>, transform_indices = @transform_6, window_bounds = array<i64: 32, 32>}, {pipeline_mode = #tpu.pipeline_mode<synchronous>, transform_indices = @transform_7, window_bounds = array<i64: 1, 96>}, {transform_indices = @transform_8, window_bounds = array<i64: 2000, 32>}, {transform_indices = @transform_9, window_bounds = array<i64: 2000, 32>}]} {
    %get3A = arith.constant 0 : index
    %get3A_0 = arith.constant 0 : index
    %get3A_1 = arith.constant 0 : index
    %get3A_2 = vector.load %arg1[%get3A, %get3A_0, %get3A_1] : memref<2x2000x32xf32, #tpu.memory_space<vmem>>, vector<1x2000x32xf32>
    %get3A_3 = vector.shape_cast %get3A_2 : vector<1x2000x32xf32> to vector<2000x32xf32>
    %get3A_4 = arith.constant 1 : index
    %get3A_5 = arith.constant 0 : index
    %get3A_6 = arith.constant 0 : index
    %get3A_7 = vector.load %arg1[%get3A_4, %get3A_5, %get3A_6] : memref<2x2000x32xf32, #tpu.memory_space<vmem>>, vector<1x2000x32xf32>
    %get3A_8 = vector.shape_cast %get3A_7 : vector<1x2000x32xf32> to vector<2000x32xf32>
    %add3A = arith.addf %get3A_3, %get3A_8 : vector<2000x32xf32>
    %get3A_9 = arith.constant 0 : index
    %get3A_10 = arith.constant 0 : index
    %get3A_11 = vector.load %arg2[%get3A_9, %get3A_10] : memref<2000x1xf32, #tpu.memory_space<vmem>>, vector<2000x1xf32>
    %mul3A = vector.broadcast %get3A_11 : vector<2000x1xf32> to vector<2000x32xf32>
    %mul3A_12 = arith.mulf %add3A, %mul3A : vector<2000x32xf32>
    %get3A_13 = arith.constant 0 : index
    %get3A_14 = arith.constant 0 : index
    %get3A_15 = vector.load %arg3[%get3A_13, %get3A_14] : memref<2000x32xf32, #tpu.memory_space<vmem>>, vector<2000x32xf32>
    %get3A_16 = arith.constant 0 : index
    %get3A_17 = arith.constant 0 : index
    %get3A_18 = vector.load %arg5[%get3A_16, %get3A_17] : memref<32x96xf32, #tpu.memory_space<vmem>>, vector<32x96xf32>
    %dot_general3A = arith.constant dense<0.000000e+00> : vector<2000x96xf32>
    %dot_general3A_19 = tpu.matmul %mul3A_12, %get3A_18, %dot_general3A {dimension_numbers = #tpu.dot_dimension_numbers<[1], [0], [0], [1], [0, 0, 1, 1], [], []>, transpose_lhs_hint = false} : vector<2000x32xf32>, vector<32x96xf32>, vector<2000x96xf32> -> vector<2000x96xf32>
    %get3A_20 = arith.constant 0 : index
    %get3A_21 = arith.constant 0 : index
    %get3A_22 = vector.load %arg8[%get3A_20, %get3A_21] : memref<1x96xf32, #tpu.memory_space<vmem>>, vector<1x96xf32>
    %add3A_23 = vector.broadcast %get3A_22 : vector<1x96xf32> to vector<2000x96xf32>
    %add3A_24 = arith.addf %dot_general3A_19, %add3A_23 : vector<2000x96xf32>
    %get3A_25 = arith.constant 0 : index
    %get3A_26 = arith.constant 0 : index
    %get3A_27 = vector.load %arg6[%get3A_25, %get3A_26] : memref<32x64xf32, #tpu.memory_space<vmem>>, vector<32x64xf32>
    %dot_general3A_28 = arith.constant dense<0.000000e+00> : vector<2000x64xf32>
    %dot_general3A_29 = tpu.matmul %get3A_15, %get3A_27, %dot_general3A_28 {dimension_numbers = #tpu.dot_dimension_numbers<[1], [0], [0], [1], [0, 0, 1, 1], [], []>, transpose_lhs_hint = false} : vector<2000x32xf32>, vector<32x64xf32>, vector<2000x64xf32> -> vector<2000x64xf32>
    %slice3A = vector.extract_strided_slice %add3A_24 {offsets = [0, 0], sizes = [2000, 32], strides = [1, 1]} : vector<2000x96xf32> to vector<2000x32xf32>
    %slice3A_30 = vector.extract_strided_slice %dot_general3A_29 {offsets = [0, 0], sizes = [2000, 32], strides = [1, 1]} : vector<2000x64xf32> to vector<2000x32xf32>
    %add3A_31 = arith.addf %slice3A, %slice3A_30 : vector<2000x32xf32>
    %logistic3A = arith.negf %add3A_31 : vector<2000x32xf32>
    %logistic3A_32 = math.exp %logistic3A : vector<2000x32xf32>
    %logistic3A_33 = arith.constant 1.000000e+00 : f32
    %logistic3A_34 = vector.broadcast %logistic3A_33 : f32 to vector<2000x32xf32>
    %logistic3A_35 = arith.addf %logistic3A_34, %logistic3A_32 : vector<2000x32xf32>
    %logistic3A_36 = arith.divf %logistic3A_34, %logistic3A_35 : vector<2000x32xf32>
    %slice3A_37 = vector.extract_strided_slice %add3A_24 {offsets = [0, 32], sizes = [2000, 32], strides = [1, 1]} : vector<2000x96xf32> to vector<2000x32xf32>
    %slice3A_38 = vector.extract_strided_slice %dot_general3A_29 {offsets = [0, 32], sizes = [2000, 32], strides = [1, 1]} : vector<2000x64xf32> to vector<2000x32xf32>
    %add3A_39 = arith.addf %slice3A_37, %slice3A_38 : vector<2000x32xf32>
    %logistic3A_40 = arith.negf %add3A_39 : vector<2000x32xf32>
    %logistic3A_41 = math.exp %logistic3A_40 : vector<2000x32xf32>
    %logistic3A_42 = arith.constant 1.000000e+00 : f32
    %logistic3A_43 = vector.broadcast %logistic3A_42 : f32 to vector<2000x32xf32>
    %logistic3A_44 = arith.addf %logistic3A_43, %logistic3A_41 : vector<2000x32xf32>
    %logistic3A_45 = arith.divf %logistic3A_43, %logistic3A_44 : vector<2000x32xf32>
    %slice3A_46 = vector.extract_strided_slice %add3A_24 {offsets = [0, 64], sizes = [2000, 32], strides = [1, 1]} : vector<2000x96xf32> to vector<2000x32xf32>
    %mul3A_47 = arith.mulf %logistic3A_45, %get3A_15 : vector<2000x32xf32>
    %get3A_48 = arith.constant 0 : index
    %get3A_49 = arith.constant 0 : index
    %get3A_50 = vector.load %arg7[%get3A_48, %get3A_49] : memref<32x32xf32, #tpu.memory_space<vmem>>, vector<32x32xf32>
    %dot_general3A_51 = arith.constant dense<0.000000e+00> : vector<2000x32xf32>
    %dot_general3A_52 = tpu.matmul %mul3A_47, %get3A_50, %dot_general3A_51 {dimension_numbers = #tpu.dot_dimension_numbers<[1], [0], [0], [1], [0, 0, 1, 1], [], []>, transpose_lhs_hint = false} : vector<2000x32xf32>, vector<32x32xf32>, vector<2000x32xf32> -> vector<2000x32xf32>
    %add3A_53 = arith.addf %slice3A_46, %dot_general3A_52 : vector<2000x32xf32>
    %tanh3A = math.tanh %add3A_53 : vector<2000x32xf32>
    %mul3A_54 = arith.mulf %logistic3A_36, %get3A_15 : vector<2000x32xf32>
    %sub3A = arith.constant 1.000000e+00 : f32
    %sub3A_55 = vector.broadcast %sub3A : f32 to vector<2000x32xf32>
    %sub3A_56 = arith.subf %sub3A_55, %logistic3A_36 : vector<2000x32xf32>
    %mul3A_57 = arith.mulf %sub3A_56, %tanh3A : vector<2000x32xf32>
    %add3A_58 = arith.addf %mul3A_54, %mul3A_57 : vector<2000x32xf32>
    %swap3A = arith.constant 0 : index
    %swap3A_59 = arith.constant 0 : index
    %swap3A_60 = vector.load %arg9[%swap3A, %swap3A_59] : memref<2000x32xf32, #tpu.memory_space<vmem>>, vector<2000x32xf32>
    tpu.vector_store %arg9[%swap3A, %swap3A_59], %add3A_58 {strides = array<i32>} : memref<2000x32xf32, #tpu.memory_space<vmem>>, vector<2000x32xf32>,
    %get3A_61 = arith.constant 0 : index
    %get3A_62 = arith.constant 0 : index
    %get3A_63 = vector.load %arg4[%get3A_61, %get3A_62] : memref<2000x32xf32, #tpu.memory_space<vmem>>, vector<2000x32xf32>
    %add3A_64 = arith.addf %add3A_58, %get3A_63 : vector<2000x32xf32>
    %swap3A_65 = arith.constant 0 : index
    %swap3A_66 = arith.constant 0 : index
    %swap3A_67 = vector.load %arg10[%swap3A_65, %swap3A_66] : memref<2000x32xf32, #tpu.memory_space<vmem>>, vector<2000x32xf32>
    tpu.vector_store %arg10[%swap3A_65, %swap3A_66], %add3A_64 {strides = array<i32>} : memref<2000x32xf32, #tpu.memory_space<vmem>>, vector<2000x32xf32>,
    return
  }
  func.func @transform_0(%arg0: i32) -> (i32, i32, i32) {
    %c0_i32 = arith.constant 0 : i32
    %c0_i32_0 = arith.constant 0 : i32
    %c0_i32_1 = arith.constant 0 : i32
    return %c0_i32, %arg0, %c0_i32_0 : i32, i32, i32
  }
  func.func @transform_1(%arg0: i32) -> (i32, i32) {
    %c0_i32 = arith.constant 0 : i32
    %c0_i32_0 = arith.constant 0 : i32
    return %arg0, %c0_i32 : i32, i32
  }
  func.func @transform_2(%arg0: i32) -> (i32, i32) {
    %c0_i32 = arith.constant 0 : i32
    %c0_i32_0 = arith.constant 0 : i32
    return %arg0, %c0_i32 : i32, i32
  }
  func.func @transform_3(%arg0: i32) -> (i32, i32) {
    %c0_i32 = arith.constant 0 : i32
    %c0_i32_0 = arith.constant 0 : i32
    return %arg0, %c0_i32 : i32, i32
  }
  func.func @transform_4(%arg0: i32) -> (i32, i32) {
    %c0_i32 = arith.constant 0 : i32
    %c0_i32_0 = arith.constant 0 : i32
    %c0_i32_1 = arith.constant 0 : i32
    return %c0_i32, %c0_i32_0 : i32, i32
  }
  func.func @transform_5(%arg0: i32) -> (i32, i32) {
    %c0_i32 = arith.constant 0 : i32
    %c0_i32_0 = arith.constant 0 : i32
    %c0_i32_1 = arith.constant 0 : i32
    return %c0_i32, %c0_i32_0 : i32, i32
  }
  func.func @transform_6(%arg0: i32) -> (i32, i32) {
    %c0_i32 = arith.constant 0 : i32
    %c0_i32_0 = arith.constant 0 : i32
    %c0_i32_1 = arith.constant 0 : i32
    return %c0_i32, %c0_i32_0 : i32, i32
  }
  func.func @transform_7(%arg0: i32) -> (i32, i32) {
    %c0_i32 = arith.constant 0 : i32
    %c0_i32_0 = arith.constant 0 : i32
    %c0_i32_1 = arith.constant 0 : i32
    return %c0_i32, %c0_i32_0 : i32, i32
  }
  func.func @transform_8(%arg0: i32) -> (i32, i32) {
    %c0_i32 = arith.constant 0 : i32
    %c0_i32_0 = arith.constant 0 : i32
    return %arg0, %c0_i32 : i32, i32
  }
  func.func @transform_9(%arg0: i32) -> (i32, i32) {
    %c0_i32 = arith.constant 0 : i32
    %c0_i32_0 = arith.constant 0 : i32
    return %arg0, %c0_i32 : i32, i32
  }
}

module attributes {stable_mosaic.version = 14 : i64} {
  func.func @_gru_body(%arg0: i32, %arg1: memref<2x2000x32xf32, #tpu.memory_space<vmem>>, %arg2: memref<2000x1xf32, #tpu.memory_space<vmem>>, %arg3: memref<2000x32xf32, #tpu.memory_space<vmem>>, %arg4: memref<2000x32xf32, #tpu.memory_space<vmem>>, %arg5: memref<32x96xf32, #tpu.memory_space<vmem>>, %arg6: memref<32x64xf32, #tpu.memory_space<vmem>>, %arg7: memref<32x32xf32, #tpu.memory_space<vmem>>, %arg8: memref<1x96xf32, #tpu.memory_space<vmem>>, %arg9: memref<2000x32xf32, #tpu.memory_space<vmem>>, %arg10: memref<2000x32xf32, #tpu.memory_space<vmem>>) attributes {dimension_semantics = [#tpu.dimension_semantics<arbitrary>], iteration_bounds = array<i64: 5>, scalar_prefetch = 0 : i64, scratch_operands = 0 : i64, tpu.core_type = #tpu.core_type<tc>, window_params = [{transform_indices = @transform_0, window_bounds = array<i64: 2, 2000, 32>}, {transform_indices = @transform_1, window_bounds = array<i64: 2000, 1>}, {transform_indices = @transform_2, window_bounds = array<i64: 2000, 32>}, {transform_indices = @transform_3, window_bounds = array<i64: 2000, 32>}, {pipeline_mode = #tpu.pipeline_mode<synchronous>, transform_indices = @transform_4, window_bounds = array<i64: 32, 96>}, {pipeline_mode = #tpu.pipeline_mode<synchronous>, transform_indices = @transform_5, window_bounds = array<i64: 32, 64>}, {pipeline_mode = #tpu.pipeline_mode<synchronous>, transform_indices = @transform_6, window_bounds = array<i64: 32, 32>}, {pipeline_mode = #tpu.pipeline_mode<synchronous>, transform_indices = @transform_7, window_bounds = array<i64: 1, 96>}, {transform_indices = @transform_8, window_bounds = array<i64: 2000, 32>}, {transform_indices = @transform_9, window_bounds = array<i64: 2000, 32>}]} {
    %get3A = arith.constant 0 : index
    %get3A_0 = arith.constant 0 : index
    %get3A_1 = arith.constant 0 : index
    %get3A_2 = vector.load %arg1[%get3A, %get3A_0, %get3A_1] : memref<2x2000x32xf32, #tpu.memory_space<vmem>>, vector<1x2000x32xf32>
    %get3A_3 = vector.shape_cast %get3A_2 : vector<1x2000x32xf32> to vector<2000x32xf32>
    %get3A_4 = arith.constant 1 : index
    %get3A_5 = arith.constant 0 : index
    %get3A_6 = arith.constant 0 : index
    %get3A_7 = vector.load %arg1[%get3A_4, %get3A_5, %get3A_6] : memref<2x2000x32xf32, #tpu.memory_space<vmem>>, vector<1x2000x32xf32>
    %get3A_8 = vector.shape_cast %get3A_7 : vector<1x2000x32xf32> to vector<2000x32xf32>
    %add3A = arith.addf %get3A_3, %get3A_8 : vector<2000x32xf32>
    %get3A_9 = arith.constant 0 : index
    %get3A_10 = arith.constant 0 : index
    %get3A_11 = vector.load %arg2[%get3A_9, %get3A_10] : memref<2000x1xf32, #tpu.memory_space<vmem>>, vector<2000x1xf32>
    %mul3A = vector.broadcast %get3A_11 : vector<2000x1xf32> to vector<2000x32xf32>
    %mul3A_12 = arith.mulf %add3A, %mul3A : vector<2000x32xf32>
    %get3A_13 = arith.constant 0 : index
    %get3A_14 = arith.constant 0 : index
    %get3A_15 = vector.load %arg3[%get3A_13, %get3A_14] : memref<2000x32xf32, #tpu.memory_space<vmem>>, vector<2000x32xf32>
    %get3A_16 = arith.constant 0 : index
    %get3A_17 = arith.constant 0 : index
    %get3A_18 = vector.load %arg5[%get3A_16, %get3A_17] : memref<32x96xf32, #tpu.memory_space<vmem>>, vector<32x96xf32>
    %dot_general3A = arith.constant dense<0.000000e+00> : vector<2000x96xf32>
    %dot_general3A_19 = tpu.matmul %mul3A_12, %get3A_18, %dot_general3A {dimension_numbers = #tpu.dot_dimension_numbers<[1], [0], [0], [1], [0, 0, 1, 1], [], []>, transpose_lhs_hint = false} : vector<2000x32xf32>, vector<32x96xf32>, vector<2000x96xf32> -> vector<2000x96xf32>
    %get3A_20 = arith.constant 0 : index
    %get3A_21 = arith.constant 0 : index
    %get3A_22 = vector.load %arg8[%get3A_20, %get3A_21] : memref<1x96xf32, #tpu.memory_space<vmem>>, vector<1x96xf32>
    %add3A_23 = vector.broadcast %get3A_22 : vector<1x96xf32> to vector<2000x96xf32>
    %add3A_24 = arith.addf %dot_general3A_19, %add3A_23 : vector<2000x96xf32>
    %get3A_25 = arith.constant 0 : index
    %get3A_26 = arith.constant 0 : index
    %get3A_27 = vector.load %arg6[%get3A_25, %get3A_26] : memref<32x64xf32, #tpu.memory_space<vmem>>, vector<32x64xf32>
    %dot_general3A_28 = arith.constant dense<0.000000e+00> : vector<2000x64xf32>
    %dot_general3A_29 = tpu.matmul %get3A_15, %get3A_27, %dot_general3A_28 {dimension_numbers = #tpu.dot_dimension_numbers<[1], [0], [0], [1], [0, 0, 1, 1], [], []>, transpose_lhs_hint = false} : vector<2000x32xf32>, vector<32x64xf32>, vector<2000x64xf32> -> vector<2000x64xf32>
    %slice3A = vector.extract_strided_slice %add3A_24 {offsets = [0, 0], sizes = [2000, 32], strides = [1, 1]} : vector<2000x96xf32> to vector<2000x32xf32>
    %slice3A_30 = vector.extract_strided_slice %dot_general3A_29 {offsets = [0, 0], sizes = [2000, 32], strides = [1, 1]} : vector<2000x64xf32> to vector<2000x32xf32>
    %add3A_31 = arith.addf %slice3A, %slice3A_30 : vector<2000x32xf32>
    %logistic3A = arith.negf %add3A_31 : vector<2000x32xf32>
    %logistic3A_32 = math.exp %logistic3A : vector<2000x32xf32>
    %logistic3A_33 = arith.constant 1.000000e+00 : f32
    %logistic3A_34 = vector.broadcast %logistic3A_33 : f32 to vector<2000x32xf32>
    %logistic3A_35 = arith.addf %logistic3A_34, %logistic3A_32 : vector<2000x32xf32>
    %logistic3A_36 = arith.divf %logistic3A_34, %logistic3A_35 : vector<2000x32xf32>
    %slice3A_37 = vector.extract_strided_slice %add3A_24 {offsets = [0, 32], sizes = [2000, 32], strides = [1, 1]} : vector<2000x96xf32> to vector<2000x32xf32>
    %slice3A_38 = vector.extract_strided_slice %dot_general3A_29 {offsets = [0, 32], sizes = [2000, 32], strides = [1, 1]} : vector<2000x64xf32> to vector<2000x32xf32>
    %add3A_39 = arith.addf %slice3A_37, %slice3A_38 : vector<2000x32xf32>
    %logistic3A_40 = arith.negf %add3A_39 : vector<2000x32xf32>
    %logistic3A_41 = math.exp %logistic3A_40 : vector<2000x32xf32>
    %logistic3A_42 = arith.constant 1.000000e+00 : f32
    %logistic3A_43 = vector.broadcast %logistic3A_42 : f32 to vector<2000x32xf32>
    %logistic3A_44 = arith.addf %logistic3A_43, %logistic3A_41 : vector<2000x32xf32>
    %logistic3A_45 = arith.divf %logistic3A_43, %logistic3A_44 : vector<2000x32xf32>
    %slice3A_46 = vector.extract_strided_slice %add3A_24 {offsets = [0, 64], sizes = [2000, 32], strides = [1, 1]} : vector<2000x96xf32> to vector<2000x32xf32>
    %mul3A_47 = arith.mulf %logistic3A_45, %get3A_15 : vector<2000x32xf32>
    %get3A_48 = arith.constant 0 : index
    %get3A_49 = arith.constant 0 : index
    %get3A_50 = vector.load %arg7[%get3A_48, %get3A_49] : memref<32x32xf32, #tpu.memory_space<vmem>>, vector<32x32xf32>
    %dot_general3A_51 = arith.constant dense<0.000000e+00> : vector<2000x32xf32>
    %dot_general3A_52 = tpu.matmul %mul3A_47, %get3A_50, %dot_general3A_51 {dimension_numbers = #tpu.dot_dimension_numbers<[1], [0], [0], [1], [0, 0, 1, 1], [], []>, transpose_lhs_hint = false} : vector<2000x32xf32>, vector<32x32xf32>, vector<2000x32xf32> -> vector<2000x32xf32>
    %add3A_53 = arith.addf %slice3A_46, %dot_general3A_52 : vector<2000x32xf32>
    %tanh3A = math.tanh %add3A_53 : vector<2000x32xf32>
    %mul3A_54 = arith.mulf %logistic3A_36, %get3A_15 : vector<2000x32xf32>
    %sub3A = arith.constant 1.000000e+00 : f32
    %sub3A_55 = vector.broadcast %sub3A : f32 to vector<2000x32xf32>
    %sub3A_56 = arith.subf %sub3A_55, %logistic3A_36 : vector<2000x32xf32>
    %mul3A_57 = arith.mulf %sub3A_56, %tanh3A : vector<2000x32xf32>
    %add3A_58 = arith.addf %mul3A_54, %mul3A_57 : vector<2000x32xf32>
    %swap3A = arith.constant 0 : index
    %swap3A_59 = arith.constant 0 : index
    %swap3A_60 = vector.load %arg9[%swap3A, %swap3A_59] : memref<2000x32xf32, #tpu.memory_space<vmem>>, vector<2000x32xf32>
    tpu.vector_store %arg9[%swap3A, %swap3A_59], %add3A_58 {strides = array<i32>} : memref<2000x32xf32, #tpu.memory_space<vmem>>, vector<2000x32xf32>,
    %get3A_61 = arith.constant 0 : index
    %get3A_62 = arith.constant 0 : index
    %get3A_63 = vector.load %arg4[%get3A_61, %get3A_62] : memref<2000x32xf32, #tpu.memory_space<vmem>>, vector<2000x32xf32>
    %add3A_64 = arith.addf %add3A_58, %get3A_63 : vector<2000x32xf32>
    %swap3A_65 = arith.constant 0 : index
    %swap3A_66 = arith.constant 0 : index
    %swap3A_67 = vector.load %arg10[%swap3A_65, %swap3A_66] : memref<2000x32xf32, #tpu.memory_space<vmem>>, vector<2000x32xf32>
    tpu.vector_store %arg10[%swap3A_65, %swap3A_66], %add3A_64 {strides = array<i32>} : memref<2000x32xf32, #tpu.memory_space<vmem>>, vector<2000x32xf32>,
    return
  }
  func.func @transform_0(%arg0: i32) -> (i32, i32, i32) {
    %c0_i32 = arith.constant 0 : i32
    %c0_i32_0 = arith.constant 0 : i32
    %c0_i32_1 = arith.constant 0 : i32
    return %c0_i32, %arg0, %c0_i32_0 : i32, i32, i32
  }
  func.func @transform_1(%arg0: i32) -> (i32, i32) {
    %c0_i32 = arith.constant 0 : i32
    %c0_i32_0 = arith.constant 0 : i32
    return %arg0, %c0_i32 : i32, i32
  }
  func.func @transform_2(%arg0: i32) -> (i32, i32) {
    %c0_i32 = arith.constant 0 : i32
    %c0_i32_0 = arith.constant 0 : i32
    return %arg0, %c0_i32 : i32, i32
  }
  func.func @transform_3(%arg0: i32) -> (i32, i32) {
    %c0_i32 = arith.constant 0 : i32
    %c0_i32_0 = arith.constant 0 : i32
    return %arg0, %c0_i32 : i32, i32
  }
  func.func @transform_4(%arg0: i32) -> (i32, i32) {
    %c0_i32 = arith.constant 0 : i32
    %c0_i32_0 = arith.constant 0 : i32
    %c0_i32_1 = arith.constant 0 : i32
    return %c0_i32, %c0_i32_0 : i32, i32
  }
  func.func @transform_5(%arg0: i32) -> (i32, i32) {
    %c0_i32 = arith.constant 0 : i32
    %c0_i32_0 = arith.constant 0 : i32
    %c0_i32_1 = arith.constant 0 : i32
    return %c0_i32, %c0_i32_0 : i32, i32
  }
  func.func @transform_6(%arg0: i32) -> (i32, i32) {
    %c0_i32 = arith.constant 0 : i32
    %c0_i32_0 = arith.constant 0 : i32
    %c0_i32_1 = arith.constant 0 : i32
    return %c0_i32, %c0_i32_0 : i32, i32
  }
  func.func @transform_7(%arg0: i32) -> (i32, i32) {
    %c0_i32 = arith.constant 0 : i32
    %c0_i32_0 = arith.constant 0 : i32
    %c0_i32_1 = arith.constant 0 : i32
    return %c0_i32, %c0_i32_0 : i32, i32
  }
  func.func @transform_8(%arg0: i32) -> (i32, i32) {
    %c0_i32 = arith.constant 0 : i32
    %c0_i32_0 = arith.constant 0 : i32
    return %arg0, %c0_i32 : i32, i32
  }
  func.func @transform_9(%arg0: i32) -> (i32, i32) {
    %c0_i32 = arith.constant 0 : i32
    %c0_i32_0 = arith.constant 0 : i32
    return %arg0, %c0_i32 : i32, i32
  }
}

module attributes {stable_mosaic.version = 14 : i64} {
  func.func @_pool_body(%arg0: i32, %arg1: memref<2000x1xi32, #tpu.memory_space<vmem>>, %arg2: memref<2000x32xf32, #tpu.memory_space<vmem>>, %arg3: memref<32x32xf32, #tpu.memory_space<vmem>>, %arg4: memref<1x32xf32, #tpu.memory_space<vmem>>, %arg5: memref<32x32xf32, #tpu.memory_space<vmem>>, %arg6: memref<1x32xf32, #tpu.memory_space<vmem>>, %arg7: memref<32x1xf32, #tpu.memory_space<vmem>>, %arg8: memref<1x1xf32, #tpu.memory_space<vmem>>, %arg9: memref<64x1xf32, #tpu.memory_space<vmem>>, %arg10: memref<64x32xf32, #tpu.memory_space<vmem>>, %arg11: memref<64x1xf32, #tpu.memory_space<vmem>>) attributes {dimension_semantics = [#tpu.dimension_semantics<arbitrary>], iteration_bounds = array<i64: 5>, scalar_prefetch = 0 : i64, scratch_operands = 2 : i64, tpu.core_type = #tpu.core_type<tc>, window_params = [{transform_indices = @transform_0, window_bounds = array<i64: 2000, 1>}, {transform_indices = @transform_1, window_bounds = array<i64: 2000, 32>}, {pipeline_mode = #tpu.pipeline_mode<synchronous>, transform_indices = @transform_2, window_bounds = array<i64: 32, 32>}, {pipeline_mode = #tpu.pipeline_mode<synchronous>, transform_indices = @transform_3, window_bounds = array<i64: 1, 32>}, {pipeline_mode = #tpu.pipeline_mode<synchronous>, transform_indices = @transform_4, window_bounds = array<i64: 32, 32>}, {pipeline_mode = #tpu.pipeline_mode<synchronous>, transform_indices = @transform_5, window_bounds = array<i64: 1, 32>}, {pipeline_mode = #tpu.pipeline_mode<synchronous>, transform_indices = @transform_6, window_bounds = array<i64: 32, 1>}, {pipeline_mode = #tpu.pipeline_mode<synchronous>, transform_indices = @transform_7, window_bounds = array<i64: 1, 1>}, {pipeline_mode = #tpu.pipeline_mode<synchronous>, transform_indices = @transform_8, window_bounds = array<i64: 64, 1>}]} {
    %eq3A = arith.constant 0 : i32
    %eq3A_0 = arith.cmpi eq, %arg0, %eq3A : i32
    %convert_element_type3A = arith.extui %eq3A_0 : i1 to i32
    %cond3A = arith.constant 0 : i32
    %cond3A_1 = arith.cmpi ne, %convert_element_type3A, %cond3A : i32
    scf.if %cond3A_1 {
      %broadcast_in_dim3A_38 = arith.constant 0.000000e+00 : f32
      %broadcast_in_dim3A_39 = vector.broadcast %broadcast_in_dim3A_38 : f32 to vector<64x32xf32>
      %swap3A_40 = arith.constant 0 : index
      %swap3A_41 = arith.constant 0 : index
      %swap3A_42 = vector.load %arg10[%swap3A_40, %swap3A_41] : memref<64x32xf32, #tpu.memory_space<vmem>>, vector<64x32xf32>
      tpu.vector_store %arg10[%swap3A_40, %swap3A_41], %broadcast_in_dim3A_39 {strides = array<i32>} : memref<64x32xf32, #tpu.memory_space<vmem>>, vector<64x32xf32>,
      %broadcast_in_dim3A_43 = arith.constant 0.000000e+00 : f32
      %broadcast_in_dim3A_44 = vector.broadcast %broadcast_in_dim3A_43 : f32 to vector<64x1xf32>
      %swap3A_45 = arith.constant 0 : index
      %swap3A_46 = arith.constant 0 : index
      %swap3A_47 = vector.load %arg11[%swap3A_45, %swap3A_46] : memref<64x1xf32, #tpu.memory_space<vmem>>, vector<64x1xf32>
      tpu.vector_store %arg11[%swap3A_45, %swap3A_46], %broadcast_in_dim3A_44 {strides = array<i32>} : memref<64x1xf32, #tpu.memory_space<vmem>>, vector<64x1xf32>,
    } else {
    }
    %get3A = arith.constant 0 : index
    %get3A_2 = arith.constant 0 : index
    %get3A_3 = vector.load %arg1[%get3A, %get3A_2] : memref<2000x1xi32, #tpu.memory_space<vmem>>, vector<2000x1xi32>
    %iota3A = tpu.iota {dimensions = array<i32: 1>} : vector<2000x64xi32>
    %eq3A_4 = vector.broadcast %get3A_3 : vector<2000x1xi32> to vector<2000x64xi32>
    %eq3A_5 = arith.cmpi eq, %eq3A_4, %iota3A : vector<2000x64xi32>
    %convert_element_type3A_6 = arith.extui %eq3A_5 : vector<2000x64xi1> to vector<2000x64xi32>
    %convert_element_type3A_7 = arith.sitofp %convert_element_type3A_6 : vector<2000x64xi32> to vector<2000x64xf32>
    %get3A_8 = arith.constant 0 : index
    %get3A_9 = arith.constant 0 : index
    %get3A_10 = vector.load %arg2[%get3A_8, %get3A_9] : memref<2000x32xf32, #tpu.memory_space<vmem>>, vector<2000x32xf32>
    %convert_element_type3A_11 = arith.truncf %get3A_10 : vector<2000x32xf32> to vector<2000x32xbf16>
    %convert_element_type3A_12 = arith.extf %convert_element_type3A_11 : vector<2000x32xbf16> to vector<2000x32xf32>
    %sub3A = arith.subf %get3A_10, %convert_element_type3A_12 : vector<2000x32xf32>
    %convert_element_type3A_13 = arith.truncf %sub3A : vector<2000x32xf32> to vector<2000x32xbf16>
    %get3A_14 = arith.constant 0 : index
    %get3A_15 = arith.constant 0 : index
    %get3A_16 = vector.load %arg10[%get3A_14, %get3A_15] : memref<64x32xf32, #tpu.memory_space<vmem>>, vector<64x32xf32>
    %dot_general3A = arith.constant dense<0.000000e+00> : vector<64x32xf32>
    %dot_general3A_17 = tpu.matmul %convert_element_type3A_7, %convert_element_type3A_11, %dot_general3A {dimension_numbers = #tpu.dot_dimension_numbers<[0], [0], [1], [1], [0, 1, 1, 1], [], []>, transpose_lhs_hint = false} : vector<2000x64xf32>, vector<2000x32xbf16>, vector<64x32xf32> -> vector<64x32xf32>
    %dot_general3A_18 = arith.constant dense<0.000000e+00> : vector<64x32xf32>
    %dot_general3A_19 = tpu.matmul %convert_element_type3A_7, %convert_element_type3A_13, %dot_general3A_18 {dimension_numbers = #tpu.dot_dimension_numbers<[0], [0], [1], [1], [0, 1, 1, 1], [], []>, transpose_lhs_hint = false} : vector<2000x64xf32>, vector<2000x32xbf16>, vector<64x32xf32> -> vector<64x32xf32>
    %add3A = arith.addf %dot_general3A_17, %dot_general3A_19 : vector<64x32xf32>
    %add3A_20 = arith.addf %get3A_16, %add3A : vector<64x32xf32>
    %swap3A = arith.constant 0 : index
    %swap3A_21 = arith.constant 0 : index
    %swap3A_22 = vector.load %arg10[%swap3A, %swap3A_21] : memref<64x32xf32, #tpu.memory_space<vmem>>, vector<64x32xf32>
    tpu.vector_store %arg10[%swap3A, %swap3A_21], %add3A_20 {strides = array<i32>} : memref<64x32xf32, #tpu.memory_space<vmem>>, vector<64x32xf32>,
    %get3A_23 = arith.constant 0 : index
    %get3A_24 = arith.constant 0 : index
    %get3A_25 = vector.load %arg11[%get3A_23, %get3A_24] : memref<64x1xf32, #tpu.memory_space<vmem>>, vector<64x1xf32>
    %broadcast_in_dim3A = arith.constant 1.000000e+00 : f32
    %broadcast_in_dim3A_26 = vector.broadcast %broadcast_in_dim3A : f32 to vector<2000x1xf32>
    %dot_general3A_27 = arith.constant dense<0.000000e+00> : vector<64x1xf32>
    %dot_general3A_28 = tpu.matmul %convert_element_type3A_7, %broadcast_in_dim3A_26, %dot_general3A_27 {dimension_numbers = #tpu.dot_dimension_numbers<[0], [0], [1], [1], [0, 1, 1, 1], [], []>, transpose_lhs_hint = false} : vector<2000x64xf32>, vector<2000x1xf32>, vector<64x1xf32> -> vector<64x1xf32>
    %add3A_29 = arith.addf %get3A_25, %dot_general3A_28 : vector<64x1xf32>
    %swap3A_30 = arith.constant 0 : index
    %swap3A_31 = arith.constant 0 : index
    %swap3A_32 = vector.load %arg11[%swap3A_30, %swap3A_31] : memref<64x1xf32, #tpu.memory_space<vmem>>, vector<64x1xf32>
    tpu.vector_store %arg11[%swap3A_30, %swap3A_31], %add3A_29 {strides = array<i32>} : memref<64x1xf32, #tpu.memory_space<vmem>>, vector<64x1xf32>,
    %eq3A_33 = arith.constant 4 : i32
    %eq3A_34 = arith.cmpi eq, %arg0, %eq3A_33 : i32
    %convert_element_type3A_35 = arith.extui %eq3A_34 : i1 to i32
    %cond3A_36 = arith.constant 0 : i32
    %cond3A_37 = arith.cmpi ne, %convert_element_type3A_35, %cond3A_36 : i32
    scf.if %cond3A_37 {
      %get3A_38 = arith.constant 0 : index
      %get3A_39 = arith.constant 0 : index
      %get3A_40 = vector.load %arg10[%get3A_38, %get3A_39] : memref<64x32xf32, #tpu.memory_space<vmem>>, vector<64x32xf32>
      %get3A_41 = arith.constant 0 : index
      %get3A_42 = arith.constant 0 : index
      %get3A_43 = vector.load %arg11[%get3A_41, %get3A_42] : memref<64x1xf32, #tpu.memory_space<vmem>>, vector<64x1xf32>
      %max3A = arith.constant 1.000000e+00 : f32
      %max3A_44 = vector.broadcast %max3A : f32 to vector<64x1xf32>
      %max3A_45 = arith.maximumf %get3A_43, %max3A_44 : vector<64x1xf32>
      %div3A = vector.broadcast %max3A_45 : vector<64x1xf32> to vector<64x32xf32>
      %div3A_46 = arith.divf %get3A_40, %div3A : vector<64x32xf32>
      %get3A_47 = arith.constant 0 : index
      %get3A_48 = arith.constant 0 : index
      %get3A_49 = vector.load %arg3[%get3A_47, %get3A_48] : memref<32x32xf32, #tpu.memory_space<vmem>>, vector<32x32xf32>
      %convert_element_type3A_50 = arith.truncf %div3A_46 : vector<64x32xf32> to vector<64x32xbf16>
      %convert_element_type3A_51 = arith.truncf %get3A_49 : vector<32x32xf32> to vector<32x32xbf16>
      %dot_general3A_52 = arith.constant dense<0.000000e+00> : vector<64x32xf32>
      %dot_general3A_53 = tpu.matmul %convert_element_type3A_50, %convert_element_type3A_51, %dot_general3A_52 {dimension_numbers = #tpu.dot_dimension_numbers<[1], [0], [0], [1], [0, 0, 1, 1], [], []>, transpose_lhs_hint = false} : vector<64x32xbf16>, vector<32x32xbf16>, vector<64x32xf32> -> vector<64x32xf32>
      %get3A_54 = arith.constant 0 : index
      %get3A_55 = arith.constant 0 : index
      %get3A_56 = vector.load %arg4[%get3A_54, %get3A_55] : memref<1x32xf32, #tpu.memory_space<vmem>>, vector<1x32xf32>
      %add3A_57 = vector.broadcast %get3A_56 : vector<1x32xf32> to vector<64x32xf32>
      %add3A_58 = arith.addf %dot_general3A_53, %add3A_57 : vector<64x32xf32>
      %max3A_59 = arith.constant 0.000000e+00 : f32
      %max3A_60 = vector.broadcast %max3A_59 : f32 to vector<64x32xf32>
      %max3A_61 = arith.maximumf %add3A_58, %max3A_60 : vector<64x32xf32>
      %get3A_62 = arith.constant 0 : index
      %get3A_63 = arith.constant 0 : index
      %get3A_64 = vector.load %arg5[%get3A_62, %get3A_63] : memref<32x32xf32, #tpu.memory_space<vmem>>, vector<32x32xf32>
      %convert_element_type3A_65 = arith.truncf %max3A_61 : vector<64x32xf32> to vector<64x32xbf16>
      %convert_element_type3A_66 = arith.truncf %get3A_64 : vector<32x32xf32> to vector<32x32xbf16>
      %dot_general3A_67 = arith.constant dense<0.000000e+00> : vector<64x32xf32>
      %dot_general3A_68 = tpu.matmul %convert_element_type3A_65, %convert_element_type3A_66, %dot_general3A_67 {dimension_numbers = #tpu.dot_dimension_numbers<[1], [0], [0], [1], [0, 0, 1, 1], [], []>, transpose_lhs_hint = false} : vector<64x32xbf16>, vector<32x32xbf16>, vector<64x32xf32> -> vector<64x32xf32>
      %get3A_69 = arith.constant 0 : index
      %get3A_70 = arith.constant 0 : index
      %get3A_71 = vector.load %arg6[%get3A_69, %get3A_70] : memref<1x32xf32, #tpu.memory_space<vmem>>, vector<1x32xf32>
      %add3A_72 = vector.broadcast %get3A_71 : vector<1x32xf32> to vector<64x32xf32>
      %add3A_73 = arith.addf %dot_general3A_68, %add3A_72 : vector<64x32xf32>
      %max3A_74 = arith.constant 0.000000e+00 : f32
      %max3A_75 = vector.broadcast %max3A_74 : f32 to vector<64x32xf32>
      %max3A_76 = arith.maximumf %add3A_73, %max3A_75 : vector<64x32xf32>
      %get3A_77 = arith.constant 0 : index
      %get3A_78 = arith.constant 0 : index
      %get3A_79 = vector.load %arg7[%get3A_77, %get3A_78] : memref<32x1xf32, #tpu.memory_space<vmem>>, vector<32x1xf32>
      %convert_element_type3A_80 = arith.truncf %max3A_76 : vector<64x32xf32> to vector<64x32xbf16>
      %convert_element_type3A_81 = arith.truncf %get3A_79 : vector<32x1xf32> to vector<32x1xbf16>
      %dot_general3A_82 = arith.constant dense<0.000000e+00> : vector<64x1xf32>
      %dot_general3A_83 = tpu.matmul %convert_element_type3A_80, %convert_element_type3A_81, %dot_general3A_82 {dimension_numbers = #tpu.dot_dimension_numbers<[1], [0], [0], [1], [0, 0, 1, 1], [], []>, transpose_lhs_hint = false} : vector<64x32xbf16>, vector<32x1xbf16>, vector<64x1xf32> -> vector<64x1xf32>
      %get3A_84 = arith.constant 0 : index
      %get3A_85 = arith.constant 0 : index
      %get3A_86 = vector.load %arg8[%get3A_84, %get3A_85] : memref<1x1xf32, #tpu.memory_space<vmem>>, vector<1x1xf32>
      %add3A_87 = vector.broadcast %get3A_86 : vector<1x1xf32> to vector<64x1xf32>
      %add3A_88 = arith.addf %dot_general3A_83, %add3A_87 : vector<64x1xf32>
      %swap3A_89 = arith.constant 0 : index
      %swap3A_90 = arith.constant 0 : index
      %swap3A_91 = vector.load %arg9[%swap3A_89, %swap3A_90] : memref<64x1xf32, #tpu.memory_space<vmem>>, vector<64x1xf32>
      tpu.vector_store %arg9[%swap3A_89, %swap3A_90], %add3A_88 {strides = array<i32>} : memref<64x1xf32, #tpu.memory_space<vmem>>, vector<64x1xf32>,
    } else {
    }
    return
  }
  func.func @transform_0(%arg0: i32) -> (i32, i32) {
    %c0_i32 = arith.constant 0 : i32
    %c0_i32_0 = arith.constant 0 : i32
    return %arg0, %c0_i32 : i32, i32
  }
  func.func @transform_1(%arg0: i32) -> (i32, i32) {
    %c0_i32 = arith.constant 0 : i32
    %c0_i32_0 = arith.constant 0 : i32
    return %arg0, %c0_i32 : i32, i32
  }
  func.func @transform_2(%arg0: i32) -> (i32, i32) {
    %c0_i32 = arith.constant 0 : i32
    %c0_i32_0 = arith.constant 0 : i32
    %c0_i32_1 = arith.constant 0 : i32
    return %c0_i32, %c0_i32_0 : i32, i32
  }
  func.func @transform_3(%arg0: i32) -> (i32, i32) {
    %c0_i32 = arith.constant 0 : i32
    %c0_i32_0 = arith.constant 0 : i32
    %c0_i32_1 = arith.constant 0 : i32
    return %c0_i32, %c0_i32_0 : i32, i32
  }
  func.func @transform_4(%arg0: i32) -> (i32, i32) {
    %c0_i32 = arith.constant 0 : i32
    %c0_i32_0 = arith.constant 0 : i32
    %c0_i32_1 = arith.constant 0 : i32
    return %c0_i32, %c0_i32_0 : i32, i32
  }
  func.func @transform_5(%arg0: i32) -> (i32, i32) {
    %c0_i32 = arith.constant 0 : i32
    %c0_i32_0 = arith.constant 0 : i32
    %c0_i32_1 = arith.constant 0 : i32
    return %c0_i32, %c0_i32_0 : i32, i32
  }
  func.func @transform_6(%arg0: i32) -> (i32, i32) {
    %c0_i32 = arith.constant 0 : i32
    %c0_i32_0 = arith.constant 0 : i32
    %c0_i32_1 = arith.constant 0 : i32
    return %c0_i32, %c0_i32_0 : i32, i32
  }
  func.func @transform_7(%arg0: i32) -> (i32, i32) {
    %c0_i32 = arith.constant 0 : i32
    %c0_i32_0 = arith.constant 0 : i32
    %c0_i32_1 = arith.constant 0 : i32
    return %c0_i32, %c0_i32_0 : i32, i32
  }
  func.func @transform_8(%arg0: i32) -> (i32, i32) {
    %c0_i32 = arith.constant 0 : i32
    %c0_i32_0 = arith.constant 0 : i32
    %c0_i32_1 = arith.constant 0 : i32
    return %c0_i32, %c0_i32_0 : i32, i32
  }
}

</mosaic_0001>

<sc_bundles>
// kernel: kernel.19.cloned.1.call-start
scs
__scs_entry_jumppad:
0x0: {  	(pc) =	sbr.rel $0x88, $3  }
0x1: {  	(tag) =	ssettag $0x0;
	lr =	simm.s32 $0x1  }
0x2: {  	[smem:$0x3F8C] =	sst lr;
	_ =	strace $0xD0000000  }
0x3: {  	_ = 	snop  }
0x4: {  	_ = 	snop  }
0x5: {  	_ = 	snop  }
0x6: {  	_ = 	snop  }
0x7: {  	_ = 	snop  }
__scs_overlays_trampoline_lowered:
0x8: {  	[smem:$0x3F9B] =	sst s0  }
0x9: {  	[smem:$0x3F9C] =	sst s1  }
0xa: {  	[smem:$0x3F9D] =	sst s2  }
0xb: {  	[smem:$0x3F9E] =	sst s3  }
0xc: {  	[smem:$0x3F9F] =	sst s4  }
0xd: {  	[smem:$0x3FA0] =	sst s5  }
0xe: {  	[smem:$0x3FA1] =	sst s6  }
0xf: {  	[smem:$0x3FA2] =	sst s7  }
0x10: {  	[smem:$0x3FA3] =	sst s8  }
0x11: {  	[smem:$0x3FA4] =	sst s9;
	s0 =	simm.s32 @!p0 $0x0  }
0x12: {  	s1 =	sld [smem:$0x3F8A];
	s0 =	simm.s32 @p0 $0x1  }
0x13: {  	[smem:$0x3FA5] =	sst s0;
	s0 =	simm.s32 @!p1 $0x0  }
0x14: {  	s2 =	sld [smem:$0x3F89];
	s0 =	simm.s32 @p1 $0x1  }
0x15: {  	[smem:$0x3FA6] =	sst s0;
	s0 =	simm.s32 @!p2 $0x0  }
0x16: {  	s3 =	sld [smem:$0x3FDB];
	s0 =	simm.s32 @p2 $0x1  }
0x17: {  	s4 =	simm.s32 $0x1BF5;
	[smem:$0x3FA8] =	sst s0  }
0x18: {  	s0 =	sld [smem:$0x3F8B];
	_ =	swait.ge [sflag:s4], $0x0  }
0x19: {  	s7 =	sld [smem:$0x3F8C]  }
0x1a: {  	s8 =	sadd.s32 $0xFFFFE003, lr  }
0x1b: {  	s9 =	sadd.s32 $0xFFFFFEF7, lr;
	s5 =	simm.s32 $0xFFFFFFFF;
	p2 =	slt.u32 s8, $0xFFFFF086  }
0x1c: {  	p1 =	slt.u32 s9, $0xF7A;
	s5 =	simm.s32 @!p2 $0x0  }
0x1d: {  	s5 =	simm.s32 @p1 $0x1;
	p0 =	seq.s32 s7, s2  }
0x1e: {  	s7 =	smul.u32 @!p0 $0xF7A, s2;
	p2 =	seq.s32 @!p0 s5, $0x0  }
0x1f: {  	s9 =	smul.u32 $0xF7A, s1;
	s8 =	simm.s32 @!p0 $0x1BF5;
	p2 =	por !p2, p0  }
0x20: {  	[sflag:s8] =	ssyncset.s32 @!p0 $0xFFFFF086;
	s6 =	sadd.s32 @!p0 s3, s7;
	s7 =	simm.s32 @!p0 $0x108  }
0x21: {  	s3 =	sadd.s32 s3, s9;
	s6 =	sadd.s32 @!p0 $0x88, s6;
	s7 =	simm.s32 @p2 $0x1082  }
0x22: {  	[simem:s7], [sflag:s8] =	dma.local @!p0 [hbm:s6], $0xF7A  }
0x23: {  	s9 =	sor.u32 $0xD0000000, s2;
	s6 =	simm.s32 $0x108;
	_ =	swait.ge @!p0 [sflag:s8], $0x0  }
0x24: {  	s3 =	sadd.s32 $0x88, s3;
	s6 =	simm.s32 @!p1 $0x1082;
	[sflag:s4] =	ssyncset.s32 $0xFFFFF086  }
0x25: {  	[simem:s6], [sflag:s4] =	dma.local [hbm:s3], $0xF7A  }
0x26: {  	[smem:$0x3F8C] =	sst s1;
	(tag) =	ssettag s2;
	_ =	strace s9  }
0x27: {  	s1 =	sld [smem:$0x3F9C]  }
0x28: {  	s2 =	sld [smem:$0x3F9D]  }
0x29: {  	s4 =	sld [smem:$0x3F9F]  }
0x2a: {  	p0 =	seq.s32 s5, $0x0;
	s5 =	sld [smem:$0x3FA0]  }
0x2b: {  	s6 =	sld [smem:$0x3FA1]  }
0x2c: {  	s7 =	sld [smem:$0x3FA2]  }
0x2d: {  	s3 =	simm.s32 $0x108;
	s8 =	sld [smem:$0x3FA3]  }
0x2e: {  	s3 =	simm.s32 @!p0 $0x1082;
	s9 =	sld [smem:$0x3FA4]  }
0x2f: {  	lr =	sadd.s32 s0, s3;
	s0 =	sld [smem:$0x3F9B]  }
0x30: {  	s3 =	sld [smem:$0x3F9E]  }
0x31: {  	[smem:$0x3FA7] =	sst s10  }
0x32: {  	s10 =	sld [smem:$0x3FA5];
	_ =	sdelay $0x3  }
0x33: {  	p0 =	seq.s32 s10, $0x1;
	s10 =	sld [smem:$0x3FA7];
	_ =	sdelay $0x3  }
0x34: {  	[smem:$0x3FA7] =	sst s10  }
0x35: {  	s10 =	sld [smem:$0x3FA6];
	_ =	sdelay $0x3  }
0x36: {  	p1 =	seq.s32 s10, $0x1;
	s10 =	sld [smem:$0x3FA7];
	_ =	sdelay $0x3  }
0x37: {  	[smem:$0x3FA7] =	sst s10  }
0x38: {  	s10 =	sld [smem:$0x3FA8]  }
0x39: {  	_ = 	snop;
	(pc) =	sbr.ind lr, $3  }
0x3a: {  	_ = 	snop  }
0x3b: {  	_ = 	snop  }
0x3c: {  	p2 =	seq.s32 s10, $0x1;
	s10 =	sld [smem:$0x3FA7]  }
0x3d: {  	_ =	shalt  }
0x3e: {  	_ =	shalt  }
0x3f: {  	_ =	shalt  }
0x40: {  	_ =	shalt  }
0x41: {  	_ =	shalt  }
0x42: {  	_ =	shalt  }
0x43: {  	_ =	shalt  }
0x44: {  	_ =	shalt  }
0x45: {  	_ =	shalt  }
0x46: {  	_ =	shalt  }
0x47: {  	_ =	shalt  }
0x48: {  	_ =	shalt  }
0x49: {  	_ =	shalt  }
0x4a: {  	_ =	shalt  }
0x4b: {  	_ =	shalt  }
0x4c: {  	_ =	shalt  }
0x4d: {  	_ =	shalt  }
0x4e: {  	_ =	shalt  }
0x4f: {  	_ =	shalt  }
0x50: {  	_ =	shalt  }
0x51: {  	_ =	shalt  }
0x52: {  	_ =	shalt  }
0x53: {  	_ =	shalt  }
0x54: {  	_ =	shalt  }
0x55: {  	_ =	shalt  }
0x56: {  	_ =	shalt  }
0x57: {  	_ =	shalt  }
0x58: {  	_ =	shalt  }
0x59: {  	_ =	shalt  }
0x5a: {  	_ =	shalt  }
0x5b: {  	_ =	shalt  }
0x5c: {  	_ =	shalt  }
0x5d: {  	_ =	shalt  }
0x5e: {  	_ =	shalt  }
0x5f: {  	_ =	shalt  }
0x60: {  	_ =	shalt  }
0x61: {  	_ =	shalt  }
0x62: {  	_ =	shalt  }
0x63: {  	_ =	shalt  }
0x64: {  	_ =	shalt  }
0x65: {  	_ =	shalt  }
0x66: {  	_ =	shalt  }
0x67: {  	_ =	shalt  }
0x68: {  	_ =	shalt  }
0x69: {  	_ =	shalt  }
0x6a: {  	_ =	shalt  }
0x6b: {  	_ =	shalt  }
0x6c: {  	_ =	shalt  }
0x6d: {  	_ =	shalt  }
0x6e: {  	_ =	shalt  }
0x6f: {  	_ =	shalt  }
0x70: {  	_ =	shalt  }
0x71: {  	_ =	shalt  }
0x72: {  	_ =	shalt  }
0x73: {  	_ =	shalt  }
0x74: {  	_ =	shalt  }
0x75: {  	_ =	shalt  }
0x76: {  	_ =	shalt  }
0x77: {  	_ =	shalt  }
0x78: {  	_ =	shalt  }
0x79: {  	_ =	shalt  }
0x7a: {  	_ =	shalt  }
0x7b: {  	_ =	shalt  }
0x7c: {  	_ =	shalt  }
0x7d: {  	_ =	shalt  }
0x7e: {  	_ =	shalt  }
0x7f: {  	_ =	shalt  }
0x80: {  	_ =	shalt  }
0x81: {  	_ =	shalt  }
0x82: {  	_ =	shalt  }
0x83: {  	_ =	shalt  }
0x84: {  	_ =	shalt  }
0x85: {  	_ =	shalt  }
0x86: {  	_ =	shalt  }
0x87: {  	_ =	shalt  }
.Lfunc_end0:
.L_simem_size_0:
called_computation_lowered:
.L_overlay_start_0:
0x88: {  	s2 =	sld [smem:$0x3FD9]  }
0x89: {  	s3 =	sld [smem:$0x3FFE];
	_ =	sdelay $0x1  }
0x8a: {  	s1 =	srdreg.scid  }
0x8b: {  	s0 =	sand.u32 $0x1, s1  }
0x8c: {  	s17 =	sshll.u32 s0, $0xA;
	s2 =	sadd.s32 s3, s2  }
0x8d: {  	s2 =	sadd.s32 s2, s17  }
0x8e: {  	[smem:$0x3FB3] =	sst s2  }
0x8f: {  	_ = 	snop  }
0x90: {  	(tm) =	ssettm $0x1  }
0x91: {  	s18 =	sld [smem:$0x3FFB];
	_ =	sdelay $0x3  }
0x92: {  	_ =	strace s18  }
0x93: {  	s2 =	sld [smem:$0x3FFC];
	_ =	sdelay $0x3  }
0x94: {  	_ =	strace s2  }
0x95: {  	s2 =	sld [smem:$0x3FFD];
	_ =	sdelay $0x3  }
0x96: {  	_ =	strace s2  }
0x97: {  	_ =	strace $0x8FFFFFFF  }
0x98: {  	s19 =	sld [smem:$0x3FDB];
	_ =	sdelay $0x1  }
0x99: {  	s20 =	simm.s32 $_scs_section_size  }
0x9a: {  	s4 =	simm.s32 $_size__tile_overlayer_lowered;
	s5 =	simm.s32 $_tile_overlayer_lowered  }
0x9b: {  	s6 =	simm.s32 $0x1BFF;
	s21 =	sshll.u32 s5, $0x1;
	s3 =	sadd.s32 s20, s19  }
0x9c: {  	s22 =	simm.s32 $0x0;
	s4 =	sshll.u32 s4, $0x1;
	s5 =	sadd.s32 s21, s3  }
0x9d: {  	[timem:s22], [sflag:s6] =	dma.local [hbm:s5], s4  }
0x9e: {  	_ =	swait.ge [sflag:s6], s4  }
0x9f: {  	s4 =	ssub.s32 $0x0, s4;
	[sflag:s6] =	ssyncset.done $0x0  }
0xa0: {  	[sflag:s6] =	ssyncadd.s32 s4;
	_ =	sdelay $0x1  }
0xa1: {  	s23 =	simm.s32 $0x1B8B  }
0xa2: {  	_ =	swait.ge [sflag:s23], $0x1  }
0xa3: {  	[sflag:s23] =	ssyncset.done $0x0  }
0xa4: {  	[sflag:s23] =	ssyncadd.s32 $0xFFFFFFFF  }
0xa5: {  	s4 =	sld [smem:$0x0]  }
0xa6: {  	s5 =	sand.u32 $0xFFFFFFFE, s1  }
0xa7: {  	p0 =	sne.s32 s1, s5  }
0xa8: {  	s5 =	sshll.u32 @p0 s5, $0xE  }
0xa9: {  	s5 =	sadd.s32 @p0 $0x11B8D, s5;
	s6 =	sshll.u32 @p0 s4, $0x11  }
0xaa: {  	s5 =	sor.u32 @p0 s6, s5  }
0xab: {  	[sflag:s5] =	ssyncadd.remote.s32 @p0 $0x1;
	_ =	sdelay $0x1  }
0xac: {  	s5 =	simm.s32 @p0 $0x1B8D  }
0xad: {  	_ =	swait.eq @p0 [sflag:s5], $0x1  }
0xae: {  	[sflag:s5] =	ssyncadd.s32 @p0 $0xFFFFFFFF  }
0xaf: {  	s6 =	sshll.u32 @!p0 s1, $0xE  }
0xb0: {  	s6 =	sor.u32 @!p0 $0x4000, s6;
	s5 =	simm.s32 @!p0 $0x1B8D  }
0xb1: {  	s4 =	sshll.u32 @!p0 s4, $0x11;
	s6 =	sadd.s32 @!p0 $0x11B8D, s6;
	_ =	swait.eq @!p0 [sflag:s5], $0x1  }
0xb2: {  	s4 =	sor.u32 @!p0 s4, s6;
	[sflag:s5] =	ssyncadd.s32 @!p0 $0xFFFFFFFF  }
0xb3: {  	s25 =	simm.s32 $0x1B8E;
	s24 =	sld [smem:$0x3FFE];
	[sflag:s4] =	ssyncadd.remote.s32 @!p0 $0x1  }
0xb4: {  	s26 =	simm.s32 $execute0_lowered;
	[smem:$0x3FD2] =	sst s25  }
0xb5: {  	s5 =	sshll.u32 s26, $0x1;
	_ =	strace $0x80000049;
	[dreg:$0x1] =	wrdreg $0xFFFFFFFF  }
0xb6: {  	s28 =	simm.s32 $_size_execute0_lowered;
	s3 =	sadd.s32 s3, s5;
	[dreg:$0x0] =	wrdreg $0x0  }
0xb7: {  	s5 =	sshll.u32 s28, $0x1;
	[dreg:$0x2] =	wrdreg s3  }
0xb8: {  	[dreg:$0x3] =	wrdreg s5  }
0xb9: {  	[dreg:$0x4] =	wrdreg $0xC0  }
0xba: {  	_ =	task [dreg:s22], $0x5FFFF  }
0xbb: {  	[dreg:$0x1] =	wrdreg $0xFFFFFFFF  }
0xbc: {  	[dreg:$0x0] =	wrdreg $0x60  }
0xbd: {  	[dreg:$0x2] =	wrdreg s24  }
0xbe: {  	[dreg:$0x3] =	wrdreg $0x42680  }
0xbf: {  	[dreg:$0x4] =	wrdreg $0x9  }
0xc0: {  	_ =	task.clear_ibuf [dreg:s22], $0x5FFFF;
	_ =	strace $0x90000049  }
0xc1: {  	s29 =	simm.s32 $0x9;
	_ =	strace $0x8000004B  }
0xc2: {  	_ =	swait.ge [sflag:s29], $0x1  }
0xc3: {  	[sflag:s29] =	ssyncadd.s32 $0xFFFFFFFF  }
0xc4: {  	_ =	strace $0x9000004B  }
0xc5: {  	_ =	sfence  }
0xc6: {  	s30 =	sld [smem:$0x0];
	_ =	sdelay $0x2  }
0xc7: {  	s31 =	sshll.u32 s1, $0xD;
	s1 =	sshrl.u32 s1, $0x2  }
0xc8: {  	s4 =	sand.u32 $0x4000, s31;
	s1 =	sadd.s32 s1, s30  }
0xc9: {  	s0 =	sor.u32 s4, s0;
	s1 =	sshll.u32 s1, $0x11  }
0xca: {  	s0 =	sor.u32 s1, s0  }
0xcb: {  	s0 =	sadd.s32 $0x8F2B, s0  }
0xcc: {  	[sflag:s0] =	ssyncadd.remote.s32 $0x1  }
0xcd: {  	_ =	sfence.sel $0xFFFF  }
0xce: {  	[dreg:$0x0] =	wrdreg $0xFFFFFFFF;
	(pc) =	sbr.abs _section_cstart, $3  }
0xcf: {  	[dreg:$0x1] =	wrdreg $0xFFFFFFFF  }
0xd0: {  	_ =	task.clear_ibuf [dreg:s22], $0x2FFFF;
	_ =	strace $0x9FFFFFFF  }
0xd1: {  	(tm) =	ssettm $0x7FFFFFFF  }
tec
execute0_lowered:
.L_overlay_start_1:
0x0: {  	(tag) =	ssettag $0x1  }
0x1: {  	s18 =	rddreg [dreg:$0x0];
	s0 =	stileid.u32  }
0x2: {  	s2 =	rddreg [dreg:$0x1];
	s4 =	smul.u32 $0x2700, s0  }
0x3: {  	s1 =	rddreg [dreg:$0x2];
	s3 =	simm.s32 $0x0;
	s7 =	simm.s32 $0x1  }
0x4: {  	[smem:$0x7FF] =	sst s3;
	s30 =	sshll.u32 s0, $0x6;
	s19 =	sshrl.u32 s4, $0x3  }
0x5: {  	_ =	strace $0x8000004A;
	s6 =	sadd.s32 s4, s2;
	s5 =	sadd.s32 s19, s18  }
0x6: {  	s6 =	sshrl.u32 s6, $0x3;
	s4 =	sadd.s32 $0xDF400, s5;
	s5 =	sor.u32 $0x1C01, s30  }
0x7: {  	[spmem:s6], [sflag:s5] =	dma.local [hbm:s4], $0x4E0  }
0x8: {  	s9 =	srdreg.scid;
	_ =	swait.ge [sflag:s7], $0x4E0  }
0x9: {  	s8 =	sadd.s32 $0xDEC00, s18;
	s20 =	sand.u32 $0x1, s9;
	[sflag:s7] =	ssyncset.done $0x0  }
0xa: {  	s11 =	sadd.s32 $0x27000, s2;
	s9 =	simm.s32 $0x3E8;
	[sflag:s7] =	ssyncadd.s32 $0xFFFFFB20  }
0xb: {  	[tilespmem:s9], [sflag:$0x1] =	stream.linear.gather [hbm4b:s8+s3], $0x3E80, $0x38;
	[tilespmem:$0x6978] =	vst v63  }
0xc: {  	s10 =	sadd.s32 $0xE4200, s18;
	s12 =	sshll.u32 s0, $0x1;
	_ =	swait.ge [sflag:s7], $0x3E80  }
0xd: {  	p0 =	sne.s32 s0, $0xF;
	s13 =	sor.u32 s20, s12;
	[sflag:s7] =	ssyncset.done $0x0  }
0xe: {  	s12 =	sshrl.u32 @!p0 s11, $0x3;
	s11 =	simm.s32 @!p0 $0x1;
	[sflag:s7] =	ssyncadd.s32 $0xFFFFC180  }
0xf: {  	[spmem:s12], [sflag:s5] =	dma.local @!p0 [hbm:s10], $0x20  }
0x10: {  	s16 =	smul.u32 $0x1388, s13;
	_ =	swait.ge @!p0 [sflag:s11], $0x20  }
0x11: {  	[sflag:s11] =	ssyncset.done @!p0 $0x0  }
0x12: {  	s17 =	sadd.s32 $0x3D800, s18;
	s13 =	sshrl.u32 s16, $0x3;
	[sflag:s11] =	ssyncadd.s32 @!p0 $0xFFFFFFE0  }
0x13: {  	s13 =	sadd.s32 s17, s13;
	[bflag:$0x0] =	sbarrier.arrive $0xFFFF  }
0x14: {  	[tilespmem:s3], [sflag:$0x1] =	stream.linear.gather [hbm4b:s13+s3], $0x3E8, $0x38;
	[tilespmem:$0x6978] =	vst v63  }
0x15: {  	_ =	swait.ge [sflag:s7], $0x3E8  }
0x16: {  	[sflag:s7] =	ssyncset.done $0x0  }
0x17: {  	[sflag:s7] =	ssyncadd.s32 $0xFFFFFC18  }
0x18: {  	[spmem:s2] =	stream.indirect.scatter.add.f32 [tilespmem:s9], [sflag:$0x1], $0x10, s3, s9, $0xb8;
	[tilespmem:$0x6978] =	vst v63  }
0x19: {  	s14 =	sadd.s32 $0x3E8, s16;
	_ =	swait.ge [sflag:s7], $0x3E80  }
0x1a: {  	s14 =	sshrl.u32 s14, $0x3;
	[sflag:s7] =	ssyncset.done $0x0  }
0x1b: {  	s14 =	sadd.s32 s17, s14;
	[sflag:s7] =	ssyncadd.s32 $0xFFFFC180  }
0x1c: {  	[tilespmem:s3], [sflag:$0x1] =	stream.linear.gather [hbm4b:s14+s3], $0x3E8, $0x38;
	[tilespmem:$0x6978] =	vst v63  }
0x1d: {  	_ =	swait.ge [sflag:s7], $0x3E8  }
0x1e: {  	[sflag:s7] =	ssyncset.done $0x0  }
0x1f: {  	[sflag:s7] =	ssyncadd.s32 $0xFFFFFC18  }
0x20: {  	[spmem:s2] =	stream.indirect.scatter.add.f32 [tilespmem:s9], [sflag:$0x1], $0x10, s3, s9, $0xb8;
	[tilespmem:$0x6978] =	vst v63  }
0x21: {  	_ =	swait.ge [sflag:s7], $0x3E80  }
0x22: {  	[sflag:s7] =	ssyncset.done $0x0  }
0x23: {  	s15 =	sadd.s32 $0xFA, s13;
	[sflag:s7] =	ssyncadd.s32 $0xFFFFC180  }
0x24: {  	[tilespmem:s3], [sflag:$0x1] =	stream.linear.gather [hbm4b:s15+s3], $0x3E8, $0x38;
	[tilespmem:$0x6978] =	vst v63  }
0x25: {  	_ =	swait.ge [sflag:s7], $0x3E8  }
0x26: {  	[sflag:s7] =	ssyncset.done $0x0  }
0x27: {  	[sflag:s7] =	ssyncadd.s32 $0xFFFFFC18  }
0x28: {  	[spmem:s2] =	stream.indirect.scatter.add.f32 [tilespmem:s9], [sflag:$0x1], $0x10, s3, s9, $0xb8;
	[tilespmem:$0x6978] =	vst v63  }
0x29: {  	s16 =	sadd.s32 $0xBB8, s16;
	_ =	swait.ge [sflag:s7], $0x3E80  }
0x2a: {  	s16 =	sshrl.u32 s16, $0x3;
	[sflag:s7] =	ssyncset.done $0x0  }
0x2b: {  	s16 =	sadd.s32 s17, s16;
	[sflag:s7] =	ssyncadd.s32 $0xFFFFC180  }
0x2c: {  	[tilespmem:s3], [sflag:$0x1] =	stream.linear.gather [hbm4b:s16+s3], $0x3E8, $0x38;
	[tilespmem:$0x6978] =	vst v63  }
0x2d: {  	_ =	swait.ge [sflag:s7], $0x3E8  }
0x2e: {  	[sflag:s7] =	ssyncset.done $0x0  }
0x2f: {  	[sflag:s7] =	ssyncadd.s32 $0xFFFFFC18  }
0x30: {  	[spmem:s2] =	stream.indirect.scatter.add.f32 [tilespmem:s9], [sflag:$0x1], $0x10, s3, s9, $0xb8;
	[tilespmem:$0x6978] =	vst v63  }
0x31: {  	_ =	swait.ge [sflag:s7], $0x3E80  }
0x32: {  	[sflag:s7] =	ssyncset.done $0x0  }
0x33: {  	s17 =	sadd.s32 $0x1F4, s13;
	[sflag:s7] =	ssyncadd.s32 $0xFFFFC180  }
0x34: {  	[tilespmem:s3], [sflag:$0x1] =	stream.linear.gather [hbm4b:s17+s3], $0x3E8, $0x38;
	[tilespmem:$0x6978] =	vst v63  }
0x35: {  	_ =	swait.ge [sflag:s7], $0x3E8  }
0x36: {  	[sflag:s7] =	ssyncset.done $0x0  }
0x37: {  	s21 =	smul.u32 $0x4E20, s20;
	s20 =	ssub.s32 $0x2, s20;
	[sflag:s7] =	ssyncadd.s32 $0xFFFFFC18  }
0x38: {  	[spmem:s2] =	stream.indirect.scatter.add.f32 [tilespmem:s9], [sflag:$0x1], $0x10, s3, s9, $0xb8;
	[tilespmem:$0x6978] =	vst v63  }
0x39: {  	s22 =	sshrl.u32 s20, $0x1;
	_ =	swait.ge [sflag:s7], $0x3E80  }
0x3a: {  	s18 =	sadd.s32 s21, s18;
	s31 =	ssub.s32 s20, s22;
	[sflag:s7] =	ssyncset.done $0x0  }
0x3b: {  	s21 =	sadd.s32 $0xE4400, s18;
	s20 =	smax.u32 s31, $0x1;
	[sflag:s7] =	ssyncadd.s32 $0xFFFFC180  }
0x3c: {  	s18 =	sadd.s32 s19, s21;
	s20 =	sadd.s32 $0xFFFFFFFF, s20;
	[bflag:$0x0] =	sbarrier.arrive $0xFFFF  }
0x3d: {  	[hbm:s18], [sflag:s5] =	dma.local [spmem:s6], $0x4E0  }
0x3e: {  	p1 =	sne.s32 s20, $0x0;
	_ =	swait.ge [sflag:s7], $0x4E0  }
.Ltmp0:
0x3f: {  	[sflag:s7] =	ssyncset.done $0x0;
	(pc) =	sbr.rel @!p1 .LBB2_2-.Ltmp0, $4  }
0x40: {  	s19 =	sadd.s32 @!p0 $0x4E00, s21;
	[sflag:s7] =	ssyncadd.s32 $0xFFFFFB20  }
0x41: {  	[hbm:s19], [sflag:s5] =	dma.local @!p0 [spmem:s12], $0x20  }
0x42: {  	_ =	swait.ge @!p0 [sflag:s11], $0x20  }
0x43: {  	[sflag:s11] =	ssyncset.done @!p0 $0x0  }
.LBB2_1:
0x44: {  	s20 =	sadd.s32 $0xFFFFFFFF, s20;
	[sflag:s11] =	ssyncadd.s32 @!p0 $0xFFFFFFE0  }
0x45: {  	[spmem:s6], [sflag:s5] =	dma.local [hbm:s4], $0x4E0  }
0x46: {  	p1 =	sne.s32 s20, $0x0;
	_ =	swait.ge [sflag:s7], $0x4E0  }
0x47: {  	[sflag:s7] =	ssyncset.done $0x0  }
0x48: {  	[sflag:s7] =	ssyncadd.s32 $0xFFFFFB20  }
0x49: {  	[tilespmem:s9], [sflag:$0x1] =	stream.linear.gather [hbm4b:s8+s3], $0x3E80, $0x38;
	[tilespmem:$0x6978] =	vst v63  }
0x4a: {  	_ =	swait.ge [sflag:s7], $0x3E80  }
0x4b: {  	[sflag:s7] =	ssyncset.done $0x0  }
0x4c: {  	[sflag:s7] =	ssyncadd.s32 $0xFFFFC180  }
0x4d: {  	[spmem:s12], [sflag:s5] =	dma.local @!p0 [hbm:s10], $0x20  }
0x4e: {  	_ =	swait.ge @!p0 [sflag:s11], $0x20  }
0x4f: {  	[sflag:s11] =	ssyncset.done @!p0 $0x0  }
0x50: {  	[sflag:s11] =	ssyncadd.s32 @!p0 $0xFFFFFFE0  }
0x51: {  	[bflag:$0x0] =	sbarrier.arrive $0xFFFF  }
0x52: {  	[tilespmem:s3], [sflag:$0x1] =	stream.linear.gather [hbm4b:s13+s3], $0x3E8, $0x38;
	[tilespmem:$0x6978] =	vst v63  }
0x53: {  	_ =	swait.ge [sflag:s7], $0x3E8  }
0x54: {  	[sflag:s7] =	ssyncset.done $0x0  }
0x55: {  	[sflag:s7] =	ssyncadd.s32 $0xFFFFFC18  }
0x56: {  	[spmem:s2] =	stream.indirect.scatter.add.f32 [tilespmem:s9], [sflag:$0x1], $0x10, s3, s9, $0xb8;
	[tilespmem:$0x6978] =	vst v63  }
0x57: {  	_ =	swait.ge [sflag:s7], $0x3E80  }
0x58: {  	[sflag:s7] =	ssyncset.done $0x0  }
0x59: {  	[sflag:s7] =	ssyncadd.s32 $0xFFFFC180  }
0x5a: {  	[tilespmem:s3], [sflag:$0x1] =	stream.linear.gather [hbm4b:s14+s3], $0x3E8, $0x38;
	[tilespmem:$0x6978] =	vst v63  }
0x5b: {  	_ =	swait.ge [sflag:s7], $0x3E8  }
0x5c: {  	[sflag:s7] =	ssyncset.done $0x0  }
0x5d: {  	[sflag:s7] =	ssyncadd.s32 $0xFFFFFC18  }
0x5e: {  	[spmem:s2] =	stream.indirect.scatter.add.f32 [tilespmem:s9], [sflag:$0x1], $0x10, s3, s9, $0xb8;
	[tilespmem:$0x6978] =	vst v63  }
0x5f: {  	_ =	swait.ge [sflag:s7], $0x3E80  }
0x60: {  	[sflag:s7] =	ssyncset.done $0x0  }
0x61: {  	[sflag:s7] =	ssyncadd.s32 $0xFFFFC180  }
0x62: {  	[tilespmem:s3], [sflag:$0x1] =	stream.linear.gather [hbm4b:s15+s3], $0x3E8, $0x38;
	[tilespmem:$0x6978] =	vst v63  }
0x63: {  	_ =	swait.ge [sflag:s7], $0x3E8  }
0x64: {  	[sflag:s7] =	ssyncset.done $0x0  }
0x65: {  	[sflag:s7] =	ssyncadd.s32 $0xFFFFFC18  }
0x66: {  	[spmem:s2] =	stream.indirect.scatter.add.f32 [tilespmem:s9], [sflag:$0x1], $0x10, s3, s9, $0xb8;
	[tilespmem:$0x6978] =	vst v63  }
0x67: {  	_ =	swait.ge [sflag:s7], $0x3E80  }
0x68: {  	[sflag:s7] =	ssyncset.done $0x0  }
0x69: {  	[sflag:s7] =	ssyncadd.s32 $0xFFFFC180  }
0x6a: {  	[tilespmem:s3], [sflag:$0x1] =	stream.linear.gather [hbm4b:s16+s3], $0x3E8, $0x38;
	[tilespmem:$0x6978] =	vst v63  }
0x6b: {  	_ =	swait.ge [sflag:s7], $0x3E8  }
0x6c: {  	[sflag:s7] =	ssyncset.done $0x0  }
0x6d: {  	[sflag:s7] =	ssyncadd.s32 $0xFFFFFC18  }
0x6e: {  	[spmem:s2] =	stream.indirect.scatter.add.f32 [tilespmem:s9], [sflag:$0x1], $0x10, s3, s9, $0xb8;
	[tilespmem:$0x6978] =	vst v63  }
0x6f: {  	_ =	swait.ge [sflag:s7], $0x3E80  }
0x70: {  	[sflag:s7] =	ssyncset.done $0x0  }
0x71: {  	[sflag:s7] =	ssyncadd.s32 $0xFFFFC180  }
0x72: {  	[tilespmem:s3], [sflag:$0x1] =	stream.linear.gather [hbm4b:s17+s3], $0x3E8, $0x38;
	[tilespmem:$0x6978] =	vst v63  }
0x73: {  	_ =	swait.ge [sflag:s7], $0x3E8  }
0x74: {  	[sflag:s7] =	ssyncset.done $0x0  }
0x75: {  	[sflag:s7] =	ssyncadd.s32 $0xFFFFFC18  }
0x76: {  	[spmem:s2] =	stream.indirect.scatter.add.f32 [tilespmem:s9], [sflag:$0x1], $0x10, s3, s9, $0xb8;
	[tilespmem:$0x6978] =	vst v63  }
0x77: {  	_ =	swait.ge [sflag:s7], $0x3E80  }
0x78: {  	[sflag:s7] =	ssyncset.done $0x0  }
0x79: {  	[sflag:s7] =	ssyncadd.s32 $0xFFFFC180  }
0x7a: {  	[bflag:$0x0] =	sbarrier.arrive $0xFFFF  }
0x7b: {  	[hbm:s18], [sflag:s5] =	dma.local [spmem:s6], $0x4E0  }
0x7c: {  	_ =	swait.ge [sflag:s7], $0x4E0  }
.Ltmp1:
0x7d: {  	[sflag:s7] =	ssyncset.done $0x0;
	(pc) =	sbr.rel @p1 .LBB2_1-.Ltmp1, $4  }
0x7e: {  	[sflag:s7] =	ssyncadd.s32 $0xFFFFFB20  }
0x7f: {  	[hbm:s19], [sflag:s5] =	dma.local @!p0 [spmem:s12], $0x20  }
0x80: {  	_ =	swait.ge @!p0 [sflag:s11], $0x20  }
0x81: {  	[sflag:s11] =	ssyncset.done @!p0 $0x0  }
.LBB2_2:
0x82: {  	[sflag:s11] =	ssyncadd.s32 @!p0 $0xFFFFFFE0  }
0x83: {  	_ =	sfence.sel $0x180000  }
0x84: {  	[bflag:$0x0] =	sbarrier.arrive $0xFFFF  }
0x85: {  	p0 =	sne.s32 s0, $0x0;
	_ =	strace $0x9000004A  }
0x86: {  	s0 =	sadd.s32 @!p0 $0x100000, s1;
	[bflag:$0x2] =	sbarrier.arrive $0xFFFF  }
0x87: {  	[sflag:s0] =	ssyncadd.tile.s32 @!p0 $0x1;
	_ =	shalt  }
.Lfunc_end2:
_tile_overlayer_lowered:
.L_overlay_start_2:
0x88: {  	(tag) =	ssettag $0x2  }
0x89: {  	s0 =	rddreg [dreg:$0x0];
	s2 =	stileid.u32  }
0x8a: {  	s1 =	rddreg [dreg:$0x1];
	p0 =	sne.s32 s2, $0x0  }
0x8b: {  	s3 =	rddreg [dreg:$0x2];
	[bflag:$0x3] =	sbarrier.arrive $0xFFFF;
	s2 =	simm.s32 @!p0 $0x1C01  }
0x8c: {  	[timem:s3], [sflag:s2] =	dma.local @!p0 [hbm:s0], s1  }
0x8d: {  	s0 =	simm.s32 @!p0 $0x1  }
0x8e: {  	_ =	swait.ge @!p0 [sflag:s0], s1  }
0x8f: {  	s1 =	ssub.s32 @!p0 $0x0, s1;
	[sflag:s0] =	ssyncset.done @!p0 $0x0  }
0x90: {  	[sflag:s0] =	ssyncadd.s32 @!p0 s1  }
0x91: {  	[bflag:$0x3] =	sbarrier.arrive $0xFFFF  }
0x92: {  	_ =	shalt  }

// kernel: kernel.22.cloned.1.call-start
scs
__scs_entry_jumppad:
0x0: {  	(pc) =	sbr.rel $0x88, $3  }
0x1: {  	(tag) =	ssettag $0x0;
	lr =	simm.s32 $0x1  }
0x2: {  	[smem:$0x3F8C] =	sst lr;
	_ =	strace $0xD0000000  }
0x3: {  	_ = 	snop  }
0x4: {  	_ = 	snop  }
0x5: {  	_ = 	snop  }
0x6: {  	_ = 	snop  }
0x7: {  	_ = 	snop  }
__scs_overlays_trampoline_lowered:
0x8: {  	[smem:$0x3F9B] =	sst s0  }
0x9: {  	[smem:$0x3F9C] =	sst s1  }
0xa: {  	[smem:$0x3F9D] =	sst s2  }
0xb: {  	[smem:$0x3F9E] =	sst s3  }
0xc: {  	[smem:$0x3F9F] =	sst s4  }
0xd: {  	[smem:$0x3FA0] =	sst s5  }
0xe: {  	[smem:$0x3FA1] =	sst s6  }
0xf: {  	[smem:$0x3FA2] =	sst s7  }
0x10: {  	[smem:$0x3FA3] =	sst s8  }
0x11: {  	[smem:$0x3FA4] =	sst s9;
	s0 =	simm.s32 @!p0 $0x0  }
0x12: {  	s1 =	sld [smem:$0x3F8A];
	s0 =	simm.s32 @p0 $0x1  }
0x13: {  	[smem:$0x3FA5] =	sst s0;
	s0 =	simm.s32 @!p1 $0x0  }
0x14: {  	s2 =	sld [smem:$0x3F89];
	s0 =	simm.s32 @p1 $0x1  }
0x15: {  	[smem:$0x3FA6] =	sst s0;
	s0 =	simm.s32 @!p2 $0x0  }
0x16: {  	s3 =	sld [smem:$0x3FDB];
	s0 =	simm.s32 @p2 $0x1  }
0x17: {  	s4 =	simm.s32 $0x1BF5;
	[smem:$0x3FA8] =	sst s0  }
0x18: {  	s0 =	sld [smem:$0x3F8B];
	_ =	swait.ge [sflag:s4], $0x0  }
0x19: {  	s7 =	sld [smem:$0x3F8C]  }
0x1a: {  	s8 =	sadd.s32 $0xFFFFE003, lr  }
0x1b: {  	s9 =	sadd.s32 $0xFFFFFEF7, lr;
	s5 =	simm.s32 $0xFFFFFFFF;
	p2 =	slt.u32 s8, $0xFFFFF086  }
0x1c: {  	p1 =	slt.u32 s9, $0xF7A;
	s5 =	simm.s32 @!p2 $0x0  }
0x1d: {  	s5 =	simm.s32 @p1 $0x1;
	p0 =	seq.s32 s7, s2  }
0x1e: {  	s7 =	smul.u32 @!p0 $0xF7A, s2;
	p2 =	seq.s32 @!p0 s5, $0x0  }
0x1f: {  	s9 =	smul.u32 $0xF7A, s1;
	s8 =	simm.s32 @!p0 $0x1BF5;
	p2 =	por !p2, p0  }
0x20: {  	[sflag:s8] =	ssyncset.s32 @!p0 $0xFFFFF086;
	s6 =	sadd.s32 @!p0 s3, s7;
	s7 =	simm.s32 @!p0 $0x108  }
0x21: {  	s3 =	sadd.s32 s3, s9;
	s6 =	sadd.s32 @!p0 $0x88, s6;
	s7 =	simm.s32 @p2 $0x1082  }
0x22: {  	[simem:s7], [sflag:s8] =	dma.local @!p0 [hbm:s6], $0xF7A  }
0x23: {  	s9 =	sor.u32 $0xD0000000, s2;
	s6 =	simm.s32 $0x108;
	_ =	swait.ge @!p0 [sflag:s8], $0x0  }
0x24: {  	s3 =	sadd.s32 $0x88, s3;
	s6 =	simm.s32 @!p1 $0x1082;
	[sflag:s4] =	ssyncset.s32 $0xFFFFF086  }
0x25: {  	[simem:s6], [sflag:s4] =	dma.local [hbm:s3], $0xF7A  }
0x26: {  	[smem:$0x3F8C] =	sst s1;
	(tag) =	ssettag s2;
	_ =	strace s9  }
0x27: {  	s1 =	sld [smem:$0x3F9C]  }
0x28: {  	s2 =	sld [smem:$0x3F9D]  }
0x29: {  	s4 =	sld [smem:$0x3F9F]  }
0x2a: {  	p0 =	seq.s32 s5, $0x0;
	s5 =	sld [smem:$0x3FA0]  }
0x2b: {  	s6 =	sld [smem:$0x3FA1]  }
0x2c: {  	s7 =	sld [smem:$0x3FA2]  }
0x2d: {  	s3 =	simm.s32 $0x108;
	s8 =	sld [smem:$0x3FA3]  }
0x2e: {  	s3 =	simm.s32 @!p0 $0x1082;
	s9 =	sld [smem:$0x3FA4]  }
0x2f: {  	lr =	sadd.s32 s0, s3;
	s0 =	sld [smem:$0x3F9B]  }
0x30: {  	s3 =	sld [smem:$0x3F9E]  }
0x31: {  	[smem:$0x3FA7] =	sst s10  }
0x32: {  	s10 =	sld [smem:$0x3FA5];
	_ =	sdelay $0x3  }
0x33: {  	p0 =	seq.s32 s10, $0x1;
	s10 =	sld [smem:$0x3FA7];
	_ =	sdelay $0x3  }
0x34: {  	[smem:$0x3FA7] =	sst s10  }
0x35: {  	s10 =	sld [smem:$0x3FA6];
	_ =	sdelay $0x3  }
0x36: {  	p1 =	seq.s32 s10, $0x1;
	s10 =	sld [smem:$0x3FA7];
	_ =	sdelay $0x3  }
0x37: {  	[smem:$0x3FA7] =	sst s10  }
0x38: {  	s10 =	sld [smem:$0x3FA8]  }
0x39: {  	_ = 	snop;
	(pc) =	sbr.ind lr, $3  }
0x3a: {  	_ = 	snop  }
0x3b: {  	_ = 	snop  }
0x3c: {  	p2 =	seq.s32 s10, $0x1;
	s10 =	sld [smem:$0x3FA7]  }
0x3d: {  	_ =	shalt  }
0x3e: {  	_ =	shalt  }
0x3f: {  	_ =	shalt  }
0x40: {  	_ =	shalt  }
0x41: {  	_ =	shalt  }
0x42: {  	_ =	shalt  }
0x43: {  	_ =	shalt  }
0x44: {  	_ =	shalt  }
0x45: {  	_ =	shalt  }
0x46: {  	_ =	shalt  }
0x47: {  	_ =	shalt  }
0x48: {  	_ =	shalt  }
0x49: {  	_ =	shalt  }
0x4a: {  	_ =	shalt  }
0x4b: {  	_ =	shalt  }
0x4c: {  	_ =	shalt  }
0x4d: {  	_ =	shalt  }
0x4e: {  	_ =	shalt  }
0x4f: {  	_ =	shalt  }
0x50: {  	_ =	shalt  }
0x51: {  	_ =	shalt  }
0x52: {  	_ =	shalt  }
0x53: {  	_ =	shalt  }
0x54: {  	_ =	shalt  }
0x55: {  	_ =	shalt  }
0x56: {  	_ =	shalt  }
0x57: {  	_ =	shalt  }
0x58: {  	_ =	shalt  }
0x59: {  	_ =	shalt  }
0x5a: {  	_ =	shalt  }
0x5b: {  	_ =	shalt  }
0x5c: {  	_ =	shalt  }
0x5d: {  	_ =	shalt  }
0x5e: {  	_ =	shalt  }
0x5f: {  	_ =	shalt  }
0x60: {  	_ =	shalt  }
0x61: {  	_ =	shalt  }
0x62: {  	_ =	shalt  }
0x63: {  	_ =	shalt  }
0x64: {  	_ =	shalt  }
0x65: {  	_ =	shalt  }
0x66: {  	_ =	shalt  }
0x67: {  	_ =	shalt  }
0x68: {  	_ =	shalt  }
0x69: {  	_ =	shalt  }
0x6a: {  	_ =	shalt  }
0x6b: {  	_ =	shalt  }
0x6c: {  	_ =	shalt  }
0x6d: {  	_ =	shalt  }
0x6e: {  	_ =	shalt  }
0x6f: {  	_ =	shalt  }
0x70: {  	_ =	shalt  }
0x71: {  	_ =	shalt  }
0x72: {  	_ =	shalt  }
0x73: {  	_ =	shalt  }
0x74: {  	_ =	shalt  }
0x75: {  	_ =	shalt  }
0x76: {  	_ =	shalt  }
0x77: {  	_ =	shalt  }
0x78: {  	_ =	shalt  }
0x79: {  	_ =	shalt  }
0x7a: {  	_ =	shalt  }
0x7b: {  	_ =	shalt  }
0x7c: {  	_ =	shalt  }
0x7d: {  	_ =	shalt  }
0x7e: {  	_ =	shalt  }
0x7f: {  	_ =	shalt  }
0x80: {  	_ =	shalt  }
0x81: {  	_ =	shalt  }
0x82: {  	_ =	shalt  }
0x83: {  	_ =	shalt  }
0x84: {  	_ =	shalt  }
0x85: {  	_ =	shalt  }
0x86: {  	_ =	shalt  }
0x87: {  	_ =	shalt  }
.Lfunc_end0:
.L_simem_size_0:
called_computation.1_lowered:
.L_overlay_start_0:
0x88: {  	s2 =	sld [smem:$0x3FD9]  }
0x89: {  	s3 =	sld [smem:$0x3FFE];
	_ =	sdelay $0x1  }
0x8a: {  	s1 =	srdreg.scid  }
0x8b: {  	s0 =	sand.u32 $0x1, s1  }
0x8c: {  	s16 =	sshll.u32 s0, $0xA;
	s2 =	sadd.s32 s3, s2  }
0x8d: {  	s2 =	sadd.s32 s2, s16  }
0x8e: {  	[smem:$0x3FB3] =	sst s2  }
0x8f: {  	_ = 	snop  }
0x90: {  	(tm) =	ssettm $0x1  }
0x91: {  	s17 =	sld [smem:$0x3FFB];
	_ =	sdelay $0x3  }
0x92: {  	_ =	strace s17  }
0x93: {  	s2 =	sld [smem:$0x3FFC];
	_ =	sdelay $0x3  }
0x94: {  	_ =	strace s2  }
0x95: {  	s2 =	sld [smem:$0x3FFD];
	_ =	sdelay $0x3  }
0x96: {  	_ =	strace s2  }
0x97: {  	_ =	strace $0x8FFFFFFF  }
0x98: {  	s18 =	sld [smem:$0x3FDB];
	_ =	sdelay $0x1  }
0x99: {  	s19 =	simm.s32 $_scs_section_size  }
0x9a: {  	s4 =	simm.s32 $_size__tile_overlayer_lowered;
	s5 =	simm.s32 $_tile_overlayer_lowered  }
0x9b: {  	s22 =	simm.s32 $0x1BFF;
	s21 =	sshll.u32 s5, $0x1;
	s2 =	sadd.s32 s19, s18  }
0x9c: {  	s6 =	simm.s32 $0x0;
	s20 =	sshll.u32 s4, $0x1;
	s4 =	sadd.s32 s21, s2  }
0x9d: {  	[timem:s6], [sflag:s22] =	dma.local [hbm:s4], s20  }
0x9e: {  	_ =	swait.ge [sflag:s22], s20  }
0x9f: {  	s3 =	ssub.s32 $0x0, s20;
	[sflag:s22] =	ssyncset.done $0x0  }
0xa0: {  	[sflag:s22] =	ssyncadd.s32 s3;
	_ =	sdelay $0x1  }
0xa1: {  	s23 =	simm.s32 $0x1B8B  }
0xa2: {  	_ =	swait.ge [sflag:s23], $0x1  }
0xa3: {  	[sflag:s23] =	ssyncset.done $0x0  }
0xa4: {  	s25 =	simm.s32 $0x1B8E;
	s24 =	sld [smem:$0x3FFE];
	[sflag:s23] =	ssyncadd.s32 $0xFFFFFFFF  }
0xa5: {  	s26 =	simm.s32 $execute0_lowered;
	[smem:$0x3FD2] =	sst s25  }
0xa6: {  	s4 =	sshll.u32 s26, $0x1;
	_ =	strace $0x80000046;
	[dreg:$0x1] =	wrdreg $0xFFFFFFFF  }
0xa7: {  	s28 =	simm.s32 $_size_execute0_lowered;
	s2 =	sadd.s32 s2, s4;
	[dreg:$0x0] =	wrdreg $0x0  }
0xa8: {  	s4 =	sshll.u32 s28, $0x1;
	[dreg:$0x2] =	wrdreg s2  }
0xa9: {  	[dreg:$0x3] =	wrdreg s4  }
0xaa: {  	[dreg:$0x4] =	wrdreg $0xC0  }
0xab: {  	_ =	task [dreg:s6], $0x5FFFF  }
0xac: {  	[dreg:$0x1] =	wrdreg $0xFFFFFFFF  }
0xad: {  	[dreg:$0x0] =	wrdreg $0x60  }
0xae: {  	[dreg:$0x2] =	wrdreg s24  }
0xaf: {  	[dreg:$0x3] =	wrdreg $0xA  }
0xb0: {  	_ =	task.clear_ibuf [dreg:s6], $0x4FFFF;
	_ =	strace $0x90000046  }
0xb1: {  	s29 =	simm.s32 $0xA;
	_ =	strace $0x80000048  }
0xb2: {  	_ =	swait.ge [sflag:s29], $0x1  }
0xb3: {  	[sflag:s29] =	ssyncadd.s32 $0xFFFFFFFF  }
0xb4: {  	_ =	strace $0x90000048  }
0xb5: {  	_ =	sfence  }
0xb6: {  	s30 =	sld [smem:$0x0];
	_ =	sdelay $0x2  }
0xb7: {  	s31 =	sshll.u32 s1, $0xD;
	s1 =	sshrl.u32 s1, $0x2  }
0xb8: {  	s3 =	sand.u32 $0x4000, s31;
	s1 =	sadd.s32 s1, s30  }
0xb9: {  	s0 =	sor.u32 s3, s0;
	s1 =	sshll.u32 s1, $0x11  }
0xba: {  	s0 =	sor.u32 s1, s0  }
0xbb: {  	s0 =	sadd.s32 $0x8F2B, s0  }
0xbc: {  	[sflag:s0] =	ssyncadd.remote.s32 $0x1  }
0xbd: {  	_ =	sfence.sel $0xFFFF  }
0xbe: {  	[dreg:$0x0] =	wrdreg $0xFFFFFFFF;
	(pc) =	sbr.abs _section_cstart, $3  }
0xbf: {  	[dreg:$0x1] =	wrdreg $0xFFFFFFFF  }
0xc0: {  	_ =	task.clear_ibuf [dreg:s6], $0x2FFFF;
	_ =	strace $0x9FFFFFFF  }
0xc1: {  	(tm) =	ssettm $0x7FFFFFFF  }
tec
execute0_lowered:
.L_overlay_start_1:
0x0: {  	(tag) =	ssettag $0x1  }
0x1: {  	s1 =	srdreg.scid;
	s0 =	stileid.u32  }
0x2: {  	s16 =	sand.u32 $0x1, s1;
	s26 =	sshll.u32 s0, $0x1  }
0x3: {  	s8 =	sor.u32 s16, s26  }
0x4: {  	s9 =	rddreg [dreg:$0x0];
	s17 =	smul.u32 $0x1388, s8  }
0x5: {  	s2 =	simm.s32 $0x0;
	s1 =	rddreg [dreg:$0x1]  }
0x6: {  	[smem:$0x7FF] =	sst s2;
	s15 =	sadd.s32 $0x38800, s9;
	s3 =	sshrl.u32 s17, $0x3  }
0x7: {  	_ =	strace $0x80000047;
	s4 =	sadd.s32 s15, s3;
	s3 =	simm.s32 $0x2  }
0x8: {  	[tilespmem:s2], [sflag:$0x2] =	stream.linear.gather [hbm4b:s4+s2], $0x3E8, $0x38;
	[tilespmem:$0x80E8] =	vst v63  }
0x9: {  	_ =	swait.ge [sflag:s3], $0x3E8  }
0xa: {  	s6 =	simm.s32 $0x3E8;
	[sflag:s3] =	ssyncset.done $0x0  }
0xb: {  	s7 =	simm.s32 $0x1;
	s5 =	sadd.s32 $0x2EA00, s9;
	[sflag:s3] =	ssyncadd.s32 $0xFFFFFC18  }
0xc: {  	[tilespmem:s6], [sflag:$0x1] =	stream.indirect.gather [hbm4b:s5+s6], $0x20, s2, s6, $0xb8;
	[tilespmem:$0x80E8] =	vst v63  }
0xd: {  	s8 =	smul.u32 $0x4E20, s8;
	_ =	swait.ge [sflag:s7], $0x7D00  }
0xe: {  	s18 =	sadd.s32 $0x42800, s9;
	[sflag:s7] =	ssyncset.done $0x0  }
0xf: {  	s8 =	sadd.s32 s18, s8;
	[sflag:s7] =	ssyncadd.s32 $0xFFFF8300  }
0x10: {  	[hbm4b:s8+s2] =	stream.linear.scatter [tilespmem:s6], [sflag:$0x2], $0x7D00, $0x38;
	[tilespmem:$0x80E8] =	vst v63  }
0x11: {  	s10 =	sadd.s32 $0x3E8, s17;
	_ =	swait.ge [sflag:s3], $0x7D00  }
0x12: {  	s28 =	sshrl.u32 s10, $0x3;
	[sflag:s3] =	ssyncset.done $0x0  }
0x13: {  	s9 =	sadd.s32 s15, s28;
	[sflag:s3] =	ssyncadd.s32 $0xFFFF8300  }
0x14: {  	[tilespmem:s2], [sflag:$0x2] =	stream.linear.gather [hbm4b:s9+s2], $0x3E8, $0x38;
	[tilespmem:$0x80E8] =	vst v63  }
0x15: {  	_ =	swait.ge [sflag:s3], $0x3E8  }
0x16: {  	[sflag:s3] =	ssyncset.done $0x0  }
0x17: {  	[sflag:s3] =	ssyncadd.s32 $0xFFFFFC18  }
0x18: {  	[tilespmem:s6], [sflag:$0x1] =	stream.indirect.gather [hbm4b:s5+s6], $0x20, s2, s6, $0xb8;
	[tilespmem:$0x80E8] =	vst v63  }
0x19: {  	_ =	swait.ge [sflag:s7], $0x7D00  }
0x1a: {  	s10 =	sshll.u32 s10, $0x2;
	[sflag:s7] =	ssyncset.done $0x0  }
0x1b: {  	s10 =	sadd.s32 s18, s10;
	[sflag:s7] =	ssyncadd.s32 $0xFFFF8300  }
0x1c: {  	[hbm4b:s10+s2] =	stream.linear.scatter [tilespmem:s6], [sflag:$0x2], $0x7D00, $0x38;
	[tilespmem:$0x80E8] =	vst v63  }
0x1d: {  	s12 =	sadd.s32 $0x7D0, s17;
	_ =	swait.ge [sflag:s3], $0x7D00  }
0x1e: {  	s11 =	sshrl.u32 s12, $0x3;
	[sflag:s3] =	ssyncset.done $0x0  }
0x1f: {  	s11 =	sadd.s32 s15, s11;
	[sflag:s3] =	ssyncadd.s32 $0xFFFF8300  }
0x20: {  	[tilespmem:s2], [sflag:$0x2] =	stream.linear.gather [hbm4b:s11+s2], $0x3E8, $0x38;
	[tilespmem:$0x80E8] =	vst v63  }
0x21: {  	_ =	swait.ge [sflag:s3], $0x3E8  }
0x22: {  	[sflag:s3] =	ssyncset.done $0x0  }
0x23: {  	[sflag:s3] =	ssyncadd.s32 $0xFFFFFC18  }
0x24: {  	[tilespmem:s6], [sflag:$0x1] =	stream.indirect.gather [hbm4b:s5+s6], $0x20, s2, s6, $0xb8;
	[tilespmem:$0x80E8] =	vst v63  }
0x25: {  	_ =	swait.ge [sflag:s7], $0x7D00  }
0x26: {  	s12 =	sshll.u32 s12, $0x2;
	[sflag:s7] =	ssyncset.done $0x0  }
0x27: {  	s12 =	sadd.s32 s18, s12;
	[sflag:s7] =	ssyncadd.s32 $0xFFFF8300  }
0x28: {  	[hbm4b:s12+s2] =	stream.linear.scatter [tilespmem:s6], [sflag:$0x2], $0x7D00, $0x38;
	[tilespmem:$0x80E8] =	vst v63  }
0x29: {  	s14 =	sadd.s32 $0xBB8, s17;
	_ =	swait.ge [sflag:s3], $0x7D00  }
0x2a: {  	s13 =	sshrl.u32 s14, $0x3;
	[sflag:s3] =	ssyncset.done $0x0  }
0x2b: {  	s13 =	sadd.s32 s15, s13;
	[sflag:s3] =	ssyncadd.s32 $0xFFFF8300  }
0x2c: {  	[tilespmem:s2], [sflag:$0x2] =	stream.linear.gather [hbm4b:s13+s2], $0x3E8, $0x38;
	[tilespmem:$0x80E8] =	vst v63  }
0x2d: {  	_ =	swait.ge [sflag:s3], $0x3E8  }
0x2e: {  	[sflag:s3] =	ssyncset.done $0x0  }
0x2f: {  	[sflag:s3] =	ssyncadd.s32 $0xFFFFFC18  }
0x30: {  	[tilespmem:s6], [sflag:$0x1] =	stream.indirect.gather [hbm4b:s5+s6], $0x20, s2, s6, $0xb8;
	[tilespmem:$0x80E8] =	vst v63  }
0x31: {  	_ =	swait.ge [sflag:s7], $0x7D00  }
0x32: {  	s14 =	sshll.u32 s14, $0x2;
	[sflag:s7] =	ssyncset.done $0x0  }
0x33: {  	s14 =	sadd.s32 s18, s14;
	[sflag:s7] =	ssyncadd.s32 $0xFFFF8300  }
0x34: {  	[hbm4b:s14+s2] =	stream.linear.scatter [tilespmem:s6], [sflag:$0x2], $0x7D00, $0x38;
	[tilespmem:$0x80E8] =	vst v63  }
0x35: {  	s17 =	sadd.s32 $0xFA0, s17;
	_ =	swait.ge [sflag:s3], $0x7D00  }
0x36: {  	s19 =	sshrl.u32 s17, $0x3;
	[sflag:s3] =	ssyncset.done $0x0  }
0x37: {  	s16 =	ssub.s32 $0x2, s16;
	s15 =	sadd.s32 s15, s19;
	[sflag:s3] =	ssyncadd.s32 $0xFFFF8300  }
0x38: {  	[tilespmem:s2], [sflag:$0x2] =	stream.linear.gather [hbm4b:s15+s2], $0x3E8, $0x38;
	[tilespmem:$0x80E8] =	vst v63  }
0x39: {  	s29 =	sshrl.u32 s16, $0x1;
	_ =	swait.ge [sflag:s3], $0x3E8  }
0x3a: {  	s19 =	ssub.s32 s16, s29;
	[sflag:s3] =	ssyncset.done $0x0  }
0x3b: {  	s31 =	smax.u32 s19, $0x1;
	[sflag:s3] =	ssyncadd.s32 $0xFFFFFC18  }
0x3c: {  	[tilespmem:s6], [sflag:$0x1] =	stream.indirect.gather [hbm4b:s5+s6], $0x20, s2, s6, $0xb8;
	[tilespmem:$0x80E8] =	vst v63  }
0x3d: {  	p0 =	sne.s32 s31, $0x1;
	_ =	swait.ge [sflag:s7], $0x7D00  }
.Ltmp0:
0x3e: {  	s30 =	sshll.u32 s17, $0x2;
	[sflag:s7] =	ssyncset.done $0x0;
	(pc) =	sbr.rel @!p0 .LBB2_2-.Ltmp0, $4  }
0x3f: {  	s16 =	sadd.s32 s18, s30;
	[sflag:s7] =	ssyncadd.s32 $0xFFFF8300  }
0x40: {  	[hbm4b:s16+s2] =	stream.linear.scatter [tilespmem:s6], [sflag:$0x2], $0x7D00, $0x38;
	[tilespmem:$0x80E8] =	vst v63  }
0x41: {  	_ =	swait.ge [sflag:s3], $0x7D00  }
0x42: {  	s17 =	sadd.s32 $0xFFFFFFFF, s31;
	[sflag:s3] =	ssyncset.done $0x0  }
.LBB2_1:
0x43: {  	p0 =	sne.s32 s17, $0x1;
	s17 =	sadd.s32 $0xFFFFFFFF, s17;
	[sflag:s3] =	ssyncadd.s32 $0xFFFF8300  }
0x44: {  	[tilespmem:s2], [sflag:$0x2] =	stream.linear.gather [hbm4b:s4+s2], $0x3E8, $0x38;
	[tilespmem:$0x80E8] =	vst v63  }
0x45: {  	_ =	swait.ge [sflag:s3], $0x3E8  }
0x46: {  	[sflag:s3] =	ssyncset.done $0x0  }
0x47: {  	[sflag:s3] =	ssyncadd.s32 $0xFFFFFC18  }
0x48: {  	[tilespmem:s6], [sflag:$0x1] =	stream.indirect.gather [hbm4b:s5+s6], $0x20, s2, s6, $0xb8;
	[tilespmem:$0x80E8] =	vst v63  }
0x49: {  	_ =	swait.ge [sflag:s7], $0x7D00  }
0x4a: {  	[sflag:s7] =	ssyncset.done $0x0  }
0x4b: {  	[sflag:s7] =	ssyncadd.s32 $0xFFFF8300  }
0x4c: {  	[hbm4b:s8+s2] =	stream.linear.scatter [tilespmem:s6], [sflag:$0x2], $0x7D00, $0x38;
	[tilespmem:$0x80E8] =	vst v63  }
0x4d: {  	_ =	swait.ge [sflag:s3], $0x7D00  }
0x4e: {  	[sflag:s3] =	ssyncset.done $0x0  }
0x4f: {  	[sflag:s3] =	ssyncadd.s32 $0xFFFF8300  }
0x50: {  	[tilespmem:s2], [sflag:$0x2] =	stream.linear.gather [hbm4b:s9+s2], $0x3E8, $0x38;
	[tilespmem:$0x80E8] =	vst v63  }
0x51: {  	_ =	swait.ge [sflag:s3], $0x3E8  }
0x52: {  	[sflag:s3] =	ssyncset.done $0x0  }
0x53: {  	[sflag:s3] =	ssyncadd.s32 $0xFFFFFC18  }
0x54: {  	[tilespmem:s6], [sflag:$0x1] =	stream.indirect.gather [hbm4b:s5+s6], $0x20, s2, s6, $0xb8;
	[tilespmem:$0x80E8] =	vst v63  }
0x55: {  	_ =	swait.ge [sflag:s7], $0x7D00  }
0x56: {  	[sflag:s7] =	ssyncset.done $0x0  }
0x57: {  	[sflag:s7] =	ssyncadd.s32 $0xFFFF8300  }
0x58: {  	[hbm4b:s10+s2] =	stream.linear.scatter [tilespmem:s6], [sflag:$0x2], $0x7D00, $0x38;
	[tilespmem:$0x80E8] =	vst v63  }
0x59: {  	_ =	swait.ge [sflag:s3], $0x7D00  }
0x5a: {  	[sflag:s3] =	ssyncset.done $0x0  }
0x5b: {  	[sflag:s3] =	ssyncadd.s32 $0xFFFF8300  }
0x5c: {  	[tilespmem:s2], [sflag:$0x2] =	stream.linear.gather [hbm4b:s11+s2], $0x3E8, $0x38;
	[tilespmem:$0x80E8] =	vst v63  }
0x5d: {  	_ =	swait.ge [sflag:s3], $0x3E8  }
0x5e: {  	[sflag:s3] =	ssyncset.done $0x0  }
0x5f: {  	[sflag:s3] =	ssyncadd.s32 $0xFFFFFC18  }
0x60: {  	[tilespmem:s6], [sflag:$0x1] =	stream.indirect.gather [hbm4b:s5+s6], $0x20, s2, s6, $0xb8;
	[tilespmem:$0x80E8] =	vst v63  }
0x61: {  	_ =	swait.ge [sflag:s7], $0x7D00  }
0x62: {  	[sflag:s7] =	ssyncset.done $0x0  }
0x63: {  	[sflag:s7] =	ssyncadd.s32 $0xFFFF8300  }
0x64: {  	[hbm4b:s12+s2] =	stream.linear.scatter [tilespmem:s6], [sflag:$0x2], $0x7D00, $0x38;
	[tilespmem:$0x80E8] =	vst v63  }
0x65: {  	_ =	swait.ge [sflag:s3], $0x7D00  }
0x66: {  	[sflag:s3] =	ssyncset.done $0x0  }
0x67: {  	[sflag:s3] =	ssyncadd.s32 $0xFFFF8300  }
0x68: {  	[tilespmem:s2], [sflag:$0x2] =	stream.linear.gather [hbm4b:s13+s2], $0x3E8, $0x38;
	[tilespmem:$0x80E8] =	vst v63  }
0x69: {  	_ =	swait.ge [sflag:s3], $0x3E8  }
0x6a: {  	[sflag:s3] =	ssyncset.done $0x0  }
0x6b: {  	[sflag:s3] =	ssyncadd.s32 $0xFFFFFC18  }
0x6c: {  	[tilespmem:s6], [sflag:$0x1] =	stream.indirect.gather [hbm4b:s5+s6], $0x20, s2, s6, $0xb8;
	[tilespmem:$0x80E8] =	vst v63  }
0x6d: {  	_ =	swait.ge [sflag:s7], $0x7D00  }
0x6e: {  	[sflag:s7] =	ssyncset.done $0x0  }
0x6f: {  	[sflag:s7] =	ssyncadd.s32 $0xFFFF8300  }
0x70: {  	[hbm4b:s14+s2] =	stream.linear.scatter [tilespmem:s6], [sflag:$0x2], $0x7D00, $0x38;
	[tilespmem:$0x80E8] =	vst v63  }
0x71: {  	_ =	swait.ge [sflag:s3], $0x7D00  }
0x72: {  	[sflag:s3] =	ssyncset.done $0x0  }
0x73: {  	[sflag:s3] =	ssyncadd.s32 $0xFFFF8300  }
0x74: {  	[tilespmem:s2], [sflag:$0x2] =	stream.linear.gather [hbm4b:s15+s2], $0x3E8, $0x38;
	[tilespmem:$0x80E8] =	vst v63  }
0x75: {  	_ =	swait.ge [sflag:s3], $0x3E8  }
0x76: {  	[sflag:s3] =	ssyncset.done $0x0  }
0x77: {  	[sflag:s3] =	ssyncadd.s32 $0xFFFFFC18  }
0x78: {  	[tilespmem:s6], [sflag:$0x1] =	stream.indirect.gather [hbm4b:s5+s6], $0x20, s2, s6, $0xb8;
	[tilespmem:$0x80E8] =	vst v63  }
0x79: {  	_ =	swait.ge [sflag:s7], $0x7D00  }
.Ltmp1:
0x7a: {  	[sflag:s7] =	ssyncset.done $0x0;
	(pc) =	sbr.rel @p0 .LBB2_1-.Ltmp1, $4  }
0x7b: {  	[sflag:s7] =	ssyncadd.s32 $0xFFFF8300  }
0x7c: {  	[hbm4b:s16+s2] =	stream.linear.scatter [tilespmem:s6], [sflag:$0x2], $0x7D00, $0x38;
	[tilespmem:$0x80E8] =	vst v63  }
0x7d: {  	_ =	swait.ge [sflag:s3], $0x7D00  }
0x7e: {  	[sflag:s3] =	ssyncset.done $0x0  }
.LBB2_2:
0x7f: {  	[sflag:s3] =	ssyncadd.s32 $0xFFFF8300  }
0x80: {  	_ =	sfence.sel $0x180000  }
0x81: {  	[bflag:$0x0] =	sbarrier.arrive $0xFFFF  }
0x82: {  	p0 =	sne.s32 s0, $0x0;
	_ =	strace $0x90000047  }
0x83: {  	s0 =	sadd.s32 @!p0 $0x100000, s1;
	[bflag:$0x2] =	sbarrier.arrive $0xFFFF  }
0x84: {  	[sflag:s0] =	ssyncadd.tile.s32 @!p0 $0x1;
	_ =	shalt  }
.Lfunc_end2:
_tile_overlayer_lowered:
.L_overlay_start_2:
0x85: {  	(tag) =	ssettag $0x2  }
0x86: {  	s0 =	rddreg [dreg:$0x0];
	s2 =	stileid.u32  }
0x87: {  	s1 =	rddreg [dreg:$0x1];
	p0 =	sne.s32 s2, $0x0  }
0x88: {  	s3 =	rddreg [dreg:$0x2];
	[bflag:$0x3] =	sbarrier.arrive $0xFFFF;
	s2 =	simm.s32 @!p0 $0x1C02  }
0x89: {  	[timem:s3], [sflag:s2] =	dma.local @!p0 [hbm:s0], s1  }
0x8a: {  	s0 =	simm.s32 @!p0 $0x2  }
0x8b: {  	_ =	swait.ge @!p0 [sflag:s0], s1  }
0x8c: {  	s1 =	ssub.s32 @!p0 $0x0, s1;
	[sflag:s0] =	ssyncset.done @!p0 $0x0  }
0x8d: {  	[sflag:s0] =	ssyncadd.s32 @!p0 s1  }
0x8e: {  	[bflag:$0x3] =	sbarrier.arrive $0xFFFF  }
0x8f: {  	_ =	shalt  }

// kernel: kernel.25.cloned.1.call-start
scs
__scs_entry_jumppad:
0x0: {  	(pc) =	sbr.rel $0x88, $3  }
0x1: {  	(tag) =	ssettag $0x0;
	lr =	simm.s32 $0x1  }
0x2: {  	[smem:$0x3F8C] =	sst lr;
	_ =	strace $0xD0000000  }
0x3: {  	_ = 	snop  }
0x4: {  	_ = 	snop  }
0x5: {  	_ = 	snop  }
0x6: {  	_ = 	snop  }
0x7: {  	_ = 	snop  }
__scs_overlays_trampoline_lowered:
0x8: {  	[smem:$0x3F9B] =	sst s0  }
0x9: {  	[smem:$0x3F9C] =	sst s1  }
0xa: {  	[smem:$0x3F9D] =	sst s2  }
0xb: {  	[smem:$0x3F9E] =	sst s3  }
0xc: {  	[smem:$0x3F9F] =	sst s4  }
0xd: {  	[smem:$0x3FA0] =	sst s5  }
0xe: {  	[smem:$0x3FA1] =	sst s6  }
0xf: {  	[smem:$0x3FA2] =	sst s7  }
0x10: {  	[smem:$0x3FA3] =	sst s8  }
0x11: {  	[smem:$0x3FA4] =	sst s9;
	s0 =	simm.s32 @!p0 $0x0  }
0x12: {  	s1 =	sld [smem:$0x3F8A];
	s0 =	simm.s32 @p0 $0x1  }
0x13: {  	[smem:$0x3FA5] =	sst s0;
	s0 =	simm.s32 @!p1 $0x0  }
0x14: {  	s2 =	sld [smem:$0x3F89];
	s0 =	simm.s32 @p1 $0x1  }
0x15: {  	[smem:$0x3FA6] =	sst s0;
	s0 =	simm.s32 @!p2 $0x0  }
0x16: {  	s3 =	sld [smem:$0x3FDB];
	s0 =	simm.s32 @p2 $0x1  }
0x17: {  	s4 =	simm.s32 $0x1BF5;
	[smem:$0x3FA8] =	sst s0  }
0x18: {  	s0 =	sld [smem:$0x3F8B];
	_ =	swait.ge [sflag:s4], $0x0  }
0x19: {  	s7 =	sld [smem:$0x3F8C]  }
0x1a: {  	s8 =	sadd.s32 $0xFFFFE003, lr  }
0x1b: {  	s9 =	sadd.s32 $0xFFFFFEF7, lr;
	s5 =	simm.s32 $0xFFFFFFFF;
	p2 =	slt.u32 s8, $0xFFFFF086  }
0x1c: {  	p1 =	slt.u32 s9, $0xF7A;
	s5 =	simm.s32 @!p2 $0x0  }
0x1d: {  	s5 =	simm.s32 @p1 $0x1;
	p0 =	seq.s32 s7, s2  }
0x1e: {  	s7 =	smul.u32 @!p0 $0xF7A, s2;
	p2 =	seq.s32 @!p0 s5, $0x0  }
0x1f: {  	s9 =	smul.u32 $0xF7A, s1;
	s8 =	simm.s32 @!p0 $0x1BF5;
	p2 =	por !p2, p0  }
0x20: {  	[sflag:s8] =	ssyncset.s32 @!p0 $0xFFFFF086;
	s6 =	sadd.s32 @!p0 s3, s7;
	s7 =	simm.s32 @!p0 $0x108  }
0x21: {  	s3 =	sadd.s32 s3, s9;
	s6 =	sadd.s32 @!p0 $0x88, s6;
	s7 =	simm.s32 @p2 $0x1082  }
0x22: {  	[simem:s7], [sflag:s8] =	dma.local @!p0 [hbm:s6], $0xF7A  }
0x23: {  	s9 =	sor.u32 $0xD0000000, s2;
	s6 =	simm.s32 $0x108;
	_ =	swait.ge @!p0 [sflag:s8], $0x0  }
0x24: {  	s3 =	sadd.s32 $0x88, s3;
	s6 =	simm.s32 @!p1 $0x1082;
	[sflag:s4] =	ssyncset.s32 $0xFFFFF086  }
0x25: {  	[simem:s6], [sflag:s4] =	dma.local [hbm:s3], $0xF7A  }
0x26: {  	[smem:$0x3F8C] =	sst s1;
	(tag) =	ssettag s2;
	_ =	strace s9  }
0x27: {  	s1 =	sld [smem:$0x3F9C]  }
0x28: {  	s2 =	sld [smem:$0x3F9D]  }
0x29: {  	s4 =	sld [smem:$0x3F9F]  }
0x2a: {  	p0 =	seq.s32 s5, $0x0;
	s5 =	sld [smem:$0x3FA0]  }
0x2b: {  	s6 =	sld [smem:$0x3FA1]  }
0x2c: {  	s7 =	sld [smem:$0x3FA2]  }
0x2d: {  	s3 =	simm.s32 $0x108;
	s8 =	sld [smem:$0x3FA3]  }
0x2e: {  	s3 =	simm.s32 @!p0 $0x1082;
	s9 =	sld [smem:$0x3FA4]  }
0x2f: {  	lr =	sadd.s32 s0, s3;
	s0 =	sld [smem:$0x3F9B]  }
0x30: {  	s3 =	sld [smem:$0x3F9E]  }
0x31: {  	[smem:$0x3FA7] =	sst s10  }
0x32: {  	s10 =	sld [smem:$0x3FA5];
	_ =	sdelay $0x3  }
0x33: {  	p0 =	seq.s32 s10, $0x1;
	s10 =	sld [smem:$0x3FA7];
	_ =	sdelay $0x3  }
0x34: {  	[smem:$0x3FA7] =	sst s10  }
0x35: {  	s10 =	sld [smem:$0x3FA6];
	_ =	sdelay $0x3  }
0x36: {  	p1 =	seq.s32 s10, $0x1;
	s10 =	sld [smem:$0x3FA7];
	_ =	sdelay $0x3  }
0x37: {  	[smem:$0x3FA7] =	sst s10  }
0x38: {  	s10 =	sld [smem:$0x3FA8]  }
0x39: {  	_ = 	snop;
	(pc) =	sbr.ind lr, $3  }
0x3a: {  	_ = 	snop  }
0x3b: {  	_ = 	snop  }
0x3c: {  	p2 =	seq.s32 s10, $0x1;
	s10 =	sld [smem:$0x3FA7]  }
0x3d: {  	_ =	shalt  }
0x3e: {  	_ =	shalt  }
0x3f: {  	_ =	shalt  }
0x40: {  	_ =	shalt  }
0x41: {  	_ =	shalt  }
0x42: {  	_ =	shalt  }
0x43: {  	_ =	shalt  }
0x44: {  	_ =	shalt  }
0x45: {  	_ =	shalt  }
0x46: {  	_ =	shalt  }
0x47: {  	_ =	shalt  }
0x48: {  	_ =	shalt  }
0x49: {  	_ =	shalt  }
0x4a: {  	_ =	shalt  }
0x4b: {  	_ =	shalt  }
0x4c: {  	_ =	shalt  }
0x4d: {  	_ =	shalt  }
0x4e: {  	_ =	shalt  }
0x4f: {  	_ =	shalt  }
0x50: {  	_ =	shalt  }
0x51: {  	_ =	shalt  }
0x52: {  	_ =	shalt  }
0x53: {  	_ =	shalt  }
0x54: {  	_ =	shalt  }
0x55: {  	_ =	shalt  }
0x56: {  	_ =	shalt  }
0x57: {  	_ =	shalt  }
0x58: {  	_ =	shalt  }
0x59: {  	_ =	shalt  }
0x5a: {  	_ =	shalt  }
0x5b: {  	_ =	shalt  }
0x5c: {  	_ =	shalt  }
0x5d: {  	_ =	shalt  }
0x5e: {  	_ =	shalt  }
0x5f: {  	_ =	shalt  }
0x60: {  	_ =	shalt  }
0x61: {  	_ =	shalt  }
0x62: {  	_ =	shalt  }
0x63: {  	_ =	shalt  }
0x64: {  	_ =	shalt  }
0x65: {  	_ =	shalt  }
0x66: {  	_ =	shalt  }
0x67: {  	_ =	shalt  }
0x68: {  	_ =	shalt  }
0x69: {  	_ =	shalt  }
0x6a: {  	_ =	shalt  }
0x6b: {  	_ =	shalt  }
0x6c: {  	_ =	shalt  }
0x6d: {  	_ =	shalt  }
0x6e: {  	_ =	shalt  }
0x6f: {  	_ =	shalt  }
0x70: {  	_ =	shalt  }
0x71: {  	_ =	shalt  }
0x72: {  	_ =	shalt  }
0x73: {  	_ =	shalt  }
0x74: {  	_ =	shalt  }
0x75: {  	_ =	shalt  }
0x76: {  	_ =	shalt  }
0x77: {  	_ =	shalt  }
0x78: {  	_ =	shalt  }
0x79: {  	_ =	shalt  }
0x7a: {  	_ =	shalt  }
0x7b: {  	_ =	shalt  }
0x7c: {  	_ =	shalt  }
0x7d: {  	_ =	shalt  }
0x7e: {  	_ =	shalt  }
0x7f: {  	_ =	shalt  }
0x80: {  	_ =	shalt  }
0x81: {  	_ =	shalt  }
0x82: {  	_ =	shalt  }
0x83: {  	_ =	shalt  }
0x84: {  	_ =	shalt  }
0x85: {  	_ =	shalt  }
0x86: {  	_ =	shalt  }
0x87: {  	_ =	shalt  }
.Lfunc_end0:
.L_simem_size_0:
called_computation.2_lowered:
.L_overlay_start_0:
0x88: {  	s2 =	sld [smem:$0x3FD9]  }
0x89: {  	s3 =	sld [smem:$0x3FFE];
	_ =	sdelay $0x1  }
0x8a: {  	s1 =	srdreg.scid  }
0x8b: {  	s0 =	sand.u32 $0x1, s1  }
0x8c: {  	s17 =	sshll.u32 s0, $0xA;
	s2 =	sadd.s32 s3, s2  }
0x8d: {  	s2 =	sadd.s32 s2, s17  }
0x8e: {  	[smem:$0x3FB3] =	sst s2  }
0x8f: {  	_ = 	snop  }
0x90: {  	(tm) =	ssettm $0x1  }
0x91: {  	s18 =	sld [smem:$0x3FFB];
	_ =	sdelay $0x3  }
0x92: {  	_ =	strace s18  }
0x93: {  	s2 =	sld [smem:$0x3FFC];
	_ =	sdelay $0x3  }
0x94: {  	_ =	strace s2  }
0x95: {  	s2 =	sld [smem:$0x3FFD];
	_ =	sdelay $0x3  }
0x96: {  	_ =	strace s2  }
0x97: {  	_ =	strace $0x8FFFFFFF  }
0x98: {  	s19 =	sld [smem:$0x3FDB];
	_ =	sdelay $0x1  }
0x99: {  	s20 =	simm.s32 $_scs_section_size  }
0x9a: {  	s4 =	simm.s32 $_size__tile_overlayer_lowered;
	s5 =	simm.s32 $_tile_overlayer_lowered  }
0x9b: {  	s6 =	simm.s32 $0x1BFF;
	s21 =	sshll.u32 s5, $0x1;
	s3 =	sadd.s32 s20, s19  }
0x9c: {  	s22 =	simm.s32 $0x0;
	s4 =	sshll.u32 s4, $0x1;
	s5 =	sadd.s32 s21, s3  }
0x9d: {  	[timem:s22], [sflag:s6] =	dma.local [hbm:s5], s4  }
0x9e: {  	_ =	swait.ge [sflag:s6], s4  }
0x9f: {  	s4 =	ssub.s32 $0x0, s4;
	[sflag:s6] =	ssyncset.done $0x0  }
0xa0: {  	[sflag:s6] =	ssyncadd.s32 s4;
	_ =	sdelay $0x1  }
0xa1: {  	s23 =	simm.s32 $0x1B8B  }
0xa2: {  	_ =	swait.ge [sflag:s23], $0x1  }
0xa3: {  	[sflag:s23] =	ssyncset.done $0x0  }
0xa4: {  	[sflag:s23] =	ssyncadd.s32 $0xFFFFFFFF  }
0xa5: {  	s4 =	sld [smem:$0x0]  }
0xa6: {  	s5 =	sand.u32 $0xFFFFFFFE, s1  }
0xa7: {  	p0 =	sne.s32 s1, s5  }
0xa8: {  	s5 =	sshll.u32 @p0 s5, $0xE  }
0xa9: {  	s5 =	sadd.s32 @p0 $0x11B8D, s5;
	s6 =	sshll.u32 @p0 s4, $0x11  }
0xaa: {  	s5 =	sor.u32 @p0 s6, s5  }
0xab: {  	[sflag:s5] =	ssyncadd.remote.s32 @p0 $0x1;
	_ =	sdelay $0x1  }
0xac: {  	s5 =	simm.s32 @p0 $0x1B8D  }
0xad: {  	_ =	swait.eq @p0 [sflag:s5], $0x1  }
0xae: {  	[sflag:s5] =	ssyncadd.s32 @p0 $0xFFFFFFFF  }
0xaf: {  	s6 =	sshll.u32 @!p0 s1, $0xE  }
0xb0: {  	s6 =	sor.u32 @!p0 $0x4000, s6;
	s5 =	simm.s32 @!p0 $0x1B8D  }
0xb1: {  	s4 =	sshll.u32 @!p0 s4, $0x11;
	s6 =	sadd.s32 @!p0 $0x11B8D, s6;
	_ =	swait.eq @!p0 [sflag:s5], $0x1  }
0xb2: {  	s4 =	sor.u32 @!p0 s4, s6;
	[sflag:s5] =	ssyncadd.s32 @!p0 $0xFFFFFFFF  }
0xb3: {  	s25 =	simm.s32 $0x1B8E;
	s24 =	sld [smem:$0x3FFE];
	[sflag:s4] =	ssyncadd.remote.s32 @!p0 $0x1  }
0xb4: {  	s26 =	simm.s32 $execute0_lowered;
	[smem:$0x3FD2] =	sst s25  }
0xb5: {  	s5 =	sshll.u32 s26, $0x1;
	_ =	strace $0x8000004C;
	[dreg:$0x1] =	wrdreg $0xFFFFFFFF  }
0xb6: {  	s28 =	simm.s32 $_size_execute0_lowered;
	s3 =	sadd.s32 s3, s5;
	[dreg:$0x0] =	wrdreg $0x0  }
0xb7: {  	s5 =	sshll.u32 s28, $0x1;
	[dreg:$0x2] =	wrdreg s3  }
0xb8: {  	[dreg:$0x3] =	wrdreg s5  }
0xb9: {  	[dreg:$0x4] =	wrdreg $0xC0  }
0xba: {  	_ =	task [dreg:s22], $0x5FFFF  }
0xbb: {  	[dreg:$0x1] =	wrdreg $0xFFFFFFFF  }
0xbc: {  	[dreg:$0x0] =	wrdreg $0x60  }
0xbd: {  	[dreg:$0x2] =	wrdreg s24  }
0xbe: {  	[dreg:$0x3] =	wrdreg $0x80E80  }
0xbf: {  	[dreg:$0x4] =	wrdreg $0xA  }
0xc0: {  	_ =	task.clear_ibuf [dreg:s22], $0x5FFFF;
	_ =	strace $0x9000004C  }
0xc1: {  	s29 =	simm.s32 $0xA;
	_ =	strace $0x8000004E  }
0xc2: {  	_ =	swait.ge [sflag:s29], $0x1  }
0xc3: {  	[sflag:s29] =	ssyncadd.s32 $0xFFFFFFFF  }
0xc4: {  	_ =	strace $0x9000004E  }
0xc5: {  	_ =	sfence  }
0xc6: {  	s30 =	sld [smem:$0x0];
	_ =	sdelay $0x2  }
0xc7: {  	s31 =	sshll.u32 s1, $0xD;
	s1 =	sshrl.u32 s1, $0x2  }
0xc8: {  	s4 =	sand.u32 $0x4000, s31;
	s1 =	sadd.s32 s1, s30  }
0xc9: {  	s0 =	sor.u32 s4, s0;
	s1 =	sshll.u32 s1, $0x11  }
0xca: {  	s0 =	sor.u32 s1, s0  }
0xcb: {  	s0 =	sadd.s32 $0x8F2B, s0  }
0xcc: {  	[sflag:s0] =	ssyncadd.remote.s32 $0x1  }
0xcd: {  	_ =	sfence.sel $0xFFFF  }
0xce: {  	[dreg:$0x0] =	wrdreg $0xFFFFFFFF;
	(pc) =	sbr.abs _section_cstart, $3  }
0xcf: {  	[dreg:$0x1] =	wrdreg $0xFFFFFFFF  }
0xd0: {  	_ =	task.clear_ibuf [dreg:s22], $0x2FFFF;
	_ =	strace $0x9FFFFFFF  }
0xd1: {  	(tm) =	ssettm $0x7FFFFFFF  }
tec
execute0_lowered:
.L_overlay_start_1:
0x0: {  	(tag) =	ssettag $0x1  }
0x1: {  	s6 =	rddreg [dreg:$0x0]  }
0x2: {  	s2 =	rddreg [dreg:$0x1]  }
0x3: {  	s0 =	rddreg [dreg:$0x2];
	s3 =	simm.s32 $0x0  }
0x4: {  	s1 =	stileid.u32;
	s4 =	srdreg.scid;
	p1 =	por $0x0, $0x0  }
0x5: {  	[smem:$0x7FF] =	sst s3;
	s5 =	smul.u32 $0x4E00, s1;
	s7 =	sadd.s32 $0xEE400, s6  }
0x6: {  	s8 =	sadd.s32 $0x3D800, s6;
	s9 =	sand.u32 $0x1, s4;
	s14 =	sshll.u32 s1, $0x1  }
0x7: {  	s25 =	sadd.s32 $0x4E000, s2;
	s22 =	sadd.s32 $0x38600, s6;
	p0 =	sne.s32 s1, $0xF  }
0x8: {  	_ =	strace $0x8000004D;
	s10 =	smul.u32 $0x9C40, s9;
	s11 =	ssub.s32 $0x2, s9  }
0x9: {  	s9 =	sor.u32 s9, s14;
	s14 =	sshll.u32 s1, $0x6;
	s4 =	sshrl.u32 s5, $0x3  }
0xa: {  	s13 =	sshrl.u32 s11, $0x1;
	s24 =	sadd.s32 s5, s2;
	s15 =	smul.u32 $0x1388, s9  }
0xb: {  	s5 =	sor.u32 $0x1C01, s14;
	s9 =	smul.u32 $0x4E20, s9;
	s12 =	sadd.s32 s4, s6  }
0xc: {  	s10 =	sadd.s32 s10, s6;
	s13 =	ssub.s32 s11, s13;
	s23 =	sadd.s32 $0x2EA00, s12  }
0xd: {  	s28 =	sshrl.u32 s15, $0x3;
	s20 =	sadd.s32 s7, s9;
	s29 =	sadd.s32 $0x3E8, s15  }
0xe: {  	s31 =	sadd.s32 $0x7D0, s15;
	s14 =	sadd.s32 $0xBB8, s15;
	s11 =	sadd.s32 $0xFA0, s15  }
0xf: {  	s21 =	sadd.s32 s8, s28;
	s30 =	sshrl.u32 s29, $0x3;
	s9 =	sshrl.u32 s31, $0x3  }
0x10: {  	s12 =	sshll.u32 s31, $0x2;
	s26 =	sshrl.u32 s14, $0x3;
	s31 =	smax.u32 s13, $0x1  }
0x11: {  	s6 =	sshll.u32 s29, $0x2;
	s15 =	sadd.s32 s8, s26;
	s26 =	sadd.s32 $0xFFFFFFFF, s31  }
0x12: {  	s28 =	sshll.u32 s14, $0x2;
	s29 =	sshrl.u32 s11, $0x3;
	p2 =	sne.s32 s26, $0x0  }
.Ltmp0:
0x13: {  	s13 =	simm.s32 $0x3E8;
	s19 =	sadd.s32 s8, s30;
	(pc) =	sbr.rel @!p2 .LBB2_3-.Ltmp0, $4  }
0x14: {  	s18 =	sadd.s32 s7, s6;
	s17 =	sadd.s32 s8, s9;
	s16 =	sadd.s32 s7, s12  }
0x15: {  	s14 =	sadd.s32 s7, s28;
	s12 =	sadd.s32 s8, s29;
	s30 =	sshll.u32 s11, $0x2  }
0x16: {  	s6 =	simm.s32 $0x1;
	s11 =	sadd.s32 s7, s30;
	s7 =	sadd.s32 $0x42800, s10  }
0x17: {  	s8 =	sshrl.u32 @!p0 s25, $0x3;
	s10 =	sshrl.u32 s24, $0x3;
	s9 =	sadd.s32 @!p0 $0x9C00, s7  }
0x18: {  	[spmem:s10], [sflag:s5] =	dma.local [hbm:s23], $0x9C0  }
0x19: {  	_ =	swait.ge [sflag:s6], $0x9C0  }
0x1a: {  	[sflag:s6] =	ssyncset.done $0x0  }
0x1b: {  	s24 =	simm.s32 @!p0 $0x1;
	[sflag:s6] =	ssyncadd.s32 $0xFFFFF640  }
0x1c: {  	[spmem:s8], [sflag:s5] =	dma.local @!p0 [hbm:s22], $0x40  }
0x1d: {  	_ =	swait.ge @!p0 [sflag:s24], $0x40  }
0x1e: {  	[sflag:s24] =	ssyncset.done @!p0 $0x0  }
0x1f: {  	[sflag:s24] =	ssyncadd.s32 @!p0 $0xFFFFFFC0  }
0x20: {  	[bflag:$0x0] =	sbarrier.arrive $0xFFFF  }
0x21: {  	[tilespmem:s3], [sflag:$0x1] =	stream.linear.gather [hbm4b:s21+s3], $0x3E8, $0x38;
	[tilespmem:$0xCF08] =	vst v63  }
0x22: {  	_ =	swait.ge [sflag:s6], $0x3E8  }
0x23: {  	[sflag:s6] =	ssyncset.done $0x0  }
0x24: {  	[sflag:s6] =	ssyncadd.s32 $0xFFFFFC18  }
0x25: {  	[tilespmem:s13], [sflag:$0x1] =	stream.linear.gather [hbm4b:s20+s3], $0x7D00, $0x38;
	[tilespmem:$0xCF08] =	vst v63  }
0x26: {  	_ =	swait.ge [sflag:s6], $0x7D00  }
0x27: {  	[sflag:s6] =	ssyncset.done $0x0  }
0x28: {  	[sflag:s6] =	ssyncadd.s32 $0xFFFF8300  }
0x29: {  	[spmem:s2] =	stream.indirect.scatter.add.f32 [tilespmem:s13], [sflag:$0x1], $0x20, s3, s13, $0xb8;
	[tilespmem:$0xCF08] =	vst v63  }
0x2a: {  	_ =	swait.ge [sflag:s6], $0x7D00  }
0x2b: {  	[sflag:s6] =	ssyncset.done $0x0  }
0x2c: {  	[sflag:s6] =	ssyncadd.s32 $0xFFFF8300  }
0x2d: {  	[tilespmem:s3], [sflag:$0x1] =	stream.linear.gather [hbm4b:s19+s3], $0x3E8, $0x38;
	[tilespmem:$0xCF08] =	vst v63  }
0x2e: {  	_ =	swait.ge [sflag:s6], $0x3E8  }
0x2f: {  	[sflag:s6] =	ssyncset.done $0x0  }
0x30: {  	[sflag:s6] =	ssyncadd.s32 $0xFFFFFC18  }
0x31: {  	[tilespmem:s13], [sflag:$0x1] =	stream.linear.gather [hbm4b:s18+s3], $0x7D00, $0x38;
	[tilespmem:$0xCF08] =	vst v63  }
0x32: {  	_ =	swait.ge [sflag:s6], $0x7D00  }
0x33: {  	[sflag:s6] =	ssyncset.done $0x0  }
0x34: {  	[sflag:s6] =	ssyncadd.s32 $0xFFFF8300  }
0x35: {  	[spmem:s2] =	stream.indirect.scatter.add.f32 [tilespmem:s13], [sflag:$0x1], $0x20, s3, s13, $0xb8;
	[tilespmem:$0xCF08] =	vst v63  }
0x36: {  	_ =	swait.ge [sflag:s6], $0x7D00  }
0x37: {  	[sflag:s6] =	ssyncset.done $0x0  }
0x38: {  	[sflag:s6] =	ssyncadd.s32 $0xFFFF8300  }
0x39: {  	[tilespmem:s3], [sflag:$0x1] =	stream.linear.gather [hbm4b:s17+s3], $0x3E8, $0x38;
	[tilespmem:$0xCF08] =	vst v63  }
0x3a: {  	_ =	swait.ge [sflag:s6], $0x3E8  }
0x3b: {  	[sflag:s6] =	ssyncset.done $0x0  }
0x3c: {  	[sflag:s6] =	ssyncadd.s32 $0xFFFFFC18  }
0x3d: {  	[tilespmem:s13], [sflag:$0x1] =	stream.linear.gather [hbm4b:s16+s3], $0x7D00, $0x38;
	[tilespmem:$0xCF08] =	vst v63  }
0x3e: {  	_ =	swait.ge [sflag:s6], $0x7D00  }
0x3f: {  	[sflag:s6] =	ssyncset.done $0x0  }
0x40: {  	[sflag:s6] =	ssyncadd.s32 $0xFFFF8300  }
0x41: {  	[spmem:s2] =	stream.indirect.scatter.add.f32 [tilespmem:s13], [sflag:$0x1], $0x20, s3, s13, $0xb8;
	[tilespmem:$0xCF08] =	vst v63  }
0x42: {  	_ =	swait.ge [sflag:s6], $0x7D00  }
0x43: {  	[sflag:s6] =	ssyncset.done $0x0  }
0x44: {  	[sflag:s6] =	ssyncadd.s32 $0xFFFF8300  }
0x45: {  	[tilespmem:s3], [sflag:$0x1] =	stream.linear.gather [hbm4b:s15+s3], $0x3E8, $0x38;
	[tilespmem:$0xCF08] =	vst v63  }
0x46: {  	_ =	swait.ge [sflag:s6], $0x3E8  }
0x47: {  	[sflag:s6] =	ssyncset.done $0x0  }
0x48: {  	[sflag:s6] =	ssyncadd.s32 $0xFFFFFC18  }
0x49: {  	[tilespmem:s13], [sflag:$0x1] =	stream.linear.gather [hbm4b:s14+s3], $0x7D00, $0x38;
	[tilespmem:$0xCF08] =	vst v63  }
0x4a: {  	_ =	swait.ge [sflag:s6], $0x7D00  }
0x4b: {  	[sflag:s6] =	ssyncset.done $0x0  }
0x4c: {  	[sflag:s6] =	ssyncadd.s32 $0xFFFF8300  }
0x4d: {  	[spmem:s2] =	stream.indirect.scatter.add.f32 [tilespmem:s13], [sflag:$0x1], $0x20, s3, s13, $0xb8;
	[tilespmem:$0xCF08] =	vst v63  }
0x4e: {  	_ =	swait.ge [sflag:s6], $0x7D00  }
0x4f: {  	[sflag:s6] =	ssyncset.done $0x0  }
0x50: {  	[sflag:s6] =	ssyncadd.s32 $0xFFFF8300  }
0x51: {  	[tilespmem:s3], [sflag:$0x1] =	stream.linear.gather [hbm4b:s12+s3], $0x3E8, $0x38;
	[tilespmem:$0xCF08] =	vst v63  }
0x52: {  	_ =	swait.ge [sflag:s6], $0x3E8  }
0x53: {  	[sflag:s6] =	ssyncset.done $0x0  }
0x54: {  	[sflag:s6] =	ssyncadd.s32 $0xFFFFFC18  }
0x55: {  	[tilespmem:s13], [sflag:$0x1] =	stream.linear.gather [hbm4b:s11+s3], $0x7D00, $0x38;
	[tilespmem:$0xCF08] =	vst v63  }
0x56: {  	_ =	swait.ge [sflag:s6], $0x7D00  }
0x57: {  	[sflag:s6] =	ssyncset.done $0x0  }
0x58: {  	[sflag:s6] =	ssyncadd.s32 $0xFFFF8300  }
0x59: {  	[spmem:s2] =	stream.indirect.scatter.add.f32 [tilespmem:s13], [sflag:$0x1], $0x20, s3, s13, $0xb8;
	[tilespmem:$0xCF08] =	vst v63  }
0x5a: {  	_ =	swait.ge [sflag:s6], $0x7D00  }
0x5b: {  	[sflag:s6] =	ssyncset.done $0x0  }
0x5c: {  	[sflag:s6] =	ssyncadd.s32 $0xFFFF8300  }
0x5d: {  	s25 =	sadd.s32 s4, s7;
	s26 =	sadd.s32 $0xFFFFFFFF, s26;
	[bflag:$0x0] =	sbarrier.arrive $0xFFFF  }
0x5e: {  	[hbm:s25], [sflag:s5] =	dma.local [spmem:s10], $0x9C0  }
0x5f: {  	p2 =	sne.s32 s26, $0x0;
	_ =	swait.ge [sflag:s6], $0x9C0  }
.Ltmp1:
0x60: {  	[sflag:s6] =	ssyncset.done $0x0;
	(pc) =	sbr.rel @!p2 .LBB2_3-.Ltmp1, $4  }
0x61: {  	[sflag:s6] =	ssyncadd.s32 $0xFFFFF640  }
0x62: {  	[hbm:s9], [sflag:s5] =	dma.local @!p0 [spmem:s8], $0x40  }
0x63: {  	_ =	swait.ge @!p0 [sflag:s24], $0x40  }
0x64: {  	p1 =	por $0x1, $0x1;
	[sflag:s24] =	ssyncset.done @!p0 $0x0  }
.LBB2_2:
0x65: {  	s26 =	sadd.s32 $0xFFFFFFFF, s26;
	[sflag:s24] =	ssyncadd.s32 @!p0 $0xFFFFFFC0  }
0x66: {  	[spmem:s10], [sflag:s5] =	dma.local [hbm:s23], $0x9C0  }
0x67: {  	p2 =	sne.s32 s26, $0x0;
	_ =	swait.ge [sflag:s6], $0x9C0  }
0x68: {  	[sflag:s6] =	ssyncset.done $0x0  }
0x69: {  	[sflag:s6] =	ssyncadd.s32 $0xFFFFF640  }
0x6a: {  	[spmem:s8], [sflag:s5] =	dma.local @!p0 [hbm:s22], $0x40  }
0x6b: {  	_ =	swait.ge @!p0 [sflag:s24], $0x40  }
0x6c: {  	[sflag:s24] =	ssyncset.done @!p0 $0x0  }
0x6d: {  	[sflag:s24] =	ssyncadd.s32 @!p0 $0xFFFFFFC0  }
0x6e: {  	[bflag:$0x0] =	sbarrier.arrive $0xFFFF  }
0x6f: {  	[tilespmem:s3], [sflag:$0x1] =	stream.linear.gather [hbm4b:s21+s3], $0x3E8, $0x38;
	[tilespmem:$0xCF08] =	vst v63  }
0x70: {  	_ =	swait.ge [sflag:s6], $0x3E8  }
0x71: {  	[sflag:s6] =	ssyncset.done $0x0  }
0x72: {  	[sflag:s6] =	ssyncadd.s32 $0xFFFFFC18  }
0x73: {  	[tilespmem:s13], [sflag:$0x1] =	stream.linear.gather [hbm4b:s20+s3], $0x7D00, $0x38;
	[tilespmem:$0xCF08] =	vst v63  }
0x74: {  	_ =	swait.ge [sflag:s6], $0x7D00  }
0x75: {  	[sflag:s6] =	ssyncset.done $0x0  }
0x76: {  	[sflag:s6] =	ssyncadd.s32 $0xFFFF8300  }
0x77: {  	[spmem:s2] =	stream.indirect.scatter.add.f32 [tilespmem:s13], [sflag:$0x1], $0x20, s3, s13, $0xb8;
	[tilespmem:$0xCF08] =	vst v63  }
0x78: {  	_ =	swait.ge [sflag:s6], $0x7D00  }
0x79: {  	[sflag:s6] =	ssyncset.done $0x0  }
0x7a: {  	[sflag:s6] =	ssyncadd.s32 $0xFFFF8300  }
0x7b: {  	[tilespmem:s3], [sflag:$0x1] =	stream.linear.gather [hbm4b:s19+s3], $0x3E8, $0x38;
	[tilespmem:$0xCF08] =	vst v63  }
0x7c: {  	_ =	swait.ge [sflag:s6], $0x3E8  }
0x7d: {  	[sflag:s6] =	ssyncset.done $0x0  }
0x7e: {  	[sflag:s6] =	ssyncadd.s32 $0xFFFFFC18  }
0x7f: {  	[tilespmem:s13], [sflag:$0x1] =	stream.linear.gather [hbm4b:s18+s3], $0x7D00, $0x38;
	[tilespmem:$0xCF08] =	vst v63  }
0x80: {  	_ =	swait.ge [sflag:s6], $0x7D00  }
0x81: {  	[sflag:s6] =	ssyncset.done $0x0  }
0x82: {  	[sflag:s6] =	ssyncadd.s32 $0xFFFF8300  }
0x83: {  	[spmem:s2] =	stream.indirect.scatter.add.f32 [tilespmem:s13], [sflag:$0x1], $0x20, s3, s13, $0xb8;
	[tilespmem:$0xCF08] =	vst v63  }
0x84: {  	_ =	swait.ge [sflag:s6], $0x7D00  }
0x85: {  	[sflag:s6] =	ssyncset.done $0x0  }
0x86: {  	[sflag:s6] =	ssyncadd.s32 $0xFFFF8300  }
0x87: {  	[tilespmem:s3], [sflag:$0x1] =	stream.linear.gather [hbm4b:s17+s3], $0x3E8, $0x38;
	[tilespmem:$0xCF08] =	vst v63  }
0x88: {  	_ =	swait.ge [sflag:s6], $0x3E8  }
0x89: {  	[sflag:s6] =	ssyncset.done $0x0  }
0x8a: {  	[sflag:s6] =	ssyncadd.s32 $0xFFFFFC18  }
0x8b: {  	[tilespmem:s13], [sflag:$0x1] =	stream.linear.gather [hbm4b:s16+s3], $0x7D00, $0x38;
	[tilespmem:$0xCF08] =	vst v63  }
0x8c: {  	_ =	swait.ge [sflag:s6], $0x7D00  }
0x8d: {  	[sflag:s6] =	ssyncset.done $0x0  }
0x8e: {  	[sflag:s6] =	ssyncadd.s32 $0xFFFF8300  }
0x8f: {  	[spmem:s2] =	stream.indirect.scatter.add.f32 [tilespmem:s13], [sflag:$0x1], $0x20, s3, s13, $0xb8;
	[tilespmem:$0xCF08] =	vst v63  }
0x90: {  	_ =	swait.ge [sflag:s6], $0x7D00  }
0x91: {  	[sflag:s6] =	ssyncset.done $0x0  }
0x92: {  	[sflag:s6] =	ssyncadd.s32 $0xFFFF8300  }
0x93: {  	[tilespmem:s3], [sflag:$0x1] =	stream.linear.gather [hbm4b:s15+s3], $0x3E8, $0x38;
	[tilespmem:$0xCF08] =	vst v63  }
0x94: {  	_ =	swait.ge [sflag:s6], $0x3E8  }
0x95: {  	[sflag:s6] =	ssyncset.done $0x0  }
0x96: {  	[sflag:s6] =	ssyncadd.s32 $0xFFFFFC18  }
0x97: {  	[tilespmem:s13], [sflag:$0x1] =	stream.linear.gather [hbm4b:s14+s3], $0x7D00, $0x38;
	[tilespmem:$0xCF08] =	vst v63  }
0x98: {  	_ =	swait.ge [sflag:s6], $0x7D00  }
0x99: {  	[sflag:s6] =	ssyncset.done $0x0  }
0x9a: {  	[sflag:s6] =	ssyncadd.s32 $0xFFFF8300  }
0x9b: {  	[spmem:s2] =	stream.indirect.scatter.add.f32 [tilespmem:s13], [sflag:$0x1], $0x20, s3, s13, $0xb8;
	[tilespmem:$0xCF08] =	vst v63  }
0x9c: {  	_ =	swait.ge [sflag:s6], $0x7D00  }
0x9d: {  	[sflag:s6] =	ssyncset.done $0x0  }
0x9e: {  	[sflag:s6] =	ssyncadd.s32 $0xFFFF8300  }
0x9f: {  	[tilespmem:s3], [sflag:$0x1] =	stream.linear.gather [hbm4b:s12+s3], $0x3E8, $0x38;
	[tilespmem:$0xCF08] =	vst v63  }
0xa0: {  	_ =	swait.ge [sflag:s6], $0x3E8  }
0xa1: {  	[sflag:s6] =	ssyncset.done $0x0  }
0xa2: {  	[sflag:s6] =	ssyncadd.s32 $0xFFFFFC18  }
0xa3: {  	[tilespmem:s13], [sflag:$0x1] =	stream.linear.gather [hbm4b:s11+s3], $0x7D00, $0x38;
	[tilespmem:$0xCF08] =	vst v63  }
0xa4: {  	_ =	swait.ge [sflag:s6], $0x7D00  }
0xa5: {  	[sflag:s6] =	ssyncset.done $0x0  }
0xa6: {  	[sflag:s6] =	ssyncadd.s32 $0xFFFF8300  }
0xa7: {  	[spmem:s2] =	stream.indirect.scatter.add.f32 [tilespmem:s13], [sflag:$0x1], $0x20, s3, s13, $0xb8;
	[tilespmem:$0xCF08] =	vst v63  }
0xa8: {  	_ =	swait.ge [sflag:s6], $0x7D00  }
0xa9: {  	[sflag:s6] =	ssyncset.done $0x0  }
0xaa: {  	[sflag:s6] =	ssyncadd.s32 $0xFFFF8300  }
0xab: {  	[bflag:$0x0] =	sbarrier.arrive $0xFFFF  }
0xac: {  	[hbm:s25], [sflag:s5] =	dma.local [spmem:s10], $0x9C0  }
0xad: {  	_ =	swait.ge [sflag:s6], $0x9C0  }
.Ltmp2:
0xae: {  	[sflag:s6] =	ssyncset.done $0x0;
	(pc) =	sbr.rel @p2 .LBB2_2-.Ltmp2, $4  }
0xaf: {  	[sflag:s6] =	ssyncadd.s32 $0xFFFFF640  }
0xb0: {  	[hbm:s9], [sflag:s5] =	dma.local @!p0 [spmem:s8], $0x40  }
0xb1: {  	_ =	swait.ge @!p0 [sflag:s24], $0x40  }
0xb2: {  	[sflag:s24] =	ssyncset.done @!p0 $0x0  }
.LBB2_3:
0xb3: {  	p1 =	por p0, !p1  }
0xb4: {  	[sflag:s24] =	ssyncadd.s32 @!p1 $0xFFFFFFC0  }
0xb5: {  	[spmem:s10], [sflag:s5] =	dma.local [hbm:s23], $0x9C0  }
0xb6: {  	_ =	swait.ge [sflag:s6], $0x9C0  }
0xb7: {  	[sflag:s6] =	ssyncset.done $0x0  }
0xb8: {  	s23 =	simm.s32 @!p0 $0x1;
	[sflag:s6] =	ssyncadd.s32 $0xFFFFF640  }
0xb9: {  	[spmem:s8], [sflag:s5] =	dma.local @!p0 [hbm:s22], $0x40  }
0xba: {  	_ =	swait.ge @!p0 [sflag:s23], $0x40  }
0xbb: {  	[sflag:s23] =	ssyncset.done @!p0 $0x0  }
0xbc: {  	[sflag:s23] =	ssyncadd.s32 @!p0 $0xFFFFFFC0  }
0xbd: {  	[bflag:$0x0] =	sbarrier.arrive $0xFFFF  }
0xbe: {  	[tilespmem:s3], [sflag:$0x1] =	stream.linear.gather [hbm4b:s21+s3], $0x3E8, $0x38;
	[tilespmem:$0xCF08] =	vst v63  }
0xbf: {  	_ =	swait.ge [sflag:s6], $0x3E8  }
0xc0: {  	[sflag:s6] =	ssyncset.done $0x0  }
0xc1: {  	[sflag:s6] =	ssyncadd.s32 $0xFFFFFC18  }
0xc2: {  	[tilespmem:s13], [sflag:$0x1] =	stream.linear.gather [hbm4b:s20+s3], $0x7D00, $0x38;
	[tilespmem:$0xCF08] =	vst v63  }
0xc3: {  	_ =	swait.ge [sflag:s6], $0x7D00  }
0xc4: {  	[sflag:s6] =	ssyncset.done $0x0  }
0xc5: {  	[sflag:s6] =	ssyncadd.s32 $0xFFFF8300  }
0xc6: {  	[spmem:s2] =	stream.indirect.scatter.add.f32 [tilespmem:s13], [sflag:$0x1], $0x20, s3, s13, $0xb8;
	[tilespmem:$0xCF08] =	vst v63  }
0xc7: {  	_ =	swait.ge [sflag:s6], $0x7D00  }
0xc8: {  	[sflag:s6] =	ssyncset.done $0x0  }
0xc9: {  	[sflag:s6] =	ssyncadd.s32 $0xFFFF8300  }
0xca: {  	[tilespmem:s3], [sflag:$0x1] =	stream.linear.gather [hbm4b:s19+s3], $0x3E8, $0x38;
	[tilespmem:$0xCF08] =	vst v63  }
0xcb: {  	_ =	swait.ge [sflag:s6], $0x3E8  }
0xcc: {  	[sflag:s6] =	ssyncset.done $0x0  }
0xcd: {  	[sflag:s6] =	ssyncadd.s32 $0xFFFFFC18  }
0xce: {  	[tilespmem:s13], [sflag:$0x1] =	stream.linear.gather [hbm4b:s18+s3], $0x7D00, $0x38;
	[tilespmem:$0xCF08] =	vst v63  }
0xcf: {  	_ =	swait.ge [sflag:s6], $0x7D00  }
0xd0: {  	[sflag:s6] =	ssyncset.done $0x0  }
0xd1: {  	[sflag:s6] =	ssyncadd.s32 $0xFFFF8300  }
0xd2: {  	[spmem:s2] =	stream.indirect.scatter.add.f32 [tilespmem:s13], [sflag:$0x1], $0x20, s3, s13, $0xb8;
	[tilespmem:$0xCF08] =	vst v63  }
0xd3: {  	_ =	swait.ge [sflag:s6], $0x7D00  }
0xd4: {  	[sflag:s6] =	ssyncset.done $0x0  }
0xd5: {  	[sflag:s6] =	ssyncadd.s32 $0xFFFF8300  }
0xd6: {  	[tilespmem:s3], [sflag:$0x1] =	stream.linear.gather [hbm4b:s17+s3], $0x3E8, $0x38;
	[tilespmem:$0xCF08] =	vst v63  }
0xd7: {  	_ =	swait.ge [sflag:s6], $0x3E8  }
0xd8: {  	[sflag:s6] =	ssyncset.done $0x0  }
0xd9: {  	[sflag:s6] =	ssyncadd.s32 $0xFFFFFC18  }
0xda: {  	[tilespmem:s13], [sflag:$0x1] =	stream.linear.gather [hbm4b:s16+s3], $0x7D00, $0x38;
	[tilespmem:$0xCF08] =	vst v63  }
0xdb: {  	_ =	swait.ge [sflag:s6], $0x7D00  }
0xdc: {  	[sflag:s6] =	ssyncset.done $0x0  }
0xdd: {  	[sflag:s6] =	ssyncadd.s32 $0xFFFF8300  }
0xde: {  	[spmem:s2] =	stream.indirect.scatter.add.f32 [tilespmem:s13], [sflag:$0x1], $0x20, s3, s13, $0xb8;
	[tilespmem:$0xCF08] =	vst v63  }
0xdf: {  	_ =	swait.ge [sflag:s6], $0x7D00  }
0xe0: {  	[sflag:s6] =	ssyncset.done $0x0  }
0xe1: {  	[sflag:s6] =	ssyncadd.s32 $0xFFFF8300  }
0xe2: {  	[tilespmem:s3], [sflag:$0x1] =	stream.linear.gather [hbm4b:s15+s3], $0x3E8, $0x38;
	[tilespmem:$0xCF08] =	vst v63  }
0xe3: {  	_ =	swait.ge [sflag:s6], $0x3E8  }
0xe4: {  	[sflag:s6] =	ssyncset.done $0x0  }
0xe5: {  	[sflag:s6] =	ssyncadd.s32 $0xFFFFFC18  }
0xe6: {  	[tilespmem:s13], [sflag:$0x1] =	stream.linear.gather [hbm4b:s14+s3], $0x7D00, $0x38;
	[tilespmem:$0xCF08] =	vst v63  }
0xe7: {  	_ =	swait.ge [sflag:s6], $0x7D00  }
0xe8: {  	[sflag:s6] =	ssyncset.done $0x0  }
0xe9: {  	[sflag:s6] =	ssyncadd.s32 $0xFFFF8300  }
0xea: {  	[spmem:s2] =	stream.indirect.scatter.add.f32 [tilespmem:s13], [sflag:$0x1], $0x20, s3, s13, $0xb8;
	[tilespmem:$0xCF08] =	vst v63  }
0xeb: {  	_ =	swait.ge [sflag:s6], $0x7D00  }
0xec: {  	[sflag:s6] =	ssyncset.done $0x0  }
0xed: {  	[sflag:s6] =	ssyncadd.s32 $0xFFFF8300  }
0xee: {  	[tilespmem:s3], [sflag:$0x1] =	stream.linear.gather [hbm4b:s12+s3], $0x3E8, $0x38;
	[tilespmem:$0xCF08] =	vst v63  }
0xef: {  	_ =	swait.ge [sflag:s6], $0x3E8  }
0xf0: {  	[sflag:s6] =	ssyncset.done $0x0  }
0xf1: {  	[sflag:s6] =	ssyncadd.s32 $0xFFFFFC18  }
0xf2: {  	[tilespmem:s13], [sflag:$0x1] =	stream.linear.gather [hbm4b:s11+s3], $0x7D00, $0x38;
	[tilespmem:$0xCF08] =	vst v63  }
0xf3: {  	_ =	swait.ge [sflag:s6], $0x7D00  }
0xf4: {  	[sflag:s6] =	ssyncset.done $0x0  }
0xf5: {  	[sflag:s6] =	ssyncadd.s32 $0xFFFF8300  }
0xf6: {  	[spmem:s2] =	stream.indirect.scatter.add.f32 [tilespmem:s13], [sflag:$0x1], $0x20, s3, s13, $0xb8;
	[tilespmem:$0xCF08] =	vst v63  }
0xf7: {  	_ =	swait.ge [sflag:s6], $0x7D00  }
0xf8: {  	[sflag:s6] =	ssyncset.done $0x0  }
0xf9: {  	[sflag:s6] =	ssyncadd.s32 $0xFFFF8300  }
0xfa: {  	s31 =	sadd.s32 s4, s7;
	[bflag:$0x0] =	sbarrier.arrive $0xFFFF  }
0xfb: {  	[hbm:s31], [sflag:s5] =	dma.local [spmem:s10], $0x9C0  }
0xfc: {  	_ =	swait.ge [sflag:s6], $0x9C0  }
0xfd: {  	[sflag:s6] =	ssyncset.done $0x0  }
0xfe: {  	[sflag:s6] =	ssyncadd.s32 $0xFFFFF640  }
0xff: {  	[hbm:s9], [sflag:s5] =	dma.local @!p0 [spmem:s8], $0x40  }
0x100: {  	_ =	swait.ge @!p0 [sflag:s23], $0x40  }
0x101: {  	[sflag:s23] =	ssyncset.done @!p0 $0x0  }
0x102: {  	[sflag:s23] =	ssyncadd.s32 @!p0 $0xFFFFFFC0  }
0x103: {  	_ =	sfence.sel $0x180000  }
0x104: {  	[bflag:$0x0] =	sbarrier.arrive $0xFFFF  }
0x105: {  	p0 =	sne.s32 s1, $0x0;
	_ =	strace $0x9000004D  }
0x106: {  	s0 =	sadd.s32 @!p0 $0x100000, s0;
	[bflag:$0x2] =	sbarrier.arrive $0xFFFF  }
0x107: {  	[sflag:s0] =	ssyncadd.tile.s32 @!p0 $0x1;
	_ =	shalt  }
.Lfunc_end2:
_tile_overlayer_lowered:
.L_overlay_start_2:
0x108: {  	(tag) =	ssettag $0x2  }
0x109: {  	s0 =	rddreg [dreg:$0x0];
	s2 =	stileid.u32  }
0x10a: {  	s1 =	rddreg [dreg:$0x1];
	p0 =	sne.s32 s2, $0x0  }
0x10b: {  	s3 =	rddreg [dreg:$0x2];
	[bflag:$0x3] =	sbarrier.arrive $0xFFFF;
	s2 =	simm.s32 @!p0 $0x1C01  }
0x10c: {  	[timem:s3], [sflag:s2] =	dma.local @!p0 [hbm:s0], s1  }
0x10d: {  	s0 =	simm.s32 @!p0 $0x1  }
0x10e: {  	_ =	swait.ge @!p0 [sflag:s0], s1  }
0x10f: {  	s1 =	ssub.s32 @!p0 $0x0, s1;
	[sflag:s0] =	ssyncset.done @!p0 $0x0  }
0x110: {  	[sflag:s0] =	ssyncadd.s32 @!p0 s1  }
0x111: {  	[bflag:$0x3] =	sbarrier.arrive $0xFFFF  }
0x112: {  	_ =	shalt  }

// kernel: kernel.28.cloned.1.call-start
scs
__scs_entry_jumppad:
0x0: {  	(pc) =	sbr.rel $0x88, $3  }
0x1: {  	(tag) =	ssettag $0x0;
	lr =	simm.s32 $0x1  }
0x2: {  	[smem:$0x3F8C] =	sst lr;
	_ =	strace $0xD0000000  }
0x3: {  	_ = 	snop  }
0x4: {  	_ = 	snop  }
0x5: {  	_ = 	snop  }
0x6: {  	_ = 	snop  }
0x7: {  	_ = 	snop  }
__scs_overlays_trampoline_lowered:
0x8: {  	[smem:$0x3F9B] =	sst s0  }
0x9: {  	[smem:$0x3F9C] =	sst s1  }
0xa: {  	[smem:$0x3F9D] =	sst s2  }
0xb: {  	[smem:$0x3F9E] =	sst s3  }
0xc: {  	[smem:$0x3F9F] =	sst s4  }
0xd: {  	[smem:$0x3FA0] =	sst s5  }
0xe: {  	[smem:$0x3FA1] =	sst s6  }
0xf: {  	[smem:$0x3FA2] =	sst s7  }
0x10: {  	[smem:$0x3FA3] =	sst s8  }
0x11: {  	[smem:$0x3FA4] =	sst s9;
	s0 =	simm.s32 @!p0 $0x0  }
0x12: {  	s1 =	sld [smem:$0x3F8A];
	s0 =	simm.s32 @p0 $0x1  }
0x13: {  	[smem:$0x3FA5] =	sst s0;
	s0 =	simm.s32 @!p1 $0x0  }
0x14: {  	s2 =	sld [smem:$0x3F89];
	s0 =	simm.s32 @p1 $0x1  }
0x15: {  	[smem:$0x3FA6] =	sst s0;
	s0 =	simm.s32 @!p2 $0x0  }
0x16: {  	s3 =	sld [smem:$0x3FDB];
	s0 =	simm.s32 @p2 $0x1  }
0x17: {  	s4 =	simm.s32 $0x1BF5;
	[smem:$0x3FA8] =	sst s0  }
0x18: {  	s0 =	sld [smem:$0x3F8B];
	_ =	swait.ge [sflag:s4], $0x0  }
0x19: {  	s7 =	sld [smem:$0x3F8C]  }
0x1a: {  	s8 =	sadd.s32 $0xFFFFE003, lr  }
0x1b: {  	s9 =	sadd.s32 $0xFFFFFEF7, lr;
	s5 =	simm.s32 $0xFFFFFFFF;
	p2 =	slt.u32 s8, $0xFFFFF086  }
0x1c: {  	p1 =	slt.u32 s9, $0xF7A;
	s5 =	simm.s32 @!p2 $0x0  }
0x1d: {  	s5 =	simm.s32 @p1 $0x1;
	p0 =	seq.s32 s7, s2  }
0x1e: {  	s7 =	smul.u32 @!p0 $0xF7A, s2;
	p2 =	seq.s32 @!p0 s5, $0x0  }
0x1f: {  	s9 =	smul.u32 $0xF7A, s1;
	s8 =	simm.s32 @!p0 $0x1BF5;
	p2 =	por !p2, p0  }
0x20: {  	[sflag:s8] =	ssyncset.s32 @!p0 $0xFFFFF086;
	s6 =	sadd.s32 @!p0 s3, s7;
	s7 =	simm.s32 @!p0 $0x108  }
0x21: {  	s3 =	sadd.s32 s3, s9;
	s6 =	sadd.s32 @!p0 $0x88, s6;
	s7 =	simm.s32 @p2 $0x1082  }
0x22: {  	[simem:s7], [sflag:s8] =	dma.local @!p0 [hbm:s6], $0xF7A  }
0x23: {  	s9 =	sor.u32 $0xD0000000, s2;
	s6 =	simm.s32 $0x108;
	_ =	swait.ge @!p0 [sflag:s8], $0x0  }
0x24: {  	s3 =	sadd.s32 $0x88, s3;
	s6 =	simm.s32 @!p1 $0x1082;
	[sflag:s4] =	ssyncset.s32 $0xFFFFF086  }
0x25: {  	[simem:s6], [sflag:s4] =	dma.local [hbm:s3], $0xF7A  }
0x26: {  	[smem:$0x3F8C] =	sst s1;
	(tag) =	ssettag s2;
	_ =	strace s9  }
0x27: {  	s1 =	sld [smem:$0x3F9C]  }
0x28: {  	s2 =	sld [smem:$0x3F9D]  }
0x29: {  	s4 =	sld [smem:$0x3F9F]  }
0x2a: {  	p0 =	seq.s32 s5, $0x0;
	s5 =	sld [smem:$0x3FA0]  }
0x2b: {  	s6 =	sld [smem:$0x3FA1]  }
0x2c: {  	s7 =	sld [smem:$0x3FA2]  }
0x2d: {  	s3 =	simm.s32 $0x108;
	s8 =	sld [smem:$0x3FA3]  }
0x2e: {  	s3 =	simm.s32 @!p0 $0x1082;
	s9 =	sld [smem:$0x3FA4]  }
0x2f: {  	lr =	sadd.s32 s0, s3;
	s0 =	sld [smem:$0x3F9B]  }
0x30: {  	s3 =	sld [smem:$0x3F9E]  }
0x31: {  	[smem:$0x3FA7] =	sst s10  }
0x32: {  	s10 =	sld [smem:$0x3FA5];
	_ =	sdelay $0x3  }
0x33: {  	p0 =	seq.s32 s10, $0x1;
	s10 =	sld [smem:$0x3FA7];
	_ =	sdelay $0x3  }
0x34: {  	[smem:$0x3FA7] =	sst s10  }
0x35: {  	s10 =	sld [smem:$0x3FA6];
	_ =	sdelay $0x3  }
0x36: {  	p1 =	seq.s32 s10, $0x1;
	s10 =	sld [smem:$0x3FA7];
	_ =	sdelay $0x3  }
0x37: {  	[smem:$0x3FA7] =	sst s10  }
0x38: {  	s10 =	sld [smem:$0x3FA8]  }
0x39: {  	_ = 	snop;
	(pc) =	sbr.ind lr, $3  }
0x3a: {  	_ = 	snop  }
0x3b: {  	_ = 	snop  }
0x3c: {  	p2 =	seq.s32 s10, $0x1;
	s10 =	sld [smem:$0x3FA7]  }
0x3d: {  	_ =	shalt  }
0x3e: {  	_ =	shalt  }
0x3f: {  	_ =	shalt  }
0x40: {  	_ =	shalt  }
0x41: {  	_ =	shalt  }
0x42: {  	_ =	shalt  }
0x43: {  	_ =	shalt  }
0x44: {  	_ =	shalt  }
0x45: {  	_ =	shalt  }
0x46: {  	_ =	shalt  }
0x47: {  	_ =	shalt  }
0x48: {  	_ =	shalt  }
0x49: {  	_ =	shalt  }
0x4a: {  	_ =	shalt  }
0x4b: {  	_ =	shalt  }
0x4c: {  	_ =	shalt  }
0x4d: {  	_ =	shalt  }
0x4e: {  	_ =	shalt  }
0x4f: {  	_ =	shalt  }
0x50: {  	_ =	shalt  }
0x51: {  	_ =	shalt  }
0x52: {  	_ =	shalt  }
0x53: {  	_ =	shalt  }
0x54: {  	_ =	shalt  }
0x55: {  	_ =	shalt  }
0x56: {  	_ =	shalt  }
0x57: {  	_ =	shalt  }
0x58: {  	_ =	shalt  }
0x59: {  	_ =	shalt  }
0x5a: {  	_ =	shalt  }
0x5b: {  	_ =	shalt  }
0x5c: {  	_ =	shalt  }
0x5d: {  	_ =	shalt  }
0x5e: {  	_ =	shalt  }
0x5f: {  	_ =	shalt  }
0x60: {  	_ =	shalt  }
0x61: {  	_ =	shalt  }
0x62: {  	_ =	shalt  }
0x63: {  	_ =	shalt  }
0x64: {  	_ =	shalt  }
0x65: {  	_ =	shalt  }
0x66: {  	_ =	shalt  }
0x67: {  	_ =	shalt  }
0x68: {  	_ =	shalt  }
0x69: {  	_ =	shalt  }
0x6a: {  	_ =	shalt  }
0x6b: {  	_ =	shalt  }
0x6c: {  	_ =	shalt  }
0x6d: {  	_ =	shalt  }
0x6e: {  	_ =	shalt  }
0x6f: {  	_ =	shalt  }
0x70: {  	_ =	shalt  }
0x71: {  	_ =	shalt  }
0x72: {  	_ =	shalt  }
0x73: {  	_ =	shalt  }
0x74: {  	_ =	shalt  }
0x75: {  	_ =	shalt  }
0x76: {  	_ =	shalt  }
0x77: {  	_ =	shalt  }
0x78: {  	_ =	shalt  }
0x79: {  	_ =	shalt  }
0x7a: {  	_ =	shalt  }
0x7b: {  	_ =	shalt  }
0x7c: {  	_ =	shalt  }
0x7d: {  	_ =	shalt  }
0x7e: {  	_ =	shalt  }
0x7f: {  	_ =	shalt  }
0x80: {  	_ =	shalt  }
0x81: {  	_ =	shalt  }
0x82: {  	_ =	shalt  }
0x83: {  	_ =	shalt  }
0x84: {  	_ =	shalt  }
0x85: {  	_ =	shalt  }
0x86: {  	_ =	shalt  }
0x87: {  	_ =	shalt  }
.Lfunc_end0:
.L_simem_size_0:
called_computation.3_lowered:
.L_overlay_start_0:
0x88: {  	s2 =	sld [smem:$0x3FD9]  }
0x89: {  	s3 =	sld [smem:$0x3FFE];
	_ =	sdelay $0x1  }
0x8a: {  	s1 =	srdreg.scid  }
0x8b: {  	s0 =	sand.u32 $0x1, s1  }
0x8c: {  	s16 =	sshll.u32 s0, $0xA;
	s2 =	sadd.s32 s3, s2  }
0x8d: {  	s2 =	sadd.s32 s2, s16  }
0x8e: {  	[smem:$0x3FB3] =	sst s2  }
0x8f: {  	_ = 	snop  }
0x90: {  	(tm) =	ssettm $0x1  }
0x91: {  	s17 =	sld [smem:$0x3FFB];
	_ =	sdelay $0x3  }
0x92: {  	_ =	strace s17  }
0x93: {  	s2 =	sld [smem:$0x3FFC];
	_ =	sdelay $0x3  }
0x94: {  	_ =	strace s2  }
0x95: {  	s2 =	sld [smem:$0x3FFD];
	_ =	sdelay $0x3  }
0x96: {  	_ =	strace s2  }
0x97: {  	_ =	strace $0x8FFFFFFF  }
0x98: {  	s18 =	sld [smem:$0x3FDB];
	_ =	sdelay $0x1  }
0x99: {  	s19 =	simm.s32 $_scs_section_size  }
0x9a: {  	s4 =	simm.s32 $_size__tile_overlayer_lowered;
	s5 =	simm.s32 $_tile_overlayer_lowered  }
0x9b: {  	s22 =	simm.s32 $0x1BFF;
	s21 =	sshll.u32 s5, $0x1;
	s2 =	sadd.s32 s19, s18  }
0x9c: {  	s6 =	simm.s32 $0x0;
	s20 =	sshll.u32 s4, $0x1;
	s4 =	sadd.s32 s21, s2  }
0x9d: {  	[timem:s6], [sflag:s22] =	dma.local [hbm:s4], s20  }
0x9e: {  	_ =	swait.ge [sflag:s22], s20  }
0x9f: {  	s3 =	ssub.s32 $0x0, s20;
	[sflag:s22] =	ssyncset.done $0x0  }
0xa0: {  	[sflag:s22] =	ssyncadd.s32 s3;
	_ =	sdelay $0x1  }
0xa1: {  	s23 =	simm.s32 $0x1B8B  }
0xa2: {  	_ =	swait.ge [sflag:s23], $0x1  }
0xa3: {  	[sflag:s23] =	ssyncset.done $0x0  }
0xa4: {  	s25 =	simm.s32 $0x1B8E;
	s24 =	sld [smem:$0x3FFE];
	[sflag:s23] =	ssyncadd.s32 $0xFFFFFFFF  }
0xa5: {  	s26 =	simm.s32 $execute0_lowered;
	[smem:$0x3FD2] =	sst s25  }
0xa6: {  	s4 =	sshll.u32 s26, $0x1;
	_ =	strace $0x8000004F;
	[dreg:$0x1] =	wrdreg $0xFFFFFFFF  }
0xa7: {  	s28 =	simm.s32 $_size_execute0_lowered;
	s2 =	sadd.s32 s2, s4;
	[dreg:$0x0] =	wrdreg $0x0  }
0xa8: {  	s4 =	sshll.u32 s28, $0x1;
	[dreg:$0x2] =	wrdreg s2  }
0xa9: {  	[dreg:$0x3] =	wrdreg s4  }
0xaa: {  	[dreg:$0x4] =	wrdreg $0xC0  }
0xab: {  	_ =	task [dreg:s6], $0x5FFFF  }
0xac: {  	[dreg:$0x1] =	wrdreg $0xFFFFFFFF  }
0xad: {  	[dreg:$0x0] =	wrdreg $0x60  }
0xae: {  	[dreg:$0x2] =	wrdreg s24  }
0xaf: {  	[dreg:$0x3] =	wrdreg $0x9  }
0xb0: {  	_ =	task.clear_ibuf [dreg:s6], $0x4FFFF;
	_ =	strace $0x9000004F  }
0xb1: {  	s29 =	simm.s32 $0x9;
	_ =	strace $0x80000051  }
0xb2: {  	_ =	swait.ge [sflag:s29], $0x1  }
0xb3: {  	[sflag:s29] =	ssyncadd.s32 $0xFFFFFFFF  }
0xb4: {  	_ =	strace $0x90000051  }
0xb5: {  	_ =	sfence  }
0xb6: {  	s30 =	sld [smem:$0x0];
	_ =	sdelay $0x2  }
0xb7: {  	s31 =	sshll.u32 s1, $0xD;
	s1 =	sshrl.u32 s1, $0x2  }
0xb8: {  	s3 =	sand.u32 $0x4000, s31;
	s1 =	sadd.s32 s1, s30  }
0xb9: {  	s0 =	sor.u32 s3, s0;
	s1 =	sshll.u32 s1, $0x11  }
0xba: {  	s0 =	sor.u32 s1, s0  }
0xbb: {  	s0 =	sadd.s32 $0x8F2B, s0  }
0xbc: {  	[sflag:s0] =	ssyncadd.remote.s32 $0x1  }
0xbd: {  	_ =	sfence.sel $0xFFFF  }
0xbe: {  	[dreg:$0x0] =	wrdreg $0xFFFFFFFF;
	(pc) =	sbr.abs _section_cstart, $3  }
0xbf: {  	[dreg:$0x1] =	wrdreg $0xFFFFFFFF  }
0xc0: {  	_ =	task.clear_ibuf [dreg:s6], $0x2FFFF;
	_ =	strace $0x9FFFFFFF  }
0xc1: {  	(tm) =	ssettm $0x7FFFFFFF  }
tec
execute0_lowered:
.L_overlay_start_1:
0x0: {  	(tag) =	ssettag $0x1  }
0x1: {  	s1 =	srdreg.scid;
	s0 =	stileid.u32  }
0x2: {  	s16 =	sand.u32 $0x1, s1;
	s26 =	sshll.u32 s0, $0x1  }
0x3: {  	s8 =	sor.u32 s16, s26  }
0x4: {  	s9 =	rddreg [dreg:$0x0];
	s17 =	smul.u32 $0x1388, s8  }
0x5: {  	s2 =	simm.s32 $0x0;
	s1 =	rddreg [dreg:$0x1]  }
0x6: {  	[smem:$0x7FF] =	sst s2;
	s15 =	sadd.s32 $0x38800, s9;
	s3 =	sshrl.u32 s17, $0x3  }
0x7: {  	_ =	strace $0x80000050;
	s4 =	sadd.s32 s15, s3;
	s3 =	simm.s32 $0x2  }
0x8: {  	[tilespmem:s2], [sflag:$0x2] =	stream.linear.gather [hbm4b:s4+s2], $0x3E8, $0x38;
	[tilespmem:$0x80E8] =	vst v63  }
0x9: {  	_ =	swait.ge [sflag:s3], $0x3E8  }
0xa: {  	s6 =	simm.s32 $0x3E8;
	[sflag:s3] =	ssyncset.done $0x0  }
0xb: {  	s7 =	simm.s32 $0x1;
	s5 =	sadd.s32 $0x42800, s9;
	[sflag:s3] =	ssyncadd.s32 $0xFFFFFC18  }
0xc: {  	[tilespmem:s6], [sflag:$0x1] =	stream.indirect.gather [hbm4b:s5+s6], $0x20, s2, s6, $0xb8;
	[tilespmem:$0x80E8] =	vst v63  }
0xd: {  	s8 =	smul.u32 $0x4E20, s8;
	_ =	swait.ge [sflag:s7], $0x7D00  }
0xe: {  	s18 =	sadd.s32 $0xEE400, s9;
	[sflag:s7] =	ssyncset.done $0x0  }
0xf: {  	s8 =	sadd.s32 s18, s8;
	[sflag:s7] =	ssyncadd.s32 $0xFFFF8300  }
0x10: {  	[hbm4b:s8+s2] =	stream.linear.scatter [tilespmem:s6], [sflag:$0x2], $0x7D00, $0x38;
	[tilespmem:$0x80E8] =	vst v63  }
0x11: {  	s10 =	sadd.s32 $0x3E8, s17;
	_ =	swait.ge [sflag:s3], $0x7D00  }
0x12: {  	s28 =	sshrl.u32 s10, $0x3;
	[sflag:s3] =	ssyncset.done $0x0  }
0x13: {  	s9 =	sadd.s32 s15, s28;
	[sflag:s3] =	ssyncadd.s32 $0xFFFF8300  }
0x14: {  	[tilespmem:s2], [sflag:$0x2] =	stream.linear.gather [hbm4b:s9+s2], $0x3E8, $0x38;
	[tilespmem:$0x80E8] =	vst v63  }
0x15: {  	_ =	swait.ge [sflag:s3], $0x3E8  }
0x16: {  	[sflag:s3] =	ssyncset.done $0x0  }
0x17: {  	[sflag:s3] =	ssyncadd.s32 $0xFFFFFC18  }
0x18: {  	[tilespmem:s6], [sflag:$0x1] =	stream.indirect.gather [hbm4b:s5+s6], $0x20, s2, s6, $0xb8;
	[tilespmem:$0x80E8] =	vst v63  }
0x19: {  	_ =	swait.ge [sflag:s7], $0x7D00  }
0x1a: {  	s10 =	sshll.u32 s10, $0x2;
	[sflag:s7] =	ssyncset.done $0x0  }
0x1b: {  	s10 =	sadd.s32 s18, s10;
	[sflag:s7] =	ssyncadd.s32 $0xFFFF8300  }
0x1c: {  	[hbm4b:s10+s2] =	stream.linear.scatter [tilespmem:s6], [sflag:$0x2], $0x7D00, $0x38;
	[tilespmem:$0x80E8] =	vst v63  }
0x1d: {  	s12 =	sadd.s32 $0x7D0, s17;
	_ =	swait.ge [sflag:s3], $0x7D00  }
0x1e: {  	s11 =	sshrl.u32 s12, $0x3;
	[sflag:s3] =	ssyncset.done $0x0  }
0x1f: {  	s11 =	sadd.s32 s15, s11;
	[sflag:s3] =	ssyncadd.s32 $0xFFFF8300  }
0x20: {  	[tilespmem:s2], [sflag:$0x2] =	stream.linear.gather [hbm4b:s11+s2], $0x3E8, $0x38;
	[tilespmem:$0x80E8] =	vst v63  }
0x21: {  	_ =	swait.ge [sflag:s3], $0x3E8  }
0x22: {  	[sflag:s3] =	ssyncset.done $0x0  }
0x23: {  	[sflag:s3] =	ssyncadd.s32 $0xFFFFFC18  }
0x24: {  	[tilespmem:s6], [sflag:$0x1] =	stream.indirect.gather [hbm4b:s5+s6], $0x20, s2, s6, $0xb8;
	[tilespmem:$0x80E8] =	vst v63  }
0x25: {  	_ =	swait.ge [sflag:s7], $0x7D00  }
0x26: {  	s12 =	sshll.u32 s12, $0x2;
	[sflag:s7] =	ssyncset.done $0x0  }
0x27: {  	s12 =	sadd.s32 s18, s12;
	[sflag:s7] =	ssyncadd.s32 $0xFFFF8300  }
0x28: {  	[hbm4b:s12+s2] =	stream.linear.scatter [tilespmem:s6], [sflag:$0x2], $0x7D00, $0x38;
	[tilespmem:$0x80E8] =	vst v63  }
0x29: {  	s14 =	sadd.s32 $0xBB8, s17;
	_ =	swait.ge [sflag:s3], $0x7D00  }
0x2a: {  	s13 =	sshrl.u32 s14, $0x3;
	[sflag:s3] =	ssyncset.done $0x0  }
0x2b: {  	s13 =	sadd.s32 s15, s13;
	[sflag:s3] =	ssyncadd.s32 $0xFFFF8300  }
0x2c: {  	[tilespmem:s2], [sflag:$0x2] =	stream.linear.gather [hbm4b:s13+s2], $0x3E8, $0x38;
	[tilespmem:$0x80E8] =	vst v63  }
0x2d: {  	_ =	swait.ge [sflag:s3], $0x3E8  }
0x2e: {  	[sflag:s3] =	ssyncset.done $0x0  }
0x2f: {  	[sflag:s3] =	ssyncadd.s32 $0xFFFFFC18  }
0x30: {  	[tilespmem:s6], [sflag:$0x1] =	stream.indirect.gather [hbm4b:s5+s6], $0x20, s2, s6, $0xb8;
	[tilespmem:$0x80E8] =	vst v63  }
0x31: {  	_ =	swait.ge [sflag:s7], $0x7D00  }
0x32: {  	s14 =	sshll.u32 s14, $0x2;
	[sflag:s7] =	ssyncset.done $0x0  }
0x33: {  	s14 =	sadd.s32 s18, s14;
	[sflag:s7] =	ssyncadd.s32 $0xFFFF8300  }
0x34: {  	[hbm4b:s14+s2] =	stream.linear.scatter [tilespmem:s6], [sflag:$0x2], $0x7D00, $0x38;
	[tilespmem:$0x80E8] =	vst v63  }
0x35: {  	s17 =	sadd.s32 $0xFA0, s17;
	_ =	swait.ge [sflag:s3], $0x7D00  }
0x36: {  	s19 =	sshrl.u32 s17, $0x3;
	[sflag:s3] =	ssyncset.done $0x0  }
0x37: {  	s16 =	ssub.s32 $0x2, s16;
	s15 =	sadd.s32 s15, s19;
	[sflag:s3] =	ssyncadd.s32 $0xFFFF8300  }
0x38: {  	[tilespmem:s2], [sflag:$0x2] =	stream.linear.gather [hbm4b:s15+s2], $0x3E8, $0x38;
	[tilespmem:$0x80E8] =	vst v63  }
0x39: {  	s29 =	sshrl.u32 s16, $0x1;
	_ =	swait.ge [sflag:s3], $0x3E8  }
0x3a: {  	s19 =	ssub.s32 s16, s29;
	[sflag:s3] =	ssyncset.done $0x0  }
0x3b: {  	s31 =	smax.u32 s19, $0x1;
	[sflag:s3] =	ssyncadd.s32 $0xFFFFFC18  }
0x3c: {  	[tilespmem:s6], [sflag:$0x1] =	stream.indirect.gather [hbm4b:s5+s6], $0x20, s2, s6, $0xb8;
	[tilespmem:$0x80E8] =	vst v63  }
0x3d: {  	p0 =	sne.s32 s31, $0x1;
	_ =	swait.ge [sflag:s7], $0x7D00  }
.Ltmp0:
0x3e: {  	s30 =	sshll.u32 s17, $0x2;
	[sflag:s7] =	ssyncset.done $0x0;
	(pc) =	sbr.rel @!p0 .LBB2_2-.Ltmp0, $4  }
0x3f: {  	s16 =	sadd.s32 s18, s30;
	[sflag:s7] =	ssyncadd.s32 $0xFFFF8300  }
0x40: {  	[hbm4b:s16+s2] =	stream.linear.scatter [tilespmem:s6], [sflag:$0x2], $0x7D00, $0x38;
	[tilespmem:$0x80E8] =	vst v63  }
0x41: {  	_ =	swait.ge [sflag:s3], $0x7D00  }
0x42: {  	s17 =	sadd.s32 $0xFFFFFFFF, s31;
	[sflag:s3] =	ssyncset.done $0x0  }
.LBB2_1:
0x43: {  	p0 =	sne.s32 s17, $0x1;
	s17 =	sadd.s32 $0xFFFFFFFF, s17;
	[sflag:s3] =	ssyncadd.s32 $0xFFFF8300  }
0x44: {  	[tilespmem:s2], [sflag:$0x2] =	stream.linear.gather [hbm4b:s4+s2], $0x3E8, $0x38;
	[tilespmem:$0x80E8] =	vst v63  }
0x45: {  	_ =	swait.ge [sflag:s3], $0x3E8  }
0x46: {  	[sflag:s3] =	ssyncset.done $0x0  }
0x47: {  	[sflag:s3] =	ssyncadd.s32 $0xFFFFFC18  }
0x48: {  	[tilespmem:s6], [sflag:$0x1] =	stream.indirect.gather [hbm4b:s5+s6], $0x20, s2, s6, $0xb8;
	[tilespmem:$0x80E8] =	vst v63  }
0x49: {  	_ =	swait.ge [sflag:s7], $0x7D00  }
0x4a: {  	[sflag:s7] =	ssyncset.done $0x0  }
0x4b: {  	[sflag:s7] =	ssyncadd.s32 $0xFFFF8300  }
0x4c: {  	[hbm4b:s8+s2] =	stream.linear.scatter [tilespmem:s6], [sflag:$0x2], $0x7D00, $0x38;
	[tilespmem:$0x80E8] =	vst v63  }
0x4d: {  	_ =	swait.ge [sflag:s3], $0x7D00  }
0x4e: {  	[sflag:s3] =	ssyncset.done $0x0  }
0x4f: {  	[sflag:s3] =	ssyncadd.s32 $0xFFFF8300  }
0x50: {  	[tilespmem:s2], [sflag:$0x2] =	stream.linear.gather [hbm4b:s9+s2], $0x3E8, $0x38;
	[tilespmem:$0x80E8] =	vst v63  }
0x51: {  	_ =	swait.ge [sflag:s3], $0x3E8  }
0x52: {  	[sflag:s3] =	ssyncset.done $0x0  }
0x53: {  	[sflag:s3] =	ssyncadd.s32 $0xFFFFFC18  }
0x54: {  	[tilespmem:s6], [sflag:$0x1] =	stream.indirect.gather [hbm4b:s5+s6], $0x20, s2, s6, $0xb8;
	[tilespmem:$0x80E8] =	vst v63  }
0x55: {  	_ =	swait.ge [sflag:s7], $0x7D00  }
0x56: {  	[sflag:s7] =	ssyncset.done $0x0  }
0x57: {  	[sflag:s7] =	ssyncadd.s32 $0xFFFF8300  }
0x58: {  	[hbm4b:s10+s2] =	stream.linear.scatter [tilespmem:s6], [sflag:$0x2], $0x7D00, $0x38;
	[tilespmem:$0x80E8] =	vst v63  }
0x59: {  	_ =	swait.ge [sflag:s3], $0x7D00  }
0x5a: {  	[sflag:s3] =	ssyncset.done $0x0  }
0x5b: {  	[sflag:s3] =	ssyncadd.s32 $0xFFFF8300  }
0x5c: {  	[tilespmem:s2], [sflag:$0x2] =	stream.linear.gather [hbm4b:s11+s2], $0x3E8, $0x38;
	[tilespmem:$0x80E8] =	vst v63  }
0x5d: {  	_ =	swait.ge [sflag:s3], $0x3E8  }
0x5e: {  	[sflag:s3] =	ssyncset.done $0x0  }
0x5f: {  	[sflag:s3] =	ssyncadd.s32 $0xFFFFFC18  }
0x60: {  	[tilespmem:s6], [sflag:$0x1] =	stream.indirect.gather [hbm4b:s5+s6], $0x20, s2, s6, $0xb8;
	[tilespmem:$0x80E8] =	vst v63  }
0x61: {  	_ =	swait.ge [sflag:s7], $0x7D00  }
0x62: {  	[sflag:s7] =	ssyncset.done $0x0  }
0x63: {  	[sflag:s7] =	ssyncadd.s32 $0xFFFF8300  }
0x64: {  	[hbm4b:s12+s2] =	stream.linear.scatter [tilespmem:s6], [sflag:$0x2], $0x7D00, $0x38;
	[tilespmem:$0x80E8] =	vst v63  }
0x65: {  	_ =	swait.ge [sflag:s3], $0x7D00  }
0x66: {  	[sflag:s3] =	ssyncset.done $0x0  }
0x67: {  	[sflag:s3] =	ssyncadd.s32 $0xFFFF8300  }
0x68: {  	[tilespmem:s2], [sflag:$0x2] =	stream.linear.gather [hbm4b:s13+s2], $0x3E8, $0x38;
	[tilespmem:$0x80E8] =	vst v63  }
0x69: {  	_ =	swait.ge [sflag:s3], $0x3E8  }
0x6a: {  	[sflag:s3] =	ssyncset.done $0x0  }
0x6b: {  	[sflag:s3] =	ssyncadd.s32 $0xFFFFFC18  }
0x6c: {  	[tilespmem:s6], [sflag:$0x1] =	stream.indirect.gather [hbm4b:s5+s6], $0x20, s2, s6, $0xb8;
	[tilespmem:$0x80E8] =	vst v63  }
0x6d: {  	_ =	swait.ge [sflag:s7], $0x7D00  }
0x6e: {  	[sflag:s7] =	ssyncset.done $0x0  }
0x6f: {  	[sflag:s7] =	ssyncadd.s32 $0xFFFF8300  }
0x70: {  	[hbm4b:s14+s2] =	stream.linear.scatter [tilespmem:s6], [sflag:$0x2], $0x7D00, $0x38;
	[tilespmem:$0x80E8] =	vst v63  }
0x71: {  	_ =	swait.ge [sflag:s3], $0x7D00  }
0x72: {  	[sflag:s3] =	ssyncset.done $0x0  }
0x73: {  	[sflag:s3] =	ssyncadd.s32 $0xFFFF8300  }
0x74: {  	[tilespmem:s2], [sflag:$0x2] =	stream.linear.gather [hbm4b:s15+s2], $0x3E8, $0x38;
	[tilespmem:$0x80E8] =	vst v63  }
0x75: {  	_ =	swait.ge [sflag:s3], $0x3E8  }
0x76: {  	[sflag:s3] =	ssyncset.done $0x0  }
0x77: {  	[sflag:s3] =	ssyncadd.s32 $0xFFFFFC18  }
0x78: {  	[tilespmem:s6], [sflag:$0x1] =	stream.indirect.gather [hbm4b:s5+s6], $0x20, s2, s6, $0xb8;
	[tilespmem:$0x80E8] =	vst v63  }
0x79: {  	_ =	swait.ge [sflag:s7], $0x7D00  }
.Ltmp1:
0x7a: {  	[sflag:s7] =	ssyncset.done $0x0;
	(pc) =	sbr.rel @p0 .LBB2_1-.Ltmp1, $4  }
0x7b: {  	[sflag:s7] =	ssyncadd.s32 $0xFFFF8300  }
0x7c: {  	[hbm4b:s16+s2] =	stream.linear.scatter [tilespmem:s6], [sflag:$0x2], $0x7D00, $0x38;
	[tilespmem:$0x80E8] =	vst v63  }
0x7d: {  	_ =	swait.ge [sflag:s3], $0x7D00  }
0x7e: {  	[sflag:s3] =	ssyncset.done $0x0  }
.LBB2_2:
0x7f: {  	[sflag:s3] =	ssyncadd.s32 $0xFFFF8300  }
0x80: {  	_ =	sfence.sel $0x180000  }
0x81: {  	[bflag:$0x0] =	sbarrier.arrive $0xFFFF  }
0x82: {  	p0 =	sne.s32 s0, $0x0;
	_ =	strace $0x90000050  }
0x83: {  	s0 =	sadd.s32 @!p0 $0x100000, s1;
	[bflag:$0x2] =	sbarrier.arrive $0xFFFF  }
0x84: {  	[sflag:s0] =	ssyncadd.tile.s32 @!p0 $0x1;
	_ =	shalt  }
.Lfunc_end2:
_tile_overlayer_lowered:
.L_overlay_start_2:
0x85: {  	(tag) =	ssettag $0x2  }
0x86: {  	s0 =	rddreg [dreg:$0x0];
	s2 =	stileid.u32  }
0x87: {  	s1 =	rddreg [dreg:$0x1];
	p0 =	sne.s32 s2, $0x0  }
0x88: {  	s3 =	rddreg [dreg:$0x2];
	[bflag:$0x3] =	sbarrier.arrive $0xFFFF;
	s2 =	simm.s32 @!p0 $0x1C02  }
0x89: {  	[timem:s3], [sflag:s2] =	dma.local @!p0 [hbm:s0], s1  }
0x8a: {  	s0 =	simm.s32 @!p0 $0x2  }
0x8b: {  	_ =	swait.ge @!p0 [sflag:s0], s1  }
0x8c: {  	s1 =	ssub.s32 @!p0 $0x0, s1;
	[sflag:s0] =	ssyncset.done @!p0 $0x0  }
0x8d: {  	[sflag:s0] =	ssyncadd.s32 @!p0 s1  }
0x8e: {  	[bflag:$0x3] =	sbarrier.arrive $0xFFFF  }
0x8f: {  	_ =	shalt  }

// kernel: kernel.31.cloned.1.call-start
scs
__scs_entry_jumppad:
0x0: {  	(pc) =	sbr.rel $0x88, $3  }
0x1: {  	(tag) =	ssettag $0x0;
	lr =	simm.s32 $0x1  }
0x2: {  	[smem:$0x3F8C] =	sst lr;
	_ =	strace $0xD0000000  }
0x3: {  	_ = 	snop  }
0x4: {  	_ = 	snop  }
0x5: {  	_ = 	snop  }
0x6: {  	_ = 	snop  }
0x7: {  	_ = 	snop  }
__scs_overlays_trampoline_lowered:
0x8: {  	[smem:$0x3F9B] =	sst s0  }
0x9: {  	[smem:$0x3F9C] =	sst s1  }
0xa: {  	[smem:$0x3F9D] =	sst s2  }
0xb: {  	[smem:$0x3F9E] =	sst s3  }
0xc: {  	[smem:$0x3F9F] =	sst s4  }
0xd: {  	[smem:$0x3FA0] =	sst s5  }
0xe: {  	[smem:$0x3FA1] =	sst s6  }
0xf: {  	[smem:$0x3FA2] =	sst s7  }
0x10: {  	[smem:$0x3FA3] =	sst s8  }
0x11: {  	[smem:$0x3FA4] =	sst s9;
	s0 =	simm.s32 @!p0 $0x0  }
0x12: {  	s1 =	sld [smem:$0x3F8A];
	s0 =	simm.s32 @p0 $0x1  }
0x13: {  	[smem:$0x3FA5] =	sst s0;
	s0 =	simm.s32 @!p1 $0x0  }
0x14: {  	s2 =	sld [smem:$0x3F89];
	s0 =	simm.s32 @p1 $0x1  }
0x15: {  	[smem:$0x3FA6] =	sst s0;
	s0 =	simm.s32 @!p2 $0x0  }
0x16: {  	s3 =	sld [smem:$0x3FDB];
	s0 =	simm.s32 @p2 $0x1  }
0x17: {  	s4 =	simm.s32 $0x1BF5;
	[smem:$0x3FA8] =	sst s0  }
0x18: {  	s0 =	sld [smem:$0x3F8B];
	_ =	swait.ge [sflag:s4], $0x0  }
0x19: {  	s7 =	sld [smem:$0x3F8C]  }
0x1a: {  	s8 =	sadd.s32 $0xFFFFE003, lr  }
0x1b: {  	s9 =	sadd.s32 $0xFFFFFEF7, lr;
	s5 =	simm.s32 $0xFFFFFFFF;
	p2 =	slt.u32 s8, $0xFFFFF086  }
0x1c: {  	p1 =	slt.u32 s9, $0xF7A;
	s5 =	simm.s32 @!p2 $0x0  }
0x1d: {  	s5 =	simm.s32 @p1 $0x1;
	p0 =	seq.s32 s7, s2  }
0x1e: {  	s7 =	smul.u32 @!p0 $0xF7A, s2;
	p2 =	seq.s32 @!p0 s5, $0x0  }
0x1f: {  	s9 =	smul.u32 $0xF7A, s1;
	s8 =	simm.s32 @!p0 $0x1BF5;
	p2 =	por !p2, p0  }
0x20: {  	[sflag:s8] =	ssyncset.s32 @!p0 $0xFFFFF086;
	s6 =	sadd.s32 @!p0 s3, s7;
	s7 =	simm.s32 @!p0 $0x108  }
0x21: {  	s3 =	sadd.s32 s3, s9;
	s6 =	sadd.s32 @!p0 $0x88, s6;
	s7 =	simm.s32 @p2 $0x1082  }
0x22: {  	[simem:s7], [sflag:s8] =	dma.local @!p0 [hbm:s6], $0xF7A  }
0x23: {  	s9 =	sor.u32 $0xD0000000, s2;
	s6 =	simm.s32 $0x108;
	_ =	swait.ge @!p0 [sflag:s8], $0x0  }
0x24: {  	s3 =	sadd.s32 $0x88, s3;
	s6 =	simm.s32 @!p1 $0x1082;
	[sflag:s4] =	ssyncset.s32 $0xFFFFF086  }
0x25: {  	[simem:s6], [sflag:s4] =	dma.local [hbm:s3], $0xF7A  }
0x26: {  	[smem:$0x3F8C] =	sst s1;
	(tag) =	ssettag s2;
	_ =	strace s9  }
0x27: {  	s1 =	sld [smem:$0x3F9C]  }
0x28: {  	s2 =	sld [smem:$0x3F9D]  }
0x29: {  	s4 =	sld [smem:$0x3F9F]  }
0x2a: {  	p0 =	seq.s32 s5, $0x0;
	s5 =	sld [smem:$0x3FA0]  }
0x2b: {  	s6 =	sld [smem:$0x3FA1]  }
0x2c: {  	s7 =	sld [smem:$0x3FA2]  }
0x2d: {  	s3 =	simm.s32 $0x108;
	s8 =	sld [smem:$0x3FA3]  }
0x2e: {  	s3 =	simm.s32 @!p0 $0x1082;
	s9 =	sld [smem:$0x3FA4]  }
0x2f: {  	lr =	sadd.s32 s0, s3;
	s0 =	sld [smem:$0x3F9B]  }
0x30: {  	s3 =	sld [smem:$0x3F9E]  }
0x31: {  	[smem:$0x3FA7] =	sst s10  }
0x32: {  	s10 =	sld [smem:$0x3FA5];
	_ =	sdelay $0x3  }
0x33: {  	p0 =	seq.s32 s10, $0x1;
	s10 =	sld [smem:$0x3FA7];
	_ =	sdelay $0x3  }
0x34: {  	[smem:$0x3FA7] =	sst s10  }
0x35: {  	s10 =	sld [smem:$0x3FA6];
	_ =	sdelay $0x3  }
0x36: {  	p1 =	seq.s32 s10, $0x1;
	s10 =	sld [smem:$0x3FA7];
	_ =	sdelay $0x3  }
0x37: {  	[smem:$0x3FA7] =	sst s10  }
0x38: {  	s10 =	sld [smem:$0x3FA8]  }
0x39: {  	_ = 	snop;
	(pc) =	sbr.ind lr, $3  }
0x3a: {  	_ = 	snop  }
0x3b: {  	_ = 	snop  }
0x3c: {  	p2 =	seq.s32 s10, $0x1;
	s10 =	sld [smem:$0x3FA7]  }
0x3d: {  	_ =	shalt  }
0x3e: {  	_ =	shalt  }
0x3f: {  	_ =	shalt  }
0x40: {  	_ =	shalt  }
0x41: {  	_ =	shalt  }
0x42: {  	_ =	shalt  }
0x43: {  	_ =	shalt  }
0x44: {  	_ =	shalt  }
0x45: {  	_ =	shalt  }
0x46: {  	_ =	shalt  }
0x47: {  	_ =	shalt  }
0x48: {  	_ =	shalt  }
0x49: {  	_ =	shalt  }
0x4a: {  	_ =	shalt  }
0x4b: {  	_ =	shalt  }
0x4c: {  	_ =	shalt  }
0x4d: {  	_ =	shalt  }
0x4e: {  	_ =	shalt  }
0x4f: {  	_ =	shalt  }
0x50: {  	_ =	shalt  }
0x51: {  	_ =	shalt  }
0x52: {  	_ =	shalt  }
0x53: {  	_ =	shalt  }
0x54: {  	_ =	shalt  }
0x55: {  	_ =	shalt  }
0x56: {  	_ =	shalt  }
0x57: {  	_ =	shalt  }
0x58: {  	_ =	shalt  }
0x59: {  	_ =	shalt  }
0x5a: {  	_ =	shalt  }
0x5b: {  	_ =	shalt  }
0x5c: {  	_ =	shalt  }
0x5d: {  	_ =	shalt  }
0x5e: {  	_ =	shalt  }
0x5f: {  	_ =	shalt  }
0x60: {  	_ =	shalt  }
0x61: {  	_ =	shalt  }
0x62: {  	_ =	shalt  }
0x63: {  	_ =	shalt  }
0x64: {  	_ =	shalt  }
0x65: {  	_ =	shalt  }
0x66: {  	_ =	shalt  }
0x67: {  	_ =	shalt  }
0x68: {  	_ =	shalt  }
0x69: {  	_ =	shalt  }
0x6a: {  	_ =	shalt  }
0x6b: {  	_ =	shalt  }
0x6c: {  	_ =	shalt  }
0x6d: {  	_ =	shalt  }
0x6e: {  	_ =	shalt  }
0x6f: {  	_ =	shalt  }
0x70: {  	_ =	shalt  }
0x71: {  	_ =	shalt  }
0x72: {  	_ =	shalt  }
0x73: {  	_ =	shalt  }
0x74: {  	_ =	shalt  }
0x75: {  	_ =	shalt  }
0x76: {  	_ =	shalt  }
0x77: {  	_ =	shalt  }
0x78: {  	_ =	shalt  }
0x79: {  	_ =	shalt  }
0x7a: {  	_ =	shalt  }
0x7b: {  	_ =	shalt  }
0x7c: {  	_ =	shalt  }
0x7d: {  	_ =	shalt  }
0x7e: {  	_ =	shalt  }
0x7f: {  	_ =	shalt  }
0x80: {  	_ =	shalt  }
0x81: {  	_ =	shalt  }
0x82: {  	_ =	shalt  }
0x83: {  	_ =	shalt  }
0x84: {  	_ =	shalt  }
0x85: {  	_ =	shalt  }
0x86: {  	_ =	shalt  }
0x87: {  	_ =	shalt  }
.Lfunc_end0:
.L_simem_size_0:
called_computation.4_lowered:
.L_overlay_start_0:
0x88: {  	s2 =	sld [smem:$0x3FD9]  }
0x89: {  	s3 =	sld [smem:$0x3FFE];
	_ =	sdelay $0x1  }
0x8a: {  	s1 =	srdreg.scid  }
0x8b: {  	s0 =	sand.u32 $0x1, s1  }
0x8c: {  	s16 =	sshll.u32 s0, $0xA;
	s2 =	sadd.s32 s3, s2  }
0x8d: {  	s2 =	sadd.s32 s2, s16  }
0x8e: {  	[smem:$0x3FB3] =	sst s2  }
0x8f: {  	_ = 	snop  }
0x90: {  	(tm) =	ssettm $0x1  }
0x91: {  	s17 =	sld [smem:$0x3FFB];
	_ =	sdelay $0x3  }
0x92: {  	_ =	strace s17  }
0x93: {  	s2 =	sld [smem:$0x3FFC];
	_ =	sdelay $0x3  }
0x94: {  	_ =	strace s2  }
0x95: {  	s2 =	sld [smem:$0x3FFD];
	_ =	sdelay $0x3  }
0x96: {  	_ =	strace s2  }
0x97: {  	_ =	strace $0x8FFFFFFF  }
0x98: {  	s18 =	sld [smem:$0x3FDB];
	_ =	sdelay $0x1  }
0x99: {  	s19 =	simm.s32 $_scs_section_size  }
0x9a: {  	s4 =	simm.s32 $_size__tile_overlayer_lowered;
	s5 =	simm.s32 $_tile_overlayer_lowered  }
0x9b: {  	s22 =	simm.s32 $0x1BFF;
	s21 =	sshll.u32 s5, $0x1;
	s2 =	sadd.s32 s19, s18  }
0x9c: {  	s6 =	simm.s32 $0x0;
	s20 =	sshll.u32 s4, $0x1;
	s4 =	sadd.s32 s21, s2  }
0x9d: {  	[timem:s6], [sflag:s22] =	dma.local [hbm:s4], s20  }
0x9e: {  	_ =	swait.ge [sflag:s22], s20  }
0x9f: {  	s3 =	ssub.s32 $0x0, s20;
	[sflag:s22] =	ssyncset.done $0x0  }
0xa0: {  	[sflag:s22] =	ssyncadd.s32 s3;
	_ =	sdelay $0x1  }
0xa1: {  	s23 =	simm.s32 $0x1B8B  }
0xa2: {  	_ =	swait.ge [sflag:s23], $0x1  }
0xa3: {  	[sflag:s23] =	ssyncset.done $0x0  }
0xa4: {  	s25 =	simm.s32 $0x1B8E;
	s24 =	sld [smem:$0x3FFE];
	[sflag:s23] =	ssyncadd.s32 $0xFFFFFFFF  }
0xa5: {  	s26 =	simm.s32 $execute0_lowered;
	[smem:$0x3FD2] =	sst s25  }
0xa6: {  	s4 =	sshll.u32 s26, $0x1;
	_ =	strace $0x80000052;
	[dreg:$0x1] =	wrdreg $0xFFFFFFFF  }
0xa7: {  	s28 =	simm.s32 $_size_execute0_lowered;
	s2 =	sadd.s32 s2, s4;
	[dreg:$0x0] =	wrdreg $0x0  }
0xa8: {  	s4 =	sshll.u32 s28, $0x1;
	[dreg:$0x2] =	wrdreg s2  }
0xa9: {  	[dreg:$0x3] =	wrdreg s4  }
0xaa: {  	[dreg:$0x4] =	wrdreg $0xC0  }
0xab: {  	_ =	task [dreg:s6], $0x5FFFF  }
0xac: {  	[dreg:$0x1] =	wrdreg $0xFFFFFFFF  }
0xad: {  	[dreg:$0x0] =	wrdreg $0x60  }
0xae: {  	[dreg:$0x2] =	wrdreg s24  }
0xaf: {  	[dreg:$0x3] =	wrdreg $0x80E80  }
0xb0: {  	[dreg:$0x4] =	wrdreg $0x9  }
0xb1: {  	_ =	task.clear_ibuf [dreg:s6], $0x5FFFF;
	_ =	strace $0x90000052  }
0xb2: {  	s29 =	simm.s32 $0x9;
	_ =	strace $0x80000054  }
0xb3: {  	_ =	swait.ge [sflag:s29], $0x1  }
0xb4: {  	[sflag:s29] =	ssyncadd.s32 $0xFFFFFFFF  }
0xb5: {  	_ =	strace $0x90000054  }
0xb6: {  	_ =	sfence  }
0xb7: {  	s30 =	sld [smem:$0x0];
	_ =	sdelay $0x2  }
0xb8: {  	s31 =	sshll.u32 s1, $0xD;
	s1 =	sshrl.u32 s1, $0x2  }
0xb9: {  	s3 =	sand.u32 $0x4000, s31;
	s1 =	sadd.s32 s1, s30  }
0xba: {  	s0 =	sor.u32 s3, s0;
	s1 =	sshll.u32 s1, $0x11  }
0xbb: {  	s0 =	sor.u32 s1, s0  }
0xbc: {  	s0 =	sadd.s32 $0x8F2B, s0  }
0xbd: {  	[sflag:s0] =	ssyncadd.remote.s32 $0x1  }
0xbe: {  	_ =	sfence.sel $0xFFFF  }
0xbf: {  	[dreg:$0x0] =	wrdreg $0xFFFFFFFF;
	(pc) =	sbr.abs _section_cstart, $3  }
0xc0: {  	[dreg:$0x1] =	wrdreg $0xFFFFFFFF  }
0xc1: {  	_ =	task.clear_ibuf [dreg:s6], $0x2FFFF;
	_ =	strace $0x9FFFFFFF  }
0xc2: {  	(tm) =	ssettm $0x7FFFFFFF  }
0xc3: {  	_ =	shalt  }
tec
execute0_lowered:
.L_overlay_start_1:
0x0: {  	(tag) =	ssettag $0x1  }
0x1: {  	s6 =	rddreg [dreg:$0x0]  }
0x2: {  	s2 =	rddreg [dreg:$0x1]  }
0x3: {  	s0 =	rddreg [dreg:$0x2];
	s3 =	simm.s32 $0x0  }
0x4: {  	s1 =	stileid.u32;
	s4 =	srdreg.scid;
	p1 =	por $0x0, $0x0  }
0x5: {  	[smem:$0x7FF] =	sst s3;
	s5 =	smul.u32 $0x4E00, s1;
	s7 =	sadd.s32 $0x18A800, s6  }
0x6: {  	s8 =	sadd.s32 $0x3D800, s6;
	s9 =	sand.u32 $0x1, s4;
	s14 =	sshll.u32 s1, $0x1  }
0x7: {  	s25 =	sadd.s32 $0x4E000, s2;
	s22 =	sadd.s32 $0x38600, s6;
	p0 =	sne.s32 s1, $0xF  }
0x8: {  	_ =	strace $0x80000053;
	s10 =	smul.u32 $0x9C40, s9;
	s11 =	ssub.s32 $0x2, s9  }
0x9: {  	s9 =	sor.u32 s9, s14;
	s14 =	sshll.u32 s1, $0x6;
	s4 =	sshrl.u32 s5, $0x3  }
0xa: {  	s13 =	sshrl.u32 s11, $0x1;
	s24 =	sadd.s32 s5, s2;
	s15 =	smul.u32 $0x1388, s9  }
0xb: {  	s5 =	sor.u32 $0x1C01, s14;
	s9 =	smul.u32 $0x4E20, s9;
	s12 =	sadd.s32 s4, s6  }
0xc: {  	s10 =	sadd.s32 s10, s6;
	s13 =	ssub.s32 s11, s13;
	s23 =	sadd.s32 $0x2EA00, s12  }
0xd: {  	s28 =	sshrl.u32 s15, $0x3;
	s20 =	sadd.s32 s7, s9;
	s29 =	sadd.s32 $0x3E8, s15  }
0xe: {  	s31 =	sadd.s32 $0x7D0, s15;
	s14 =	sadd.s32 $0xBB8, s15;
	s11 =	sadd.s32 $0xFA0, s15  }
0xf: {  	s21 =	sadd.s32 s8, s28;
	s30 =	sshrl.u32 s29, $0x3;
	s9 =	sshrl.u32 s31, $0x3  }
0x10: {  	s12 =	sshll.u32 s31, $0x2;
	s26 =	sshrl.u32 s14, $0x3;
	s31 =	smax.u32 s13, $0x1  }
0x11: {  	s6 =	sshll.u32 s29, $0x2;
	s15 =	sadd.s32 s8, s26;
	s26 =	sadd.s32 $0xFFFFFFFF, s31  }
0x12: {  	s28 =	sshll.u32 s14, $0x2;
	s29 =	sshrl.u32 s11, $0x3;
	p2 =	sne.s32 s26, $0x0  }
.Ltmp0:
0x13: {  	s13 =	simm.s32 $0x3E8;
	s19 =	sadd.s32 s8, s30;
	(pc) =	sbr.rel @!p2 .LBB2_3-.Ltmp0, $4  }
0x14: {  	s18 =	sadd.s32 s7, s6;
	s17 =	sadd.s32 s8, s9;
	s16 =	sadd.s32 s7, s12  }
0x15: {  	s14 =	sadd.s32 s7, s28;
	s12 =	sadd.s32 s8, s29;
	s30 =	sshll.u32 s11, $0x2  }
0x16: {  	s6 =	simm.s32 $0x1;
	s11 =	sadd.s32 s7, s30;
	s7 =	sadd.s32 $0x42800, s10  }
0x17: {  	s8 =	sshrl.u32 @!p0 s25, $0x3;
	s10 =	sshrl.u32 s24, $0x3;
	s9 =	sadd.s32 @!p0 $0x9C00, s7  }
0x18: {  	[spmem:s10], [sflag:s5] =	dma.local [hbm:s23], $0x9C0  }
0x19: {  	_ =	swait.ge [sflag:s6], $0x9C0  }
0x1a: {  	[sflag:s6] =	ssyncset.done $0x0  }
0x1b: {  	s24 =	simm.s32 @!p0 $0x1;
	[sflag:s6] =	ssyncadd.s32 $0xFFFFF640  }
0x1c: {  	[spmem:s8], [sflag:s5] =	dma.local @!p0 [hbm:s22], $0x40  }
0x1d: {  	_ =	swait.ge @!p0 [sflag:s24], $0x40  }
0x1e: {  	[sflag:s24] =	ssyncset.done @!p0 $0x0  }
0x1f: {  	[sflag:s24] =	ssyncadd.s32 @!p0 $0xFFFFFFC0  }
0x20: {  	[bflag:$0x0] =	sbarrier.arrive $0xFFFF  }
0x21: {  	[tilespmem:s3], [sflag:$0x1] =	stream.linear.gather [hbm4b:s21+s3], $0x3E8, $0x38;
	[tilespmem:$0xCF08] =	vst v63  }
0x22: {  	_ =	swait.ge [sflag:s6], $0x3E8  }
0x23: {  	[sflag:s6] =	ssyncset.done $0x0  }
0x24: {  	[sflag:s6] =	ssyncadd.s32 $0xFFFFFC18  }
0x25: {  	[tilespmem:s13], [sflag:$0x1] =	stream.linear.gather [hbm4b:s20+s3], $0x7D00, $0x38;
	[tilespmem:$0xCF08] =	vst v63  }
0x26: {  	_ =	swait.ge [sflag:s6], $0x7D00  }
0x27: {  	[sflag:s6] =	ssyncset.done $0x0  }
0x28: {  	[sflag:s6] =	ssyncadd.s32 $0xFFFF8300  }
0x29: {  	[spmem:s2] =	stream.indirect.scatter.add.f32 [tilespmem:s13], [sflag:$0x1], $0x20, s3, s13, $0xb8;
	[tilespmem:$0xCF08] =	vst v63  }
0x2a: {  	_ =	swait.ge [sflag:s6], $0x7D00  }
0x2b: {  	[sflag:s6] =	ssyncset.done $0x0  }
0x2c: {  	[sflag:s6] =	ssyncadd.s32 $0xFFFF8300  }
0x2d: {  	[tilespmem:s3], [sflag:$0x1] =	stream.linear.gather [hbm4b:s19+s3], $0x3E8, $0x38;
	[tilespmem:$0xCF08] =	vst v63  }
0x2e: {  	_ =	swait.ge [sflag:s6], $0x3E8  }
0x2f: {  	[sflag:s6] =	ssyncset.done $0x0  }
0x30: {  	[sflag:s6] =	ssyncadd.s32 $0xFFFFFC18  }
0x31: {  	[tilespmem:s13], [sflag:$0x1] =	stream.linear.gather [hbm4b:s18+s3], $0x7D00, $0x38;
	[tilespmem:$0xCF08] =	vst v63  }
0x32: {  	_ =	swait.ge [sflag:s6], $0x7D00  }
0x33: {  	[sflag:s6] =	ssyncset.done $0x0  }
0x34: {  	[sflag:s6] =	ssyncadd.s32 $0xFFFF8300  }
0x35: {  	[spmem:s2] =	stream.indirect.scatter.add.f32 [tilespmem:s13], [sflag:$0x1], $0x20, s3, s13, $0xb8;
	[tilespmem:$0xCF08] =	vst v63  }
0x36: {  	_ =	swait.ge [sflag:s6], $0x7D00  }
0x37: {  	[sflag:s6] =	ssyncset.done $0x0  }
0x38: {  	[sflag:s6] =	ssyncadd.s32 $0xFFFF8300  }
0x39: {  	[tilespmem:s3], [sflag:$0x1] =	stream.linear.gather [hbm4b:s17+s3], $0x3E8, $0x38;
	[tilespmem:$0xCF08] =	vst v63  }
0x3a: {  	_ =	swait.ge [sflag:s6], $0x3E8  }
0x3b: {  	[sflag:s6] =	ssyncset.done $0x0  }
0x3c: {  	[sflag:s6] =	ssyncadd.s32 $0xFFFFFC18  }
0x3d: {  	[tilespmem:s13], [sflag:$0x1] =	stream.linear.gather [hbm4b:s16+s3], $0x7D00, $0x38;
	[tilespmem:$0xCF08] =	vst v63  }
0x3e: {  	_ =	swait.ge [sflag:s6], $0x7D00  }
0x3f: {  	[sflag:s6] =	ssyncset.done $0x0  }
0x40: {  	[sflag:s6] =	ssyncadd.s32 $0xFFFF8300  }
0x41: {  	[spmem:s2] =	stream.indirect.scatter.add.f32 [tilespmem:s13], [sflag:$0x1], $0x20, s3, s13, $0xb8;
	[tilespmem:$0xCF08] =	vst v63  }
0x42: {  	_ =	swait.ge [sflag:s6], $0x7D00  }
0x43: {  	[sflag:s6] =	ssyncset.done $0x0  }
0x44: {  	[sflag:s6] =	ssyncadd.s32 $0xFFFF8300  }
0x45: {  	[tilespmem:s3], [sflag:$0x1] =	stream.linear.gather [hbm4b:s15+s3], $0x3E8, $0x38;
	[tilespmem:$0xCF08] =	vst v63  }
0x46: {  	_ =	swait.ge [sflag:s6], $0x3E8  }
0x47: {  	[sflag:s6] =	ssyncset.done $0x0  }
0x48: {  	[sflag:s6] =	ssyncadd.s32 $0xFFFFFC18  }
0x49: {  	[tilespmem:s13], [sflag:$0x1] =	stream.linear.gather [hbm4b:s14+s3], $0x7D00, $0x38;
	[tilespmem:$0xCF08] =	vst v63  }
0x4a: {  	_ =	swait.ge [sflag:s6], $0x7D00  }
0x4b: {  	[sflag:s6] =	ssyncset.done $0x0  }
0x4c: {  	[sflag:s6] =	ssyncadd.s32 $0xFFFF8300  }
0x4d: {  	[spmem:s2] =	stream.indirect.scatter.add.f32 [tilespmem:s13], [sflag:$0x1], $0x20, s3, s13, $0xb8;
	[tilespmem:$0xCF08] =	vst v63  }
0x4e: {  	_ =	swait.ge [sflag:s6], $0x7D00  }
0x4f: {  	[sflag:s6] =	ssyncset.done $0x0  }
0x50: {  	[sflag:s6] =	ssyncadd.s32 $0xFFFF8300  }
0x51: {  	[tilespmem:s3], [sflag:$0x1] =	stream.linear.gather [hbm4b:s12+s3], $0x3E8, $0x38;
	[tilespmem:$0xCF08] =	vst v63  }
0x52: {  	_ =	swait.ge [sflag:s6], $0x3E8  }
0x53: {  	[sflag:s6] =	ssyncset.done $0x0  }
0x54: {  	[sflag:s6] =	ssyncadd.s32 $0xFFFFFC18  }
0x55: {  	[tilespmem:s13], [sflag:$0x1] =	stream.linear.gather [hbm4b:s11+s3], $0x7D00, $0x38;
	[tilespmem:$0xCF08] =	vst v63  }
0x56: {  	_ =	swait.ge [sflag:s6], $0x7D00  }
0x57: {  	[sflag:s6] =	ssyncset.done $0x0  }
0x58: {  	[sflag:s6] =	ssyncadd.s32 $0xFFFF8300  }
0x59: {  	[spmem:s2] =	stream.indirect.scatter.add.f32 [tilespmem:s13], [sflag:$0x1], $0x20, s3, s13, $0xb8;
	[tilespmem:$0xCF08] =	vst v63  }
0x5a: {  	_ =	swait.ge [sflag:s6], $0x7D00  }
0x5b: {  	[sflag:s6] =	ssyncset.done $0x0  }
0x5c: {  	[sflag:s6] =	ssyncadd.s32 $0xFFFF8300  }
0x5d: {  	s25 =	sadd.s32 s4, s7;
	s26 =	sadd.s32 $0xFFFFFFFF, s26;
	[bflag:$0x0] =	sbarrier.arrive $0xFFFF  }
0x5e: {  	[hbm:s25], [sflag:s5] =	dma.local [spmem:s10], $0x9C0  }
0x5f: {  	p2 =	sne.s32 s26, $0x0;
	_ =	swait.ge [sflag:s6], $0x9C0  }
.Ltmp1:
0x60: {  	[sflag:s6] =	ssyncset.done $0x0;
	(pc) =	sbr.rel @!p2 .LBB2_3-.Ltmp1, $4  }
0x61: {  	[sflag:s6] =	ssyncadd.s32 $0xFFFFF640  }
0x62: {  	[hbm:s9], [sflag:s5] =	dma.local @!p0 [spmem:s8], $0x40  }
0x63: {  	_ =	swait.ge @!p0 [sflag:s24], $0x40  }
0x64: {  	p1 =	por $0x1, $0x1;
	[sflag:s24] =	ssyncset.done @!p0 $0x0  }
.LBB2_2:
0x65: {  	s26 =	sadd.s32 $0xFFFFFFFF, s26;
	[sflag:s24] =	ssyncadd.s32 @!p0 $0xFFFFFFC0  }
0x66: {  	[spmem:s10], [sflag:s5] =	dma.local [hbm:s23], $0x9C0  }
0x67: {  	p2 =	sne.s32 s26, $0x0;
	_ =	swait.ge [sflag:s6], $0x9C0  }
0x68: {  	[sflag:s6] =	ssyncset.done $0x0  }
0x69: {  	[sflag:s6] =	ssyncadd.s32 $0xFFFFF640  }
0x6a: {  	[spmem:s8], [sflag:s5] =	dma.local @!p0 [hbm:s22], $0x40  }
0x6b: {  	_ =	swait.ge @!p0 [sflag:s24], $0x40  }
0x6c: {  	[sflag:s24] =	ssyncset.done @!p0 $0x0  }
0x6d: {  	[sflag:s24] =	ssyncadd.s32 @!p0 $0xFFFFFFC0  }
0x6e: {  	[bflag:$0x0] =	sbarrier.arrive $0xFFFF  }
0x6f: {  	[tilespmem:s3], [sflag:$0x1] =	stream.linear.gather [hbm4b:s21+s3], $0x3E8, $0x38;
	[tilespmem:$0xCF08] =	vst v63  }
0x70: {  	_ =	swait.ge [sflag:s6], $0x3E8  }
0x71: {  	[sflag:s6] =	ssyncset.done $0x0  }
0x72: {  	[sflag:s6] =	ssyncadd.s32 $0xFFFFFC18  }
0x73: {  	[tilespmem:s13], [sflag:$0x1] =	stream.linear.gather [hbm4b:s20+s3], $0x7D00, $0x38;
	[tilespmem:$0xCF08] =	vst v63  }
0x74: {  	_ =	swait.ge [sflag:s6], $0x7D00  }
0x75: {  	[sflag:s6] =	ssyncset.done $0x0  }
0x76: {  	[sflag:s6] =	ssyncadd.s32 $0xFFFF8300  }
0x77: {  	[spmem:s2] =	stream.indirect.scatter.add.f32 [tilespmem:s13], [sflag:$0x1], $0x20, s3, s13, $0xb8;
	[tilespmem:$0xCF08] =	vst v63  }
0x78: {  	_ =	swait.ge [sflag:s6], $0x7D00  }
0x79: {  	[sflag:s6] =	ssyncset.done $0x0  }
0x7a: {  	[sflag:s6] =	ssyncadd.s32 $0xFFFF8300  }
0x7b: {  	[tilespmem:s3], [sflag:$0x1] =	stream.linear.gather [hbm4b:s19+s3], $0x3E8, $0x38;
	[tilespmem:$0xCF08] =	vst v63  }
0x7c: {  	_ =	swait.ge [sflag:s6], $0x3E8  }
0x7d: {  	[sflag:s6] =	ssyncset.done $0x0  }
0x7e: {  	[sflag:s6] =	ssyncadd.s32 $0xFFFFFC18  }
0x7f: {  	[tilespmem:s13], [sflag:$0x1] =	stream.linear.gather [hbm4b:s18+s3], $0x7D00, $0x38;
	[tilespmem:$0xCF08] =	vst v63  }
0x80: {  	_ =	swait.ge [sflag:s6], $0x7D00  }
0x81: {  	[sflag:s6] =	ssyncset.done $0x0  }
0x82: {  	[sflag:s6] =	ssyncadd.s32 $0xFFFF8300  }
0x83: {  	[spmem:s2] =	stream.indirect.scatter.add.f32 [tilespmem:s13], [sflag:$0x1], $0x20, s3, s13, $0xb8;
	[tilespmem:$0xCF08] =	vst v63  }
0x84: {  	_ =	swait.ge [sflag:s6], $0x7D00  }
0x85: {  	[sflag:s6] =	ssyncset.done $0x0  }
0x86: {  	[sflag:s6] =	ssyncadd.s32 $0xFFFF8300  }
0x87: {  	[tilespmem:s3], [sflag:$0x1] =	stream.linear.gather [hbm4b:s17+s3], $0x3E8, $0x38;
	[tilespmem:$0xCF08] =	vst v63  }
0x88: {  	_ =	swait.ge [sflag:s6], $0x3E8  }
0x89: {  	[sflag:s6] =	ssyncset.done $0x0  }
0x8a: {  	[sflag:s6] =	ssyncadd.s32 $0xFFFFFC18  }
0x8b: {  	[tilespmem:s13], [sflag:$0x1] =	stream.linear.gather [hbm4b:s16+s3], $0x7D00, $0x38;
	[tilespmem:$0xCF08] =	vst v63  }
0x8c: {  	_ =	swait.ge [sflag:s6], $0x7D00  }
0x8d: {  	[sflag:s6] =	ssyncset.done $0x0  }
0x8e: {  	[sflag:s6] =	ssyncadd.s32 $0xFFFF8300  }
0x8f: {  	[spmem:s2] =	stream.indirect.scatter.add.f32 [tilespmem:s13], [sflag:$0x1], $0x20, s3, s13, $0xb8;
	[tilespmem:$0xCF08] =	vst v63  }
0x90: {  	_ =	swait.ge [sflag:s6], $0x7D00  }
0x91: {  	[sflag:s6] =	ssyncset.done $0x0  }
0x92: {  	[sflag:s6] =	ssyncadd.s32 $0xFFFF8300  }
0x93: {  	[tilespmem:s3], [sflag:$0x1] =	stream.linear.gather [hbm4b:s15+s3], $0x3E8, $0x38;
	[tilespmem:$0xCF08] =	vst v63  }
0x94: {  	_ =	swait.ge [sflag:s6], $0x3E8  }
0x95: {  	[sflag:s6] =	ssyncset.done $0x0  }
0x96: {  	[sflag:s6] =	ssyncadd.s32 $0xFFFFFC18  }
0x97: {  	[tilespmem:s13], [sflag:$0x1] =	stream.linear.gather [hbm4b:s14+s3], $0x7D00, $0x38;
	[tilespmem:$0xCF08] =	vst v63  }
0x98: {  	_ =	swait.ge [sflag:s6], $0x7D00  }
0x99: {  	[sflag:s6] =	ssyncset.done $0x0  }
0x9a: {  	[sflag:s6] =	ssyncadd.s32 $0xFFFF8300  }
0x9b: {  	[spmem:s2] =	stream.indirect.scatter.add.f32 [tilespmem:s13], [sflag:$0x1], $0x20, s3, s13, $0xb8;
	[tilespmem:$0xCF08] =	vst v63  }
0x9c: {  	_ =	swait.ge [sflag:s6], $0x7D00  }
0x9d: {  	[sflag:s6] =	ssyncset.done $0x0  }
0x9e: {  	[sflag:s6] =	ssyncadd.s32 $0xFFFF8300  }
0x9f: {  	[tilespmem:s3], [sflag:$0x1] =	stream.linear.gather [hbm4b:s12+s3], $0x3E8, $0x38;
	[tilespmem:$0xCF08] =	vst v63  }
0xa0: {  	_ =	swait.ge [sflag:s6], $0x3E8  }
0xa1: {  	[sflag:s6] =	ssyncset.done $0x0  }
0xa2: {  	[sflag:s6] =	ssyncadd.s32 $0xFFFFFC18  }
0xa3: {  	[tilespmem:s13], [sflag:$0x1] =	stream.linear.gather [hbm4b:s11+s3], $0x7D00, $0x38;
	[tilespmem:$0xCF08] =	vst v63  }
0xa4: {  	_ =	swait.ge [sflag:s6], $0x7D00  }
0xa5: {  	[sflag:s6] =	ssyncset.done $0x0  }
0xa6: {  	[sflag:s6] =	ssyncadd.s32 $0xFFFF8300  }
0xa7: {  	[spmem:s2] =	stream.indirect.scatter.add.f32 [tilespmem:s13], [sflag:$0x1], $0x20, s3, s13, $0xb8;
	[tilespmem:$0xCF08] =	vst v63  }
0xa8: {  	_ =	swait.ge [sflag:s6], $0x7D00  }
0xa9: {  	[sflag:s6] =	ssyncset.done $0x0  }
0xaa: {  	[sflag:s6] =	ssyncadd.s32 $0xFFFF8300  }
0xab: {  	[bflag:$0x0] =	sbarrier.arrive $0xFFFF  }
0xac: {  	[hbm:s25], [sflag:s5] =	dma.local [spmem:s10], $0x9C0  }
0xad: {  	_ =	swait.ge [sflag:s6], $0x9C0  }
.Ltmp2:
0xae: {  	[sflag:s6] =	ssyncset.done $0x0;
	(pc) =	sbr.rel @p2 .LBB2_2-.Ltmp2, $4  }
0xaf: {  	[sflag:s6] =	ssyncadd.s32 $0xFFFFF640  }
0xb0: {  	[hbm:s9], [sflag:s5] =	dma.local @!p0 [spmem:s8], $0x40  }
0xb1: {  	_ =	swait.ge @!p0 [sflag:s24], $0x40  }
0xb2: {  	[sflag:s24] =	ssyncset.done @!p0 $0x0  }
.LBB2_3:
0xb3: {  	p1 =	por p0, !p1  }
0xb4: {  	[sflag:s24] =	ssyncadd.s32 @!p1 $0xFFFFFFC0  }
0xb5: {  	[spmem:s10], [sflag:s5] =	dma.local [hbm:s23], $0x9C0  }
0xb6: {  	_ =	swait.ge [sflag:s6], $0x9C0  }
0xb7: {  	[sflag:s6] =	ssyncset.done $0x0  }
0xb8: {  	s23 =	simm.s32 @!p0 $0x1;
	[sflag:s6] =	ssyncadd.s32 $0xFFFFF640  }
0xb9: {  	[spmem:s8], [sflag:s5] =	dma.local @!p0 [hbm:s22], $0x40  }
0xba: {  	_ =	swait.ge @!p0 [sflag:s23], $0x40  }
0xbb: {  	[sflag:s23] =	ssyncset.done @!p0 $0x0  }
0xbc: {  	[sflag:s23] =	ssyncadd.s32 @!p0 $0xFFFFFFC0  }
0xbd: {  	[bflag:$0x0] =	sbarrier.arrive $0xFFFF  }
0xbe: {  	[tilespmem:s3], [sflag:$0x1] =	stream.linear.gather [hbm4b:s21+s3], $0x3E8, $0x38;
	[tilespmem:$0xCF08] =	vst v63  }
0xbf: {  	_ =	swait.ge [sflag:s6], $0x3E8  }
0xc0: {  	[sflag:s6] =	ssyncset.done $0x0  }
0xc1: {  	[sflag:s6] =	ssyncadd.s32 $0xFFFFFC18  }
0xc2: {  	[tilespmem:s13], [sflag:$0x1] =	stream.linear.gather [hbm4b:s20+s3], $0x7D00, $0x38;
	[tilespmem:$0xCF08] =	vst v63  }
0xc3: {  	_ =	swait.ge [sflag:s6], $0x7D00  }
0xc4: {  	[sflag:s6] =	ssyncset.done $0x0  }
0xc5: {  	[sflag:s6] =	ssyncadd.s32 $0xFFFF8300  }
0xc6: {  	[spmem:s2] =	stream.indirect.scatter.add.f32 [tilespmem:s13], [sflag:$0x1], $0x20, s3, s13, $0xb8;
	[tilespmem:$0xCF08] =	vst v63  }
0xc7: {  	_ =	swait.ge [sflag:s6], $0x7D00  }
0xc8: {  	[sflag:s6] =	ssyncset.done $0x0  }
0xc9: {  	[sflag:s6] =	ssyncadd.s32 $0xFFFF8300  }
0xca: {  	[tilespmem:s3], [sflag:$0x1] =	stream.linear.gather [hbm4b:s19+s3], $0x3E8, $0x38;
	[tilespmem:$0xCF08] =	vst v63  }
0xcb: {  	_ =	swait.ge [sflag:s6], $0x3E8  }
0xcc: {  	[sflag:s6] =	ssyncset.done $0x0  }
0xcd: {  	[sflag:s6] =	ssyncadd.s32 $0xFFFFFC18  }
0xce: {  	[tilespmem:s13], [sflag:$0x1] =	stream.linear.gather [hbm4b:s18+s3], $0x7D00, $0x38;
	[tilespmem:$0xCF08] =	vst v63  }
0xcf: {  	_ =	swait.ge [sflag:s6], $0x7D00  }
0xd0: {  	[sflag:s6] =	ssyncset.done $0x0  }
0xd1: {  	[sflag:s6] =	ssyncadd.s32 $0xFFFF8300  }
0xd2: {  	[spmem:s2] =	stream.indirect.scatter.add.f32 [tilespmem:s13], [sflag:$0x1], $0x20, s3, s13, $0xb8;
	[tilespmem:$0xCF08] =	vst v63  }
0xd3: {  	_ =	swait.ge [sflag:s6], $0x7D00  }
0xd4: {  	[sflag:s6] =	ssyncset.done $0x0  }
0xd5: {  	[sflag:s6] =	ssyncadd.s32 $0xFFFF8300  }
0xd6: {  	[tilespmem:s3], [sflag:$0x1] =	stream.linear.gather [hbm4b:s17+s3], $0x3E8, $0x38;
	[tilespmem:$0xCF08] =	vst v63  }
0xd7: {  	_ =	swait.ge [sflag:s6], $0x3E8  }
0xd8: {  	[sflag:s6] =	ssyncset.done $0x0  }
0xd9: {  	[sflag:s6] =	ssyncadd.s32 $0xFFFFFC18  }
0xda: {  	[tilespmem:s13], [sflag:$0x1] =	stream.linear.gather [hbm4b:s16+s3], $0x7D00, $0x38;
	[tilespmem:$0xCF08] =	vst v63  }
0xdb: {  	_ =	swait.ge [sflag:s6], $0x7D00  }
0xdc: {  	[sflag:s6] =	ssyncset.done $0x0  }
0xdd: {  	[sflag:s6] =	ssyncadd.s32 $0xFFFF8300  }
0xde: {  	[spmem:s2] =	stream.indirect.scatter.add.f32 [tilespmem:s13], [sflag:$0x1], $0x20, s3, s13, $0xb8;
	[tilespmem:$0xCF08] =	vst v63  }
0xdf: {  	_ =	swait.ge [sflag:s6], $0x7D00  }
0xe0: {  	[sflag:s6] =	ssyncset.done $0x0  }
0xe1: {  	[sflag:s6] =	ssyncadd.s32 $0xFFFF8300  }
0xe2: {  	[tilespmem:s3], [sflag:$0x1] =	stream.linear.gather [hbm4b:s15+s3], $0x3E8, $0x38;
	[tilespmem:$0xCF08] =	vst v63  }
0xe3: {  	_ =	swait.ge [sflag:s6], $0x3E8  }
0xe4: {  	[sflag:s6] =	ssyncset.done $0x0  }
0xe5: {  	[sflag:s6] =	ssyncadd.s32 $0xFFFFFC18  }
0xe6: {  	[tilespmem:s13], [sflag:$0x1] =	stream.linear.gather [hbm4b:s14+s3], $0x7D00, $0x38;
	[tilespmem:$0xCF08] =	vst v63  }
0xe7: {  	_ =	swait.ge [sflag:s6], $0x7D00  }
0xe8: {  	[sflag:s6] =	ssyncset.done $0x0  }
0xe9: {  	[sflag:s6] =	ssyncadd.s32 $0xFFFF8300  }
0xea: {  	[spmem:s2] =	stream.indirect.scatter.add.f32 [tilespmem:s13], [sflag:$0x1], $0x20, s3, s13, $0xb8;
	[tilespmem:$0xCF08] =	vst v63  }
0xeb: {  	_ =	swait.ge [sflag:s6], $0x7D00  }
0xec: {  	[sflag:s6] =	ssyncset.done $0x0  }
0xed: {  	[sflag:s6] =	ssyncadd.s32 $0xFFFF8300  }
0xee: {  	[tilespmem:s3], [sflag:$0x1] =	stream.linear.gather [hbm4b:s12+s3], $0x3E8, $0x38;
	[tilespmem:$0xCF08] =	vst v63  }
0xef: {  	_ =	swait.ge [sflag:s6], $0x3E8  }
0xf0: {  	[sflag:s6] =	ssyncset.done $0x0  }
0xf1: {  	[sflag:s6] =	ssyncadd.s32 $0xFFFFFC18  }
0xf2: {  	[tilespmem:s13], [sflag:$0x1] =	stream.linear.gather [hbm4b:s11+s3], $0x7D00, $0x38;
	[tilespmem:$0xCF08] =	vst v63  }
0xf3: {  	_ =	swait.ge [sflag:s6], $0x7D00  }
0xf4: {  	[sflag:s6] =	ssyncset.done $0x0  }
0xf5: {  	[sflag:s6] =	ssyncadd.s32 $0xFFFF8300  }
0xf6: {  	[spmem:s2] =	stream.indirect.scatter.add.f32 [tilespmem:s13], [sflag:$0x1], $0x20, s3, s13, $0xb8;
	[tilespmem:$0xCF08] =	vst v63  }
0xf7: {  	_ =	swait.ge [sflag:s6], $0x7D00  }
0xf8: {  	[sflag:s6] =	ssyncset.done $0x0  }
0xf9: {  	[sflag:s6] =	ssyncadd.s32 $0xFFFF8300  }
0xfa: {  	s31 =	sadd.s32 s4, s7;
	[bflag:$0x0] =	sbarrier.arrive $0xFFFF  }
0xfb: {  	[hbm:s31], [sflag:s5] =	dma.local [spmem:s10], $0x9C0  }
0xfc: {  	_ =	swait.ge [sflag:s6], $0x9C0  }
0xfd: {  	[sflag:s6] =	ssyncset.done $0x0  }
0xfe: {  	[sflag:s6] =	ssyncadd.s32 $0xFFFFF640  }
0xff: {  	[hbm:s9], [sflag:s5] =	dma.local @!p0 [spmem:s8], $0x40  }
0x100: {  	_ =	swait.ge @!p0 [sflag:s23], $0x40  }
0x101: {  	[sflag:s23] =	ssyncset.done @!p0 $0x0  }
0x102: {  	[sflag:s23] =	ssyncadd.s32 @!p0 $0xFFFFFFC0  }
0x103: {  	_ =	sfence.sel $0x180000  }
0x104: {  	[bflag:$0x0] =	sbarrier.arrive $0xFFFF  }
0x105: {  	p0 =	sne.s32 s1, $0x0;
	_ =	strace $0x90000053  }
0x106: {  	s0 =	sadd.s32 @!p0 $0x100000, s0;
	[bflag:$0x2] =	sbarrier.arrive $0xFFFF  }
0x107: {  	[sflag:s0] =	ssyncadd.tile.s32 @!p0 $0x1;
	_ =	shalt  }
.Lfunc_end2:
_tile_overlayer_lowered:
.L_overlay_start_2:
0x108: {  	(tag) =	ssettag $0x2  }
0x109: {  	s0 =	rddreg [dreg:$0x0];
	s2 =	stileid.u32  }
0x10a: {  	s1 =	rddreg [dreg:$0x1];
	p0 =	sne.s32 s2, $0x0  }
0x10b: {  	s3 =	rddreg [dreg:$0x2];
	[bflag:$0x3] =	sbarrier.arrive $0xFFFF;
	s2 =	simm.s32 @!p0 $0x1C01  }
0x10c: {  	[timem:s3], [sflag:s2] =	dma.local @!p0 [hbm:s0], s1  }
0x10d: {  	s0 =	simm.s32 @!p0 $0x1  }
0x10e: {  	_ =	swait.ge @!p0 [sflag:s0], s1  }
0x10f: {  	s1 =	ssub.s32 @!p0 $0x0, s1;
	[sflag:s0] =	ssyncset.done @!p0 $0x0  }
0x110: {  	[sflag:s0] =	ssyncadd.s32 @!p0 s1  }
0x111: {  	[bflag:$0x3] =	sbarrier.arrive $0xFFFF  }
0x112: {  	_ =	shalt  }

// kernel: kernel.34.cloned.1.call-start
scs
__scs_entry_jumppad:
0x0: {  	(pc) =	sbr.rel $0x88, $3  }
0x1: {  	(tag) =	ssettag $0x0;
	lr =	simm.s32 $0x1  }
0x2: {  	[smem:$0x3F8C] =	sst lr;
	_ =	strace $0xD0000000  }
0x3: {  	_ = 	snop  }
0x4: {  	_ = 	snop  }
0x5: {  	_ = 	snop  }
0x6: {  	_ = 	snop  }
0x7: {  	_ = 	snop  }
__scs_overlays_trampoline_lowered:
0x8: {  	[smem:$0x3F9B] =	sst s0  }
0x9: {  	[smem:$0x3F9C] =	sst s1  }
0xa: {  	[smem:$0x3F9D] =	sst s2  }
0xb: {  	[smem:$0x3F9E] =	sst s3  }
0xc: {  	[smem:$0x3F9F] =	sst s4  }
0xd: {  	[smem:$0x3FA0] =	sst s5  }
0xe: {  	[smem:$0x3FA1] =	sst s6  }
0xf: {  	[smem:$0x3FA2] =	sst s7  }
0x10: {  	[smem:$0x3FA3] =	sst s8  }
0x11: {  	[smem:$0x3FA4] =	sst s9;
	s0 =	simm.s32 @!p0 $0x0  }
0x12: {  	s1 =	sld [smem:$0x3F8A];
	s0 =	simm.s32 @p0 $0x1  }
0x13: {  	[smem:$0x3FA5] =	sst s0;
	s0 =	simm.s32 @!p1 $0x0  }
0x14: {  	s2 =	sld [smem:$0x3F89];
	s0 =	simm.s32 @p1 $0x1  }
0x15: {  	[smem:$0x3FA6] =	sst s0;
	s0 =	simm.s32 @!p2 $0x0  }
0x16: {  	s3 =	sld [smem:$0x3FDB];
	s0 =	simm.s32 @p2 $0x1  }
0x17: {  	s4 =	simm.s32 $0x1BF5;
	[smem:$0x3FA8] =	sst s0  }
0x18: {  	s0 =	sld [smem:$0x3F8B];
	_ =	swait.ge [sflag:s4], $0x0  }
0x19: {  	s7 =	sld [smem:$0x3F8C]  }
0x1a: {  	s8 =	sadd.s32 $0xFFFFE003, lr  }
0x1b: {  	s9 =	sadd.s32 $0xFFFFFEF7, lr;
	s5 =	simm.s32 $0xFFFFFFFF;
	p2 =	slt.u32 s8, $0xFFFFF086  }
0x1c: {  	p1 =	slt.u32 s9, $0xF7A;
	s5 =	simm.s32 @!p2 $0x0  }
0x1d: {  	s5 =	simm.s32 @p1 $0x1;
	p0 =	seq.s32 s7, s2  }
0x1e: {  	s7 =	smul.u32 @!p0 $0xF7A, s2;
	p2 =	seq.s32 @!p0 s5, $0x0  }
0x1f: {  	s9 =	smul.u32 $0xF7A, s1;
	s8 =	simm.s32 @!p0 $0x1BF5;
	p2 =	por !p2, p0  }
0x20: {  	[sflag:s8] =	ssyncset.s32 @!p0 $0xFFFFF086;
	s6 =	sadd.s32 @!p0 s3, s7;
	s7 =	simm.s32 @!p0 $0x108  }
0x21: {  	s3 =	sadd.s32 s3, s9;
	s6 =	sadd.s32 @!p0 $0x88, s6;
	s7 =	simm.s32 @p2 $0x1082  }
0x22: {  	[simem:s7], [sflag:s8] =	dma.local @!p0 [hbm:s6], $0xF7A  }
0x23: {  	s9 =	sor.u32 $0xD0000000, s2;
	s6 =	simm.s32 $0x108;
	_ =	swait.ge @!p0 [sflag:s8], $0x0  }
0x24: {  	s3 =	sadd.s32 $0x88, s3;
	s6 =	simm.s32 @!p1 $0x1082;
	[sflag:s4] =	ssyncset.s32 $0xFFFFF086  }
0x25: {  	[simem:s6], [sflag:s4] =	dma.local [hbm:s3], $0xF7A  }
0x26: {  	[smem:$0x3F8C] =	sst s1;
	(tag) =	ssettag s2;
	_ =	strace s9  }
0x27: {  	s1 =	sld [smem:$0x3F9C]  }
0x28: {  	s2 =	sld [smem:$0x3F9D]  }
0x29: {  	s4 =	sld [smem:$0x3F9F]  }
0x2a: {  	p0 =	seq.s32 s5, $0x0;
	s5 =	sld [smem:$0x3FA0]  }
0x2b: {  	s6 =	sld [smem:$0x3FA1]  }
0x2c: {  	s7 =	sld [smem:$0x3FA2]  }
0x2d: {  	s3 =	simm.s32 $0x108;
	s8 =	sld [smem:$0x3FA3]  }
0x2e: {  	s3 =	simm.s32 @!p0 $0x1082;
	s9 =	sld [smem:$0x3FA4]  }
0x2f: {  	lr =	sadd.s32 s0, s3;
	s0 =	sld [smem:$0x3F9B]  }
0x30: {  	s3 =	sld [smem:$0x3F9E]  }
0x31: {  	[smem:$0x3FA7] =	sst s10  }
0x32: {  	s10 =	sld [smem:$0x3FA5];
	_ =	sdelay $0x3  }
0x33: {  	p0 =	seq.s32 s10, $0x1;
	s10 =	sld [smem:$0x3FA7];
	_ =	sdelay $0x3  }
0x34: {  	[smem:$0x3FA7] =	sst s10  }
0x35: {  	s10 =	sld [smem:$0x3FA6];
	_ =	sdelay $0x3  }
0x36: {  	p1 =	seq.s32 s10, $0x1;
	s10 =	sld [smem:$0x3FA7];
	_ =	sdelay $0x3  }
0x37: {  	[smem:$0x3FA7] =	sst s10  }
0x38: {  	s10 =	sld [smem:$0x3FA8]  }
0x39: {  	_ = 	snop;
	(pc) =	sbr.ind lr, $3  }
0x3a: {  	_ = 	snop  }
0x3b: {  	_ = 	snop  }
0x3c: {  	p2 =	seq.s32 s10, $0x1;
	s10 =	sld [smem:$0x3FA7]  }
0x3d: {  	_ =	shalt  }
0x3e: {  	_ =	shalt  }
0x3f: {  	_ =	shalt  }
0x40: {  	_ =	shalt  }
0x41: {  	_ =	shalt  }
0x42: {  	_ =	shalt  }
0x43: {  	_ =	shalt  }
0x44: {  	_ =	shalt  }
0x45: {  	_ =	shalt  }
0x46: {  	_ =	shalt  }
0x47: {  	_ =	shalt  }
0x48: {  	_ =	shalt  }
0x49: {  	_ =	shalt  }
0x4a: {  	_ =	shalt  }
0x4b: {  	_ =	shalt  }
0x4c: {  	_ =	shalt  }
0x4d: {  	_ =	shalt  }
0x4e: {  	_ =	shalt  }
0x4f: {  	_ =	shalt  }
0x50: {  	_ =	shalt  }
0x51: {  	_ =	shalt  }
0x52: {  	_ =	shalt  }
0x53: {  	_ =	shalt  }
0x54: {  	_ =	shalt  }
0x55: {  	_ =	shalt  }
0x56: {  	_ =	shalt  }
0x57: {  	_ =	shalt  }
0x58: {  	_ =	shalt  }
0x59: {  	_ =	shalt  }
0x5a: {  	_ =	shalt  }
0x5b: {  	_ =	shalt  }
0x5c: {  	_ =	shalt  }
0x5d: {  	_ =	shalt  }
0x5e: {  	_ =	shalt  }
0x5f: {  	_ =	shalt  }
0x60: {  	_ =	shalt  }
0x61: {  	_ =	shalt  }
0x62: {  	_ =	shalt  }
0x63: {  	_ =	shalt  }
0x64: {  	_ =	shalt  }
0x65: {  	_ =	shalt  }
0x66: {  	_ =	shalt  }
0x67: {  	_ =	shalt  }
0x68: {  	_ =	shalt  }
0x69: {  	_ =	shalt  }
0x6a: {  	_ =	shalt  }
0x6b: {  	_ =	shalt  }
0x6c: {  	_ =	shalt  }
0x6d: {  	_ =	shalt  }
0x6e: {  	_ =	shalt  }
0x6f: {  	_ =	shalt  }
0x70: {  	_ =	shalt  }
0x71: {  	_ =	shalt  }
0x72: {  	_ =	shalt  }
0x73: {  	_ =	shalt  }
0x74: {  	_ =	shalt  }
0x75: {  	_ =	shalt  }
0x76: {  	_ =	shalt  }
0x77: {  	_ =	shalt  }
0x78: {  	_ =	shalt  }
0x79: {  	_ =	shalt  }
0x7a: {  	_ =	shalt  }
0x7b: {  	_ =	shalt  }
0x7c: {  	_ =	shalt  }
0x7d: {  	_ =	shalt  }
0x7e: {  	_ =	shalt  }
0x7f: {  	_ =	shalt  }
0x80: {  	_ =	shalt  }
0x81: {  	_ =	shalt  }
0x82: {  	_ =	shalt  }
0x83: {  	_ =	shalt  }
0x84: {  	_ =	shalt  }
0x85: {  	_ =	shalt  }
0x86: {  	_ =	shalt  }
0x87: {  	_ =	shalt  }
.Lfunc_end0:
.L_simem_size_0:
called_computation.5_lowered:
.L_overlay_start_0:
0x88: {  	s2 =	sld [smem:$0x3FD9]  }
0x89: {  	s3 =	sld [smem:$0x3FFE];
	_ =	sdelay $0x1  }
0x8a: {  	s1 =	srdreg.scid  }
0x8b: {  	s0 =	sand.u32 $0x1, s1  }
0x8c: {  	s16 =	sshll.u32 s0, $0xA;
	s2 =	sadd.s32 s3, s2  }
0x8d: {  	s2 =	sadd.s32 s2, s16  }
0x8e: {  	[smem:$0x3FB3] =	sst s2  }
0x8f: {  	_ = 	snop  }
0x90: {  	(tm) =	ssettm $0x1  }
0x91: {  	s17 =	sld [smem:$0x3FFB];
	_ =	sdelay $0x3  }
0x92: {  	_ =	strace s17  }
0x93: {  	s2 =	sld [smem:$0x3FFC];
	_ =	sdelay $0x3  }
0x94: {  	_ =	strace s2  }
0x95: {  	s2 =	sld [smem:$0x3FFD];
	_ =	sdelay $0x3  }
0x96: {  	_ =	strace s2  }
0x97: {  	_ =	strace $0x8FFFFFFF  }
0x98: {  	s18 =	sld [smem:$0x3FDB];
	_ =	sdelay $0x1  }
0x99: {  	s19 =	simm.s32 $_scs_section_size  }
0x9a: {  	s4 =	simm.s32 $_size__tile_overlayer_lowered;
	s5 =	simm.s32 $_tile_overlayer_lowered  }
0x9b: {  	s22 =	simm.s32 $0x1BFF;
	s21 =	sshll.u32 s5, $0x1;
	s2 =	sadd.s32 s19, s18  }
0x9c: {  	s6 =	simm.s32 $0x0;
	s20 =	sshll.u32 s4, $0x1;
	s4 =	sadd.s32 s21, s2  }
0x9d: {  	[timem:s6], [sflag:s22] =	dma.local [hbm:s4], s20  }
0x9e: {  	_ =	swait.ge [sflag:s22], s20  }
0x9f: {  	s3 =	ssub.s32 $0x0, s20;
	[sflag:s22] =	ssyncset.done $0x0  }
0xa0: {  	[sflag:s22] =	ssyncadd.s32 s3;
	_ =	sdelay $0x1  }
0xa1: {  	s23 =	simm.s32 $0x1B8B  }
0xa2: {  	_ =	swait.ge [sflag:s23], $0x1  }
0xa3: {  	[sflag:s23] =	ssyncset.done $0x0  }
0xa4: {  	s25 =	simm.s32 $0x1B8E;
	s24 =	sld [smem:$0x3FFE];
	[sflag:s23] =	ssyncadd.s32 $0xFFFFFFFF  }
0xa5: {  	s26 =	simm.s32 $execute0_lowered;
	[smem:$0x3FD2] =	sst s25  }
0xa6: {  	s4 =	sshll.u32 s26, $0x1;
	_ =	strace $0x80000055;
	[dreg:$0x1] =	wrdreg $0xFFFFFFFF  }
0xa7: {  	s28 =	simm.s32 $_size_execute0_lowered;
	s2 =	sadd.s32 s2, s4;
	[dreg:$0x0] =	wrdreg $0x0  }
0xa8: {  	s4 =	sshll.u32 s28, $0x1;
	[dreg:$0x2] =	wrdreg s2  }
0xa9: {  	[dreg:$0x3] =	wrdreg s4  }
0xaa: {  	[dreg:$0x4] =	wrdreg $0xC0  }
0xab: {  	_ =	task [dreg:s6], $0x5FFFF  }
0xac: {  	[dreg:$0x1] =	wrdreg $0xFFFFFFFF  }
0xad: {  	[dreg:$0x0] =	wrdreg $0x60  }
0xae: {  	[dreg:$0x2] =	wrdreg s24  }
0xaf: {  	[dreg:$0x3] =	wrdreg $0x9  }
0xb0: {  	_ =	task.clear_ibuf [dreg:s6], $0x4FFFF;
	_ =	strace $0x90000055  }
0xb1: {  	s29 =	simm.s32 $0x9;
	_ =	strace $0x80000057  }
0xb2: {  	_ =	swait.ge [sflag:s29], $0x1  }
0xb3: {  	[sflag:s29] =	ssyncadd.s32 $0xFFFFFFFF  }
0xb4: {  	_ =	strace $0x90000057  }
0xb5: {  	_ =	sfence  }
0xb6: {  	s30 =	sld [smem:$0x0];
	_ =	sdelay $0x2  }
0xb7: {  	s31 =	sshll.u32 s1, $0xD;
	s1 =	sshrl.u32 s1, $0x2  }
0xb8: {  	s3 =	sand.u32 $0x4000, s31;
	s1 =	sadd.s32 s1, s30  }
0xb9: {  	s0 =	sor.u32 s3, s0;
	s1 =	sshll.u32 s1, $0x11  }
0xba: {  	s0 =	sor.u32 s1, s0  }
0xbb: {  	s0 =	sadd.s32 $0x8F2B, s0  }
0xbc: {  	[sflag:s0] =	ssyncadd.remote.s32 $0x1  }
0xbd: {  	_ =	sfence.sel $0xFFFF  }
0xbe: {  	[dreg:$0x0] =	wrdreg $0xFFFFFFFF;
	(pc) =	sbr.abs _section_cstart, $3  }
0xbf: {  	[dreg:$0x1] =	wrdreg $0xFFFFFFFF  }
0xc0: {  	_ =	task.clear_ibuf [dreg:s6], $0x2FFFF;
	_ =	strace $0x9FFFFFFF  }
0xc1: {  	(tm) =	ssettm $0x7FFFFFFF  }
tec
execute0_lowered:
.L_overlay_start_1:
0x0: {  	(tag) =	ssettag $0x1  }
0x1: {  	s1 =	srdreg.scid;
	s0 =	stileid.u32  }
0x2: {  	s16 =	sand.u32 $0x1, s1;
	s26 =	sshll.u32 s0, $0x1  }
0x3: {  	s8 =	sor.u32 s16, s26  }
0x4: {  	s9 =	rddreg [dreg:$0x0];
	s17 =	smul.u32 $0x1388, s8  }
0x5: {  	s2 =	simm.s32 $0x0;
	s1 =	rddreg [dreg:$0x1]  }
0x6: {  	[smem:$0x7FF] =	sst s2;
	s15 =	sadd.s32 $0x38800, s9;
	s3 =	sshrl.u32 s17, $0x3  }
0x7: {  	_ =	strace $0x80000056;
	s4 =	sadd.s32 s15, s3;
	s3 =	simm.s32 $0x2  }
0x8: {  	[tilespmem:s2], [sflag:$0x2] =	stream.linear.gather [hbm4b:s4+s2], $0x3E8, $0x38;
	[tilespmem:$0x80E8] =	vst v63  }
0x9: {  	_ =	swait.ge [sflag:s3], $0x3E8  }
0xa: {  	s6 =	simm.s32 $0x3E8;
	[sflag:s3] =	ssyncset.done $0x0  }
0xb: {  	s7 =	simm.s32 $0x1;
	s5 =	sadd.s32 $0x42800, s9;
	[sflag:s3] =	ssyncadd.s32 $0xFFFFFC18  }
0xc: {  	[tilespmem:s6], [sflag:$0x1] =	stream.indirect.gather [hbm4b:s5+s6], $0x20, s2, s6, $0xb8;
	[tilespmem:$0x80E8] =	vst v63  }
0xd: {  	s8 =	smul.u32 $0x4E20, s8;
	_ =	swait.ge [sflag:s7], $0x7D00  }
0xe: {  	s18 =	sadd.s32 $0xEE400, s9;
	[sflag:s7] =	ssyncset.done $0x0  }
0xf: {  	s8 =	sadd.s32 s18, s8;
	[sflag:s7] =	ssyncadd.s32 $0xFFFF8300  }
0x10: {  	[hbm4b:s8+s2] =	stream.linear.scatter [tilespmem:s6], [sflag:$0x2], $0x7D00, $0x38;
	[tilespmem:$0x80E8] =	vst v63  }
0x11: {  	s10 =	sadd.s32 $0x3E8, s17;
	_ =	swait.ge [sflag:s3], $0x7D00  }
0x12: {  	s28 =	sshrl.u32 s10, $0x3;
	[sflag:s3] =	ssyncset.done $0x0  }
0x13: {  	s9 =	sadd.s32 s15, s28;
	[sflag:s3] =	ssyncadd.s32 $0xFFFF8300  }
0x14: {  	[tilespmem:s2], [sflag:$0x2] =	stream.linear.gather [hbm4b:s9+s2], $0x3E8, $0x38;
	[tilespmem:$0x80E8] =	vst v63  }
0x15: {  	_ =	swait.ge [sflag:s3], $0x3E8  }
0x16: {  	[sflag:s3] =	ssyncset.done $0x0  }
0x17: {  	[sflag:s3] =	ssyncadd.s32 $0xFFFFFC18  }
0x18: {  	[tilespmem:s6], [sflag:$0x1] =	stream.indirect.gather [hbm4b:s5+s6], $0x20, s2, s6, $0xb8;
	[tilespmem:$0x80E8] =	vst v63  }
0x19: {  	_ =	swait.ge [sflag:s7], $0x7D00  }
0x1a: {  	s10 =	sshll.u32 s10, $0x2;
	[sflag:s7] =	ssyncset.done $0x0  }
0x1b: {  	s10 =	sadd.s32 s18, s10;
	[sflag:s7] =	ssyncadd.s32 $0xFFFF8300  }
0x1c: {  	[hbm4b:s10+s2] =	stream.linear.scatter [tilespmem:s6], [sflag:$0x2], $0x7D00, $0x38;
	[tilespmem:$0x80E8] =	vst v63  }
0x1d: {  	s12 =	sadd.s32 $0x7D0, s17;
	_ =	swait.ge [sflag:s3], $0x7D00  }
0x1e: {  	s11 =	sshrl.u32 s12, $0x3;
	[sflag:s3] =	ssyncset.done $0x0  }
0x1f: {  	s11 =	sadd.s32 s15, s11;
	[sflag:s3] =	ssyncadd.s32 $0xFFFF8300  }
0x20: {  	[tilespmem:s2], [sflag:$0x2] =	stream.linear.gather [hbm4b:s11+s2], $0x3E8, $0x38;
	[tilespmem:$0x80E8] =	vst v63  }
0x21: {  	_ =	swait.ge [sflag:s3], $0x3E8  }
0x22: {  	[sflag:s3] =	ssyncset.done $0x0  }
0x23: {  	[sflag:s3] =	ssyncadd.s32 $0xFFFFFC18  }
0x24: {  	[tilespmem:s6], [sflag:$0x1] =	stream.indirect.gather [hbm4b:s5+s6], $0x20, s2, s6, $0xb8;
	[tilespmem:$0x80E8] =	vst v63  }
0x25: {  	_ =	swait.ge [sflag:s7], $0x7D00  }
0x26: {  	s12 =	sshll.u32 s12, $0x2;
	[sflag:s7] =	ssyncset.done $0x0  }
0x27: {  	s12 =	sadd.s32 s18, s12;
	[sflag:s7] =	ssyncadd.s32 $0xFFFF8300  }
0x28: {  	[hbm4b:s12+s2] =	stream.linear.scatter [tilespmem:s6], [sflag:$0x2], $0x7D00, $0x38;
	[tilespmem:$0x80E8] =	vst v63  }
0x29: {  	s14 =	sadd.s32 $0xBB8, s17;
	_ =	swait.ge [sflag:s3], $0x7D00  }
0x2a: {  	s13 =	sshrl.u32 s14, $0x3;
	[sflag:s3] =	ssyncset.done $0x0  }
0x2b: {  	s13 =	sadd.s32 s15, s13;
	[sflag:s3] =	ssyncadd.s32 $0xFFFF8300  }
0x2c: {  	[tilespmem:s2], [sflag:$0x2] =	stream.linear.gather [hbm4b:s13+s2], $0x3E8, $0x38;
	[tilespmem:$0x80E8] =	vst v63  }
0x2d: {  	_ =	swait.ge [sflag:s3], $0x3E8  }
0x2e: {  	[sflag:s3] =	ssyncset.done $0x0  }
0x2f: {  	[sflag:s3] =	ssyncadd.s32 $0xFFFFFC18  }
0x30: {  	[tilespmem:s6], [sflag:$0x1] =	stream.indirect.gather [hbm4b:s5+s6], $0x20, s2, s6, $0xb8;
	[tilespmem:$0x80E8] =	vst v63  }
0x31: {  	_ =	swait.ge [sflag:s7], $0x7D00  }
0x32: {  	s14 =	sshll.u32 s14, $0x2;
	[sflag:s7] =	ssyncset.done $0x0  }
0x33: {  	s14 =	sadd.s32 s18, s14;
	[sflag:s7] =	ssyncadd.s32 $0xFFFF8300  }
0x34: {  	[hbm4b:s14+s2] =	stream.linear.scatter [tilespmem:s6], [sflag:$0x2], $0x7D00, $0x38;
	[tilespmem:$0x80E8] =	vst v63  }
0x35: {  	s17 =	sadd.s32 $0xFA0, s17;
	_ =	swait.ge [sflag:s3], $0x7D00  }
0x36: {  	s19 =	sshrl.u32 s17, $0x3;
	[sflag:s3] =	ssyncset.done $0x0  }
0x37: {  	s16 =	ssub.s32 $0x2, s16;
	s15 =	sadd.s32 s15, s19;
	[sflag:s3] =	ssyncadd.s32 $0xFFFF8300  }
0x38: {  	[tilespmem:s2], [sflag:$0x2] =	stream.linear.gather [hbm4b:s15+s2], $0x3E8, $0x38;
	[tilespmem:$0x80E8] =	vst v63  }
0x39: {  	s29 =	sshrl.u32 s16, $0x1;
	_ =	swait.ge [sflag:s3], $0x3E8  }
0x3a: {  	s19 =	ssub.s32 s16, s29;
	[sflag:s3] =	ssyncset.done $0x0  }
0x3b: {  	s31 =	smax.u32 s19, $0x1;
	[sflag:s3] =	ssyncadd.s32 $0xFFFFFC18  }
0x3c: {  	[tilespmem:s6], [sflag:$0x1] =	stream.indirect.gather [hbm4b:s5+s6], $0x20, s2, s6, $0xb8;
	[tilespmem:$0x80E8] =	vst v63  }
0x3d: {  	p0 =	sne.s32 s31, $0x1;
	_ =	swait.ge [sflag:s7], $0x7D00  }
.Ltmp0:
0x3e: {  	s30 =	sshll.u32 s17, $0x2;
	[sflag:s7] =	ssyncset.done $0x0;
	(pc) =	sbr.rel @!p0 .LBB2_2-.Ltmp0, $4  }
0x3f: {  	s16 =	sadd.s32 s18, s30;
	[sflag:s7] =	ssyncadd.s32 $0xFFFF8300  }
0x40: {  	[hbm4b:s16+s2] =	stream.linear.scatter [tilespmem:s6], [sflag:$0x2], $0x7D00, $0x38;
	[tilespmem:$0x80E8] =	vst v63  }
0x41: {  	_ =	swait.ge [sflag:s3], $0x7D00  }
0x42: {  	s17 =	sadd.s32 $0xFFFFFFFF, s31;
	[sflag:s3] =	ssyncset.done $0x0  }
.LBB2_1:
0x43: {  	p0 =	sne.s32 s17, $0x1;
	s17 =	sadd.s32 $0xFFFFFFFF, s17;
	[sflag:s3] =	ssyncadd.s32 $0xFFFF8300  }
0x44: {  	[tilespmem:s2], [sflag:$0x2] =	stream.linear.gather [hbm4b:s4+s2], $0x3E8, $0x38;
	[tilespmem:$0x80E8] =	vst v63  }
0x45: {  	_ =	swait.ge [sflag:s3], $0x3E8  }
0x46: {  	[sflag:s3] =	ssyncset.done $0x0  }
0x47: {  	[sflag:s3] =	ssyncadd.s32 $0xFFFFFC18  }
0x48: {  	[tilespmem:s6], [sflag:$0x1] =	stream.indirect.gather [hbm4b:s5+s6], $0x20, s2, s6, $0xb8;
	[tilespmem:$0x80E8] =	vst v63  }
0x49: {  	_ =	swait.ge [sflag:s7], $0x7D00  }
0x4a: {  	[sflag:s7] =	ssyncset.done $0x0  }
0x4b: {  	[sflag:s7] =	ssyncadd.s32 $0xFFFF8300  }
0x4c: {  	[hbm4b:s8+s2] =	stream.linear.scatter [tilespmem:s6], [sflag:$0x2], $0x7D00, $0x38;
	[tilespmem:$0x80E8] =	vst v63  }
0x4d: {  	_ =	swait.ge [sflag:s3], $0x7D00  }
0x4e: {  	[sflag:s3] =	ssyncset.done $0x0  }
0x4f: {  	[sflag:s3] =	ssyncadd.s32 $0xFFFF8300  }
0x50: {  	[tilespmem:s2], [sflag:$0x2] =	stream.linear.gather [hbm4b:s9+s2], $0x3E8, $0x38;
	[tilespmem:$0x80E8] =	vst v63  }
0x51: {  	_ =	swait.ge [sflag:s3], $0x3E8  }
0x52: {  	[sflag:s3] =	ssyncset.done $0x0  }
0x53: {  	[sflag:s3] =	ssyncadd.s32 $0xFFFFFC18  }
0x54: {  	[tilespmem:s6], [sflag:$0x1] =	stream.indirect.gather [hbm4b:s5+s6], $0x20, s2, s6, $0xb8;
	[tilespmem:$0x80E8] =	vst v63  }
0x55: {  	_ =	swait.ge [sflag:s7], $0x7D00  }
0x56: {  	[sflag:s7] =	ssyncset.done $0x0  }
0x57: {  	[sflag:s7] =	ssyncadd.s32 $0xFFFF8300  }
0x58: {  	[hbm4b:s10+s2] =	stream.linear.scatter [tilespmem:s6], [sflag:$0x2], $0x7D00, $0x38;
	[tilespmem:$0x80E8] =	vst v63  }
0x59: {  	_ =	swait.ge [sflag:s3], $0x7D00  }
0x5a: {  	[sflag:s3] =	ssyncset.done $0x0  }
0x5b: {  	[sflag:s3] =	ssyncadd.s32 $0xFFFF8300  }
0x5c: {  	[tilespmem:s2], [sflag:$0x2] =	stream.linear.gather [hbm4b:s11+s2], $0x3E8, $0x38;
	[tilespmem:$0x80E8] =	vst v63  }
0x5d: {  	_ =	swait.ge [sflag:s3], $0x3E8  }
0x5e: {  	[sflag:s3] =	ssyncset.done $0x0  }
0x5f: {  	[sflag:s3] =	ssyncadd.s32 $0xFFFFFC18  }
0x60: {  	[tilespmem:s6], [sflag:$0x1] =	stream.indirect.gather [hbm4b:s5+s6], $0x20, s2, s6, $0xb8;
	[tilespmem:$0x80E8] =	vst v63  }
0x61: {  	_ =	swait.ge [sflag:s7], $0x7D00  }
0x62: {  	[sflag:s7] =	ssyncset.done $0x0  }
0x63: {  	[sflag:s7] =	ssyncadd.s32 $0xFFFF8300  }
0x64: {  	[hbm4b:s12+s2] =	stream.linear.scatter [tilespmem:s6], [sflag:$0x2], $0x7D00, $0x38;
	[tilespmem:$0x80E8] =	vst v63  }
0x65: {  	_ =	swait.ge [sflag:s3], $0x7D00  }
0x66: {  	[sflag:s3] =	ssyncset.done $0x0  }
0x67: {  	[sflag:s3] =	ssyncadd.s32 $0xFFFF8300  }
0x68: {  	[tilespmem:s2], [sflag:$0x2] =	stream.linear.gather [hbm4b:s13+s2], $0x3E8, $0x38;
	[tilespmem:$0x80E8] =	vst v63  }
0x69: {  	_ =	swait.ge [sflag:s3], $0x3E8  }
0x6a: {  	[sflag:s3] =	ssyncset.done $0x0  }
0x6b: {  	[sflag:s3] =	ssyncadd.s32 $0xFFFFFC18  }
0x6c: {  	[tilespmem:s6], [sflag:$0x1] =	stream.indirect.gather [hbm4b:s5+s6], $0x20, s2, s6, $0xb8;
	[tilespmem:$0x80E8] =	vst v63  }
0x6d: {  	_ =	swait.ge [sflag:s7], $0x7D00  }
0x6e: {  	[sflag:s7] =	ssyncset.done $0x0  }
0x6f: {  	[sflag:s7] =	ssyncadd.s32 $0xFFFF8300  }
0x70: {  	[hbm4b:s14+s2] =	stream.linear.scatter [tilespmem:s6], [sflag:$0x2], $0x7D00, $0x38;
	[tilespmem:$0x80E8] =	vst v63  }
0x71: {  	_ =	swait.ge [sflag:s3], $0x7D00  }
0x72: {  	[sflag:s3] =	ssyncset.done $0x0  }
0x73: {  	[sflag:s3] =	ssyncadd.s32 $0xFFFF8300  }
0x74: {  	[tilespmem:s2], [sflag:$0x2] =	stream.linear.gather [hbm4b:s15+s2], $0x3E8, $0x38;
	[tilespmem:$0x80E8] =	vst v63  }
0x75: {  	_ =	swait.ge [sflag:s3], $0x3E8  }
0x76: {  	[sflag:s3] =	ssyncset.done $0x0  }
0x77: {  	[sflag:s3] =	ssyncadd.s32 $0xFFFFFC18  }
0x78: {  	[tilespmem:s6], [sflag:$0x1] =	stream.indirect.gather [hbm4b:s5+s6], $0x20, s2, s6, $0xb8;
	[tilespmem:$0x80E8] =	vst v63  }
0x79: {  	_ =	swait.ge [sflag:s7], $0x7D00  }
.Ltmp1:
0x7a: {  	[sflag:s7] =	ssyncset.done $0x0;
	(pc) =	sbr.rel @p0 .LBB2_1-.Ltmp1, $4  }
0x7b: {  	[sflag:s7] =	ssyncadd.s32 $0xFFFF8300  }
0x7c: {  	[hbm4b:s16+s2] =	stream.linear.scatter [tilespmem:s6], [sflag:$0x2], $0x7D00, $0x38;
	[tilespmem:$0x80E8] =	vst v63  }
0x7d: {  	_ =	swait.ge [sflag:s3], $0x7D00  }
0x7e: {  	[sflag:s3] =	ssyncset.done $0x0  }
.LBB2_2:
0x7f: {  	[sflag:s3] =	ssyncadd.s32 $0xFFFF8300  }
0x80: {  	_ =	sfence.sel $0x180000  }
0x81: {  	[bflag:$0x0] =	sbarrier.arrive $0xFFFF  }
0x82: {  	p0 =	sne.s32 s0, $0x0;
	_ =	strace $0x90000056  }
0x83: {  	s0 =	sadd.s32 @!p0 $0x100000, s1;
	[bflag:$0x2] =	sbarrier.arrive $0xFFFF  }
0x84: {  	[sflag:s0] =	ssyncadd.tile.s32 @!p0 $0x1;
	_ =	shalt  }
.Lfunc_end2:
_tile_overlayer_lowered:
.L_overlay_start_2:
0x85: {  	(tag) =	ssettag $0x2  }
0x86: {  	s0 =	rddreg [dreg:$0x0];
	s2 =	stileid.u32  }
0x87: {  	s1 =	rddreg [dreg:$0x1];
	p0 =	sne.s32 s2, $0x0  }
0x88: {  	s3 =	rddreg [dreg:$0x2];
	[bflag:$0x3] =	sbarrier.arrive $0xFFFF;
	s2 =	simm.s32 @!p0 $0x1C02  }
0x89: {  	[timem:s3], [sflag:s2] =	dma.local @!p0 [hbm:s0], s1  }
0x8a: {  	s0 =	simm.s32 @!p0 $0x2  }
0x8b: {  	_ =	swait.ge @!p0 [sflag:s0], s1  }
0x8c: {  	s1 =	ssub.s32 @!p0 $0x0, s1;
	[sflag:s0] =	ssyncset.done @!p0 $0x0  }
0x8d: {  	[sflag:s0] =	ssyncadd.s32 @!p0 s1  }
0x8e: {  	[bflag:$0x3] =	sbarrier.arrive $0xFFFF  }
0x8f: {  	_ =	shalt  }

// kernel: kernel.37.cloned.1.call-start
scs
__scs_entry_jumppad:
0x0: {  	(pc) =	sbr.rel $0x88, $3  }
0x1: {  	(tag) =	ssettag $0x0;
	lr =	simm.s32 $0x1  }
0x2: {  	[smem:$0x3F8C] =	sst lr;
	_ =	strace $0xD0000000  }
0x3: {  	_ = 	snop  }
0x4: {  	_ = 	snop  }
0x5: {  	_ = 	snop  }
0x6: {  	_ = 	snop  }
0x7: {  	_ = 	snop  }
__scs_overlays_trampoline_lowered:
0x8: {  	[smem:$0x3F9B] =	sst s0  }
0x9: {  	[smem:$0x3F9C] =	sst s1  }
0xa: {  	[smem:$0x3F9D] =	sst s2  }
0xb: {  	[smem:$0x3F9E] =	sst s3  }
0xc: {  	[smem:$0x3F9F] =	sst s4  }
0xd: {  	[smem:$0x3FA0] =	sst s5  }
0xe: {  	[smem:$0x3FA1] =	sst s6  }
0xf: {  	[smem:$0x3FA2] =	sst s7  }
0x10: {  	[smem:$0x3FA3] =	sst s8  }
0x11: {  	[smem:$0x3FA4] =	sst s9;
	s0 =	simm.s32 @!p0 $0x0  }
0x12: {  	s1 =	sld [smem:$0x3F8A];
	s0 =	simm.s32 @p0 $0x1  }
0x13: {  	[smem:$0x3FA5] =	sst s0;
	s0 =	simm.s32 @!p1 $0x0  }
0x14: {  	s2 =	sld [smem:$0x3F89];
	s0 =	simm.s32 @p1 $0x1  }
0x15: {  	[smem:$0x3FA6] =	sst s0;
	s0 =	simm.s32 @!p2 $0x0  }
0x16: {  	s3 =	sld [smem:$0x3FDB];
	s0 =	simm.s32 @p2 $0x1  }
0x17: {  	s4 =	simm.s32 $0x1BF5;
	[smem:$0x3FA8] =	sst s0  }
0x18: {  	s0 =	sld [smem:$0x3F8B];
	_ =	swait.ge [sflag:s4], $0x0  }
0x19: {  	s7 =	sld [smem:$0x3F8C]  }
0x1a: {  	s8 =	sadd.s32 $0xFFFFE003, lr  }
0x1b: {  	s9 =	sadd.s32 $0xFFFFFEF7, lr;
	s5 =	simm.s32 $0xFFFFFFFF;
	p2 =	slt.u32 s8, $0xFFFFF086  }
0x1c: {  	p1 =	slt.u32 s9, $0xF7A;
	s5 =	simm.s32 @!p2 $0x0  }
0x1d: {  	s5 =	simm.s32 @p1 $0x1;
	p0 =	seq.s32 s7, s2  }
0x1e: {  	s7 =	smul.u32 @!p0 $0xF7A, s2;
	p2 =	seq.s32 @!p0 s5, $0x0  }
0x1f: {  	s9 =	smul.u32 $0xF7A, s1;
	s8 =	simm.s32 @!p0 $0x1BF5;
	p2 =	por !p2, p0  }
0x20: {  	[sflag:s8] =	ssyncset.s32 @!p0 $0xFFFFF086;
	s6 =	sadd.s32 @!p0 s3, s7;
	s7 =	simm.s32 @!p0 $0x108  }
0x21: {  	s3 =	sadd.s32 s3, s9;
	s6 =	sadd.s32 @!p0 $0x88, s6;
	s7 =	simm.s32 @p2 $0x1082  }
0x22: {  	[simem:s7], [sflag:s8] =	dma.local @!p0 [hbm:s6], $0xF7A  }
0x23: {  	s9 =	sor.u32 $0xD0000000, s2;
	s6 =	simm.s32 $0x108;
	_ =	swait.ge @!p0 [sflag:s8], $0x0  }
0x24: {  	s3 =	sadd.s32 $0x88, s3;
	s6 =	simm.s32 @!p1 $0x1082;
	[sflag:s4] =	ssyncset.s32 $0xFFFFF086  }
0x25: {  	[simem:s6], [sflag:s4] =	dma.local [hbm:s3], $0xF7A  }
0x26: {  	[smem:$0x3F8C] =	sst s1;
	(tag) =	ssettag s2;
	_ =	strace s9  }
0x27: {  	s1 =	sld [smem:$0x3F9C]  }
0x28: {  	s2 =	sld [smem:$0x3F9D]  }
0x29: {  	s4 =	sld [smem:$0x3F9F]  }
0x2a: {  	p0 =	seq.s32 s5, $0x0;
	s5 =	sld [smem:$0x3FA0]  }
0x2b: {  	s6 =	sld [smem:$0x3FA1]  }
0x2c: {  	s7 =	sld [smem:$0x3FA2]  }
0x2d: {  	s3 =	simm.s32 $0x108;
	s8 =	sld [smem:$0x3FA3]  }
0x2e: {  	s3 =	simm.s32 @!p0 $0x1082;
	s9 =	sld [smem:$0x3FA4]  }
0x2f: {  	lr =	sadd.s32 s0, s3;
	s0 =	sld [smem:$0x3F9B]  }
0x30: {  	s3 =	sld [smem:$0x3F9E]  }
0x31: {  	[smem:$0x3FA7] =	sst s10  }
0x32: {  	s10 =	sld [smem:$0x3FA5];
	_ =	sdelay $0x3  }
0x33: {  	p0 =	seq.s32 s10, $0x1;
	s10 =	sld [smem:$0x3FA7];
	_ =	sdelay $0x3  }
0x34: {  	[smem:$0x3FA7] =	sst s10  }
0x35: {  	s10 =	sld [smem:$0x3FA6];
	_ =	sdelay $0x3  }
0x36: {  	p1 =	seq.s32 s10, $0x1;
	s10 =	sld [smem:$0x3FA7];
	_ =	sdelay $0x3  }
0x37: {  	[smem:$0x3FA7] =	sst s10  }
0x38: {  	s10 =	sld [smem:$0x3FA8]  }
0x39: {  	_ = 	snop;
	(pc) =	sbr.ind lr, $3  }
0x3a: {  	_ = 	snop  }
0x3b: {  	_ = 	snop  }
0x3c: {  	p2 =	seq.s32 s10, $0x1;
	s10 =	sld [smem:$0x3FA7]  }
0x3d: {  	_ =	shalt  }
0x3e: {  	_ =	shalt  }
0x3f: {  	_ =	shalt  }
0x40: {  	_ =	shalt  }
0x41: {  	_ =	shalt  }
0x42: {  	_ =	shalt  }
0x43: {  	_ =	shalt  }
0x44: {  	_ =	shalt  }
0x45: {  	_ =	shalt  }
0x46: {  	_ =	shalt  }
0x47: {  	_ =	shalt  }
0x48: {  	_ =	shalt  }
0x49: {  	_ =	shalt  }
0x4a: {  	_ =	shalt  }
0x4b: {  	_ =	shalt  }
0x4c: {  	_ =	shalt  }
0x4d: {  	_ =	shalt  }
0x4e: {  	_ =	shalt  }
0x4f: {  	_ =	shalt  }
0x50: {  	_ =	shalt  }
0x51: {  	_ =	shalt  }
0x52: {  	_ =	shalt  }
0x53: {  	_ =	shalt  }
0x54: {  	_ =	shalt  }
0x55: {  	_ =	shalt  }
0x56: {  	_ =	shalt  }
0x57: {  	_ =	shalt  }
0x58: {  	_ =	shalt  }
0x59: {  	_ =	shalt  }
0x5a: {  	_ =	shalt  }
0x5b: {  	_ =	shalt  }
0x5c: {  	_ =	shalt  }
0x5d: {  	_ =	shalt  }
0x5e: {  	_ =	shalt  }
0x5f: {  	_ =	shalt  }
0x60: {  	_ =	shalt  }
0x61: {  	_ =	shalt  }
0x62: {  	_ =	shalt  }
0x63: {  	_ =	shalt  }
0x64: {  	_ =	shalt  }
0x65: {  	_ =	shalt  }
0x66: {  	_ =	shalt  }
0x67: {  	_ =	shalt  }
0x68: {  	_ =	shalt  }
0x69: {  	_ =	shalt  }
0x6a: {  	_ =	shalt  }
0x6b: {  	_ =	shalt  }
0x6c: {  	_ =	shalt  }
0x6d: {  	_ =	shalt  }
0x6e: {  	_ =	shalt  }
0x6f: {  	_ =	shalt  }
0x70: {  	_ =	shalt  }
0x71: {  	_ =	shalt  }
0x72: {  	_ =	shalt  }
0x73: {  	_ =	shalt  }
0x74: {  	_ =	shalt  }
0x75: {  	_ =	shalt  }
0x76: {  	_ =	shalt  }
0x77: {  	_ =	shalt  }
0x78: {  	_ =	shalt  }
0x79: {  	_ =	shalt  }
0x7a: {  	_ =	shalt  }
0x7b: {  	_ =	shalt  }
0x7c: {  	_ =	shalt  }
0x7d: {  	_ =	shalt  }
0x7e: {  	_ =	shalt  }
0x7f: {  	_ =	shalt  }
0x80: {  	_ =	shalt  }
0x81: {  	_ =	shalt  }
0x82: {  	_ =	shalt  }
0x83: {  	_ =	shalt  }
0x84: {  	_ =	shalt  }
0x85: {  	_ =	shalt  }
0x86: {  	_ =	shalt  }
0x87: {  	_ =	shalt  }
.Lfunc_end0:
.L_simem_size_0:
called_computation.6_lowered:
.L_overlay_start_0:
0x88: {  	s2 =	sld [smem:$0x3FD9]  }
0x89: {  	s3 =	sld [smem:$0x3FFE];
	_ =	sdelay $0x1  }
0x8a: {  	s1 =	srdreg.scid  }
0x8b: {  	s0 =	sand.u32 $0x1, s1  }
0x8c: {  	s16 =	sshll.u32 s0, $0xA;
	s2 =	sadd.s32 s3, s2  }
0x8d: {  	s2 =	sadd.s32 s2, s16  }
0x8e: {  	[smem:$0x3FB3] =	sst s2  }
0x8f: {  	_ = 	snop  }
0x90: {  	(tm) =	ssettm $0x1  }
0x91: {  	s17 =	sld [smem:$0x3FFB];
	_ =	sdelay $0x3  }
0x92: {  	_ =	strace s17  }
0x93: {  	s2 =	sld [smem:$0x3FFC];
	_ =	sdelay $0x3  }
0x94: {  	_ =	strace s2  }
0x95: {  	s2 =	sld [smem:$0x3FFD];
	_ =	sdelay $0x3  }
0x96: {  	_ =	strace s2  }
0x97: {  	_ =	strace $0x8FFFFFFF  }
0x98: {  	s18 =	sld [smem:$0x3FDB];
	_ =	sdelay $0x1  }
0x99: {  	s19 =	simm.s32 $_scs_section_size  }
0x9a: {  	s4 =	simm.s32 $_size__tile_overlayer_lowered;
	s5 =	simm.s32 $_tile_overlayer_lowered  }
0x9b: {  	s22 =	simm.s32 $0x1BFF;
	s21 =	sshll.u32 s5, $0x1;
	s2 =	sadd.s32 s19, s18  }
0x9c: {  	s6 =	simm.s32 $0x0;
	s20 =	sshll.u32 s4, $0x1;
	s4 =	sadd.s32 s21, s2  }
0x9d: {  	[timem:s6], [sflag:s22] =	dma.local [hbm:s4], s20  }
0x9e: {  	_ =	swait.ge [sflag:s22], s20  }
0x9f: {  	s3 =	ssub.s32 $0x0, s20;
	[sflag:s22] =	ssyncset.done $0x0  }
0xa0: {  	[sflag:s22] =	ssyncadd.s32 s3;
	_ =	sdelay $0x1  }
0xa1: {  	s23 =	simm.s32 $0x1B8B  }
0xa2: {  	_ =	swait.ge [sflag:s23], $0x1  }
0xa3: {  	[sflag:s23] =	ssyncset.done $0x0  }
0xa4: {  	s25 =	simm.s32 $0x1B8E;
	s24 =	sld [smem:$0x3FFE];
	[sflag:s23] =	ssyncadd.s32 $0xFFFFFFFF  }
0xa5: {  	s26 =	simm.s32 $execute0_lowered;
	[smem:$0x3FD2] =	sst s25  }
0xa6: {  	s4 =	sshll.u32 s26, $0x1;
	_ =	strace $0x80000058;
	[dreg:$0x1] =	wrdreg $0xFFFFFFFF  }
0xa7: {  	s28 =	simm.s32 $_size_execute0_lowered;
	s2 =	sadd.s32 s2, s4;
	[dreg:$0x0] =	wrdreg $0x0  }
0xa8: {  	s4 =	sshll.u32 s28, $0x1;
	[dreg:$0x2] =	wrdreg s2  }
0xa9: {  	[dreg:$0x3] =	wrdreg s4  }
0xaa: {  	[dreg:$0x4] =	wrdreg $0xC0  }
0xab: {  	_ =	task [dreg:s6], $0x5FFFF  }
0xac: {  	[dreg:$0x1] =	wrdreg $0xFFFFFFFF  }
0xad: {  	[dreg:$0x0] =	wrdreg $0x60  }
0xae: {  	[dreg:$0x2] =	wrdreg s24  }
0xaf: {  	[dreg:$0x3] =	wrdreg $0x80E80  }
0xb0: {  	[dreg:$0x4] =	wrdreg $0x9  }
0xb1: {  	_ =	task.clear_ibuf [dreg:s6], $0x5FFFF;
	_ =	strace $0x90000058  }
0xb2: {  	s29 =	simm.s32 $0x9;
	_ =	strace $0x8000005A  }
0xb3: {  	_ =	swait.ge [sflag:s29], $0x1  }
0xb4: {  	[sflag:s29] =	ssyncadd.s32 $0xFFFFFFFF  }
0xb5: {  	_ =	strace $0x9000005A  }
0xb6: {  	_ =	sfence  }
0xb7: {  	s30 =	sld [smem:$0x0];
	_ =	sdelay $0x2  }
0xb8: {  	s31 =	sshll.u32 s1, $0xD;
	s1 =	sshrl.u32 s1, $0x2  }
0xb9: {  	s3 =	sand.u32 $0x4000, s31;
	s1 =	sadd.s32 s1, s30  }
0xba: {  	s0 =	sor.u32 s3, s0;
	s1 =	sshll.u32 s1, $0x11  }
0xbb: {  	s0 =	sor.u32 s1, s0  }
0xbc: {  	s0 =	sadd.s32 $0x8F2B, s0  }
0xbd: {  	[sflag:s0] =	ssyncadd.remote.s32 $0x1  }
0xbe: {  	_ =	sfence.sel $0xFFFF  }
0xbf: {  	[dreg:$0x0] =	wrdreg $0xFFFFFFFF;
	(pc) =	sbr.abs _section_cstart, $3  }
0xc0: {  	[dreg:$0x1] =	wrdreg $0xFFFFFFFF  }
0xc1: {  	_ =	task.clear_ibuf [dreg:s6], $0x2FFFF;
	_ =	strace $0x9FFFFFFF  }
0xc2: {  	(tm) =	ssettm $0x7FFFFFFF  }
0xc3: {  	_ =	shalt  }
tec
execute0_lowered:
.L_overlay_start_1:
0x0: {  	(tag) =	ssettag $0x1  }
0x1: {  	s6 =	rddreg [dreg:$0x0]  }
0x2: {  	s2 =	rddreg [dreg:$0x1]  }
0x3: {  	s0 =	rddreg [dreg:$0x2];
	s3 =	simm.s32 $0x0  }
0x4: {  	s1 =	stileid.u32;
	s4 =	srdreg.scid;
	p1 =	por $0x0, $0x0  }
0x5: {  	[smem:$0x7FF] =	sst s3;
	s5 =	smul.u32 $0x4E00, s1;
	s7 =	sadd.s32 $0x119C00, s6  }
0x6: {  	s8 =	sadd.s32 $0x3D800, s6;
	s9 =	sand.u32 $0x1, s4;
	s14 =	sshll.u32 s1, $0x1  }
0x7: {  	s25 =	sadd.s32 $0x4E000, s2;
	s22 =	sadd.s32 $0x38600, s6;
	p0 =	sne.s32 s1, $0xF  }
0x8: {  	_ =	strace $0x80000059;
	s10 =	smul.u32 $0x9C40, s9;
	s11 =	ssub.s32 $0x2, s9  }
0x9: {  	s9 =	sor.u32 s9, s14;
	s14 =	sshll.u32 s1, $0x6;
	s4 =	sshrl.u32 s5, $0x3  }
0xa: {  	s13 =	sshrl.u32 s11, $0x1;
	s24 =	sadd.s32 s5, s2;
	s15 =	smul.u32 $0x1388, s9  }
0xb: {  	s5 =	sor.u32 $0x1C01, s14;
	s9 =	smul.u32 $0x4E20, s9;
	s12 =	sadd.s32 s4, s6  }
0xc: {  	s10 =	sadd.s32 s10, s6;
	s13 =	ssub.s32 s11, s13;
	s23 =	sadd.s32 $0x2EA00, s12  }
0xd: {  	s28 =	sshrl.u32 s15, $0x3;
	s20 =	sadd.s32 s7, s9;
	s29 =	sadd.s32 $0x3E8, s15  }
0xe: {  	s31 =	sadd.s32 $0x7D0, s15;
	s14 =	sadd.s32 $0xBB8, s15;
	s11 =	sadd.s32 $0xFA0, s15  }
0xf: {  	s21 =	sadd.s32 s8, s28;
	s30 =	sshrl.u32 s29, $0x3;
	s9 =	sshrl.u32 s31, $0x3  }
0x10: {  	s12 =	sshll.u32 s31, $0x2;
	s26 =	sshrl.u32 s14, $0x3;
	s31 =	smax.u32 s13, $0x1  }
0x11: {  	s6 =	sshll.u32 s29, $0x2;
	s15 =	sadd.s32 s8, s26;
	s26 =	sadd.s32 $0xFFFFFFFF, s31  }
0x12: {  	s28 =	sshll.u32 s14, $0x2;
	s29 =	sshrl.u32 s11, $0x3;
	p2 =	sne.s32 s26, $0x0  }
.Ltmp0:
0x13: {  	s13 =	simm.s32 $0x3E8;
	s19 =	sadd.s32 s8, s30;
	(pc) =	sbr.rel @!p2 .LBB2_3-.Ltmp0, $4  }
0x14: {  	s18 =	sadd.s32 s7, s6;
	s17 =	sadd.s32 s8, s9;
	s16 =	sadd.s32 s7, s12  }
0x15: {  	s14 =	sadd.s32 s7, s28;
	s12 =	sadd.s32 s8, s29;
	s30 =	sshll.u32 s11, $0x2  }
0x16: {  	s6 =	simm.s32 $0x1;
	s11 =	sadd.s32 s7, s30;
	s7 =	sadd.s32 $0x42800, s10  }
0x17: {  	s8 =	sshrl.u32 @!p0 s25, $0x3;
	s10 =	sshrl.u32 s24, $0x3;
	s9 =	sadd.s32 @!p0 $0x9C00, s7  }
0x18: {  	[spmem:s10], [sflag:s5] =	dma.local [hbm:s23], $0x9C0  }
0x19: {  	_ =	swait.ge [sflag:s6], $0x9C0  }
0x1a: {  	[sflag:s6] =	ssyncset.done $0x0  }
0x1b: {  	s24 =	simm.s32 @!p0 $0x1;
	[sflag:s6] =	ssyncadd.s32 $0xFFFFF640  }
0x1c: {  	[spmem:s8], [sflag:s5] =	dma.local @!p0 [hbm:s22], $0x40  }
0x1d: {  	_ =	swait.ge @!p0 [sflag:s24], $0x40  }
0x1e: {  	[sflag:s24] =	ssyncset.done @!p0 $0x0  }
0x1f: {  	[sflag:s24] =	ssyncadd.s32 @!p0 $0xFFFFFFC0  }
0x20: {  	[bflag:$0x0] =	sbarrier.arrive $0xFFFF  }
0x21: {  	[tilespmem:s3], [sflag:$0x1] =	stream.linear.gather [hbm4b:s21+s3], $0x3E8, $0x38;
	[tilespmem:$0xCF08] =	vst v63  }
0x22: {  	_ =	swait.ge [sflag:s6], $0x3E8  }
0x23: {  	[sflag:s6] =	ssyncset.done $0x0  }
0x24: {  	[sflag:s6] =	ssyncadd.s32 $0xFFFFFC18  }
0x25: {  	[tilespmem:s13], [sflag:$0x1] =	stream.linear.gather [hbm4b:s20+s3], $0x7D00, $0x38;
	[tilespmem:$0xCF08] =	vst v63  }
0x26: {  	_ =	swait.ge [sflag:s6], $0x7D00  }
0x27: {  	[sflag:s6] =	ssyncset.done $0x0  }
0x28: {  	[sflag:s6] =	ssyncadd.s32 $0xFFFF8300  }
0x29: {  	[spmem:s2] =	stream.indirect.scatter.add.f32 [tilespmem:s13], [sflag:$0x1], $0x20, s3, s13, $0xb8;
	[tilespmem:$0xCF08] =	vst v63  }
0x2a: {  	_ =	swait.ge [sflag:s6], $0x7D00  }
0x2b: {  	[sflag:s6] =	ssyncset.done $0x0  }
0x2c: {  	[sflag:s6] =	ssyncadd.s32 $0xFFFF8300  }
0x2d: {  	[tilespmem:s3], [sflag:$0x1] =	stream.linear.gather [hbm4b:s19+s3], $0x3E8, $0x38;
	[tilespmem:$0xCF08] =	vst v63  }
0x2e: {  	_ =	swait.ge [sflag:s6], $0x3E8  }
0x2f: {  	[sflag:s6] =	ssyncset.done $0x0  }
0x30: {  	[sflag:s6] =	ssyncadd.s32 $0xFFFFFC18  }
0x31: {  	[tilespmem:s13], [sflag:$0x1] =	stream.linear.gather [hbm4b:s18+s3], $0x7D00, $0x38;
	[tilespmem:$0xCF08] =	vst v63  }
0x32: {  	_ =	swait.ge [sflag:s6], $0x7D00  }
0x33: {  	[sflag:s6] =	ssyncset.done $0x0  }
0x34: {  	[sflag:s6] =	ssyncadd.s32 $0xFFFF8300  }
0x35: {  	[spmem:s2] =	stream.indirect.scatter.add.f32 [tilespmem:s13], [sflag:$0x1], $0x20, s3, s13, $0xb8;
	[tilespmem:$0xCF08] =	vst v63  }
0x36: {  	_ =	swait.ge [sflag:s6], $0x7D00  }
0x37: {  	[sflag:s6] =	ssyncset.done $0x0  }
0x38: {  	[sflag:s6] =	ssyncadd.s32 $0xFFFF8300  }
0x39: {  	[tilespmem:s3], [sflag:$0x1] =	stream.linear.gather [hbm4b:s17+s3], $0x3E8, $0x38;
	[tilespmem:$0xCF08] =	vst v63  }
0x3a: {  	_ =	swait.ge [sflag:s6], $0x3E8  }
0x3b: {  	[sflag:s6] =	ssyncset.done $0x0  }
0x3c: {  	[sflag:s6] =	ssyncadd.s32 $0xFFFFFC18  }
0x3d: {  	[tilespmem:s13], [sflag:$0x1] =	stream.linear.gather [hbm4b:s16+s3], $0x7D00, $0x38;
	[tilespmem:$0xCF08] =	vst v63  }
0x3e: {  	_ =	swait.ge [sflag:s6], $0x7D00  }
0x3f: {  	[sflag:s6] =	ssyncset.done $0x0  }
0x40: {  	[sflag:s6] =	ssyncadd.s32 $0xFFFF8300  }
0x41: {  	[spmem:s2] =	stream.indirect.scatter.add.f32 [tilespmem:s13], [sflag:$0x1], $0x20, s3, s13, $0xb8;
	[tilespmem:$0xCF08] =	vst v63  }
0x42: {  	_ =	swait.ge [sflag:s6], $0x7D00  }
0x43: {  	[sflag:s6] =	ssyncset.done $0x0  }
0x44: {  	[sflag:s6] =	ssyncadd.s32 $0xFFFF8300  }
0x45: {  	[tilespmem:s3], [sflag:$0x1] =	stream.linear.gather [hbm4b:s15+s3], $0x3E8, $0x38;
	[tilespmem:$0xCF08] =	vst v63  }
0x46: {  	_ =	swait.ge [sflag:s6], $0x3E8  }
0x47: {  	[sflag:s6] =	ssyncset.done $0x0  }
0x48: {  	[sflag:s6] =	ssyncadd.s32 $0xFFFFFC18  }
0x49: {  	[tilespmem:s13], [sflag:$0x1] =	stream.linear.gather [hbm4b:s14+s3], $0x7D00, $0x38;
	[tilespmem:$0xCF08] =	vst v63  }
0x4a: {  	_ =	swait.ge [sflag:s6], $0x7D00  }
0x4b: {  	[sflag:s6] =	ssyncset.done $0x0  }
0x4c: {  	[sflag:s6] =	ssyncadd.s32 $0xFFFF8300  }
0x4d: {  	[spmem:s2] =	stream.indirect.scatter.add.f32 [tilespmem:s13], [sflag:$0x1], $0x20, s3, s13, $0xb8;
	[tilespmem:$0xCF08] =	vst v63  }
0x4e: {  	_ =	swait.ge [sflag:s6], $0x7D00  }
0x4f: {  	[sflag:s6] =	ssyncset.done $0x0  }
0x50: {  	[sflag:s6] =	ssyncadd.s32 $0xFFFF8300  }
0x51: {  	[tilespmem:s3], [sflag:$0x1] =	stream.linear.gather [hbm4b:s12+s3], $0x3E8, $0x38;
	[tilespmem:$0xCF08] =	vst v63  }
0x52: {  	_ =	swait.ge [sflag:s6], $0x3E8  }
0x53: {  	[sflag:s6] =	ssyncset.done $0x0  }
0x54: {  	[sflag:s6] =	ssyncadd.s32 $0xFFFFFC18  }
0x55: {  	[tilespmem:s13], [sflag:$0x1] =	stream.linear.gather [hbm4b:s11+s3], $0x7D00, $0x38;
	[tilespmem:$0xCF08] =	vst v63  }
0x56: {  	_ =	swait.ge [sflag:s6], $0x7D00  }
0x57: {  	[sflag:s6] =	ssyncset.done $0x0  }
0x58: {  	[sflag:s6] =	ssyncadd.s32 $0xFFFF8300  }
0x59: {  	[spmem:s2] =	stream.indirect.scatter.add.f32 [tilespmem:s13], [sflag:$0x1], $0x20, s3, s13, $0xb8;
	[tilespmem:$0xCF08] =	vst v63  }
0x5a: {  	_ =	swait.ge [sflag:s6], $0x7D00  }
0x5b: {  	[sflag:s6] =	ssyncset.done $0x0  }
0x5c: {  	[sflag:s6] =	ssyncadd.s32 $0xFFFF8300  }
0x5d: {  	s25 =	sadd.s32 s4, s7;
	s26 =	sadd.s32 $0xFFFFFFFF, s26;
	[bflag:$0x0] =	sbarrier.arrive $0xFFFF  }
0x5e: {  	[hbm:s25], [sflag:s5] =	dma.local [spmem:s10], $0x9C0  }
0x5f: {  	p2 =	sne.s32 s26, $0x0;
	_ =	swait.ge [sflag:s6], $0x9C0  }
.Ltmp1:
0x60: {  	[sflag:s6] =	ssyncset.done $0x0;
	(pc) =	sbr.rel @!p2 .LBB2_3-.Ltmp1, $4  }
0x61: {  	[sflag:s6] =	ssyncadd.s32 $0xFFFFF640  }
0x62: {  	[hbm:s9], [sflag:s5] =	dma.local @!p0 [spmem:s8], $0x40  }
0x63: {  	_ =	swait.ge @!p0 [sflag:s24], $0x40  }
0x64: {  	p1 =	por $0x1, $0x1;
	[sflag:s24] =	ssyncset.done @!p0 $0x0  }
.LBB2_2:
0x65: {  	s26 =	sadd.s32 $0xFFFFFFFF, s26;
	[sflag:s24] =	ssyncadd.s32 @!p0 $0xFFFFFFC0  }
0x66: {  	[spmem:s10], [sflag:s5] =	dma.local [hbm:s23], $0x9C0  }
0x67: {  	p2 =	sne.s32 s26, $0x0;
	_ =	swait.ge [sflag:s6], $0x9C0  }
0x68: {  	[sflag:s6] =	ssyncset.done $0x0  }
0x69: {  	[sflag:s6] =	ssyncadd.s32 $0xFFFFF640  }
0x6a: {  	[spmem:s8], [sflag:s5] =	dma.local @!p0 [hbm:s22], $0x40  }
0x6b: {  	_ =	swait.ge @!p0 [sflag:s24], $0x40  }
0x6c: {  	[sflag:s24] =	ssyncset.done @!p0 $0x0  }
0x6d: {  	[sflag:s24] =	ssyncadd.s32 @!p0 $0xFFFFFFC0  }
0x6e: {  	[bflag:$0x0] =	sbarrier.arrive $0xFFFF  }
0x6f: {  	[tilespmem:s3], [sflag:$0x1] =	stream.linear.gather [hbm4b:s21+s3], $0x3E8, $0x38;
	[tilespmem:$0xCF08] =	vst v63  }
0x70: {  	_ =	swait.ge [sflag:s6], $0x3E8  }
0x71: {  	[sflag:s6] =	ssyncset.done $0x0  }
0x72: {  	[sflag:s6] =	ssyncadd.s32 $0xFFFFFC18  }
0x73: {  	[tilespmem:s13], [sflag:$0x1] =	stream.linear.gather [hbm4b:s20+s3], $0x7D00, $0x38;
	[tilespmem:$0xCF08] =	vst v63  }
0x74: {  	_ =	swait.ge [sflag:s6], $0x7D00  }
0x75: {  	[sflag:s6] =	ssyncset.done $0x0  }
0x76: {  	[sflag:s6] =	ssyncadd.s32 $0xFFFF8300  }
0x77: {  	[spmem:s2] =	stream.indirect.scatter.add.f32 [tilespmem:s13], [sflag:$0x1], $0x20, s3, s13, $0xb8;
	[tilespmem:$0xCF08] =	vst v63  }
0x78: {  	_ =	swait.ge [sflag:s6], $0x7D00  }
0x79: {  	[sflag:s6] =	ssyncset.done $0x0  }
0x7a: {  	[sflag:s6] =	ssyncadd.s32 $0xFFFF8300  }
0x7b: {  	[tilespmem:s3], [sflag:$0x1] =	stream.linear.gather [hbm4b:s19+s3], $0x3E8, $0x38;
	[tilespmem:$0xCF08] =	vst v63  }
0x7c: {  	_ =	swait.ge [sflag:s6], $0x3E8  }
0x7d: {  	[sflag:s6] =	ssyncset.done $0x0  }
0x7e: {  	[sflag:s6] =	ssyncadd.s32 $0xFFFFFC18  }
0x7f: {  	[tilespmem:s13], [sflag:$0x1] =	stream.linear.gather [hbm4b:s18+s3], $0x7D00, $0x38;
	[tilespmem:$0xCF08] =	vst v63  }
0x80: {  	_ =	swait.ge [sflag:s6], $0x7D00  }
0x81: {  	[sflag:s6] =	ssyncset.done $0x0  }
0x82: {  	[sflag:s6] =	ssyncadd.s32 $0xFFFF8300  }
0x83: {  	[spmem:s2] =	stream.indirect.scatter.add.f32 [tilespmem:s13], [sflag:$0x1], $0x20, s3, s13, $0xb8;
	[tilespmem:$0xCF08] =	vst v63  }
0x84: {  	_ =	swait.ge [sflag:s6], $0x7D00  }
0x85: {  	[sflag:s6] =	ssyncset.done $0x0  }
0x86: {  	[sflag:s6] =	ssyncadd.s32 $0xFFFF8300  }
0x87: {  	[tilespmem:s3], [sflag:$0x1] =	stream.linear.gather [hbm4b:s17+s3], $0x3E8, $0x38;
	[tilespmem:$0xCF08] =	vst v63  }
0x88: {  	_ =	swait.ge [sflag:s6], $0x3E8  }
0x89: {  	[sflag:s6] =	ssyncset.done $0x0  }
0x8a: {  	[sflag:s6] =	ssyncadd.s32 $0xFFFFFC18  }
0x8b: {  	[tilespmem:s13], [sflag:$0x1] =	stream.linear.gather [hbm4b:s16+s3], $0x7D00, $0x38;
	[tilespmem:$0xCF08] =	vst v63  }
0x8c: {  	_ =	swait.ge [sflag:s6], $0x7D00  }
0x8d: {  	[sflag:s6] =	ssyncset.done $0x0  }
0x8e: {  	[sflag:s6] =	ssyncadd.s32 $0xFFFF8300  }
0x8f: {  	[spmem:s2] =	stream.indirect.scatter.add.f32 [tilespmem:s13], [sflag:$0x1], $0x20, s3, s13, $0xb8;
	[tilespmem:$0xCF08] =	vst v63  }
0x90: {  	_ =	swait.ge [sflag:s6], $0x7D00  }
0x91: {  	[sflag:s6] =	ssyncset.done $0x0  }
0x92: {  	[sflag:s6] =	ssyncadd.s32 $0xFFFF8300  }
0x93: {  	[tilespmem:s3], [sflag:$0x1] =	stream.linear.gather [hbm4b:s15+s3], $0x3E8, $0x38;
	[tilespmem:$0xCF08] =	vst v63  }
0x94: {  	_ =	swait.ge [sflag:s6], $0x3E8  }
0x95: {  	[sflag:s6] =	ssyncset.done $0x0  }
0x96: {  	[sflag:s6] =	ssyncadd.s32 $0xFFFFFC18  }
0x97: {  	[tilespmem:s13], [sflag:$0x1] =	stream.linear.gather [hbm4b:s14+s3], $0x7D00, $0x38;
	[tilespmem:$0xCF08] =	vst v63  }
0x98: {  	_ =	swait.ge [sflag:s6], $0x7D00  }
0x99: {  	[sflag:s6] =	ssyncset.done $0x0  }
0x9a: {  	[sflag:s6] =	ssyncadd.s32 $0xFFFF8300  }
0x9b: {  	[spmem:s2] =	stream.indirect.scatter.add.f32 [tilespmem:s13], [sflag:$0x1], $0x20, s3, s13, $0xb8;
	[tilespmem:$0xCF08] =	vst v63  }
0x9c: {  	_ =	swait.ge [sflag:s6], $0x7D00  }
0x9d: {  	[sflag:s6] =	ssyncset.done $0x0  }
0x9e: {  	[sflag:s6] =	ssyncadd.s32 $0xFFFF8300  }
0x9f: {  	[tilespmem:s3], [sflag:$0x1] =	stream.linear.gather [hbm4b:s12+s3], $0x3E8, $0x38;
	[tilespmem:$0xCF08] =	vst v63  }
0xa0: {  	_ =	swait.ge [sflag:s6], $0x3E8  }
0xa1: {  	[sflag:s6] =	ssyncset.done $0x0  }
0xa2: {  	[sflag:s6] =	ssyncadd.s32 $0xFFFFFC18  }
0xa3: {  	[tilespmem:s13], [sflag:$0x1] =	stream.linear.gather [hbm4b:s11+s3], $0x7D00, $0x38;
	[tilespmem:$0xCF08] =	vst v63  }
0xa4: {  	_ =	swait.ge [sflag:s6], $0x7D00  }
0xa5: {  	[sflag:s6] =	ssyncset.done $0x0  }
0xa6: {  	[sflag:s6] =	ssyncadd.s32 $0xFFFF8300  }
0xa7: {  	[spmem:s2] =	stream.indirect.scatter.add.f32 [tilespmem:s13], [sflag:$0x1], $0x20, s3, s13, $0xb8;
	[tilespmem:$0xCF08] =	vst v63  }
0xa8: {  	_ =	swait.ge [sflag:s6], $0x7D00  }
0xa9: {  	[sflag:s6] =	ssyncset.done $0x0  }
0xaa: {  	[sflag:s6] =	ssyncadd.s32 $0xFFFF8300  }
0xab: {  	[bflag:$0x0] =	sbarrier.arrive $0xFFFF  }
0xac: {  	[hbm:s25], [sflag:s5] =	dma.local [spmem:s10], $0x9C0  }
0xad: {  	_ =	swait.ge [sflag:s6], $0x9C0  }
.Ltmp2:
0xae: {  	[sflag:s6] =	ssyncset.done $0x0;
	(pc) =	sbr.rel @p2 .LBB2_2-.Ltmp2, $4  }
0xaf: {  	[sflag:s6] =	ssyncadd.s32 $0xFFFFF640  }
0xb0: {  	[hbm:s9], [sflag:s5] =	dma.local @!p0 [spmem:s8], $0x40  }
0xb1: {  	_ =	swait.ge @!p0 [sflag:s24], $0x40  }
0xb2: {  	[sflag:s24] =	ssyncset.done @!p0 $0x0  }
.LBB2_3:
0xb3: {  	p1 =	por p0, !p1  }
0xb4: {  	[sflag:s24] =	ssyncadd.s32 @!p1 $0xFFFFFFC0  }
0xb5: {  	[spmem:s10], [sflag:s5] =	dma.local [hbm:s23], $0x9C0  }
0xb6: {  	_ =	swait.ge [sflag:s6], $0x9C0  }
0xb7: {  	[sflag:s6] =	ssyncset.done $0x0  }
0xb8: {  	s23 =	simm.s32 @!p0 $0x1;
	[sflag:s6] =	ssyncadd.s32 $0xFFFFF640  }
0xb9: {  	[spmem:s8], [sflag:s5] =	dma.local @!p0 [hbm:s22], $0x40  }
0xba: {  	_ =	swait.ge @!p0 [sflag:s23], $0x40  }
0xbb: {  	[sflag:s23] =	ssyncset.done @!p0 $0x0  }
0xbc: {  	[sflag:s23] =	ssyncadd.s32 @!p0 $0xFFFFFFC0  }
0xbd: {  	[bflag:$0x0] =	sbarrier.arrive $0xFFFF  }
0xbe: {  	[tilespmem:s3], [sflag:$0x1] =	stream.linear.gather [hbm4b:s21+s3], $0x3E8, $0x38;
	[tilespmem:$0xCF08] =	vst v63  }
0xbf: {  	_ =	swait.ge [sflag:s6], $0x3E8  }
0xc0: {  	[sflag:s6] =	ssyncset.done $0x0  }
0xc1: {  	[sflag:s6] =	ssyncadd.s32 $0xFFFFFC18  }
0xc2: {  	[tilespmem:s13], [sflag:$0x1] =	stream.linear.gather [hbm4b:s20+s3], $0x7D00, $0x38;
	[tilespmem:$0xCF08] =	vst v63  }
0xc3: {  	_ =	swait.ge [sflag:s6], $0x7D00  }
0xc4: {  	[sflag:s6] =	ssyncset.done $0x0  }
0xc5: {  	[sflag:s6] =	ssyncadd.s32 $0xFFFF8300  }
0xc6: {  	[spmem:s2] =	stream.indirect.scatter.add.f32 [tilespmem:s13], [sflag:$0x1], $0x20, s3, s13, $0xb8;
	[tilespmem:$0xCF08] =	vst v63  }
0xc7: {  	_ =	swait.ge [sflag:s6], $0x7D00  }
0xc8: {  	[sflag:s6] =	ssyncset.done $0x0  }
0xc9: {  	[sflag:s6] =	ssyncadd.s32 $0xFFFF8300  }
0xca: {  	[tilespmem:s3], [sflag:$0x1] =	stream.linear.gather [hbm4b:s19+s3], $0x3E8, $0x38;
	[tilespmem:$0xCF08] =	vst v63  }
0xcb: {  	_ =	swait.ge [sflag:s6], $0x3E8  }
0xcc: {  	[sflag:s6] =	ssyncset.done $0x0  }
0xcd: {  	[sflag:s6] =	ssyncadd.s32 $0xFFFFFC18  }
0xce: {  	[tilespmem:s13], [sflag:$0x1] =	stream.linear.gather [hbm4b:s18+s3], $0x7D00, $0x38;
	[tilespmem:$0xCF08] =	vst v63  }
0xcf: {  	_ =	swait.ge [sflag:s6], $0x7D00  }
0xd0: {  	[sflag:s6] =	ssyncset.done $0x0  }
0xd1: {  	[sflag:s6] =	ssyncadd.s32 $0xFFFF8300  }
0xd2: {  	[spmem:s2] =	stream.indirect.scatter.add.f32 [tilespmem:s13], [sflag:$0x1], $0x20, s3, s13, $0xb8;
	[tilespmem:$0xCF08] =	vst v63  }
0xd3: {  	_ =	swait.ge [sflag:s6], $0x7D00  }
0xd4: {  	[sflag:s6] =	ssyncset.done $0x0  }
0xd5: {  	[sflag:s6] =	ssyncadd.s32 $0xFFFF8300  }
0xd6: {  	[tilespmem:s3], [sflag:$0x1] =	stream.linear.gather [hbm4b:s17+s3], $0x3E8, $0x38;
	[tilespmem:$0xCF08] =	vst v63  }
0xd7: {  	_ =	swait.ge [sflag:s6], $0x3E8  }
0xd8: {  	[sflag:s6] =	ssyncset.done $0x0  }
0xd9: {  	[sflag:s6] =	ssyncadd.s32 $0xFFFFFC18  }
0xda: {  	[tilespmem:s13], [sflag:$0x1] =	stream.linear.gather [hbm4b:s16+s3], $0x7D00, $0x38;
	[tilespmem:$0xCF08] =	vst v63  }
0xdb: {  	_ =	swait.ge [sflag:s6], $0x7D00  }
0xdc: {  	[sflag:s6] =	ssyncset.done $0x0  }
0xdd: {  	[sflag:s6] =	ssyncadd.s32 $0xFFFF8300  }
0xde: {  	[spmem:s2] =	stream.indirect.scatter.add.f32 [tilespmem:s13], [sflag:$0x1], $0x20, s3, s13, $0xb8;
	[tilespmem:$0xCF08] =	vst v63  }
0xdf: {  	_ =	swait.ge [sflag:s6], $0x7D00  }
0xe0: {  	[sflag:s6] =	ssyncset.done $0x0  }
0xe1: {  	[sflag:s6] =	ssyncadd.s32 $0xFFFF8300  }
0xe2: {  	[tilespmem:s3], [sflag:$0x1] =	stream.linear.gather [hbm4b:s15+s3], $0x3E8, $0x38;
	[tilespmem:$0xCF08] =	vst v63  }
0xe3: {  	_ =	swait.ge [sflag:s6], $0x3E8  }
0xe4: {  	[sflag:s6] =	ssyncset.done $0x0  }
0xe5: {  	[sflag:s6] =	ssyncadd.s32 $0xFFFFFC18  }
0xe6: {  	[tilespmem:s13], [sflag:$0x1] =	stream.linear.gather [hbm4b:s14+s3], $0x7D00, $0x38;
	[tilespmem:$0xCF08] =	vst v63  }
0xe7: {  	_ =	swait.ge [sflag:s6], $0x7D00  }
0xe8: {  	[sflag:s6] =	ssyncset.done $0x0  }
0xe9: {  	[sflag:s6] =	ssyncadd.s32 $0xFFFF8300  }
0xea: {  	[spmem:s2] =	stream.indirect.scatter.add.f32 [tilespmem:s13], [sflag:$0x1], $0x20, s3, s13, $0xb8;
	[tilespmem:$0xCF08] =	vst v63  }
0xeb: {  	_ =	swait.ge [sflag:s6], $0x7D00  }
0xec: {  	[sflag:s6] =	ssyncset.done $0x0  }
0xed: {  	[sflag:s6] =	ssyncadd.s32 $0xFFFF8300  }
0xee: {  	[tilespmem:s3], [sflag:$0x1] =	stream.linear.gather [hbm4b:s12+s3], $0x3E8, $0x38;
	[tilespmem:$0xCF08] =	vst v63  }
0xef: {  	_ =	swait.ge [sflag:s6], $0x3E8  }
0xf0: {  	[sflag:s6] =	ssyncset.done $0x0  }
0xf1: {  	[sflag:s6] =	ssyncadd.s32 $0xFFFFFC18  }
0xf2: {  	[tilespmem:s13], [sflag:$0x1] =	stream.linear.gather [hbm4b:s11+s3], $0x7D00, $0x38;
	[tilespmem:$0xCF08] =	vst v63  }
0xf3: {  	_ =	swait.ge [sflag:s6], $0x7D00  }
0xf4: {  	[sflag:s6] =	ssyncset.done $0x0  }
0xf5: {  	[sflag:s6] =	ssyncadd.s32 $0xFFFF8300  }
0xf6: {  	[spmem:s2] =	stream.indirect.scatter.add.f32 [tilespmem:s13], [sflag:$0x1], $0x20, s3, s13, $0xb8;
	[tilespmem:$0xCF08] =	vst v63  }
0xf7: {  	_ =	swait.ge [sflag:s6], $0x7D00  }
0xf8: {  	[sflag:s6] =	ssyncset.done $0x0  }
0xf9: {  	[sflag:s6] =	ssyncadd.s32 $0xFFFF8300  }
0xfa: {  	s31 =	sadd.s32 s4, s7;
	[bflag:$0x0] =	sbarrier.arrive $0xFFFF  }
0xfb: {  	[hbm:s31], [sflag:s5] =	dma.local [spmem:s10], $0x9C0  }
0xfc: {  	_ =	swait.ge [sflag:s6], $0x9C0  }
0xfd: {  	[sflag:s6] =	ssyncset.done $0x0  }
0xfe: {  	[sflag:s6] =	ssyncadd.s32 $0xFFFFF640  }
0xff: {  	[hbm:s9], [sflag:s5] =	dma.local @!p0 [spmem:s8], $0x40  }
0x100: {  	_ =	swait.ge @!p0 [sflag:s23], $0x40  }
0x101: {  	[sflag:s23] =	ssyncset.done @!p0 $0x0  }
0x102: {  	[sflag:s23] =	ssyncadd.s32 @!p0 $0xFFFFFFC0  }
0x103: {  	_ =	sfence.sel $0x180000  }
0x104: {  	[bflag:$0x0] =	sbarrier.arrive $0xFFFF  }
0x105: {  	p0 =	sne.s32 s1, $0x0;
	_ =	strace $0x90000059  }
0x106: {  	s0 =	sadd.s32 @!p0 $0x100000, s0;
	[bflag:$0x2] =	sbarrier.arrive $0xFFFF  }
0x107: {  	[sflag:s0] =	ssyncadd.tile.s32 @!p0 $0x1;
	_ =	shalt  }
.Lfunc_end2:
_tile_overlayer_lowered:
.L_overlay_start_2:
0x108: {  	(tag) =	ssettag $0x2  }
0x109: {  	s0 =	rddreg [dreg:$0x0];
	s2 =	stileid.u32  }
0x10a: {  	s1 =	rddreg [dreg:$0x1];
	p0 =	sne.s32 s2, $0x0  }
0x10b: {  	s3 =	rddreg [dreg:$0x2];
	[bflag:$0x3] =	sbarrier.arrive $0xFFFF;
	s2 =	simm.s32 @!p0 $0x1C01  }
0x10c: {  	[timem:s3], [sflag:s2] =	dma.local @!p0 [hbm:s0], s1  }
0x10d: {  	s0 =	simm.s32 @!p0 $0x1  }
0x10e: {  	_ =	swait.ge @!p0 [sflag:s0], s1  }
0x10f: {  	s1 =	ssub.s32 @!p0 $0x0, s1;
	[sflag:s0] =	ssyncset.done @!p0 $0x0  }
0x110: {  	[sflag:s0] =	ssyncadd.s32 @!p0 s1  }
0x111: {  	[bflag:$0x3] =	sbarrier.arrive $0xFFFF  }
0x112: {  	_ =	shalt  }

</sc_bundles>
